<compile_context>
chip_gen: v7x
topology: tpu7x:2x2x1
jax: 0.10.2.dev20260603
libtpu: 0.0.44.dev20260713+nightly
codegen_flags: <defaults>
</compile_context>

<pallas_src>
import jax
import jax.numpy as jnp
from jax import lax
from jax.experimental import pallas as pl
from jax.experimental.pallas import tpu as pltpu
from jax.experimental.pallas import tpu_sc as plsc

N = 10000
E = 320000
D = 128

NC = 2
NS = 16
EPT = E // NS
CH = 128
GC = -(-EPT // CH)
EPP = GC * CH
PADE = EPP - EPT
NA = N + 16
L4 = NS * EPP
RPT = 624
TAIL = N - RPT * NS

assert RPT % 8 == 0 and TAIL % 8 == 0 and EPP % 8 == 0

_mesh = plsc.VectorSubcoreMesh(core_axis_name="c", subcore_axis_name="s")


def _msg_body(h_hbm, ei_hbm, zrows_hbm, accf_hbm, accb_hbm,
              gidx_v, sidx_v, rows_v, acc_sh, gsem, isem):
    c = lax.axis_index("c")
    s = lax.axis_index("s")
    rows = pl.ds(pl.multiple_of(s * RPT, 8), RPT)
    tail = pl.ds(RPT * NS, TAIL)

    pltpu.sync_copy(zrows_hbm.at[pl.ds(0, RPT)], acc_sh.at[rows])

    @pl.when(s == NS - 1)
    def _ztail():
        pltpu.sync_copy(zrows_hbm.at[pl.ds(0, TAIL)], acc_sh.at[tail])

    def eslice(d, g):
        return pl.ds(pl.multiple_of(d * L4 + s * EPP + g * CH, 8), CH)

    def idx_copies(g, b):
        return (pltpu.make_async_copy(ei_hbm.at[eslice(c, g)],
                                      gidx_v.at[b], isem),
                pltpu.make_async_copy(ei_hbm.at[eslice(2 + c, g)],
                                      sidx_v.at[b], isem))

    plsc.subcore_barrier()

    for cp in idx_copies(0, 0):
        cp.start()
        cp.wait()
    pltpu.async_copy(h_hbm.at[gidx_v.at[0]], rows_v.at[0], gsem)
    for cp in idx_copies(1, 1):
        cp.start()

    def chunk(g, carry):
        b = lax.rem(g, 2)
        pltpu.make_async_copy(h_hbm.at[gidx_v.at[b]], rows_v.at[b], gsem).wait()

        @pl.when(g + 1 < GC)
        def _next():
            for cp in idx_copies(g + 1, 1 - b):
                cp.wait()
            pltpu.async_copy(h_hbm.at[gidx_v.at[1 - b]], rows_v.at[1 - b], gsem)

        pltpu.sync_copy(rows_v.at[b], acc_sh.at[sidx_v.at[b]], add=True)

        @pl.when(g + 2 < GC)
        def _pref():
            for cp in idx_copies(g + 2, b):
                cp.start()

        return carry

    lax.fori_loop(0, GC, chunk, 0)
    plsc.subcore_barrier()

    @pl.when(c == 0)
    def _outf():
        pltpu.sync_copy(acc_sh.at[rows], accf_hbm.at[rows])

        @pl.when(s == NS - 1)
        def _outf_tail():
            pltpu.sync_copy(acc_sh.at[tail], accf_hbm.at[tail])

    @pl.when(c == 1)
    def _outb():
        pltpu.sync_copy(acc_sh.at[rows], accb_hbm.at[rows])

        @pl.when(s == NS - 1)
        def _outb_tail():
            pltpu.sync_copy(acc_sh.at[tail], accb_hbm.at[tail])


_msg = pl.kernel(
    _msg_body,
    mesh=_mesh,
    out_type=(
        jax.ShapeDtypeStruct((N, D), jnp.float32),
        jax.ShapeDtypeStruct((N, D), jnp.float32),
    ),
    scratch_types=[
        pltpu.VMEM((2, CH), jnp.int32),
        pltpu.VMEM((2, CH), jnp.int32),
        pltpu.VMEM((2, CH, D), jnp.float32),
        pltpu.VMEM_SHARED((NA, D), jnp.float32),
        pltpu.SemaphoreType.DMA,
        pltpu.SemaphoreType.DMA,
    ],
)


def _combine_body(h_ref, af_ref, ab_ref, df_ref, db_ref, o_ref):
    invf = 0.5 / jnp.maximum(df_ref[...], 1.0)
    invb = 0.5 / jnp.maximum(db_ref[...], 1.0)
    o_ref[...] = h_ref[...] + af_ref[...] * invf + ab_ref[...] * invb


def _combine_dense_body(h_ref, af_ref, ab_ref, df_ref, db_ref, w_ref, b_ref,
                        o_ref):
    invf = 0.5 / jnp.maximum(df_ref[...], 1.0)
    invb = 0.5 / jnp.maximum(db_ref[...], 1.0)
    c = h_ref[...] + af_ref[...] * invf + ab_ref[...] * invb
    y = jnp.dot(c, w_ref[...], preferred_element_type=jnp.float32,
                precision=lax.Precision.HIGHEST) + b_ref[...]
    o_ref[...] = c + jnp.maximum(y, 0.0)


_R = 2000

_row_spec = pl.BlockSpec((_R, D), lambda i: (i, 0))
_deg_spec = pl.BlockSpec((_R, 1), lambda i: (i, 0))

_combine = pl.pallas_call(
    _combine_body,
    grid=(N // _R,),
    in_specs=[_row_spec, _row_spec, _row_spec, _deg_spec, _deg_spec],
    out_specs=_row_spec,
    out_shape=jax.ShapeDtypeStruct((N, D), jnp.float32),
)

_combine_dense = pl.pallas_call(
    _combine_dense_body,
    grid=(N // _R,),
    in_specs=[_row_spec, _row_spec, _row_spec, _deg_spec, _deg_spec,
              pl.BlockSpec((D, D), lambda i: (0, 0)),
              pl.BlockSpec((1, D), lambda i: (0, 0))],
    out_specs=_row_spec,
    out_shape=jax.ShapeDtypeStruct((N, D), jnp.float32),
)


def _pad_tiles(a, val):
    pad = jnp.full((NS, PADE), val, jnp.int32)
    return jnp.concatenate([a.reshape(NS, EPT), pad], axis=1).reshape(-1)


def kernel(x, edge_index, W0, b0, W1, b1, W2, b2):
    src, dst = edge_index[0], edge_index[1]
    ei_flat = jnp.concatenate([
        _pad_tiles(src, 0), _pad_tiles(dst, 0),
        _pad_tiles(dst, N), _pad_tiles(src, N),
    ])
    zrows = jnp.zeros((RPT, D), jnp.float32)
    ones = jnp.ones((N, D), jnp.float32)

    degf_full, degb_full = _msg(ones, ei_flat, zrows)
    degf = degf_full[:, :1]
    degb = degb_full[:, :1]

    h = x
    for W, b in ((W0, b0), (W1, b1), (W2, b2)):
        af, ab = _msg(h, ei_flat, zrows)
        h = _combine(h, af, ab, degf, degb)
        af, ab = _msg(h, ei_flat, zrows)
        h = _combine_dense(h, af, ab, degf, degb, W, b.reshape(1, D))
    return h

# --- scband reference (transcript-rebuilt; emitter-appended) ---
"""Pipeline reference for scband-transformer-gnnintegration-37864431681840 (READ-ONLY COPY).

The authoritative reference and input builder live on the scoring server;
editing this copy changes nothing except your own understanding.
"""

import jax, jax.numpy as jnp
import numpy as np

N = 10000
E = 320000
D = 128
STEPS = 2
NUM_LAYERS = 3

def setup_inputs(seed: int = 0) -> dict:
    key = jax.random.key(seed)
    ks = jax.random.split(key, 2 + 2 * NUM_LAYERS)
    x = jax.random.normal(ks[0], (N, D), dtype=jnp.float32)
    edge_index = jax.random.randint(ks[1], (2, E), 0, N, dtype=jnp.int32)
    scale = 1.0 / np.sqrt(D)
    params = {}
    for i in range(NUM_LAYERS):
        params['W%d' % i] = jax.random.normal(ks[2 + 2 * i], (D, D), dtype=jnp.float32) * scale
        params['b%d' % i] = jnp.zeros((D,), dtype=jnp.float32)
    out = {'x': x, 'edge_index': edge_index}
    out.update(params)
    return out

def _gnn(x, edge_index, Ws, bs):
    # GCN-style encoder with bidirectional message passing, degree normalization,
    # `STEPS` message-passing steps per layer, and residual connections,
    # matching TransformerGNNIntegration(gnn_model_type='gcn', graph_residual=True,
    # bidirectional_messages=True, graph_message_passing_steps=2, num_gnn_layers=3).
    src = edge_index[0]
    dst = edge_index[1]
    ones = jnp.ones((E,), dtype=jnp.float32)
    deg_f = jnp.clip(jax.ops.segment_sum(ones, dst, num_segments=N), 1.0)
    deg_b = jnp.clip(jax.ops.segment_sum(ones, src, num_segments=N), 1.0)
    h = x
    for W, b in zip(Ws, bs):
        for _ in range(STEPS):
            m_f = jax.ops.segment_sum(h[src], dst, num_segments=N) / deg_f[:, None]
            m_b = jax.ops.segment_sum(h[dst], src, num_segments=N) / deg_b[:, None]
            h = h + 0.5 * (m_f + m_b)
        h = h + jax.nn.relu(h @ W + b)
    return h

def reference(x, edge_index, W0, b0, W1, b1, W2, b2):
    return _gnn(x, edge_index, [W0, W1, W2], [b0, b1, b2])

if __name__ == "__main__":
    import jax
    _d = setup_inputs()
    print(jax.jit(kernel)(*tuple(_d.values())))

</pallas_src>

<mosaic_0001>
#map = affine_map<(d0, d1) -> (0, 0)>
#map1 = affine_map<(d0, d1) -> (0)>
module attributes {stable_mosaic.version = 14 : i64} {
  func.func @_msg_body(%arg0: i32, %arg1: i32, %arg2: memref<10000x128xf32, #tpu.memory_space<hbm>>, %arg3: memref<1286144xi32, #tpu.memory_space<hbm>>, %arg4: memref<624x128xf32, #tpu.memory_space<hbm>>, %arg5: memref<10000x128xf32, #tpu.memory_space<hbm>>, %arg6: memref<10000x128xf32, #tpu.memory_space<hbm>>, %arg7: memref<2x128xi32, #tpu.memory_space<vmem>>, %arg8: memref<2x128xi32, #tpu.memory_space<vmem>>, %arg9: memref<2x128x128xf32, #tpu.memory_space<vmem>>, %arg10: memref<10016x128xf32, #tpu.memory_space<vmem_shared>>, %arg11: memref<!tpu.dma_semaphore, #tpu.memory_space<semaphore_mem>>, %arg12: memref<!tpu.dma_semaphore, #tpu.memory_space<semaphore_mem>>) attributes {dimension_semantics = [#tpu.dimension_semantics<core_parallel>, #tpu.dimension_semantics<subcore_parallel>], iteration_bounds = array<i64: 2, 16>, scalar_prefetch = 0 : i64, scratch_operands = 6 : i64, tpu.core_type = #tpu.core_type<sc_vector_subcore>, window_params = [{transform_indices = #map}, {transform_indices = #map1}, {transform_indices = #map}, {transform_indices = #map}, {transform_indices = #map}]} {
    %mul3A = arith.constant 624 : i32
    %mul3A_0 = arith.muli %arg1, %mul3A : i32
    %multiple_of3A = tpu.assume_multiple %mul3A_0, 8 : i32
    "tpu.region"() ({
      %run_scoped3A = tpu.sem_alloc : memref<!tpu.dma_semaphore, #tpu.memory_space<semaphore_mem>>
      %dma_start3A_118 = arith.constant 0 : i32
      %dma_start3A_119 = tpu.memref_slice %arg10[%multiple_of3A, %dma_start3A_118] : memref<10016x128xf32, #tpu.memory_space<vmem_shared>> -> memref<624x128xf32, #tpu.memory_space<vmem_shared>>
      %dma_start3A_120 = arith.constant 0 : i32
      %dma_start3A_121 = arith.constant 0 : i32
      %dma_start3A_122 = tpu.memref_slice %arg4[%dma_start3A_120, %dma_start3A_121] : memref<624x128xf32, #tpu.memory_space<hbm>> -> memref<624x128xf32, #tpu.memory_space<hbm>>
      tpu.enqueue_dma source(%dma_start3A_122 : memref<624x128xf32, #tpu.memory_space<hbm>>) target(%dma_start3A_119 : memref<624x128xf32, #tpu.memory_space<vmem_shared>>) target_semaphore(%run_scoped3A : memref<!tpu.dma_semaphore, #tpu.memory_space<semaphore_mem>>)
      %dma_wait3A_123 = arith.constant 0 : i32
      %dma_wait3A_124 = tpu.memref_slice %arg10[%multiple_of3A, %dma_wait3A_123] : memref<10016x128xf32, #tpu.memory_space<vmem_shared>> -> memref<624x128xf32, #tpu.memory_space<vmem_shared>>
      %dma_wait3A_125 = arith.constant 0 : i32
      %dma_wait3A_126 = arith.constant 0 : i32
      %dma_wait3A_127 = tpu.memref_slice %arg4[%dma_wait3A_125, %dma_wait3A_126] : memref<624x128xf32, #tpu.memory_space<hbm>> -> memref<624x128xf32, #tpu.memory_space<hbm>>
      tpu.wait_dma2 semaphore(%run_scoped3A : memref<!tpu.dma_semaphore, #tpu.memory_space<semaphore_mem>>) src(%dma_wait3A_127 : memref<624x128xf32, #tpu.memory_space<hbm>>) dst(%dma_wait3A_124 : memref<624x128xf32, #tpu.memory_space<vmem_shared>>)
      tpu.yield
    }) : () -> ()
    %eq3A = arith.constant 15 : i32
    %eq3A_1 = arith.cmpi eq, %arg1, %eq3A : i32
    %convert_element_type3A = arith.extui %eq3A_1 : i1 to i32
    %cond3A = arith.constant 0 : i32
    %cond3A_2 = arith.cmpi ne, %convert_element_type3A, %cond3A : i32
    scf.if %cond3A_2 {
      "tpu.region"() ({
        %run_scoped3A = tpu.sem_alloc : memref<!tpu.dma_semaphore, #tpu.memory_space<semaphore_mem>>
        %dma_start3A_118 = arith.constant 9984 : i32
        %dma_start3A_119 = arith.constant 0 : i32
        %dma_start3A_120 = tpu.memref_slice %arg10[%dma_start3A_118, %dma_start3A_119] : memref<10016x128xf32, #tpu.memory_space<vmem_shared>> -> memref<16x128xf32, #tpu.memory_space<vmem_shared>>
        %dma_start3A_121 = arith.constant 0 : i32
        %dma_start3A_122 = arith.constant 0 : i32
        %dma_start3A_123 = tpu.memref_slice %arg4[%dma_start3A_121, %dma_start3A_122] : memref<624x128xf32, #tpu.memory_space<hbm>> -> memref<16x128xf32, #tpu.memory_space<hbm>>
        tpu.enqueue_dma source(%dma_start3A_123 : memref<16x128xf32, #tpu.memory_space<hbm>>) target(%dma_start3A_120 : memref<16x128xf32, #tpu.memory_space<vmem_shared>>) target_semaphore(%run_scoped3A : memref<!tpu.dma_semaphore, #tpu.memory_space<semaphore_mem>>)
        %dma_wait3A_124 = arith.constant 9984 : i32
        %dma_wait3A_125 = arith.constant 0 : i32
        %dma_wait3A_126 = tpu.memref_slice %arg10[%dma_wait3A_124, %dma_wait3A_125] : memref<10016x128xf32, #tpu.memory_space<vmem_shared>> -> memref<16x128xf32, #tpu.memory_space<vmem_shared>>
        %dma_wait3A_127 = arith.constant 0 : i32
        %dma_wait3A_128 = arith.constant 0 : i32
        %dma_wait3A_129 = tpu.memref_slice %arg4[%dma_wait3A_127, %dma_wait3A_128] : memref<624x128xf32, #tpu.memory_space<hbm>> -> memref<16x128xf32, #tpu.memory_space<hbm>>
        tpu.wait_dma2 semaphore(%run_scoped3A : memref<!tpu.dma_semaphore, #tpu.memory_space<semaphore_mem>>) src(%dma_wait3A_129 : memref<16x128xf32, #tpu.memory_space<hbm>>) dst(%dma_wait3A_126 : memref<16x128xf32, #tpu.memory_space<vmem_shared>>)
        tpu.yield
      }) : () -> ()
    } else {
    }
    %barrier3A = arith.constant 0 : index
    tpu.barrier barrier_id(%barrier3A)
    %mul3A_3 = arith.constant 321536 : i32
    %mul3A_4 = arith.muli %arg0, %mul3A_3 : i32
    %mul3A_5 = arith.constant 20096 : i32
    %mul3A_6 = arith.muli %arg1, %mul3A_5 : i32
    %add3A = arith.addi %mul3A_4, %mul3A_6 : i32
    %add3A_7 = arith.constant 0 : i32
    %add3A_8 = arith.addi %add3A, %add3A_7 : i32
    %multiple_of3A_9 = tpu.assume_multiple %add3A_8, 8 : i32
    %add3A_10 = arith.constant 2 : i32
    %add3A_11 = arith.addi %add3A_10, %arg0 : i32
    %mul3A_12 = arith.constant 321536 : i32
    %mul3A_13 = arith.muli %add3A_11, %mul3A_12 : i32
    %mul3A_14 = arith.constant 20096 : i32
    %mul3A_15 = arith.muli %arg1, %mul3A_14 : i32
    %add3A_16 = arith.addi %mul3A_13, %mul3A_15 : i32
    %add3A_17 = arith.constant 0 : i32
    %add3A_18 = arith.addi %add3A_16, %add3A_17 : i32
    %multiple_of3A_19 = tpu.assume_multiple %add3A_18, 8 : i32
    %dma_start3A = arith.constant 0 : i32
    %dma_start3A_20 = arith.constant 0 : i32
    %dma_start3A_21 = tpu.memref_slice %arg7[%dma_start3A, %dma_start3A_20] : memref<2x128xi32, #tpu.memory_space<vmem>> -> memref<1x128xi32, #tpu.memory_space<vmem>>
    %dma_start3A_22 = tpu.memref_squeeze %dma_start3A_21 : memref<1x128xi32, #tpu.memory_space<vmem>> -> memref<128xi32, #tpu.memory_space<vmem>>
    %dma_start3A_23 = tpu.memref_slice %arg3[%multiple_of3A_9] : memref<1286144xi32, #tpu.memory_space<hbm>> -> memref<128xi32, #tpu.memory_space<hbm>>
    %dma_start3A_24 = arith.constant 0 : i32
    %dma_start3A_25 = tpu.memref_slice %arg7[%dma_start3A, %dma_start3A_24] : memref<2x128xi32, #tpu.memory_space<vmem>> -> memref<1x128xi32, #tpu.memory_space<vmem>>
    %dma_start3A_26 = tpu.memref_squeeze %dma_start3A_25 : memref<1x128xi32, #tpu.memory_space<vmem>> -> memref<128xi32, #tpu.memory_space<vmem>>
    %dma_start3A_27 = tpu.memref_slice %arg3[%multiple_of3A_9] : memref<1286144xi32, #tpu.memory_space<hbm>> -> memref<128xi32, #tpu.memory_space<hbm>>
    tpu.enqueue_dma source(%dma_start3A_27 : memref<128xi32, #tpu.memory_space<hbm>>) target(%dma_start3A_26 : memref<128xi32, #tpu.memory_space<vmem>>) target_semaphore(%arg12 : memref<!tpu.dma_semaphore, #tpu.memory_space<semaphore_mem>>)
    %dma_wait3A = arith.constant 0 : i32
    %dma_wait3A_28 = arith.constant 0 : i32
    %dma_wait3A_29 = tpu.memref_slice %arg7[%dma_wait3A, %dma_wait3A_28] : memref<2x128xi32, #tpu.memory_space<vmem>> -> memref<1x128xi32, #tpu.memory_space<vmem>>
    %dma_wait3A_30 = tpu.memref_squeeze %dma_wait3A_29 : memref<1x128xi32, #tpu.memory_space<vmem>> -> memref<128xi32, #tpu.memory_space<vmem>>
    %dma_wait3A_31 = tpu.memref_slice %arg3[%multiple_of3A_9] : memref<1286144xi32, #tpu.memory_space<hbm>> -> memref<128xi32, #tpu.memory_space<hbm>>
    %dma_wait3A_32 = arith.constant 0 : i32
    %dma_wait3A_33 = tpu.memref_slice %arg7[%dma_wait3A, %dma_wait3A_32] : memref<2x128xi32, #tpu.memory_space<vmem>> -> memref<1x128xi32, #tpu.memory_space<vmem>>
    %dma_wait3A_34 = tpu.memref_squeeze %dma_wait3A_33 : memref<1x128xi32, #tpu.memory_space<vmem>> -> memref<128xi32, #tpu.memory_space<vmem>>
    %dma_wait3A_35 = tpu.memref_slice %arg3[%multiple_of3A_9] : memref<1286144xi32, #tpu.memory_space<hbm>> -> memref<128xi32, #tpu.memory_space<hbm>>
    tpu.wait_dma2 semaphore(%arg12 : memref<!tpu.dma_semaphore, #tpu.memory_space<semaphore_mem>>) src(%dma_wait3A_35 : memref<128xi32, #tpu.memory_space<hbm>>) dst(%dma_wait3A_34 : memref<128xi32, #tpu.memory_space<vmem>>)
    %dma_start3A_36 = arith.constant 0 : i32
    %dma_start3A_37 = arith.constant 0 : i32
    %dma_start3A_38 = tpu.memref_slice %arg8[%dma_start3A_36, %dma_start3A_37] : memref<2x128xi32, #tpu.memory_space<vmem>> -> memref<1x128xi32, #tpu.memory_space<vmem>>
    %dma_start3A_39 = tpu.memref_squeeze %dma_start3A_38 : memref<1x128xi32, #tpu.memory_space<vmem>> -> memref<128xi32, #tpu.memory_space<vmem>>
    %dma_start3A_40 = tpu.memref_slice %arg3[%multiple_of3A_19] : memref<1286144xi32, #tpu.memory_space<hbm>> -> memref<128xi32, #tpu.memory_space<hbm>>
    %dma_start3A_41 = arith.constant 0 : i32
    %dma_start3A_42 = tpu.memref_slice %arg8[%dma_start3A_36, %dma_start3A_41] : memref<2x128xi32, #tpu.memory_space<vmem>> -> memref<1x128xi32, #tpu.memory_space<vmem>>
    %dma_start3A_43 = tpu.memref_squeeze %dma_start3A_42 : memref<1x128xi32, #tpu.memory_space<vmem>> -> memref<128xi32, #tpu.memory_space<vmem>>
    %dma_start3A_44 = tpu.memref_slice %arg3[%multiple_of3A_19] : memref<1286144xi32, #tpu.memory_space<hbm>> -> memref<128xi32, #tpu.memory_space<hbm>>
    tpu.enqueue_dma source(%dma_start3A_44 : memref<128xi32, #tpu.memory_space<hbm>>) target(%dma_start3A_43 : memref<128xi32, #tpu.memory_space<vmem>>) target_semaphore(%arg12 : memref<!tpu.dma_semaphore, #tpu.memory_space<semaphore_mem>>)
    %dma_wait3A_45 = arith.constant 0 : i32
    %dma_wait3A_46 = arith.constant 0 : i32
    %dma_wait3A_47 = tpu.memref_slice %arg8[%dma_wait3A_45, %dma_wait3A_46] : memref<2x128xi32, #tpu.memory_space<vmem>> -> memref<1x128xi32, #tpu.memory_space<vmem>>
    %dma_wait3A_48 = tpu.memref_squeeze %dma_wait3A_47 : memref<1x128xi32, #tpu.memory_space<vmem>> -> memref<128xi32, #tpu.memory_space<vmem>>
    %dma_wait3A_49 = tpu.memref_slice %arg3[%multiple_of3A_19] : memref<1286144xi32, #tpu.memory_space<hbm>> -> memref<128xi32, #tpu.memory_space<hbm>>
    %dma_wait3A_50 = arith.constant 0 : i32
    %dma_wait3A_51 = tpu.memref_slice %arg8[%dma_wait3A_45, %dma_wait3A_50] : memref<2x128xi32, #tpu.memory_space<vmem>> -> memref<1x128xi32, #tpu.memory_space<vmem>>
    %dma_wait3A_52 = tpu.memref_squeeze %dma_wait3A_51 : memref<1x128xi32, #tpu.memory_space<vmem>> -> memref<128xi32, #tpu.memory_space<vmem>>
    %dma_wait3A_53 = tpu.memref_slice %arg3[%multiple_of3A_19] : memref<1286144xi32, #tpu.memory_space<hbm>> -> memref<128xi32, #tpu.memory_space<hbm>>
    tpu.wait_dma2 semaphore(%arg12 : memref<!tpu.dma_semaphore, #tpu.memory_space<semaphore_mem>>) src(%dma_wait3A_53 : memref<128xi32, #tpu.memory_space<hbm>>) dst(%dma_wait3A_52 : memref<128xi32, #tpu.memory_space<vmem>>)
    %dma_start3A_54 = arith.constant 0 : i32
    %dma_start3A_55 = arith.constant 0 : i32
    %dma_start3A_56 = arith.constant 0 : i32
    %dma_start3A_57 = arith.constant 0 : i32
    %dma_start3A_58 = tpu.memref_slice %arg9[%dma_start3A_55, %dma_start3A_56, %dma_start3A_57] : memref<2x128x128xf32, #tpu.memory_space<vmem>> -> memref<1x128x128xf32, #tpu.memory_space<vmem>>
    %dma_start3A_59 = tpu.memref_squeeze %dma_start3A_58 : memref<1x128x128xf32, #tpu.memory_space<vmem>> -> memref<128x128xf32, #tpu.memory_space<vmem>>
    %dma_start3A_60 = arith.constant 0 : i32
    %dma_start3A_61 = tpu.memref_slice %arg7[%dma_start3A_54, %dma_start3A_60] : memref<2x128xi32, #tpu.memory_space<vmem>> -> memref<1x128xi32, #tpu.memory_space<vmem>>
    %dma_start3A_62 = tpu.memref_squeeze %dma_start3A_61 : memref<1x128xi32, #tpu.memory_space<vmem>> -> memref<128xi32, #tpu.memory_space<vmem>>
    %dma_start3A_63 = arith.constant 0 : i32
    %dma_start3A_64 = arith.constant 0 : i32
    %dma_start3A_65 = tpu.memref_slice %arg2[%dma_start3A_63, %dma_start3A_64] : memref<10000x128xf32, #tpu.memory_space<hbm>> -> memref<10000x128xf32, #tpu.memory_space<hbm>>
    tpu.enqueue_indirect_dma source(%dma_start3A_65 : memref<10000x128xf32, #tpu.memory_space<hbm>>) target(%dma_start3A_59 : memref<128x128xf32, #tpu.memory_space<vmem>>) offsets(%dma_start3A_62 : memref<128xi32, #tpu.memory_space<vmem>>) semaphore(%arg11 : memref<!tpu.dma_semaphore, #tpu.memory_space<semaphore_mem>>)
    %mul3A_66 = arith.constant 321536 : i32
    %mul3A_67 = arith.muli %arg0, %mul3A_66 : i32
    %mul3A_68 = arith.constant 20096 : i32
    %mul3A_69 = arith.muli %arg1, %mul3A_68 : i32
    %add3A_70 = arith.addi %mul3A_67, %mul3A_69 : i32
    %add3A_71 = arith.constant 128 : i32
    %add3A_72 = arith.addi %add3A_70, %add3A_71 : i32
    %multiple_of3A_73 = tpu.assume_multiple %add3A_72, 8 : i32
    %add3A_74 = arith.constant 2 : i32
    %add3A_75 = arith.addi %add3A_74, %arg0 : i32
    %mul3A_76 = arith.constant 321536 : i32
    %mul3A_77 = arith.muli %add3A_75, %mul3A_76 : i32
    %mul3A_78 = arith.constant 20096 : i32
    %mul3A_79 = arith.muli %arg1, %mul3A_78 : i32
    %add3A_80 = arith.addi %mul3A_77, %mul3A_79 : i32
    %add3A_81 = arith.constant 128 : i32
    %add3A_82 = arith.addi %add3A_80, %add3A_81 : i32
    %multiple_of3A_83 = tpu.assume_multiple %add3A_82, 8 : i32
    %dma_start3A_84 = arith.constant 1 : i32
    %dma_start3A_85 = arith.constant 0 : i32
    %dma_start3A_86 = tpu.memref_slice %arg7[%dma_start3A_84, %dma_start3A_85] : memref<2x128xi32, #tpu.memory_space<vmem>> -> memref<1x128xi32, #tpu.memory_space<vmem>>
    %dma_start3A_87 = tpu.memref_squeeze %dma_start3A_86 : memref<1x128xi32, #tpu.memory_space<vmem>> -> memref<128xi32, #tpu.memory_space<vmem>>
    %dma_start3A_88 = tpu.memref_slice %arg3[%multiple_of3A_73] : memref<1286144xi32, #tpu.memory_space<hbm>> -> memref<128xi32, #tpu.memory_space<hbm>>
    %dma_start3A_89 = arith.constant 0 : i32
    %dma_start3A_90 = tpu.memref_slice %arg7[%dma_start3A_84, %dma_start3A_89] : memref<2x128xi32, #tpu.memory_space<vmem>> -> memref<1x128xi32, #tpu.memory_space<vmem>>
    %dma_start3A_91 = tpu.memref_squeeze %dma_start3A_90 : memref<1x128xi32, #tpu.memory_space<vmem>> -> memref<128xi32, #tpu.memory_space<vmem>>
    %dma_start3A_92 = tpu.memref_slice %arg3[%multiple_of3A_73] : memref<1286144xi32, #tpu.memory_space<hbm>> -> memref<128xi32, #tpu.memory_space<hbm>>
    tpu.enqueue_dma source(%dma_start3A_92 : memref<128xi32, #tpu.memory_space<hbm>>) target(%dma_start3A_91 : memref<128xi32, #tpu.memory_space<vmem>>) target_semaphore(%arg12 : memref<!tpu.dma_semaphore, #tpu.memory_space<semaphore_mem>>)
    %dma_start3A_93 = arith.constant 1 : i32
    %dma_start3A_94 = arith.constant 0 : i32
    %dma_start3A_95 = tpu.memref_slice %arg8[%dma_start3A_93, %dma_start3A_94] : memref<2x128xi32, #tpu.memory_space<vmem>> -> memref<1x128xi32, #tpu.memory_space<vmem>>
    %dma_start3A_96 = tpu.memref_squeeze %dma_start3A_95 : memref<1x128xi32, #tpu.memory_space<vmem>> -> memref<128xi32, #tpu.memory_space<vmem>>
    %dma_start3A_97 = tpu.memref_slice %arg3[%multiple_of3A_83] : memref<1286144xi32, #tpu.memory_space<hbm>> -> memref<128xi32, #tpu.memory_space<hbm>>
    %dma_start3A_98 = arith.constant 0 : i32
    %dma_start3A_99 = tpu.memref_slice %arg8[%dma_start3A_93, %dma_start3A_98] : memref<2x128xi32, #tpu.memory_space<vmem>> -> memref<1x128xi32, #tpu.memory_space<vmem>>
    %dma_start3A_100 = tpu.memref_squeeze %dma_start3A_99 : memref<1x128xi32, #tpu.memory_space<vmem>> -> memref<128xi32, #tpu.memory_space<vmem>>
    %dma_start3A_101 = tpu.memref_slice %arg3[%multiple_of3A_83] : memref<1286144xi32, #tpu.memory_space<hbm>> -> memref<128xi32, #tpu.memory_space<hbm>>
    tpu.enqueue_dma source(%dma_start3A_101 : memref<128xi32, #tpu.memory_space<hbm>>) target(%dma_start3A_100 : memref<128xi32, #tpu.memory_space<vmem>>) target_semaphore(%arg12 : memref<!tpu.dma_semaphore, #tpu.memory_space<semaphore_mem>>)
    %scan3A = arith.constant 0 : i32
    %scan3A_102 = arith.constant 0 : i32
    %scan3A_103 = arith.constant 157 : i32
    %scan3A_104 = arith.addi %scan3A_102, %scan3A_103 : i32
    %scan3A_105 = arith.constant 1 : i32
    scf.for %scan3A_118 = %scan3A_102 to %scan3A_104 step %scan3A_105  : i32 {
      %rem3A = arith.constant 2 : i32
      %rem3A_119 = arith.remsi %scan3A_118, %rem3A : i32
      %dma_wait3A_120 = arith.constant 0 : i32
      %dma_wait3A_121 = arith.constant 0 : i32
      %dma_wait3A_122 = tpu.memref_slice %arg9[%rem3A_119, %dma_wait3A_120, %dma_wait3A_121] : memref<2x128x128xf32, #tpu.memory_space<vmem>> -> memref<1x128x128xf32, #tpu.memory_space<vmem>>
      %dma_wait3A_123 = tpu.memref_squeeze %dma_wait3A_122 : memref<1x128x128xf32, #tpu.memory_space<vmem>> -> memref<128x128xf32, #tpu.memory_space<vmem>>
      %dma_wait3A_124 = arith.constant 0 : i32
      %dma_wait3A_125 = tpu.memref_slice %arg7[%rem3A_119, %dma_wait3A_124] : memref<2x128xi32, #tpu.memory_space<vmem>> -> memref<1x128xi32, #tpu.memory_space<vmem>>
      %dma_wait3A_126 = tpu.memref_squeeze %dma_wait3A_125 : memref<1x128xi32, #tpu.memory_space<vmem>> -> memref<128xi32, #tpu.memory_space<vmem>>
      %dma_wait3A_127 = arith.constant 0 : i32
      %dma_wait3A_128 = arith.constant 0 : i32
      %dma_wait3A_129 = tpu.memref_slice %arg2[%dma_wait3A_127, %dma_wait3A_128] : memref<10000x128xf32, #tpu.memory_space<hbm>> -> memref<10000x128xf32, #tpu.memory_space<hbm>>
      tpu.wait_indirect_dma semaphore(%arg11 : memref<!tpu.dma_semaphore, #tpu.memory_space<semaphore_mem>>) src(%dma_wait3A_129 : memref<10000x128xf32, #tpu.memory_space<hbm>>) dst(%dma_wait3A_123 : memref<128x128xf32, #tpu.memory_space<vmem>>)
      %add3A_130 = arith.constant 1 : i32
      %add3A_131 = arith.addi %scan3A_118, %add3A_130 : i32
      %lt3A = arith.constant 157 : i32
      %lt3A_132 = arith.cmpi slt, %add3A_131, %lt3A : i32
      %convert_element_type3A_133 = arith.extui %lt3A_132 : i1 to i32
      %cond3A_134 = arith.constant 0 : i32
      %cond3A_135 = arith.cmpi ne, %convert_element_type3A_133, %cond3A_134 : i32
      scf.if %cond3A_135 {
        %add3A_143 = arith.constant 1 : i32
        %add3A_144 = arith.addi %scan3A_118, %add3A_143 : i32
        %sub3A = arith.constant 1 : i32
        %sub3A_145 = arith.subi %sub3A, %rem3A_119 : i32
        %mul3A_146 = arith.constant 321536 : i32
        %mul3A_147 = arith.muli %arg0, %mul3A_146 : i32
        %mul3A_148 = arith.constant 20096 : i32
        %mul3A_149 = arith.muli %arg1, %mul3A_148 : i32
        %add3A_150 = arith.addi %mul3A_147, %mul3A_149 : i32
        %mul3A_151 = arith.constant 128 : i32
        %mul3A_152 = arith.muli %add3A_144, %mul3A_151 : i32
        %add3A_153 = arith.addi %add3A_150, %mul3A_152 : i32
        %multiple_of3A_154 = tpu.assume_multiple %add3A_153, 8 : i32
        %add3A_155 = arith.constant 2 : i32
        %add3A_156 = arith.addi %add3A_155, %arg0 : i32
        %mul3A_157 = arith.constant 321536 : i32
        %mul3A_158 = arith.muli %add3A_156, %mul3A_157 : i32
        %mul3A_159 = arith.constant 20096 : i32
        %mul3A_160 = arith.muli %arg1, %mul3A_159 : i32
        %add3A_161 = arith.addi %mul3A_158, %mul3A_160 : i32
        %mul3A_162 = arith.constant 128 : i32
        %mul3A_163 = arith.muli %add3A_144, %mul3A_162 : i32
        %add3A_164 = arith.addi %add3A_161, %mul3A_163 : i32
        %multiple_of3A_165 = tpu.assume_multiple %add3A_164, 8 : i32
        %dma_wait3A_166 = arith.constant 0 : i32
        %dma_wait3A_167 = tpu.memref_slice %arg7[%sub3A_145, %dma_wait3A_166] : memref<2x128xi32, #tpu.memory_space<vmem>> -> memref<1x128xi32, #tpu.memory_space<vmem>>
        %dma_wait3A_168 = tpu.memref_squeeze %dma_wait3A_167 : memref<1x128xi32, #tpu.memory_space<vmem>> -> memref<128xi32, #tpu.memory_space<vmem>>
        %dma_wait3A_169 = tpu.memref_slice %arg3[%multiple_of3A_154] : memref<1286144xi32, #tpu.memory_space<hbm>> -> memref<128xi32, #tpu.memory_space<hbm>>
        %dma_wait3A_170 = arith.constant 0 : i32
        %dma_wait3A_171 = tpu.memref_slice %arg7[%sub3A_145, %dma_wait3A_170] : memref<2x128xi32, #tpu.memory_space<vmem>> -> memref<1x128xi32, #tpu.memory_space<vmem>>
        %dma_wait3A_172 = tpu.memref_squeeze %dma_wait3A_171 : memref<1x128xi32, #tpu.memory_space<vmem>> -> memref<128xi32, #tpu.memory_space<vmem>>
        %dma_wait3A_173 = tpu.memref_slice %arg3[%multiple_of3A_154] : memref<1286144xi32, #tpu.memory_space<hbm>> -> memref<128xi32, #tpu.memory_space<hbm>>
        tpu.wait_dma2 semaphore(%arg12 : memref<!tpu.dma_semaphore, #tpu.memory_space<semaphore_mem>>) src(%dma_wait3A_173 : memref<128xi32, #tpu.memory_space<hbm>>) dst(%dma_wait3A_172 : memref<128xi32, #tpu.memory_space<vmem>>)
        %dma_wait3A_174 = arith.constant 0 : i32
        %dma_wait3A_175 = tpu.memref_slice %arg8[%sub3A_145, %dma_wait3A_174] : memref<2x128xi32, #tpu.memory_space<vmem>> -> memref<1x128xi32, #tpu.memory_space<vmem>>
        %dma_wait3A_176 = tpu.memref_squeeze %dma_wait3A_175 : memref<1x128xi32, #tpu.memory_space<vmem>> -> memref<128xi32, #tpu.memory_space<vmem>>
        %dma_wait3A_177 = tpu.memref_slice %arg3[%multiple_of3A_165] : memref<1286144xi32, #tpu.memory_space<hbm>> -> memref<128xi32, #tpu.memory_space<hbm>>
        %dma_wait3A_178 = arith.constant 0 : i32
        %dma_wait3A_179 = tpu.memref_slice %arg8[%sub3A_145, %dma_wait3A_178] : memref<2x128xi32, #tpu.memory_space<vmem>> -> memref<1x128xi32, #tpu.memory_space<vmem>>
        %dma_wait3A_180 = tpu.memref_squeeze %dma_wait3A_179 : memref<1x128xi32, #tpu.memory_space<vmem>> -> memref<128xi32, #tpu.memory_space<vmem>>
        %dma_wait3A_181 = tpu.memref_slice %arg3[%multiple_of3A_165] : memref<1286144xi32, #tpu.memory_space<hbm>> -> memref<128xi32, #tpu.memory_space<hbm>>
        tpu.wait_dma2 semaphore(%arg12 : memref<!tpu.dma_semaphore, #tpu.memory_space<semaphore_mem>>) src(%dma_wait3A_181 : memref<128xi32, #tpu.memory_space<hbm>>) dst(%dma_wait3A_180 : memref<128xi32, #tpu.memory_space<vmem>>)
        %sub3A_182 = arith.constant 1 : i32
        %sub3A_183 = arith.subi %sub3A_182, %rem3A_119 : i32
        %sub3A_184 = arith.constant 1 : i32
        %sub3A_185 = arith.subi %sub3A_184, %rem3A_119 : i32
        %dma_start3A_186 = arith.constant 0 : i32
        %dma_start3A_187 = arith.constant 0 : i32
        %dma_start3A_188 = tpu.memref_slice %arg9[%sub3A_185, %dma_start3A_186, %dma_start3A_187] : memref<2x128x128xf32, #tpu.memory_space<vmem>> -> memref<1x128x128xf32, #tpu.memory_space<vmem>>
        %dma_start3A_189 = tpu.memref_squeeze %dma_start3A_188 : memref<1x128x128xf32, #tpu.memory_space<vmem>> -> memref<128x128xf32, #tpu.memory_space<vmem>>
        %dma_start3A_190 = arith.constant 0 : i32
        %dma_start3A_191 = tpu.memref_slice %arg7[%sub3A_183, %dma_start3A_190] : memref<2x128xi32, #tpu.memory_space<vmem>> -> memref<1x128xi32, #tpu.memory_space<vmem>>
        %dma_start3A_192 = tpu.memref_squeeze %dma_start3A_191 : memref<1x128xi32, #tpu.memory_space<vmem>> -> memref<128xi32, #tpu.memory_space<vmem>>
        %dma_start3A_193 = arith.constant 0 : i32
        %dma_start3A_194 = arith.constant 0 : i32
        %dma_start3A_195 = tpu.memref_slice %arg2[%dma_start3A_193, %dma_start3A_194] : memref<10000x128xf32, #tpu.memory_space<hbm>> -> memref<10000x128xf32, #tpu.memory_space<hbm>>
        tpu.enqueue_indirect_dma source(%dma_start3A_195 : memref<10000x128xf32, #tpu.memory_space<hbm>>) target(%dma_start3A_189 : memref<128x128xf32, #tpu.memory_space<vmem>>) offsets(%dma_start3A_192 : memref<128xi32, #tpu.memory_space<vmem>>) semaphore(%arg11 : memref<!tpu.dma_semaphore, #tpu.memory_space<semaphore_mem>>)
      } else {
      }
      "tpu.region"() ({
        %run_scoped3A = tpu.sem_alloc : memref<!tpu.dma_semaphore, #tpu.memory_space<semaphore_mem>>
        %dma_start3A_143 = arith.constant 0 : i32
        %dma_start3A_144 = arith.constant 0 : i32
        %dma_start3A_145 = tpu.memref_slice %arg9[%rem3A_119, %dma_start3A_143, %dma_start3A_144] : memref<2x128x128xf32, #tpu.memory_space<vmem>> -> memref<1x128x128xf32, #tpu.memory_space<vmem>>
        %dma_start3A_146 = tpu.memref_squeeze %dma_start3A_145 : memref<1x128x128xf32, #tpu.memory_space<vmem>> -> memref<128x128xf32, #tpu.memory_space<vmem>>
        %dma_start3A_147 = arith.constant 0 : i32
        %dma_start3A_148 = tpu.memref_slice %arg8[%rem3A_119, %dma_start3A_147] : memref<2x128xi32, #tpu.memory_space<vmem>> -> memref<1x128xi32, #tpu.memory_space<vmem>>
        %dma_start3A_149 = tpu.memref_squeeze %dma_start3A_148 : memref<1x128xi32, #tpu.memory_space<vmem>> -> memref<128xi32, #tpu.memory_space<vmem>>
        %dma_start3A_150 = arith.constant 0 : i32
        %dma_start3A_151 = arith.constant 0 : i32
        %dma_start3A_152 = tpu.memref_slice %arg10[%dma_start3A_150, %dma_start3A_151] : memref<10016x128xf32, #tpu.memory_space<vmem_shared>> -> memref<10016x128xf32, #tpu.memory_space<vmem_shared>>
        tpu.enqueue_indirect_dma source(%dma_start3A_146 : memref<128x128xf32, #tpu.memory_space<vmem>>) target(%dma_start3A_152 : memref<10016x128xf32, #tpu.memory_space<vmem_shared>>) offsets(%dma_start3A_149 : memref<128xi32, #tpu.memory_space<vmem>>) semaphore(%run_scoped3A : memref<!tpu.dma_semaphore, #tpu.memory_space<semaphore_mem>>) {add = true}
        %dma_wait3A_153 = arith.constant 0 : i32
        %dma_wait3A_154 = arith.constant 0 : i32
        %dma_wait3A_155 = tpu.memref_slice %arg9[%rem3A_119, %dma_wait3A_153, %dma_wait3A_154] : memref<2x128x128xf32, #tpu.memory_space<vmem>> -> memref<1x128x128xf32, #tpu.memory_space<vmem>>
        %dma_wait3A_156 = tpu.memref_squeeze %dma_wait3A_155 : memref<1x128x128xf32, #tpu.memory_space<vmem>> -> memref<128x128xf32, #tpu.memory_space<vmem>>
        %dma_wait3A_157 = arith.constant 0 : i32
        %dma_wait3A_158 = tpu.memref_slice %arg8[%rem3A_119, %dma_wait3A_157] : memref<2x128xi32, #tpu.memory_space<vmem>> -> memref<1x128xi32, #tpu.memory_space<vmem>>
        %dma_wait3A_159 = tpu.memref_squeeze %dma_wait3A_158 : memref<1x128xi32, #tpu.memory_space<vmem>> -> memref<128xi32, #tpu.memory_space<vmem>>
        %dma_wait3A_160 = arith.constant 0 : i32
        %dma_wait3A_161 = arith.constant 0 : i32
        %dma_wait3A_162 = tpu.memref_slice %arg10[%dma_wait3A_160, %dma_wait3A_161] : memref<10016x128xf32, #tpu.memory_space<vmem_shared>> -> memref<10016x128xf32, #tpu.memory_space<vmem_shared>>
        tpu.wait_indirect_dma semaphore(%run_scoped3A : memref<!tpu.dma_semaphore, #tpu.memory_space<semaphore_mem>>) src(%dma_wait3A_156 : memref<128x128xf32, #tpu.memory_space<vmem>>) dst(%dma_wait3A_162 : memref<10016x128xf32, #tpu.memory_space<vmem_shared>>)
        tpu.yield
      }) : () -> ()
      %add3A_136 = arith.constant 2 : i32
      %add3A_137 = arith.addi %scan3A_118, %add3A_136 : i32
      %lt3A_138 = arith.constant 157 : i32
      %lt3A_139 = arith.cmpi slt, %add3A_137, %lt3A_138 : i32
      %convert_element_type3A_140 = arith.extui %lt3A_139 : i1 to i32
      %cond3A_141 = arith.constant 0 : i32
      %cond3A_142 = arith.cmpi ne, %convert_element_type3A_140, %cond3A_141 : i32
      scf.if %cond3A_142 {
        %add3A_143 = arith.constant 2 : i32
        %add3A_144 = arith.addi %scan3A_118, %add3A_143 : i32
        %mul3A_145 = arith.constant 321536 : i32
        %mul3A_146 = arith.muli %arg0, %mul3A_145 : i32
        %mul3A_147 = arith.constant 20096 : i32
        %mul3A_148 = arith.muli %arg1, %mul3A_147 : i32
        %add3A_149 = arith.addi %mul3A_146, %mul3A_148 : i32
        %mul3A_150 = arith.constant 128 : i32
        %mul3A_151 = arith.muli %add3A_144, %mul3A_150 : i32
        %add3A_152 = arith.addi %add3A_149, %mul3A_151 : i32
        %multiple_of3A_153 = tpu.assume_multiple %add3A_152, 8 : i32
        %add3A_154 = arith.constant 2 : i32
        %add3A_155 = arith.addi %add3A_154, %arg0 : i32
        %mul3A_156 = arith.constant 321536 : i32
        %mul3A_157 = arith.muli %add3A_155, %mul3A_156 : i32
        %mul3A_158 = arith.constant 20096 : i32
        %mul3A_159 = arith.muli %arg1, %mul3A_158 : i32
        %add3A_160 = arith.addi %mul3A_157, %mul3A_159 : i32
        %mul3A_161 = arith.constant 128 : i32
        %mul3A_162 = arith.muli %add3A_144, %mul3A_161 : i32
        %add3A_163 = arith.addi %add3A_160, %mul3A_162 : i32
        %multiple_of3A_164 = tpu.assume_multiple %add3A_163, 8 : i32
        %dma_start3A_165 = arith.constant 0 : i32
        %dma_start3A_166 = tpu.memref_slice %arg7[%rem3A_119, %dma_start3A_165] : memref<2x128xi32, #tpu.memory_space<vmem>> -> memref<1x128xi32, #tpu.memory_space<vmem>>
        %dma_start3A_167 = tpu.memref_squeeze %dma_start3A_166 : memref<1x128xi32, #tpu.memory_space<vmem>> -> memref<128xi32, #tpu.memory_space<vmem>>
        %dma_start3A_168 = tpu.memref_slice %arg3[%multiple_of3A_153] : memref<1286144xi32, #tpu.memory_space<hbm>> -> memref<128xi32, #tpu.memory_space<hbm>>
        %dma_start3A_169 = arith.constant 0 : i32
        %dma_start3A_170 = tpu.memref_slice %arg7[%rem3A_119, %dma_start3A_169] : memref<2x128xi32, #tpu.memory_space<vmem>> -> memref<1x128xi32, #tpu.memory_space<vmem>>
        %dma_start3A_171 = tpu.memref_squeeze %dma_start3A_170 : memref<1x128xi32, #tpu.memory_space<vmem>> -> memref<128xi32, #tpu.memory_space<vmem>>
        %dma_start3A_172 = tpu.memref_slice %arg3[%multiple_of3A_153] : memref<1286144xi32, #tpu.memory_space<hbm>> -> memref<128xi32, #tpu.memory_space<hbm>>
        tpu.enqueue_dma source(%dma_start3A_172 : memref<128xi32, #tpu.memory_space<hbm>>) target(%dma_start3A_171 : memref<128xi32, #tpu.memory_space<vmem>>) target_semaphore(%arg12 : memref<!tpu.dma_semaphore, #tpu.memory_space<semaphore_mem>>)
        %dma_start3A_173 = arith.constant 0 : i32
        %dma_start3A_174 = tpu.memref_slice %arg8[%rem3A_119, %dma_start3A_173] : memref<2x128xi32, #tpu.memory_space<vmem>> -> memref<1x128xi32, #tpu.memory_space<vmem>>
        %dma_start3A_175 = tpu.memref_squeeze %dma_start3A_174 : memref<1x128xi32, #tpu.memory_space<vmem>> -> memref<128xi32, #tpu.memory_space<vmem>>
        %dma_start3A_176 = tpu.memref_slice %arg3[%multiple_of3A_164] : memref<1286144xi32, #tpu.memory_space<hbm>> -> memref<128xi32, #tpu.memory_space<hbm>>
        %dma_start3A_177 = arith.constant 0 : i32
        %dma_start3A_178 = tpu.memref_slice %arg8[%rem3A_119, %dma_start3A_177] : memref<2x128xi32, #tpu.memory_space<vmem>> -> memref<1x128xi32, #tpu.memory_space<vmem>>
        %dma_start3A_179 = tpu.memref_squeeze %dma_start3A_178 : memref<1x128xi32, #tpu.memory_space<vmem>> -> memref<128xi32, #tpu.memory_space<vmem>>
        %dma_start3A_180 = tpu.memref_slice %arg3[%multiple_of3A_164] : memref<1286144xi32, #tpu.memory_space<hbm>> -> memref<128xi32, #tpu.memory_space<hbm>>
        tpu.enqueue_dma source(%dma_start3A_180 : memref<128xi32, #tpu.memory_space<hbm>>) target(%dma_start3A_179 : memref<128xi32, #tpu.memory_space<vmem>>) target_semaphore(%arg12 : memref<!tpu.dma_semaphore, #tpu.memory_space<semaphore_mem>>)
      } else {
      }
    }
    %scan3A_106 = arith.constant 157 : i32
    %barrier3A_107 = arith.constant 0 : index
    tpu.barrier barrier_id(%barrier3A_107)
    %eq3A_108 = arith.constant 0 : i32
    %eq3A_109 = arith.cmpi eq, %arg0, %eq3A_108 : i32
    %convert_element_type3A_110 = arith.extui %eq3A_109 : i1 to i32
    %cond3A_111 = arith.constant 0 : i32
    %cond3A_112 = arith.cmpi ne, %convert_element_type3A_110, %cond3A_111 : i32
    scf.if %cond3A_112 {
      "tpu.region"() ({
        %run_scoped3A = tpu.sem_alloc : memref<!tpu.dma_semaphore, #tpu.memory_space<semaphore_mem>>
        %dma_start3A_123 = arith.constant 0 : i32
        %dma_start3A_124 = tpu.memref_slice %arg5[%multiple_of3A, %dma_start3A_123] : memref<10000x128xf32, #tpu.memory_space<hbm>> -> memref<624x128xf32, #tpu.memory_space<hbm>>
        %dma_start3A_125 = arith.constant 0 : i32
        %dma_start3A_126 = tpu.memref_slice %arg10[%multiple_of3A, %dma_start3A_125] : memref<10016x128xf32, #tpu.memory_space<vmem_shared>> -> memref<624x128xf32, #tpu.memory_space<vmem_shared>>
        tpu.enqueue_dma source(%dma_start3A_126 : memref<624x128xf32, #tpu.memory_space<vmem_shared>>) target(%dma_start3A_124 : memref<624x128xf32, #tpu.memory_space<hbm>>) target_semaphore(%run_scoped3A : memref<!tpu.dma_semaphore, #tpu.memory_space<semaphore_mem>>)
        %dma_wait3A_127 = arith.constant 0 : i32
        %dma_wait3A_128 = tpu.memref_slice %arg5[%multiple_of3A, %dma_wait3A_127] : memref<10000x128xf32, #tpu.memory_space<hbm>> -> memref<624x128xf32, #tpu.memory_space<hbm>>
        %dma_wait3A_129 = arith.constant 0 : i32
        %dma_wait3A_130 = tpu.memref_slice %arg10[%multiple_of3A, %dma_wait3A_129] : memref<10016x128xf32, #tpu.memory_space<vmem_shared>> -> memref<624x128xf32, #tpu.memory_space<vmem_shared>>
        tpu.wait_dma2 semaphore(%run_scoped3A : memref<!tpu.dma_semaphore, #tpu.memory_space<semaphore_mem>>) src(%dma_wait3A_130 : memref<624x128xf32, #tpu.memory_space<vmem_shared>>) dst(%dma_wait3A_128 : memref<624x128xf32, #tpu.memory_space<hbm>>)
        tpu.yield
      }) : () -> ()
      %eq3A_118 = arith.constant 15 : i32
      %eq3A_119 = arith.cmpi eq, %arg1, %eq3A_118 : i32
      %convert_element_type3A_120 = arith.extui %eq3A_119 : i1 to i32
      %cond3A_121 = arith.constant 0 : i32
      %cond3A_122 = arith.cmpi ne, %convert_element_type3A_120, %cond3A_121 : i32
      scf.if %cond3A_122 {
        "tpu.region"() ({
          %run_scoped3A = tpu.sem_alloc : memref<!tpu.dma_semaphore, #tpu.memory_space<semaphore_mem>>
          %dma_start3A_123 = arith.constant 9984 : i32
          %dma_start3A_124 = arith.constant 0 : i32
          %dma_start3A_125 = tpu.memref_slice %arg5[%dma_start3A_123, %dma_start3A_124] : memref<10000x128xf32, #tpu.memory_space<hbm>> -> memref<16x128xf32, #tpu.memory_space<hbm>>
          %dma_start3A_126 = arith.constant 9984 : i32
          %dma_start3A_127 = arith.constant 0 : i32
          %dma_start3A_128 = tpu.memref_slice %arg10[%dma_start3A_126, %dma_start3A_127] : memref<10016x128xf32, #tpu.memory_space<vmem_shared>> -> memref<16x128xf32, #tpu.memory_space<vmem_shared>>
          tpu.enqueue_dma source(%dma_start3A_128 : memref<16x128xf32, #tpu.memory_space<vmem_shared>>) target(%dma_start3A_125 : memref<16x128xf32, #tpu.memory_space<hbm>>) target_semaphore(%run_scoped3A : memref<!tpu.dma_semaphore, #tpu.memory_space<semaphore_mem>>)
          %dma_wait3A_129 = arith.constant 9984 : i32
          %dma_wait3A_130 = arith.constant 0 : i32
          %dma_wait3A_131 = tpu.memref_slice %arg5[%dma_wait3A_129, %dma_wait3A_130] : memref<10000x128xf32, #tpu.memory_space<hbm>> -> memref<16x128xf32, #tpu.memory_space<hbm>>
          %dma_wait3A_132 = arith.constant 9984 : i32
          %dma_wait3A_133 = arith.constant 0 : i32
          %dma_wait3A_134 = tpu.memref_slice %arg10[%dma_wait3A_132, %dma_wait3A_133] : memref<10016x128xf32, #tpu.memory_space<vmem_shared>> -> memref<16x128xf32, #tpu.memory_space<vmem_shared>>
          tpu.wait_dma2 semaphore(%run_scoped3A : memref<!tpu.dma_semaphore, #tpu.memory_space<semaphore_mem>>) src(%dma_wait3A_134 : memref<16x128xf32, #tpu.memory_space<vmem_shared>>) dst(%dma_wait3A_131 : memref<16x128xf32, #tpu.memory_space<hbm>>)
          tpu.yield
        }) : () -> ()
      } else {
      }
    } else {
    }
    %eq3A_113 = arith.constant 1 : i32
    %eq3A_114 = arith.cmpi eq, %arg0, %eq3A_113 : i32
    %convert_element_type3A_115 = arith.extui %eq3A_114 : i1 to i32
    %cond3A_116 = arith.constant 0 : i32
    %cond3A_117 = arith.cmpi ne, %convert_element_type3A_115, %cond3A_116 : i32
    scf.if %cond3A_117 {
      "tpu.region"() ({
        %run_scoped3A = tpu.sem_alloc : memref<!tpu.dma_semaphore, #tpu.memory_space<semaphore_mem>>
        %dma_start3A_123 = arith.constant 0 : i32
        %dma_start3A_124 = tpu.memref_slice %arg6[%multiple_of3A, %dma_start3A_123] : memref<10000x128xf32, #tpu.memory_space<hbm>> -> memref<624x128xf32, #tpu.memory_space<hbm>>
        %dma_start3A_125 = arith.constant 0 : i32
        %dma_start3A_126 = tpu.memref_slice %arg10[%multiple_of3A, %dma_start3A_125] : memref<10016x128xf32, #tpu.memory_space<vmem_shared>> -> memref<624x128xf32, #tpu.memory_space<vmem_shared>>
        tpu.enqueue_dma source(%dma_start3A_126 : memref<624x128xf32, #tpu.memory_space<vmem_shared>>) target(%dma_start3A_124 : memref<624x128xf32, #tpu.memory_space<hbm>>) target_semaphore(%run_scoped3A : memref<!tpu.dma_semaphore, #tpu.memory_space<semaphore_mem>>)
        %dma_wait3A_127 = arith.constant 0 : i32
        %dma_wait3A_128 = tpu.memref_slice %arg6[%multiple_of3A, %dma_wait3A_127] : memref<10000x128xf32, #tpu.memory_space<hbm>> -> memref<624x128xf32, #tpu.memory_space<hbm>>
        %dma_wait3A_129 = arith.constant 0 : i32
        %dma_wait3A_130 = tpu.memref_slice %arg10[%multiple_of3A, %dma_wait3A_129] : memref<10016x128xf32, #tpu.memory_space<vmem_shared>> -> memref<624x128xf32, #tpu.memory_space<vmem_shared>>
        tpu.wait_dma2 semaphore(%run_scoped3A : memref<!tpu.dma_semaphore, #tpu.memory_space<semaphore_mem>>) src(%dma_wait3A_130 : memref<624x128xf32, #tpu.memory_space<vmem_shared>>) dst(%dma_wait3A_128 : memref<624x128xf32, #tpu.memory_space<hbm>>)
        tpu.yield
      }) : () -> ()
      %eq3A_118 = arith.constant 15 : i32
      %eq3A_119 = arith.cmpi eq, %arg1, %eq3A_118 : i32
      %convert_element_type3A_120 = arith.extui %eq3A_119 : i1 to i32
      %cond3A_121 = arith.constant 0 : i32
      %cond3A_122 = arith.cmpi ne, %convert_element_type3A_120, %cond3A_121 : i32
      scf.if %cond3A_122 {
        "tpu.region"() ({
          %run_scoped3A = tpu.sem_alloc : memref<!tpu.dma_semaphore, #tpu.memory_space<semaphore_mem>>
          %dma_start3A_123 = arith.constant 9984 : i32
          %dma_start3A_124 = arith.constant 0 : i32
          %dma_start3A_125 = tpu.memref_slice %arg6[%dma_start3A_123, %dma_start3A_124] : memref<10000x128xf32, #tpu.memory_space<hbm>> -> memref<16x128xf32, #tpu.memory_space<hbm>>
          %dma_start3A_126 = arith.constant 9984 : i32
          %dma_start3A_127 = arith.constant 0 : i32
          %dma_start3A_128 = tpu.memref_slice %arg10[%dma_start3A_126, %dma_start3A_127] : memref<10016x128xf32, #tpu.memory_space<vmem_shared>> -> memref<16x128xf32, #tpu.memory_space<vmem_shared>>
          tpu.enqueue_dma source(%dma_start3A_128 : memref<16x128xf32, #tpu.memory_space<vmem_shared>>) target(%dma_start3A_125 : memref<16x128xf32, #tpu.memory_space<hbm>>) target_semaphore(%run_scoped3A : memref<!tpu.dma_semaphore, #tpu.memory_space<semaphore_mem>>)
          %dma_wait3A_129 = arith.constant 9984 : i32
          %dma_wait3A_130 = arith.constant 0 : i32
          %dma_wait3A_131 = tpu.memref_slice %arg6[%dma_wait3A_129, %dma_wait3A_130] : memref<10000x128xf32, #tpu.memory_space<hbm>> -> memref<16x128xf32, #tpu.memory_space<hbm>>
          %dma_wait3A_132 = arith.constant 9984 : i32
          %dma_wait3A_133 = arith.constant 0 : i32
          %dma_wait3A_134 = tpu.memref_slice %arg10[%dma_wait3A_132, %dma_wait3A_133] : memref<10016x128xf32, #tpu.memory_space<vmem_shared>> -> memref<16x128xf32, #tpu.memory_space<vmem_shared>>
          tpu.wait_dma2 semaphore(%run_scoped3A : memref<!tpu.dma_semaphore, #tpu.memory_space<semaphore_mem>>) src(%dma_wait3A_134 : memref<16x128xf32, #tpu.memory_space<vmem_shared>>) dst(%dma_wait3A_131 : memref<16x128xf32, #tpu.memory_space<hbm>>)
          tpu.yield
        }) : () -> ()
      } else {
      }
    } else {
    }
    return
  }
}

#map = affine_map<(d0, d1) -> (0, 0)>
#map1 = affine_map<(d0, d1) -> (0)>
module attributes {stable_mosaic.version = 14 : i64} {
  func.func @_msg_body(%arg0: i32, %arg1: i32, %arg2: memref<10000x128xf32, #tpu.memory_space<hbm>>, %arg3: memref<1286144xi32, #tpu.memory_space<hbm>>, %arg4: memref<624x128xf32, #tpu.memory_space<hbm>>, %arg5: memref<10000x128xf32, #tpu.memory_space<hbm>>, %arg6: memref<10000x128xf32, #tpu.memory_space<hbm>>, %arg7: memref<2x128xi32, #tpu.memory_space<vmem>>, %arg8: memref<2x128xi32, #tpu.memory_space<vmem>>, %arg9: memref<2x128x128xf32, #tpu.memory_space<vmem>>, %arg10: memref<10016x128xf32, #tpu.memory_space<vmem_shared>>, %arg11: memref<!tpu.dma_semaphore, #tpu.memory_space<semaphore_mem>>, %arg12: memref<!tpu.dma_semaphore, #tpu.memory_space<semaphore_mem>>) attributes {dimension_semantics = [#tpu.dimension_semantics<core_parallel>, #tpu.dimension_semantics<subcore_parallel>], iteration_bounds = array<i64: 2, 16>, scalar_prefetch = 0 : i64, scratch_operands = 6 : i64, tpu.core_type = #tpu.core_type<sc_vector_subcore>, window_params = [{transform_indices = #map}, {transform_indices = #map1}, {transform_indices = #map}, {transform_indices = #map}, {transform_indices = #map}]} {
    %mul3A = arith.constant 624 : i32
    %mul3A_0 = arith.muli %arg1, %mul3A : i32
    %multiple_of3A = tpu.assume_multiple %mul3A_0, 8 : i32
    "tpu.region"() ({
      %run_scoped3A = tpu.sem_alloc : memref<!tpu.dma_semaphore, #tpu.memory_space<semaphore_mem>>
      %dma_start3A_118 = arith.constant 0 : i32
      %dma_start3A_119 = tpu.memref_slice %arg10[%multiple_of3A, %dma_start3A_118] : memref<10016x128xf32, #tpu.memory_space<vmem_shared>> -> memref<624x128xf32, #tpu.memory_space<vmem_shared>>
      %dma_start3A_120 = arith.constant 0 : i32
      %dma_start3A_121 = arith.constant 0 : i32
      %dma_start3A_122 = tpu.memref_slice %arg4[%dma_start3A_120, %dma_start3A_121] : memref<624x128xf32, #tpu.memory_space<hbm>> -> memref<624x128xf32, #tpu.memory_space<hbm>>
      tpu.enqueue_dma source(%dma_start3A_122 : memref<624x128xf32, #tpu.memory_space<hbm>>) target(%dma_start3A_119 : memref<624x128xf32, #tpu.memory_space<vmem_shared>>) target_semaphore(%run_scoped3A : memref<!tpu.dma_semaphore, #tpu.memory_space<semaphore_mem>>)
      %dma_wait3A_123 = arith.constant 0 : i32
      %dma_wait3A_124 = tpu.memref_slice %arg10[%multiple_of3A, %dma_wait3A_123] : memref<10016x128xf32, #tpu.memory_space<vmem_shared>> -> memref<624x128xf32, #tpu.memory_space<vmem_shared>>
      %dma_wait3A_125 = arith.constant 0 : i32
      %dma_wait3A_126 = arith.constant 0 : i32
      %dma_wait3A_127 = tpu.memref_slice %arg4[%dma_wait3A_125, %dma_wait3A_126] : memref<624x128xf32, #tpu.memory_space<hbm>> -> memref<624x128xf32, #tpu.memory_space<hbm>>
      tpu.wait_dma2 semaphore(%run_scoped3A : memref<!tpu.dma_semaphore, #tpu.memory_space<semaphore_mem>>) src(%dma_wait3A_127 : memref<624x128xf32, #tpu.memory_space<hbm>>) dst(%dma_wait3A_124 : memref<624x128xf32, #tpu.memory_space<vmem_shared>>)
      tpu.yield
    }) : () -> ()
    %eq3A = arith.constant 15 : i32
    %eq3A_1 = arith.cmpi eq, %arg1, %eq3A : i32
    %convert_element_type3A = arith.extui %eq3A_1 : i1 to i32
    %cond3A = arith.constant 0 : i32
    %cond3A_2 = arith.cmpi ne, %convert_element_type3A, %cond3A : i32
    scf.if %cond3A_2 {
      "tpu.region"() ({
        %run_scoped3A = tpu.sem_alloc : memref<!tpu.dma_semaphore, #tpu.memory_space<semaphore_mem>>
        %dma_start3A_118 = arith.constant 9984 : i32
        %dma_start3A_119 = arith.constant 0 : i32
        %dma_start3A_120 = tpu.memref_slice %arg10[%dma_start3A_118, %dma_start3A_119] : memref<10016x128xf32, #tpu.memory_space<vmem_shared>> -> memref<16x128xf32, #tpu.memory_space<vmem_shared>>
        %dma_start3A_121 = arith.constant 0 : i32
        %dma_start3A_122 = arith.constant 0 : i32
        %dma_start3A_123 = tpu.memref_slice %arg4[%dma_start3A_121, %dma_start3A_122] : memref<624x128xf32, #tpu.memory_space<hbm>> -> memref<16x128xf32, #tpu.memory_space<hbm>>
        tpu.enqueue_dma source(%dma_start3A_123 : memref<16x128xf32, #tpu.memory_space<hbm>>) target(%dma_start3A_120 : memref<16x128xf32, #tpu.memory_space<vmem_shared>>) target_semaphore(%run_scoped3A : memref<!tpu.dma_semaphore, #tpu.memory_space<semaphore_mem>>)
        %dma_wait3A_124 = arith.constant 9984 : i32
        %dma_wait3A_125 = arith.constant 0 : i32
        %dma_wait3A_126 = tpu.memref_slice %arg10[%dma_wait3A_124, %dma_wait3A_125] : memref<10016x128xf32, #tpu.memory_space<vmem_shared>> -> memref<16x128xf32, #tpu.memory_space<vmem_shared>>
        %dma_wait3A_127 = arith.constant 0 : i32
        %dma_wait3A_128 = arith.constant 0 : i32
        %dma_wait3A_129 = tpu.memref_slice %arg4[%dma_wait3A_127, %dma_wait3A_128] : memref<624x128xf32, #tpu.memory_space<hbm>> -> memref<16x128xf32, #tpu.memory_space<hbm>>
        tpu.wait_dma2 semaphore(%run_scoped3A : memref<!tpu.dma_semaphore, #tpu.memory_space<semaphore_mem>>) src(%dma_wait3A_129 : memref<16x128xf32, #tpu.memory_space<hbm>>) dst(%dma_wait3A_126 : memref<16x128xf32, #tpu.memory_space<vmem_shared>>)
        tpu.yield
      }) : () -> ()
    } else {
    }
    %barrier3A = arith.constant 0 : index
    tpu.barrier barrier_id(%barrier3A)
    %mul3A_3 = arith.constant 321536 : i32
    %mul3A_4 = arith.muli %arg0, %mul3A_3 : i32
    %mul3A_5 = arith.constant 20096 : i32
    %mul3A_6 = arith.muli %arg1, %mul3A_5 : i32
    %add3A = arith.addi %mul3A_4, %mul3A_6 : i32
    %add3A_7 = arith.constant 0 : i32
    %add3A_8 = arith.addi %add3A, %add3A_7 : i32
    %multiple_of3A_9 = tpu.assume_multiple %add3A_8, 8 : i32
    %add3A_10 = arith.constant 2 : i32
    %add3A_11 = arith.addi %add3A_10, %arg0 : i32
    %mul3A_12 = arith.constant 321536 : i32
    %mul3A_13 = arith.muli %add3A_11, %mul3A_12 : i32
    %mul3A_14 = arith.constant 20096 : i32
    %mul3A_15 = arith.muli %arg1, %mul3A_14 : i32
    %add3A_16 = arith.addi %mul3A_13, %mul3A_15 : i32
    %add3A_17 = arith.constant 0 : i32
    %add3A_18 = arith.addi %add3A_16, %add3A_17 : i32
    %multiple_of3A_19 = tpu.assume_multiple %add3A_18, 8 : i32
    %dma_start3A = arith.constant 0 : i32
    %dma_start3A_20 = arith.constant 0 : i32
    %dma_start3A_21 = tpu.memref_slice %arg7[%dma_start3A, %dma_start3A_20] : memref<2x128xi32, #tpu.memory_space<vmem>> -> memref<1x128xi32, #tpu.memory_space<vmem>>
    %dma_start3A_22 = tpu.memref_squeeze %dma_start3A_21 : memref<1x128xi32, #tpu.memory_space<vmem>> -> memref<128xi32, #tpu.memory_space<vmem>>
    %dma_start3A_23 = tpu.memref_slice %arg3[%multiple_of3A_9] : memref<1286144xi32, #tpu.memory_space<hbm>> -> memref<128xi32, #tpu.memory_space<hbm>>
    %dma_start3A_24 = arith.constant 0 : i32
    %dma_start3A_25 = tpu.memref_slice %arg7[%dma_start3A, %dma_start3A_24] : memref<2x128xi32, #tpu.memory_space<vmem>> -> memref<1x128xi32, #tpu.memory_space<vmem>>
    %dma_start3A_26 = tpu.memref_squeeze %dma_start3A_25 : memref<1x128xi32, #tpu.memory_space<vmem>> -> memref<128xi32, #tpu.memory_space<vmem>>
    %dma_start3A_27 = tpu.memref_slice %arg3[%multiple_of3A_9] : memref<1286144xi32, #tpu.memory_space<hbm>> -> memref<128xi32, #tpu.memory_space<hbm>>
    tpu.enqueue_dma source(%dma_start3A_27 : memref<128xi32, #tpu.memory_space<hbm>>) target(%dma_start3A_26 : memref<128xi32, #tpu.memory_space<vmem>>) target_semaphore(%arg12 : memref<!tpu.dma_semaphore, #tpu.memory_space<semaphore_mem>>)
    %dma_wait3A = arith.constant 0 : i32
    %dma_wait3A_28 = arith.constant 0 : i32
    %dma_wait3A_29 = tpu.memref_slice %arg7[%dma_wait3A, %dma_wait3A_28] : memref<2x128xi32, #tpu.memory_space<vmem>> -> memref<1x128xi32, #tpu.memory_space<vmem>>
    %dma_wait3A_30 = tpu.memref_squeeze %dma_wait3A_29 : memref<1x128xi32, #tpu.memory_space<vmem>> -> memref<128xi32, #tpu.memory_space<vmem>>
    %dma_wait3A_31 = tpu.memref_slice %arg3[%multiple_of3A_9] : memref<1286144xi32, #tpu.memory_space<hbm>> -> memref<128xi32, #tpu.memory_space<hbm>>
    %dma_wait3A_32 = arith.constant 0 : i32
    %dma_wait3A_33 = tpu.memref_slice %arg7[%dma_wait3A, %dma_wait3A_32] : memref<2x128xi32, #tpu.memory_space<vmem>> -> memref<1x128xi32, #tpu.memory_space<vmem>>
    %dma_wait3A_34 = tpu.memref_squeeze %dma_wait3A_33 : memref<1x128xi32, #tpu.memory_space<vmem>> -> memref<128xi32, #tpu.memory_space<vmem>>
    %dma_wait3A_35 = tpu.memref_slice %arg3[%multiple_of3A_9] : memref<1286144xi32, #tpu.memory_space<hbm>> -> memref<128xi32, #tpu.memory_space<hbm>>
    tpu.wait_dma2 semaphore(%arg12 : memref<!tpu.dma_semaphore, #tpu.memory_space<semaphore_mem>>) src(%dma_wait3A_35 : memref<128xi32, #tpu.memory_space<hbm>>) dst(%dma_wait3A_34 : memref<128xi32, #tpu.memory_space<vmem>>)
    %dma_start3A_36 = arith.constant 0 : i32
    %dma_start3A_37 = arith.constant 0 : i32
    %dma_start3A_38 = tpu.memref_slice %arg8[%dma_start3A_36, %dma_start3A_37] : memref<2x128xi32, #tpu.memory_space<vmem>> -> memref<1x128xi32, #tpu.memory_space<vmem>>
    %dma_start3A_39 = tpu.memref_squeeze %dma_start3A_38 : memref<1x128xi32, #tpu.memory_space<vmem>> -> memref<128xi32, #tpu.memory_space<vmem>>
    %dma_start3A_40 = tpu.memref_slice %arg3[%multiple_of3A_19] : memref<1286144xi32, #tpu.memory_space<hbm>> -> memref<128xi32, #tpu.memory_space<hbm>>
    %dma_start3A_41 = arith.constant 0 : i32
    %dma_start3A_42 = tpu.memref_slice %arg8[%dma_start3A_36, %dma_start3A_41] : memref<2x128xi32, #tpu.memory_space<vmem>> -> memref<1x128xi32, #tpu.memory_space<vmem>>
    %dma_start3A_43 = tpu.memref_squeeze %dma_start3A_42 : memref<1x128xi32, #tpu.memory_space<vmem>> -> memref<128xi32, #tpu.memory_space<vmem>>
    %dma_start3A_44 = tpu.memref_slice %arg3[%multiple_of3A_19] : memref<1286144xi32, #tpu.memory_space<hbm>> -> memref<128xi32, #tpu.memory_space<hbm>>
    tpu.enqueue_dma source(%dma_start3A_44 : memref<128xi32, #tpu.memory_space<hbm>>) target(%dma_start3A_43 : memref<128xi32, #tpu.memory_space<vmem>>) target_semaphore(%arg12 : memref<!tpu.dma_semaphore, #tpu.memory_space<semaphore_mem>>)
    %dma_wait3A_45 = arith.constant 0 : i32
    %dma_wait3A_46 = arith.constant 0 : i32
    %dma_wait3A_47 = tpu.memref_slice %arg8[%dma_wait3A_45, %dma_wait3A_46] : memref<2x128xi32, #tpu.memory_space<vmem>> -> memref<1x128xi32, #tpu.memory_space<vmem>>
    %dma_wait3A_48 = tpu.memref_squeeze %dma_wait3A_47 : memref<1x128xi32, #tpu.memory_space<vmem>> -> memref<128xi32, #tpu.memory_space<vmem>>
    %dma_wait3A_49 = tpu.memref_slice %arg3[%multiple_of3A_19] : memref<1286144xi32, #tpu.memory_space<hbm>> -> memref<128xi32, #tpu.memory_space<hbm>>
    %dma_wait3A_50 = arith.constant 0 : i32
    %dma_wait3A_51 = tpu.memref_slice %arg8[%dma_wait3A_45, %dma_wait3A_50] : memref<2x128xi32, #tpu.memory_space<vmem>> -> memref<1x128xi32, #tpu.memory_space<vmem>>
    %dma_wait3A_52 = tpu.memref_squeeze %dma_wait3A_51 : memref<1x128xi32, #tpu.memory_space<vmem>> -> memref<128xi32, #tpu.memory_space<vmem>>
    %dma_wait3A_53 = tpu.memref_slice %arg3[%multiple_of3A_19] : memref<1286144xi32, #tpu.memory_space<hbm>> -> memref<128xi32, #tpu.memory_space<hbm>>
    tpu.wait_dma2 semaphore(%arg12 : memref<!tpu.dma_semaphore, #tpu.memory_space<semaphore_mem>>) src(%dma_wait3A_53 : memref<128xi32, #tpu.memory_space<hbm>>) dst(%dma_wait3A_52 : memref<128xi32, #tpu.memory_space<vmem>>)
    %dma_start3A_54 = arith.constant 0 : i32
    %dma_start3A_55 = arith.constant 0 : i32
    %dma_start3A_56 = arith.constant 0 : i32
    %dma_start3A_57 = arith.constant 0 : i32
    %dma_start3A_58 = tpu.memref_slice %arg9[%dma_start3A_55, %dma_start3A_56, %dma_start3A_57] : memref<2x128x128xf32, #tpu.memory_space<vmem>> -> memref<1x128x128xf32, #tpu.memory_space<vmem>>
    %dma_start3A_59 = tpu.memref_squeeze %dma_start3A_58 : memref<1x128x128xf32, #tpu.memory_space<vmem>> -> memref<128x128xf32, #tpu.memory_space<vmem>>
    %dma_start3A_60 = arith.constant 0 : i32
    %dma_start3A_61 = tpu.memref_slice %arg7[%dma_start3A_54, %dma_start3A_60] : memref<2x128xi32, #tpu.memory_space<vmem>> -> memref<1x128xi32, #tpu.memory_space<vmem>>
    %dma_start3A_62 = tpu.memref_squeeze %dma_start3A_61 : memref<1x128xi32, #tpu.memory_space<vmem>> -> memref<128xi32, #tpu.memory_space<vmem>>
    %dma_start3A_63 = arith.constant 0 : i32
    %dma_start3A_64 = arith.constant 0 : i32
    %dma_start3A_65 = tpu.memref_slice %arg2[%dma_start3A_63, %dma_start3A_64] : memref<10000x128xf32, #tpu.memory_space<hbm>> -> memref<10000x128xf32, #tpu.memory_space<hbm>>
    tpu.enqueue_indirect_dma source(%dma_start3A_65 : memref<10000x128xf32, #tpu.memory_space<hbm>>) target(%dma_start3A_59 : memref<128x128xf32, #tpu.memory_space<vmem>>) offsets(%dma_start3A_62 : memref<128xi32, #tpu.memory_space<vmem>>) semaphore(%arg11 : memref<!tpu.dma_semaphore, #tpu.memory_space<semaphore_mem>>)
    %mul3A_66 = arith.constant 321536 : i32
    %mul3A_67 = arith.muli %arg0, %mul3A_66 : i32
    %mul3A_68 = arith.constant 20096 : i32
    %mul3A_69 = arith.muli %arg1, %mul3A_68 : i32
    %add3A_70 = arith.addi %mul3A_67, %mul3A_69 : i32
    %add3A_71 = arith.constant 128 : i32
    %add3A_72 = arith.addi %add3A_70, %add3A_71 : i32
    %multiple_of3A_73 = tpu.assume_multiple %add3A_72, 8 : i32
    %add3A_74 = arith.constant 2 : i32
    %add3A_75 = arith.addi %add3A_74, %arg0 : i32
    %mul3A_76 = arith.constant 321536 : i32
    %mul3A_77 = arith.muli %add3A_75, %mul3A_76 : i32
    %mul3A_78 = arith.constant 20096 : i32
    %mul3A_79 = arith.muli %arg1, %mul3A_78 : i32
    %add3A_80 = arith.addi %mul3A_77, %mul3A_79 : i32
    %add3A_81 = arith.constant 128 : i32
    %add3A_82 = arith.addi %add3A_80, %add3A_81 : i32
    %multiple_of3A_83 = tpu.assume_multiple %add3A_82, 8 : i32
    %dma_start3A_84 = arith.constant 1 : i32
    %dma_start3A_85 = arith.constant 0 : i32
    %dma_start3A_86 = tpu.memref_slice %arg7[%dma_start3A_84, %dma_start3A_85] : memref<2x128xi32, #tpu.memory_space<vmem>> -> memref<1x128xi32, #tpu.memory_space<vmem>>
    %dma_start3A_87 = tpu.memref_squeeze %dma_start3A_86 : memref<1x128xi32, #tpu.memory_space<vmem>> -> memref<128xi32, #tpu.memory_space<vmem>>
    %dma_start3A_88 = tpu.memref_slice %arg3[%multiple_of3A_73] : memref<1286144xi32, #tpu.memory_space<hbm>> -> memref<128xi32, #tpu.memory_space<hbm>>
    %dma_start3A_89 = arith.constant 0 : i32
    %dma_start3A_90 = tpu.memref_slice %arg7[%dma_start3A_84, %dma_start3A_89] : memref<2x128xi32, #tpu.memory_space<vmem>> -> memref<1x128xi32, #tpu.memory_space<vmem>>
    %dma_start3A_91 = tpu.memref_squeeze %dma_start3A_90 : memref<1x128xi32, #tpu.memory_space<vmem>> -> memref<128xi32, #tpu.memory_space<vmem>>
    %dma_start3A_92 = tpu.memref_slice %arg3[%multiple_of3A_73] : memref<1286144xi32, #tpu.memory_space<hbm>> -> memref<128xi32, #tpu.memory_space<hbm>>
    tpu.enqueue_dma source(%dma_start3A_92 : memref<128xi32, #tpu.memory_space<hbm>>) target(%dma_start3A_91 : memref<128xi32, #tpu.memory_space<vmem>>) target_semaphore(%arg12 : memref<!tpu.dma_semaphore, #tpu.memory_space<semaphore_mem>>)
    %dma_start3A_93 = arith.constant 1 : i32
    %dma_start3A_94 = arith.constant 0 : i32
    %dma_start3A_95 = tpu.memref_slice %arg8[%dma_start3A_93, %dma_start3A_94] : memref<2x128xi32, #tpu.memory_space<vmem>> -> memref<1x128xi32, #tpu.memory_space<vmem>>
    %dma_start3A_96 = tpu.memref_squeeze %dma_start3A_95 : memref<1x128xi32, #tpu.memory_space<vmem>> -> memref<128xi32, #tpu.memory_space<vmem>>
    %dma_start3A_97 = tpu.memref_slice %arg3[%multiple_of3A_83] : memref<1286144xi32, #tpu.memory_space<hbm>> -> memref<128xi32, #tpu.memory_space<hbm>>
    %dma_start3A_98 = arith.constant 0 : i32
    %dma_start3A_99 = tpu.memref_slice %arg8[%dma_start3A_93, %dma_start3A_98] : memref<2x128xi32, #tpu.memory_space<vmem>> -> memref<1x128xi32, #tpu.memory_space<vmem>>
    %dma_start3A_100 = tpu.memref_squeeze %dma_start3A_99 : memref<1x128xi32, #tpu.memory_space<vmem>> -> memref<128xi32, #tpu.memory_space<vmem>>
    %dma_start3A_101 = tpu.memref_slice %arg3[%multiple_of3A_83] : memref<1286144xi32, #tpu.memory_space<hbm>> -> memref<128xi32, #tpu.memory_space<hbm>>
    tpu.enqueue_dma source(%dma_start3A_101 : memref<128xi32, #tpu.memory_space<hbm>>) target(%dma_start3A_100 : memref<128xi32, #tpu.memory_space<vmem>>) target_semaphore(%arg12 : memref<!tpu.dma_semaphore, #tpu.memory_space<semaphore_mem>>)
    %scan3A = arith.constant 0 : i32
    %scan3A_102 = arith.constant 0 : i32
    %scan3A_103 = arith.constant 157 : i32
    %scan3A_104 = arith.addi %scan3A_102, %scan3A_103 : i32
    %scan3A_105 = arith.constant 1 : i32
    scf.for %scan3A_118 = %scan3A_102 to %scan3A_104 step %scan3A_105  : i32 {
      %rem3A = arith.constant 2 : i32
      %rem3A_119 = arith.remsi %scan3A_118, %rem3A : i32
      %dma_wait3A_120 = arith.constant 0 : i32
      %dma_wait3A_121 = arith.constant 0 : i32
      %dma_wait3A_122 = tpu.memref_slice %arg9[%rem3A_119, %dma_wait3A_120, %dma_wait3A_121] : memref<2x128x128xf32, #tpu.memory_space<vmem>> -> memref<1x128x128xf32, #tpu.memory_space<vmem>>
      %dma_wait3A_123 = tpu.memref_squeeze %dma_wait3A_122 : memref<1x128x128xf32, #tpu.memory_space<vmem>> -> memref<128x128xf32, #tpu.memory_space<vmem>>
      %dma_wait3A_124 = arith.constant 0 : i32
      %dma_wait3A_125 = tpu.memref_slice %arg7[%rem3A_119, %dma_wait3A_124] : memref<2x128xi32, #tpu.memory_space<vmem>> -> memref<1x128xi32, #tpu.memory_space<vmem>>
      %dma_wait3A_126 = tpu.memref_squeeze %dma_wait3A_125 : memref<1x128xi32, #tpu.memory_space<vmem>> -> memref<128xi32, #tpu.memory_space<vmem>>
      %dma_wait3A_127 = arith.constant 0 : i32
      %dma_wait3A_128 = arith.constant 0 : i32
      %dma_wait3A_129 = tpu.memref_slice %arg2[%dma_wait3A_127, %dma_wait3A_128] : memref<10000x128xf32, #tpu.memory_space<hbm>> -> memref<10000x128xf32, #tpu.memory_space<hbm>>
      tpu.wait_indirect_dma semaphore(%arg11 : memref<!tpu.dma_semaphore, #tpu.memory_space<semaphore_mem>>) src(%dma_wait3A_129 : memref<10000x128xf32, #tpu.memory_space<hbm>>) dst(%dma_wait3A_123 : memref<128x128xf32, #tpu.memory_space<vmem>>)
      %add3A_130 = arith.constant 1 : i32
      %add3A_131 = arith.addi %scan3A_118, %add3A_130 : i32
      %lt3A = arith.constant 157 : i32
      %lt3A_132 = arith.cmpi slt, %add3A_131, %lt3A : i32
      %convert_element_type3A_133 = arith.extui %lt3A_132 : i1 to i32
      %cond3A_134 = arith.constant 0 : i32
      %cond3A_135 = arith.cmpi ne, %convert_element_type3A_133, %cond3A_134 : i32
      scf.if %cond3A_135 {
        %add3A_143 = arith.constant 1 : i32
        %add3A_144 = arith.addi %scan3A_118, %add3A_143 : i32
        %sub3A = arith.constant 1 : i32
        %sub3A_145 = arith.subi %sub3A, %rem3A_119 : i32
        %mul3A_146 = arith.constant 321536 : i32
        %mul3A_147 = arith.muli %arg0, %mul3A_146 : i32
        %mul3A_148 = arith.constant 20096 : i32
        %mul3A_149 = arith.muli %arg1, %mul3A_148 : i32
        %add3A_150 = arith.addi %mul3A_147, %mul3A_149 : i32
        %mul3A_151 = arith.constant 128 : i32
        %mul3A_152 = arith.muli %add3A_144, %mul3A_151 : i32
        %add3A_153 = arith.addi %add3A_150, %mul3A_152 : i32
        %multiple_of3A_154 = tpu.assume_multiple %add3A_153, 8 : i32
        %add3A_155 = arith.constant 2 : i32
        %add3A_156 = arith.addi %add3A_155, %arg0 : i32
        %mul3A_157 = arith.constant 321536 : i32
        %mul3A_158 = arith.muli %add3A_156, %mul3A_157 : i32
        %mul3A_159 = arith.constant 20096 : i32
        %mul3A_160 = arith.muli %arg1, %mul3A_159 : i32
        %add3A_161 = arith.addi %mul3A_158, %mul3A_160 : i32
        %mul3A_162 = arith.constant 128 : i32
        %mul3A_163 = arith.muli %add3A_144, %mul3A_162 : i32
        %add3A_164 = arith.addi %add3A_161, %mul3A_163 : i32
        %multiple_of3A_165 = tpu.assume_multiple %add3A_164, 8 : i32
        %dma_wait3A_166 = arith.constant 0 : i32
        %dma_wait3A_167 = tpu.memref_slice %arg7[%sub3A_145, %dma_wait3A_166] : memref<2x128xi32, #tpu.memory_space<vmem>> -> memref<1x128xi32, #tpu.memory_space<vmem>>
        %dma_wait3A_168 = tpu.memref_squeeze %dma_wait3A_167 : memref<1x128xi32, #tpu.memory_space<vmem>> -> memref<128xi32, #tpu.memory_space<vmem>>
        %dma_wait3A_169 = tpu.memref_slice %arg3[%multiple_of3A_154] : memref<1286144xi32, #tpu.memory_space<hbm>> -> memref<128xi32, #tpu.memory_space<hbm>>
        %dma_wait3A_170 = arith.constant 0 : i32
        %dma_wait3A_171 = tpu.memref_slice %arg7[%sub3A_145, %dma_wait3A_170] : memref<2x128xi32, #tpu.memory_space<vmem>> -> memref<1x128xi32, #tpu.memory_space<vmem>>
        %dma_wait3A_172 = tpu.memref_squeeze %dma_wait3A_171 : memref<1x128xi32, #tpu.memory_space<vmem>> -> memref<128xi32, #tpu.memory_space<vmem>>
        %dma_wait3A_173 = tpu.memref_slice %arg3[%multiple_of3A_154] : memref<1286144xi32, #tpu.memory_space<hbm>> -> memref<128xi32, #tpu.memory_space<hbm>>
        tpu.wait_dma2 semaphore(%arg12 : memref<!tpu.dma_semaphore, #tpu.memory_space<semaphore_mem>>) src(%dma_wait3A_173 : memref<128xi32, #tpu.memory_space<hbm>>) dst(%dma_wait3A_172 : memref<128xi32, #tpu.memory_space<vmem>>)
        %dma_wait3A_174 = arith.constant 0 : i32
        %dma_wait3A_175 = tpu.memref_slice %arg8[%sub3A_145, %dma_wait3A_174] : memref<2x128xi32, #tpu.memory_space<vmem>> -> memref<1x128xi32, #tpu.memory_space<vmem>>
        %dma_wait3A_176 = tpu.memref_squeeze %dma_wait3A_175 : memref<1x128xi32, #tpu.memory_space<vmem>> -> memref<128xi32, #tpu.memory_space<vmem>>
        %dma_wait3A_177 = tpu.memref_slice %arg3[%multiple_of3A_165] : memref<1286144xi32, #tpu.memory_space<hbm>> -> memref<128xi32, #tpu.memory_space<hbm>>
        %dma_wait3A_178 = arith.constant 0 : i32
        %dma_wait3A_179 = tpu.memref_slice %arg8[%sub3A_145, %dma_wait3A_178] : memref<2x128xi32, #tpu.memory_space<vmem>> -> memref<1x128xi32, #tpu.memory_space<vmem>>
        %dma_wait3A_180 = tpu.memref_squeeze %dma_wait3A_179 : memref<1x128xi32, #tpu.memory_space<vmem>> -> memref<128xi32, #tpu.memory_space<vmem>>
        %dma_wait3A_181 = tpu.memref_slice %arg3[%multiple_of3A_165] : memref<1286144xi32, #tpu.memory_space<hbm>> -> memref<128xi32, #tpu.memory_space<hbm>>
        tpu.wait_dma2 semaphore(%arg12 : memref<!tpu.dma_semaphore, #tpu.memory_space<semaphore_mem>>) src(%dma_wait3A_181 : memref<128xi32, #tpu.memory_space<hbm>>) dst(%dma_wait3A_180 : memref<128xi32, #tpu.memory_space<vmem>>)
        %sub3A_182 = arith.constant 1 : i32
        %sub3A_183 = arith.subi %sub3A_182, %rem3A_119 : i32
        %sub3A_184 = arith.constant 1 : i32
        %sub3A_185 = arith.subi %sub3A_184, %rem3A_119 : i32
        %dma_start3A_186 = arith.constant 0 : i32
        %dma_start3A_187 = arith.constant 0 : i32
        %dma_start3A_188 = tpu.memref_slice %arg9[%sub3A_185, %dma_start3A_186, %dma_start3A_187] : memref<2x128x128xf32, #tpu.memory_space<vmem>> -> memref<1x128x128xf32, #tpu.memory_space<vmem>>
        %dma_start3A_189 = tpu.memref_squeeze %dma_start3A_188 : memref<1x128x128xf32, #tpu.memory_space<vmem>> -> memref<128x128xf32, #tpu.memory_space<vmem>>
        %dma_start3A_190 = arith.constant 0 : i32
        %dma_start3A_191 = tpu.memref_slice %arg7[%sub3A_183, %dma_start3A_190] : memref<2x128xi32, #tpu.memory_space<vmem>> -> memref<1x128xi32, #tpu.memory_space<vmem>>
        %dma_start3A_192 = tpu.memref_squeeze %dma_start3A_191 : memref<1x128xi32, #tpu.memory_space<vmem>> -> memref<128xi32, #tpu.memory_space<vmem>>
        %dma_start3A_193 = arith.constant 0 : i32
        %dma_start3A_194 = arith.constant 0 : i32
        %dma_start3A_195 = tpu.memref_slice %arg2[%dma_start3A_193, %dma_start3A_194] : memref<10000x128xf32, #tpu.memory_space<hbm>> -> memref<10000x128xf32, #tpu.memory_space<hbm>>
        tpu.enqueue_indirect_dma source(%dma_start3A_195 : memref<10000x128xf32, #tpu.memory_space<hbm>>) target(%dma_start3A_189 : memref<128x128xf32, #tpu.memory_space<vmem>>) offsets(%dma_start3A_192 : memref<128xi32, #tpu.memory_space<vmem>>) semaphore(%arg11 : memref<!tpu.dma_semaphore, #tpu.memory_space<semaphore_mem>>)
      } else {
      }
      "tpu.region"() ({
        %run_scoped3A = tpu.sem_alloc : memref<!tpu.dma_semaphore, #tpu.memory_space<semaphore_mem>>
        %dma_start3A_143 = arith.constant 0 : i32
        %dma_start3A_144 = arith.constant 0 : i32
        %dma_start3A_145 = tpu.memref_slice %arg9[%rem3A_119, %dma_start3A_143, %dma_start3A_144] : memref<2x128x128xf32, #tpu.memory_space<vmem>> -> memref<1x128x128xf32, #tpu.memory_space<vmem>>
        %dma_start3A_146 = tpu.memref_squeeze %dma_start3A_145 : memref<1x128x128xf32, #tpu.memory_space<vmem>> -> memref<128x128xf32, #tpu.memory_space<vmem>>
        %dma_start3A_147 = arith.constant 0 : i32
        %dma_start3A_148 = tpu.memref_slice %arg8[%rem3A_119, %dma_start3A_147] : memref<2x128xi32, #tpu.memory_space<vmem>> -> memref<1x128xi32, #tpu.memory_space<vmem>>
        %dma_start3A_149 = tpu.memref_squeeze %dma_start3A_148 : memref<1x128xi32, #tpu.memory_space<vmem>> -> memref<128xi32, #tpu.memory_space<vmem>>
        %dma_start3A_150 = arith.constant 0 : i32
        %dma_start3A_151 = arith.constant 0 : i32
        %dma_start3A_152 = tpu.memref_slice %arg10[%dma_start3A_150, %dma_start3A_151] : memref<10016x128xf32, #tpu.memory_space<vmem_shared>> -> memref<10016x128xf32, #tpu.memory_space<vmem_shared>>
        tpu.enqueue_indirect_dma source(%dma_start3A_146 : memref<128x128xf32, #tpu.memory_space<vmem>>) target(%dma_start3A_152 : memref<10016x128xf32, #tpu.memory_space<vmem_shared>>) offsets(%dma_start3A_149 : memref<128xi32, #tpu.memory_space<vmem>>) semaphore(%run_scoped3A : memref<!tpu.dma_semaphore, #tpu.memory_space<semaphore_mem>>) {add = true}
        %dma_wait3A_153 = arith.constant 0 : i32
        %dma_wait3A_154 = arith.constant 0 : i32
        %dma_wait3A_155 = tpu.memref_slice %arg9[%rem3A_119, %dma_wait3A_153, %dma_wait3A_154] : memref<2x128x128xf32, #tpu.memory_space<vmem>> -> memref<1x128x128xf32, #tpu.memory_space<vmem>>
        %dma_wait3A_156 = tpu.memref_squeeze %dma_wait3A_155 : memref<1x128x128xf32, #tpu.memory_space<vmem>> -> memref<128x128xf32, #tpu.memory_space<vmem>>
        %dma_wait3A_157 = arith.constant 0 : i32
        %dma_wait3A_158 = tpu.memref_slice %arg8[%rem3A_119, %dma_wait3A_157] : memref<2x128xi32, #tpu.memory_space<vmem>> -> memref<1x128xi32, #tpu.memory_space<vmem>>
        %dma_wait3A_159 = tpu.memref_squeeze %dma_wait3A_158 : memref<1x128xi32, #tpu.memory_space<vmem>> -> memref<128xi32, #tpu.memory_space<vmem>>
        %dma_wait3A_160 = arith.constant 0 : i32
        %dma_wait3A_161 = arith.constant 0 : i32
        %dma_wait3A_162 = tpu.memref_slice %arg10[%dma_wait3A_160, %dma_wait3A_161] : memref<10016x128xf32, #tpu.memory_space<vmem_shared>> -> memref<10016x128xf32, #tpu.memory_space<vmem_shared>>
        tpu.wait_indirect_dma semaphore(%run_scoped3A : memref<!tpu.dma_semaphore, #tpu.memory_space<semaphore_mem>>) src(%dma_wait3A_156 : memref<128x128xf32, #tpu.memory_space<vmem>>) dst(%dma_wait3A_162 : memref<10016x128xf32, #tpu.memory_space<vmem_shared>>)
        tpu.yield
      }) : () -> ()
      %add3A_136 = arith.constant 2 : i32
      %add3A_137 = arith.addi %scan3A_118, %add3A_136 : i32
      %lt3A_138 = arith.constant 157 : i32
      %lt3A_139 = arith.cmpi slt, %add3A_137, %lt3A_138 : i32
      %convert_element_type3A_140 = arith.extui %lt3A_139 : i1 to i32
      %cond3A_141 = arith.constant 0 : i32
      %cond3A_142 = arith.cmpi ne, %convert_element_type3A_140, %cond3A_141 : i32
      scf.if %cond3A_142 {
        %add3A_143 = arith.constant 2 : i32
        %add3A_144 = arith.addi %scan3A_118, %add3A_143 : i32
        %mul3A_145 = arith.constant 321536 : i32
        %mul3A_146 = arith.muli %arg0, %mul3A_145 : i32
        %mul3A_147 = arith.constant 20096 : i32
        %mul3A_148 = arith.muli %arg1, %mul3A_147 : i32
        %add3A_149 = arith.addi %mul3A_146, %mul3A_148 : i32
        %mul3A_150 = arith.constant 128 : i32
        %mul3A_151 = arith.muli %add3A_144, %mul3A_150 : i32
        %add3A_152 = arith.addi %add3A_149, %mul3A_151 : i32
        %multiple_of3A_153 = tpu.assume_multiple %add3A_152, 8 : i32
        %add3A_154 = arith.constant 2 : i32
        %add3A_155 = arith.addi %add3A_154, %arg0 : i32
        %mul3A_156 = arith.constant 321536 : i32
        %mul3A_157 = arith.muli %add3A_155, %mul3A_156 : i32
        %mul3A_158 = arith.constant 20096 : i32
        %mul3A_159 = arith.muli %arg1, %mul3A_158 : i32
        %add3A_160 = arith.addi %mul3A_157, %mul3A_159 : i32
        %mul3A_161 = arith.constant 128 : i32
        %mul3A_162 = arith.muli %add3A_144, %mul3A_161 : i32
        %add3A_163 = arith.addi %add3A_160, %mul3A_162 : i32
        %multiple_of3A_164 = tpu.assume_multiple %add3A_163, 8 : i32
        %dma_start3A_165 = arith.constant 0 : i32
        %dma_start3A_166 = tpu.memref_slice %arg7[%rem3A_119, %dma_start3A_165] : memref<2x128xi32, #tpu.memory_space<vmem>> -> memref<1x128xi32, #tpu.memory_space<vmem>>
        %dma_start3A_167 = tpu.memref_squeeze %dma_start3A_166 : memref<1x128xi32, #tpu.memory_space<vmem>> -> memref<128xi32, #tpu.memory_space<vmem>>
        %dma_start3A_168 = tpu.memref_slice %arg3[%multiple_of3A_153] : memref<1286144xi32, #tpu.memory_space<hbm>> -> memref<128xi32, #tpu.memory_space<hbm>>
        %dma_start3A_169 = arith.constant 0 : i32
        %dma_start3A_170 = tpu.memref_slice %arg7[%rem3A_119, %dma_start3A_169] : memref<2x128xi32, #tpu.memory_space<vmem>> -> memref<1x128xi32, #tpu.memory_space<vmem>>
        %dma_start3A_171 = tpu.memref_squeeze %dma_start3A_170 : memref<1x128xi32, #tpu.memory_space<vmem>> -> memref<128xi32, #tpu.memory_space<vmem>>
        %dma_start3A_172 = tpu.memref_slice %arg3[%multiple_of3A_153] : memref<1286144xi32, #tpu.memory_space<hbm>> -> memref<128xi32, #tpu.memory_space<hbm>>
        tpu.enqueue_dma source(%dma_start3A_172 : memref<128xi32, #tpu.memory_space<hbm>>) target(%dma_start3A_171 : memref<128xi32, #tpu.memory_space<vmem>>) target_semaphore(%arg12 : memref<!tpu.dma_semaphore, #tpu.memory_space<semaphore_mem>>)
        %dma_start3A_173 = arith.constant 0 : i32
        %dma_start3A_174 = tpu.memref_slice %arg8[%rem3A_119, %dma_start3A_173] : memref<2x128xi32, #tpu.memory_space<vmem>> -> memref<1x128xi32, #tpu.memory_space<vmem>>
        %dma_start3A_175 = tpu.memref_squeeze %dma_start3A_174 : memref<1x128xi32, #tpu.memory_space<vmem>> -> memref<128xi32, #tpu.memory_space<vmem>>
        %dma_start3A_176 = tpu.memref_slice %arg3[%multiple_of3A_164] : memref<1286144xi32, #tpu.memory_space<hbm>> -> memref<128xi32, #tpu.memory_space<hbm>>
        %dma_start3A_177 = arith.constant 0 : i32
        %dma_start3A_178 = tpu.memref_slice %arg8[%rem3A_119, %dma_start3A_177] : memref<2x128xi32, #tpu.memory_space<vmem>> -> memref<1x128xi32, #tpu.memory_space<vmem>>
        %dma_start3A_179 = tpu.memref_squeeze %dma_start3A_178 : memref<1x128xi32, #tpu.memory_space<vmem>> -> memref<128xi32, #tpu.memory_space<vmem>>
        %dma_start3A_180 = tpu.memref_slice %arg3[%multiple_of3A_164] : memref<1286144xi32, #tpu.memory_space<hbm>> -> memref<128xi32, #tpu.memory_space<hbm>>
        tpu.enqueue_dma source(%dma_start3A_180 : memref<128xi32, #tpu.memory_space<hbm>>) target(%dma_start3A_179 : memref<128xi32, #tpu.memory_space<vmem>>) target_semaphore(%arg12 : memref<!tpu.dma_semaphore, #tpu.memory_space<semaphore_mem>>)
      } else {
      }
    }
    %scan3A_106 = arith.constant 157 : i32
    %barrier3A_107 = arith.constant 0 : index
    tpu.barrier barrier_id(%barrier3A_107)
    %eq3A_108 = arith.constant 0 : i32
    %eq3A_109 = arith.cmpi eq, %arg0, %eq3A_108 : i32
    %convert_element_type3A_110 = arith.extui %eq3A_109 : i1 to i32
    %cond3A_111 = arith.constant 0 : i32
    %cond3A_112 = arith.cmpi ne, %convert_element_type3A_110, %cond3A_111 : i32
    scf.if %cond3A_112 {
      "tpu.region"() ({
        %run_scoped3A = tpu.sem_alloc : memref<!tpu.dma_semaphore, #tpu.memory_space<semaphore_mem>>
        %dma_start3A_123 = arith.constant 0 : i32
        %dma_start3A_124 = tpu.memref_slice %arg5[%multiple_of3A, %dma_start3A_123] : memref<10000x128xf32, #tpu.memory_space<hbm>> -> memref<624x128xf32, #tpu.memory_space<hbm>>
        %dma_start3A_125 = arith.constant 0 : i32
        %dma_start3A_126 = tpu.memref_slice %arg10[%multiple_of3A, %dma_start3A_125] : memref<10016x128xf32, #tpu.memory_space<vmem_shared>> -> memref<624x128xf32, #tpu.memory_space<vmem_shared>>
        tpu.enqueue_dma source(%dma_start3A_126 : memref<624x128xf32, #tpu.memory_space<vmem_shared>>) target(%dma_start3A_124 : memref<624x128xf32, #tpu.memory_space<hbm>>) target_semaphore(%run_scoped3A : memref<!tpu.dma_semaphore, #tpu.memory_space<semaphore_mem>>)
        %dma_wait3A_127 = arith.constant 0 : i32
        %dma_wait3A_128 = tpu.memref_slice %arg5[%multiple_of3A, %dma_wait3A_127] : memref<10000x128xf32, #tpu.memory_space<hbm>> -> memref<624x128xf32, #tpu.memory_space<hbm>>
        %dma_wait3A_129 = arith.constant 0 : i32
        %dma_wait3A_130 = tpu.memref_slice %arg10[%multiple_of3A, %dma_wait3A_129] : memref<10016x128xf32, #tpu.memory_space<vmem_shared>> -> memref<624x128xf32, #tpu.memory_space<vmem_shared>>
        tpu.wait_dma2 semaphore(%run_scoped3A : memref<!tpu.dma_semaphore, #tpu.memory_space<semaphore_mem>>) src(%dma_wait3A_130 : memref<624x128xf32, #tpu.memory_space<vmem_shared>>) dst(%dma_wait3A_128 : memref<624x128xf32, #tpu.memory_space<hbm>>)
        tpu.yield
      }) : () -> ()
      %eq3A_118 = arith.constant 15 : i32
      %eq3A_119 = arith.cmpi eq, %arg1, %eq3A_118 : i32
      %convert_element_type3A_120 = arith.extui %eq3A_119 : i1 to i32
      %cond3A_121 = arith.constant 0 : i32
      %cond3A_122 = arith.cmpi ne, %convert_element_type3A_120, %cond3A_121 : i32
      scf.if %cond3A_122 {
        "tpu.region"() ({
          %run_scoped3A = tpu.sem_alloc : memref<!tpu.dma_semaphore, #tpu.memory_space<semaphore_mem>>
          %dma_start3A_123 = arith.constant 9984 : i32
          %dma_start3A_124 = arith.constant 0 : i32
          %dma_start3A_125 = tpu.memref_slice %arg5[%dma_start3A_123, %dma_start3A_124] : memref<10000x128xf32, #tpu.memory_space<hbm>> -> memref<16x128xf32, #tpu.memory_space<hbm>>
          %dma_start3A_126 = arith.constant 9984 : i32
          %dma_start3A_127 = arith.constant 0 : i32
          %dma_start3A_128 = tpu.memref_slice %arg10[%dma_start3A_126, %dma_start3A_127] : memref<10016x128xf32, #tpu.memory_space<vmem_shared>> -> memref<16x128xf32, #tpu.memory_space<vmem_shared>>
          tpu.enqueue_dma source(%dma_start3A_128 : memref<16x128xf32, #tpu.memory_space<vmem_shared>>) target(%dma_start3A_125 : memref<16x128xf32, #tpu.memory_space<hbm>>) target_semaphore(%run_scoped3A : memref<!tpu.dma_semaphore, #tpu.memory_space<semaphore_mem>>)
          %dma_wait3A_129 = arith.constant 9984 : i32
          %dma_wait3A_130 = arith.constant 0 : i32
          %dma_wait3A_131 = tpu.memref_slice %arg5[%dma_wait3A_129, %dma_wait3A_130] : memref<10000x128xf32, #tpu.memory_space<hbm>> -> memref<16x128xf32, #tpu.memory_space<hbm>>
          %dma_wait3A_132 = arith.constant 9984 : i32
          %dma_wait3A_133 = arith.constant 0 : i32
          %dma_wait3A_134 = tpu.memref_slice %arg10[%dma_wait3A_132, %dma_wait3A_133] : memref<10016x128xf32, #tpu.memory_space<vmem_shared>> -> memref<16x128xf32, #tpu.memory_space<vmem_shared>>
          tpu.wait_dma2 semaphore(%run_scoped3A : memref<!tpu.dma_semaphore, #tpu.memory_space<semaphore_mem>>) src(%dma_wait3A_134 : memref<16x128xf32, #tpu.memory_space<vmem_shared>>) dst(%dma_wait3A_131 : memref<16x128xf32, #tpu.memory_space<hbm>>)
          tpu.yield
        }) : () -> ()
      } else {
      }
    } else {
    }
    %eq3A_113 = arith.constant 1 : i32
    %eq3A_114 = arith.cmpi eq, %arg0, %eq3A_113 : i32
    %convert_element_type3A_115 = arith.extui %eq3A_114 : i1 to i32
    %cond3A_116 = arith.constant 0 : i32
    %cond3A_117 = arith.cmpi ne, %convert_element_type3A_115, %cond3A_116 : i32
    scf.if %cond3A_117 {
      "tpu.region"() ({
        %run_scoped3A = tpu.sem_alloc : memref<!tpu.dma_semaphore, #tpu.memory_space<semaphore_mem>>
        %dma_start3A_123 = arith.constant 0 : i32
        %dma_start3A_124 = tpu.memref_slice %arg6[%multiple_of3A, %dma_start3A_123] : memref<10000x128xf32, #tpu.memory_space<hbm>> -> memref<624x128xf32, #tpu.memory_space<hbm>>
        %dma_start3A_125 = arith.constant 0 : i32
        %dma_start3A_126 = tpu.memref_slice %arg10[%multiple_of3A, %dma_start3A_125] : memref<10016x128xf32, #tpu.memory_space<vmem_shared>> -> memref<624x128xf32, #tpu.memory_space<vmem_shared>>
        tpu.enqueue_dma source(%dma_start3A_126 : memref<624x128xf32, #tpu.memory_space<vmem_shared>>) target(%dma_start3A_124 : memref<624x128xf32, #tpu.memory_space<hbm>>) target_semaphore(%run_scoped3A : memref<!tpu.dma_semaphore, #tpu.memory_space<semaphore_mem>>)
        %dma_wait3A_127 = arith.constant 0 : i32
        %dma_wait3A_128 = tpu.memref_slice %arg6[%multiple_of3A, %dma_wait3A_127] : memref<10000x128xf32, #tpu.memory_space<hbm>> -> memref<624x128xf32, #tpu.memory_space<hbm>>
        %dma_wait3A_129 = arith.constant 0 : i32
        %dma_wait3A_130 = tpu.memref_slice %arg10[%multiple_of3A, %dma_wait3A_129] : memref<10016x128xf32, #tpu.memory_space<vmem_shared>> -> memref<624x128xf32, #tpu.memory_space<vmem_shared>>
        tpu.wait_dma2 semaphore(%run_scoped3A : memref<!tpu.dma_semaphore, #tpu.memory_space<semaphore_mem>>) src(%dma_wait3A_130 : memref<624x128xf32, #tpu.memory_space<vmem_shared>>) dst(%dma_wait3A_128 : memref<624x128xf32, #tpu.memory_space<hbm>>)
        tpu.yield
      }) : () -> ()
      %eq3A_118 = arith.constant 15 : i32
      %eq3A_119 = arith.cmpi eq, %arg1, %eq3A_118 : i32
      %convert_element_type3A_120 = arith.extui %eq3A_119 : i1 to i32
      %cond3A_121 = arith.constant 0 : i32
      %cond3A_122 = arith.cmpi ne, %convert_element_type3A_120, %cond3A_121 : i32
      scf.if %cond3A_122 {
        "tpu.region"() ({
          %run_scoped3A = tpu.sem_alloc : memref<!tpu.dma_semaphore, #tpu.memory_space<semaphore_mem>>
          %dma_start3A_123 = arith.constant 9984 : i32
          %dma_start3A_124 = arith.constant 0 : i32
          %dma_start3A_125 = tpu.memref_slice %arg6[%dma_start3A_123, %dma_start3A_124] : memref<10000x128xf32, #tpu.memory_space<hbm>> -> memref<16x128xf32, #tpu.memory_space<hbm>>
          %dma_start3A_126 = arith.constant 9984 : i32
          %dma_start3A_127 = arith.constant 0 : i32
          %dma_start3A_128 = tpu.memref_slice %arg10[%dma_start3A_126, %dma_start3A_127] : memref<10016x128xf32, #tpu.memory_space<vmem_shared>> -> memref<16x128xf32, #tpu.memory_space<vmem_shared>>
          tpu.enqueue_dma source(%dma_start3A_128 : memref<16x128xf32, #tpu.memory_space<vmem_shared>>) target(%dma_start3A_125 : memref<16x128xf32, #tpu.memory_space<hbm>>) target_semaphore(%run_scoped3A : memref<!tpu.dma_semaphore, #tpu.memory_space<semaphore_mem>>)
          %dma_wait3A_129 = arith.constant 9984 : i32
          %dma_wait3A_130 = arith.constant 0 : i32
          %dma_wait3A_131 = tpu.memref_slice %arg6[%dma_wait3A_129, %dma_wait3A_130] : memref<10000x128xf32, #tpu.memory_space<hbm>> -> memref<16x128xf32, #tpu.memory_space<hbm>>
          %dma_wait3A_132 = arith.constant 9984 : i32
          %dma_wait3A_133 = arith.constant 0 : i32
          %dma_wait3A_134 = tpu.memref_slice %arg10[%dma_wait3A_132, %dma_wait3A_133] : memref<10016x128xf32, #tpu.memory_space<vmem_shared>> -> memref<16x128xf32, #tpu.memory_space<vmem_shared>>
          tpu.wait_dma2 semaphore(%run_scoped3A : memref<!tpu.dma_semaphore, #tpu.memory_space<semaphore_mem>>) src(%dma_wait3A_134 : memref<16x128xf32, #tpu.memory_space<vmem_shared>>) dst(%dma_wait3A_131 : memref<16x128xf32, #tpu.memory_space<hbm>>)
          tpu.yield
        }) : () -> ()
      } else {
      }
    } else {
    }
    return
  }
}

#map = affine_map<(d0, d1) -> (0, 0)>
#map1 = affine_map<(d0, d1) -> (0)>
module attributes {stable_mosaic.version = 14 : i64} {
  func.func @_msg_body(%arg0: i32, %arg1: i32, %arg2: memref<10000x128xf32, #tpu.memory_space<hbm>>, %arg3: memref<1286144xi32, #tpu.memory_space<hbm>>, %arg4: memref<624x128xf32, #tpu.memory_space<hbm>>, %arg5: memref<10000x128xf32, #tpu.memory_space<hbm>>, %arg6: memref<10000x128xf32, #tpu.memory_space<hbm>>, %arg7: memref<2x128xi32, #tpu.memory_space<vmem>>, %arg8: memref<2x128xi32, #tpu.memory_space<vmem>>, %arg9: memref<2x128x128xf32, #tpu.memory_space<vmem>>, %arg10: memref<10016x128xf32, #tpu.memory_space<vmem_shared>>, %arg11: memref<!tpu.dma_semaphore, #tpu.memory_space<semaphore_mem>>, %arg12: memref<!tpu.dma_semaphore, #tpu.memory_space<semaphore_mem>>) attributes {dimension_semantics = [#tpu.dimension_semantics<core_parallel>, #tpu.dimension_semantics<subcore_parallel>], iteration_bounds = array<i64: 2, 16>, scalar_prefetch = 0 : i64, scratch_operands = 6 : i64, tpu.core_type = #tpu.core_type<sc_vector_subcore>, window_params = [{transform_indices = #map}, {transform_indices = #map1}, {transform_indices = #map}, {transform_indices = #map}, {transform_indices = #map}]} {
    %mul3A = arith.constant 624 : i32
    %mul3A_0 = arith.muli %arg1, %mul3A : i32
    %multiple_of3A = tpu.assume_multiple %mul3A_0, 8 : i32
    "tpu.region"() ({
      %run_scoped3A = tpu.sem_alloc : memref<!tpu.dma_semaphore, #tpu.memory_space<semaphore_mem>>
      %dma_start3A_118 = arith.constant 0 : i32
      %dma_start3A_119 = tpu.memref_slice %arg10[%multiple_of3A, %dma_start3A_118] : memref<10016x128xf32, #tpu.memory_space<vmem_shared>> -> memref<624x128xf32, #tpu.memory_space<vmem_shared>>
      %dma_start3A_120 = arith.constant 0 : i32
      %dma_start3A_121 = arith.constant 0 : i32
      %dma_start3A_122 = tpu.memref_slice %arg4[%dma_start3A_120, %dma_start3A_121] : memref<624x128xf32, #tpu.memory_space<hbm>> -> memref<624x128xf32, #tpu.memory_space<hbm>>
      tpu.enqueue_dma source(%dma_start3A_122 : memref<624x128xf32, #tpu.memory_space<hbm>>) target(%dma_start3A_119 : memref<624x128xf32, #tpu.memory_space<vmem_shared>>) target_semaphore(%run_scoped3A : memref<!tpu.dma_semaphore, #tpu.memory_space<semaphore_mem>>)
      %dma_wait3A_123 = arith.constant 0 : i32
      %dma_wait3A_124 = tpu.memref_slice %arg10[%multiple_of3A, %dma_wait3A_123] : memref<10016x128xf32, #tpu.memory_space<vmem_shared>> -> memref<624x128xf32, #tpu.memory_space<vmem_shared>>
      %dma_wait3A_125 = arith.constant 0 : i32
      %dma_wait3A_126 = arith.constant 0 : i32
      %dma_wait3A_127 = tpu.memref_slice %arg4[%dma_wait3A_125, %dma_wait3A_126] : memref<624x128xf32, #tpu.memory_space<hbm>> -> memref<624x128xf32, #tpu.memory_space<hbm>>
      tpu.wait_dma2 semaphore(%run_scoped3A : memref<!tpu.dma_semaphore, #tpu.memory_space<semaphore_mem>>) src(%dma_wait3A_127 : memref<624x128xf32, #tpu.memory_space<hbm>>) dst(%dma_wait3A_124 : memref<624x128xf32, #tpu.memory_space<vmem_shared>>)
      tpu.yield
    }) : () -> ()
    %eq3A = arith.constant 15 : i32
    %eq3A_1 = arith.cmpi eq, %arg1, %eq3A : i32
    %convert_element_type3A = arith.extui %eq3A_1 : i1 to i32
    %cond3A = arith.constant 0 : i32
    %cond3A_2 = arith.cmpi ne, %convert_element_type3A, %cond3A : i32
    scf.if %cond3A_2 {
      "tpu.region"() ({
        %run_scoped3A = tpu.sem_alloc : memref<!tpu.dma_semaphore, #tpu.memory_space<semaphore_mem>>
        %dma_start3A_118 = arith.constant 9984 : i32
        %dma_start3A_119 = arith.constant 0 : i32
        %dma_start3A_120 = tpu.memref_slice %arg10[%dma_start3A_118, %dma_start3A_119] : memref<10016x128xf32, #tpu.memory_space<vmem_shared>> -> memref<16x128xf32, #tpu.memory_space<vmem_shared>>
        %dma_start3A_121 = arith.constant 0 : i32
        %dma_start3A_122 = arith.constant 0 : i32
        %dma_start3A_123 = tpu.memref_slice %arg4[%dma_start3A_121, %dma_start3A_122] : memref<624x128xf32, #tpu.memory_space<hbm>> -> memref<16x128xf32, #tpu.memory_space<hbm>>
        tpu.enqueue_dma source(%dma_start3A_123 : memref<16x128xf32, #tpu.memory_space<hbm>>) target(%dma_start3A_120 : memref<16x128xf32, #tpu.memory_space<vmem_shared>>) target_semaphore(%run_scoped3A : memref<!tpu.dma_semaphore, #tpu.memory_space<semaphore_mem>>)
        %dma_wait3A_124 = arith.constant 9984 : i32
        %dma_wait3A_125 = arith.constant 0 : i32
        %dma_wait3A_126 = tpu.memref_slice %arg10[%dma_wait3A_124, %dma_wait3A_125] : memref<10016x128xf32, #tpu.memory_space<vmem_shared>> -> memref<16x128xf32, #tpu.memory_space<vmem_shared>>
        %dma_wait3A_127 = arith.constant 0 : i32
        %dma_wait3A_128 = arith.constant 0 : i32
        %dma_wait3A_129 = tpu.memref_slice %arg4[%dma_wait3A_127, %dma_wait3A_128] : memref<624x128xf32, #tpu.memory_space<hbm>> -> memref<16x128xf32, #tpu.memory_space<hbm>>
        tpu.wait_dma2 semaphore(%run_scoped3A : memref<!tpu.dma_semaphore, #tpu.memory_space<semaphore_mem>>) src(%dma_wait3A_129 : memref<16x128xf32, #tpu.memory_space<hbm>>) dst(%dma_wait3A_126 : memref<16x128xf32, #tpu.memory_space<vmem_shared>>)
        tpu.yield
      }) : () -> ()
    } else {
    }
    %barrier3A = arith.constant 0 : index
    tpu.barrier barrier_id(%barrier3A)
    %mul3A_3 = arith.constant 321536 : i32
    %mul3A_4 = arith.muli %arg0, %mul3A_3 : i32
    %mul3A_5 = arith.constant 20096 : i32
    %mul3A_6 = arith.muli %arg1, %mul3A_5 : i32
    %add3A = arith.addi %mul3A_4, %mul3A_6 : i32
    %add3A_7 = arith.constant 0 : i32
    %add3A_8 = arith.addi %add3A, %add3A_7 : i32
    %multiple_of3A_9 = tpu.assume_multiple %add3A_8, 8 : i32
    %add3A_10 = arith.constant 2 : i32
    %add3A_11 = arith.addi %add3A_10, %arg0 : i32
    %mul3A_12 = arith.constant 321536 : i32
    %mul3A_13 = arith.muli %add3A_11, %mul3A_12 : i32
    %mul3A_14 = arith.constant 20096 : i32
    %mul3A_15 = arith.muli %arg1, %mul3A_14 : i32
    %add3A_16 = arith.addi %mul3A_13, %mul3A_15 : i32
    %add3A_17 = arith.constant 0 : i32
    %add3A_18 = arith.addi %add3A_16, %add3A_17 : i32
    %multiple_of3A_19 = tpu.assume_multiple %add3A_18, 8 : i32
    %dma_start3A = arith.constant 0 : i32
    %dma_start3A_20 = arith.constant 0 : i32
    %dma_start3A_21 = tpu.memref_slice %arg7[%dma_start3A, %dma_start3A_20] : memref<2x128xi32, #tpu.memory_space<vmem>> -> memref<1x128xi32, #tpu.memory_space<vmem>>
    %dma_start3A_22 = tpu.memref_squeeze %dma_start3A_21 : memref<1x128xi32, #tpu.memory_space<vmem>> -> memref<128xi32, #tpu.memory_space<vmem>>
    %dma_start3A_23 = tpu.memref_slice %arg3[%multiple_of3A_9] : memref<1286144xi32, #tpu.memory_space<hbm>> -> memref<128xi32, #tpu.memory_space<hbm>>
    %dma_start3A_24 = arith.constant 0 : i32
    %dma_start3A_25 = tpu.memref_slice %arg7[%dma_start3A, %dma_start3A_24] : memref<2x128xi32, #tpu.memory_space<vmem>> -> memref<1x128xi32, #tpu.memory_space<vmem>>
    %dma_start3A_26 = tpu.memref_squeeze %dma_start3A_25 : memref<1x128xi32, #tpu.memory_space<vmem>> -> memref<128xi32, #tpu.memory_space<vmem>>
    %dma_start3A_27 = tpu.memref_slice %arg3[%multiple_of3A_9] : memref<1286144xi32, #tpu.memory_space<hbm>> -> memref<128xi32, #tpu.memory_space<hbm>>
    tpu.enqueue_dma source(%dma_start3A_27 : memref<128xi32, #tpu.memory_space<hbm>>) target(%dma_start3A_26 : memref<128xi32, #tpu.memory_space<vmem>>) target_semaphore(%arg12 : memref<!tpu.dma_semaphore, #tpu.memory_space<semaphore_mem>>)
    %dma_wait3A = arith.constant 0 : i32
    %dma_wait3A_28 = arith.constant 0 : i32
    %dma_wait3A_29 = tpu.memref_slice %arg7[%dma_wait3A, %dma_wait3A_28] : memref<2x128xi32, #tpu.memory_space<vmem>> -> memref<1x128xi32, #tpu.memory_space<vmem>>
    %dma_wait3A_30 = tpu.memref_squeeze %dma_wait3A_29 : memref<1x128xi32, #tpu.memory_space<vmem>> -> memref<128xi32, #tpu.memory_space<vmem>>
    %dma_wait3A_31 = tpu.memref_slice %arg3[%multiple_of3A_9] : memref<1286144xi32, #tpu.memory_space<hbm>> -> memref<128xi32, #tpu.memory_space<hbm>>
    %dma_wait3A_32 = arith.constant 0 : i32
    %dma_wait3A_33 = tpu.memref_slice %arg7[%dma_wait3A, %dma_wait3A_32] : memref<2x128xi32, #tpu.memory_space<vmem>> -> memref<1x128xi32, #tpu.memory_space<vmem>>
    %dma_wait3A_34 = tpu.memref_squeeze %dma_wait3A_33 : memref<1x128xi32, #tpu.memory_space<vmem>> -> memref<128xi32, #tpu.memory_space<vmem>>
    %dma_wait3A_35 = tpu.memref_slice %arg3[%multiple_of3A_9] : memref<1286144xi32, #tpu.memory_space<hbm>> -> memref<128xi32, #tpu.memory_space<hbm>>
    tpu.wait_dma2 semaphore(%arg12 : memref<!tpu.dma_semaphore, #tpu.memory_space<semaphore_mem>>) src(%dma_wait3A_35 : memref<128xi32, #tpu.memory_space<hbm>>) dst(%dma_wait3A_34 : memref<128xi32, #tpu.memory_space<vmem>>)
    %dma_start3A_36 = arith.constant 0 : i32
    %dma_start3A_37 = arith.constant 0 : i32
    %dma_start3A_38 = tpu.memref_slice %arg8[%dma_start3A_36, %dma_start3A_37] : memref<2x128xi32, #tpu.memory_space<vmem>> -> memref<1x128xi32, #tpu.memory_space<vmem>>
    %dma_start3A_39 = tpu.memref_squeeze %dma_start3A_38 : memref<1x128xi32, #tpu.memory_space<vmem>> -> memref<128xi32, #tpu.memory_space<vmem>>
    %dma_start3A_40 = tpu.memref_slice %arg3[%multiple_of3A_19] : memref<1286144xi32, #tpu.memory_space<hbm>> -> memref<128xi32, #tpu.memory_space<hbm>>
    %dma_start3A_41 = arith.constant 0 : i32
    %dma_start3A_42 = tpu.memref_slice %arg8[%dma_start3A_36, %dma_start3A_41] : memref<2x128xi32, #tpu.memory_space<vmem>> -> memref<1x128xi32, #tpu.memory_space<vmem>>
    %dma_start3A_43 = tpu.memref_squeeze %dma_start3A_42 : memref<1x128xi32, #tpu.memory_space<vmem>> -> memref<128xi32, #tpu.memory_space<vmem>>
    %dma_start3A_44 = tpu.memref_slice %arg3[%multiple_of3A_19] : memref<1286144xi32, #tpu.memory_space<hbm>> -> memref<128xi32, #tpu.memory_space<hbm>>
    tpu.enqueue_dma source(%dma_start3A_44 : memref<128xi32, #tpu.memory_space<hbm>>) target(%dma_start3A_43 : memref<128xi32, #tpu.memory_space<vmem>>) target_semaphore(%arg12 : memref<!tpu.dma_semaphore, #tpu.memory_space<semaphore_mem>>)
    %dma_wait3A_45 = arith.constant 0 : i32
    %dma_wait3A_46 = arith.constant 0 : i32
    %dma_wait3A_47 = tpu.memref_slice %arg8[%dma_wait3A_45, %dma_wait3A_46] : memref<2x128xi32, #tpu.memory_space<vmem>> -> memref<1x128xi32, #tpu.memory_space<vmem>>
    %dma_wait3A_48 = tpu.memref_squeeze %dma_wait3A_47 : memref<1x128xi32, #tpu.memory_space<vmem>> -> memref<128xi32, #tpu.memory_space<vmem>>
    %dma_wait3A_49 = tpu.memref_slice %arg3[%multiple_of3A_19] : memref<1286144xi32, #tpu.memory_space<hbm>> -> memref<128xi32, #tpu.memory_space<hbm>>
    %dma_wait3A_50 = arith.constant 0 : i32
    %dma_wait3A_51 = tpu.memref_slice %arg8[%dma_wait3A_45, %dma_wait3A_50] : memref<2x128xi32, #tpu.memory_space<vmem>> -> memref<1x128xi32, #tpu.memory_space<vmem>>
    %dma_wait3A_52 = tpu.memref_squeeze %dma_wait3A_51 : memref<1x128xi32, #tpu.memory_space<vmem>> -> memref<128xi32, #tpu.memory_space<vmem>>
    %dma_wait3A_53 = tpu.memref_slice %arg3[%multiple_of3A_19] : memref<1286144xi32, #tpu.memory_space<hbm>> -> memref<128xi32, #tpu.memory_space<hbm>>
    tpu.wait_dma2 semaphore(%arg12 : memref<!tpu.dma_semaphore, #tpu.memory_space<semaphore_mem>>) src(%dma_wait3A_53 : memref<128xi32, #tpu.memory_space<hbm>>) dst(%dma_wait3A_52 : memref<128xi32, #tpu.memory_space<vmem>>)
    %dma_start3A_54 = arith.constant 0 : i32
    %dma_start3A_55 = arith.constant 0 : i32
    %dma_start3A_56 = arith.constant 0 : i32
    %dma_start3A_57 = arith.constant 0 : i32
    %dma_start3A_58 = tpu.memref_slice %arg9[%dma_start3A_55, %dma_start3A_56, %dma_start3A_57] : memref<2x128x128xf32, #tpu.memory_space<vmem>> -> memref<1x128x128xf32, #tpu.memory_space<vmem>>
    %dma_start3A_59 = tpu.memref_squeeze %dma_start3A_58 : memref<1x128x128xf32, #tpu.memory_space<vmem>> -> memref<128x128xf32, #tpu.memory_space<vmem>>
    %dma_start3A_60 = arith.constant 0 : i32
    %dma_start3A_61 = tpu.memref_slice %arg7[%dma_start3A_54, %dma_start3A_60] : memref<2x128xi32, #tpu.memory_space<vmem>> -> memref<1x128xi32, #tpu.memory_space<vmem>>
    %dma_start3A_62 = tpu.memref_squeeze %dma_start3A_61 : memref<1x128xi32, #tpu.memory_space<vmem>> -> memref<128xi32, #tpu.memory_space<vmem>>
    %dma_start3A_63 = arith.constant 0 : i32
    %dma_start3A_64 = arith.constant 0 : i32
    %dma_start3A_65 = tpu.memref_slice %arg2[%dma_start3A_63, %dma_start3A_64] : memref<10000x128xf32, #tpu.memory_space<hbm>> -> memref<10000x128xf32, #tpu.memory_space<hbm>>
    tpu.enqueue_indirect_dma source(%dma_start3A_65 : memref<10000x128xf32, #tpu.memory_space<hbm>>) target(%dma_start3A_59 : memref<128x128xf32, #tpu.memory_space<vmem>>) offsets(%dma_start3A_62 : memref<128xi32, #tpu.memory_space<vmem>>) semaphore(%arg11 : memref<!tpu.dma_semaphore, #tpu.memory_space<semaphore_mem>>)
    %mul3A_66 = arith.constant 321536 : i32
    %mul3A_67 = arith.muli %arg0, %mul3A_66 : i32
    %mul3A_68 = arith.constant 20096 : i32
    %mul3A_69 = arith.muli %arg1, %mul3A_68 : i32
    %add3A_70 = arith.addi %mul3A_67, %mul3A_69 : i32
    %add3A_71 = arith.constant 128 : i32
    %add3A_72 = arith.addi %add3A_70, %add3A_71 : i32
    %multiple_of3A_73 = tpu.assume_multiple %add3A_72, 8 : i32
    %add3A_74 = arith.constant 2 : i32
    %add3A_75 = arith.addi %add3A_74, %arg0 : i32
    %mul3A_76 = arith.constant 321536 : i32
    %mul3A_77 = arith.muli %add3A_75, %mul3A_76 : i32
    %mul3A_78 = arith.constant 20096 : i32
    %mul3A_79 = arith.muli %arg1, %mul3A_78 : i32
    %add3A_80 = arith.addi %mul3A_77, %mul3A_79 : i32
    %add3A_81 = arith.constant 128 : i32
    %add3A_82 = arith.addi %add3A_80, %add3A_81 : i32
    %multiple_of3A_83 = tpu.assume_multiple %add3A_82, 8 : i32
    %dma_start3A_84 = arith.constant 1 : i32
    %dma_start3A_85 = arith.constant 0 : i32
    %dma_start3A_86 = tpu.memref_slice %arg7[%dma_start3A_84, %dma_start3A_85] : memref<2x128xi32, #tpu.memory_space<vmem>> -> memref<1x128xi32, #tpu.memory_space<vmem>>
    %dma_start3A_87 = tpu.memref_squeeze %dma_start3A_86 : memref<1x128xi32, #tpu.memory_space<vmem>> -> memref<128xi32, #tpu.memory_space<vmem>>
    %dma_start3A_88 = tpu.memref_slice %arg3[%multiple_of3A_73] : memref<1286144xi32, #tpu.memory_space<hbm>> -> memref<128xi32, #tpu.memory_space<hbm>>
    %dma_start3A_89 = arith.constant 0 : i32
    %dma_start3A_90 = tpu.memref_slice %arg7[%dma_start3A_84, %dma_start3A_89] : memref<2x128xi32, #tpu.memory_space<vmem>> -> memref<1x128xi32, #tpu.memory_space<vmem>>
    %dma_start3A_91 = tpu.memref_squeeze %dma_start3A_90 : memref<1x128xi32, #tpu.memory_space<vmem>> -> memref<128xi32, #tpu.memory_space<vmem>>
    %dma_start3A_92 = tpu.memref_slice %arg3[%multiple_of3A_73] : memref<1286144xi32, #tpu.memory_space<hbm>> -> memref<128xi32, #tpu.memory_space<hbm>>
    tpu.enqueue_dma source(%dma_start3A_92 : memref<128xi32, #tpu.memory_space<hbm>>) target(%dma_start3A_91 : memref<128xi32, #tpu.memory_space<vmem>>) target_semaphore(%arg12 : memref<!tpu.dma_semaphore, #tpu.memory_space<semaphore_mem>>)
    %dma_start3A_93 = arith.constant 1 : i32
    %dma_start3A_94 = arith.constant 0 : i32
    %dma_start3A_95 = tpu.memref_slice %arg8[%dma_start3A_93, %dma_start3A_94] : memref<2x128xi32, #tpu.memory_space<vmem>> -> memref<1x128xi32, #tpu.memory_space<vmem>>
    %dma_start3A_96 = tpu.memref_squeeze %dma_start3A_95 : memref<1x128xi32, #tpu.memory_space<vmem>> -> memref<128xi32, #tpu.memory_space<vmem>>
    %dma_start3A_97 = tpu.memref_slice %arg3[%multiple_of3A_83] : memref<1286144xi32, #tpu.memory_space<hbm>> -> memref<128xi32, #tpu.memory_space<hbm>>
    %dma_start3A_98 = arith.constant 0 : i32
    %dma_start3A_99 = tpu.memref_slice %arg8[%dma_start3A_93, %dma_start3A_98] : memref<2x128xi32, #tpu.memory_space<vmem>> -> memref<1x128xi32, #tpu.memory_space<vmem>>
    %dma_start3A_100 = tpu.memref_squeeze %dma_start3A_99 : memref<1x128xi32, #tpu.memory_space<vmem>> -> memref<128xi32, #tpu.memory_space<vmem>>
    %dma_start3A_101 = tpu.memref_slice %arg3[%multiple_of3A_83] : memref<1286144xi32, #tpu.memory_space<hbm>> -> memref<128xi32, #tpu.memory_space<hbm>>
    tpu.enqueue_dma source(%dma_start3A_101 : memref<128xi32, #tpu.memory_space<hbm>>) target(%dma_start3A_100 : memref<128xi32, #tpu.memory_space<vmem>>) target_semaphore(%arg12 : memref<!tpu.dma_semaphore, #tpu.memory_space<semaphore_mem>>)
    %scan3A = arith.constant 0 : i32
    %scan3A_102 = arith.constant 0 : i32
    %scan3A_103 = arith.constant 157 : i32
    %scan3A_104 = arith.addi %scan3A_102, %scan3A_103 : i32
    %scan3A_105 = arith.constant 1 : i32
    scf.for %scan3A_118 = %scan3A_102 to %scan3A_104 step %scan3A_105  : i32 {
      %rem3A = arith.constant 2 : i32
      %rem3A_119 = arith.remsi %scan3A_118, %rem3A : i32
      %dma_wait3A_120 = arith.constant 0 : i32
      %dma_wait3A_121 = arith.constant 0 : i32
      %dma_wait3A_122 = tpu.memref_slice %arg9[%rem3A_119, %dma_wait3A_120, %dma_wait3A_121] : memref<2x128x128xf32, #tpu.memory_space<vmem>> -> memref<1x128x128xf32, #tpu.memory_space<vmem>>
      %dma_wait3A_123 = tpu.memref_squeeze %dma_wait3A_122 : memref<1x128x128xf32, #tpu.memory_space<vmem>> -> memref<128x128xf32, #tpu.memory_space<vmem>>
      %dma_wait3A_124 = arith.constant 0 : i32
      %dma_wait3A_125 = tpu.memref_slice %arg7[%rem3A_119, %dma_wait3A_124] : memref<2x128xi32, #tpu.memory_space<vmem>> -> memref<1x128xi32, #tpu.memory_space<vmem>>
      %dma_wait3A_126 = tpu.memref_squeeze %dma_wait3A_125 : memref<1x128xi32, #tpu.memory_space<vmem>> -> memref<128xi32, #tpu.memory_space<vmem>>
      %dma_wait3A_127 = arith.constant 0 : i32
      %dma_wait3A_128 = arith.constant 0 : i32
      %dma_wait3A_129 = tpu.memref_slice %arg2[%dma_wait3A_127, %dma_wait3A_128] : memref<10000x128xf32, #tpu.memory_space<hbm>> -> memref<10000x128xf32, #tpu.memory_space<hbm>>
      tpu.wait_indirect_dma semaphore(%arg11 : memref<!tpu.dma_semaphore, #tpu.memory_space<semaphore_mem>>) src(%dma_wait3A_129 : memref<10000x128xf32, #tpu.memory_space<hbm>>) dst(%dma_wait3A_123 : memref<128x128xf32, #tpu.memory_space<vmem>>)
      %add3A_130 = arith.constant 1 : i32
      %add3A_131 = arith.addi %scan3A_118, %add3A_130 : i32
      %lt3A = arith.constant 157 : i32
      %lt3A_132 = arith.cmpi slt, %add3A_131, %lt3A : i32
      %convert_element_type3A_133 = arith.extui %lt3A_132 : i1 to i32
      %cond3A_134 = arith.constant 0 : i32
      %cond3A_135 = arith.cmpi ne, %convert_element_type3A_133, %cond3A_134 : i32
      scf.if %cond3A_135 {
        %add3A_143 = arith.constant 1 : i32
        %add3A_144 = arith.addi %scan3A_118, %add3A_143 : i32
        %sub3A = arith.constant 1 : i32
        %sub3A_145 = arith.subi %sub3A, %rem3A_119 : i32
        %mul3A_146 = arith.constant 321536 : i32
        %mul3A_147 = arith.muli %arg0, %mul3A_146 : i32
        %mul3A_148 = arith.constant 20096 : i32
        %mul3A_149 = arith.muli %arg1, %mul3A_148 : i32
        %add3A_150 = arith.addi %mul3A_147, %mul3A_149 : i32
        %mul3A_151 = arith.constant 128 : i32
        %mul3A_152 = arith.muli %add3A_144, %mul3A_151 : i32
        %add3A_153 = arith.addi %add3A_150, %mul3A_152 : i32
        %multiple_of3A_154 = tpu.assume_multiple %add3A_153, 8 : i32
        %add3A_155 = arith.constant 2 : i32
        %add3A_156 = arith.addi %add3A_155, %arg0 : i32
        %mul3A_157 = arith.constant 321536 : i32
        %mul3A_158 = arith.muli %add3A_156, %mul3A_157 : i32
        %mul3A_159 = arith.constant 20096 : i32
        %mul3A_160 = arith.muli %arg1, %mul3A_159 : i32
        %add3A_161 = arith.addi %mul3A_158, %mul3A_160 : i32
        %mul3A_162 = arith.constant 128 : i32
        %mul3A_163 = arith.muli %add3A_144, %mul3A_162 : i32
        %add3A_164 = arith.addi %add3A_161, %mul3A_163 : i32
        %multiple_of3A_165 = tpu.assume_multiple %add3A_164, 8 : i32
        %dma_wait3A_166 = arith.constant 0 : i32
        %dma_wait3A_167 = tpu.memref_slice %arg7[%sub3A_145, %dma_wait3A_166] : memref<2x128xi32, #tpu.memory_space<vmem>> -> memref<1x128xi32, #tpu.memory_space<vmem>>
        %dma_wait3A_168 = tpu.memref_squeeze %dma_wait3A_167 : memref<1x128xi32, #tpu.memory_space<vmem>> -> memref<128xi32, #tpu.memory_space<vmem>>
        %dma_wait3A_169 = tpu.memref_slice %arg3[%multiple_of3A_154] : memref<1286144xi32, #tpu.memory_space<hbm>> -> memref<128xi32, #tpu.memory_space<hbm>>
        %dma_wait3A_170 = arith.constant 0 : i32
        %dma_wait3A_171 = tpu.memref_slice %arg7[%sub3A_145, %dma_wait3A_170] : memref<2x128xi32, #tpu.memory_space<vmem>> -> memref<1x128xi32, #tpu.memory_space<vmem>>
        %dma_wait3A_172 = tpu.memref_squeeze %dma_wait3A_171 : memref<1x128xi32, #tpu.memory_space<vmem>> -> memref<128xi32, #tpu.memory_space<vmem>>
        %dma_wait3A_173 = tpu.memref_slice %arg3[%multiple_of3A_154] : memref<1286144xi32, #tpu.memory_space<hbm>> -> memref<128xi32, #tpu.memory_space<hbm>>
        tpu.wait_dma2 semaphore(%arg12 : memref<!tpu.dma_semaphore, #tpu.memory_space<semaphore_mem>>) src(%dma_wait3A_173 : memref<128xi32, #tpu.memory_space<hbm>>) dst(%dma_wait3A_172 : memref<128xi32, #tpu.memory_space<vmem>>)
        %dma_wait3A_174 = arith.constant 0 : i32
        %dma_wait3A_175 = tpu.memref_slice %arg8[%sub3A_145, %dma_wait3A_174] : memref<2x128xi32, #tpu.memory_space<vmem>> -> memref<1x128xi32, #tpu.memory_space<vmem>>
        %dma_wait3A_176 = tpu.memref_squeeze %dma_wait3A_175 : memref<1x128xi32, #tpu.memory_space<vmem>> -> memref<128xi32, #tpu.memory_space<vmem>>
        %dma_wait3A_177 = tpu.memref_slice %arg3[%multiple_of3A_165] : memref<1286144xi32, #tpu.memory_space<hbm>> -> memref<128xi32, #tpu.memory_space<hbm>>
        %dma_wait3A_178 = arith.constant 0 : i32
        %dma_wait3A_179 = tpu.memref_slice %arg8[%sub3A_145, %dma_wait3A_178] : memref<2x128xi32, #tpu.memory_space<vmem>> -> memref<1x128xi32, #tpu.memory_space<vmem>>
        %dma_wait3A_180 = tpu.memref_squeeze %dma_wait3A_179 : memref<1x128xi32, #tpu.memory_space<vmem>> -> memref<128xi32, #tpu.memory_space<vmem>>
        %dma_wait3A_181 = tpu.memref_slice %arg3[%multiple_of3A_165] : memref<1286144xi32, #tpu.memory_space<hbm>> -> memref<128xi32, #tpu.memory_space<hbm>>
        tpu.wait_dma2 semaphore(%arg12 : memref<!tpu.dma_semaphore, #tpu.memory_space<semaphore_mem>>) src(%dma_wait3A_181 : memref<128xi32, #tpu.memory_space<hbm>>) dst(%dma_wait3A_180 : memref<128xi32, #tpu.memory_space<vmem>>)
        %sub3A_182 = arith.constant 1 : i32
        %sub3A_183 = arith.subi %sub3A_182, %rem3A_119 : i32
        %sub3A_184 = arith.constant 1 : i32
        %sub3A_185 = arith.subi %sub3A_184, %rem3A_119 : i32
        %dma_start3A_186 = arith.constant 0 : i32
        %dma_start3A_187 = arith.constant 0 : i32
        %dma_start3A_188 = tpu.memref_slice %arg9[%sub3A_185, %dma_start3A_186, %dma_start3A_187] : memref<2x128x128xf32, #tpu.memory_space<vmem>> -> memref<1x128x128xf32, #tpu.memory_space<vmem>>
        %dma_start3A_189 = tpu.memref_squeeze %dma_start3A_188 : memref<1x128x128xf32, #tpu.memory_space<vmem>> -> memref<128x128xf32, #tpu.memory_space<vmem>>
        %dma_start3A_190 = arith.constant 0 : i32
        %dma_start3A_191 = tpu.memref_slice %arg7[%sub3A_183, %dma_start3A_190] : memref<2x128xi32, #tpu.memory_space<vmem>> -> memref<1x128xi32, #tpu.memory_space<vmem>>
        %dma_start3A_192 = tpu.memref_squeeze %dma_start3A_191 : memref<1x128xi32, #tpu.memory_space<vmem>> -> memref<128xi32, #tpu.memory_space<vmem>>
        %dma_start3A_193 = arith.constant 0 : i32
        %dma_start3A_194 = arith.constant 0 : i32
        %dma_start3A_195 = tpu.memref_slice %arg2[%dma_start3A_193, %dma_start3A_194] : memref<10000x128xf32, #tpu.memory_space<hbm>> -> memref<10000x128xf32, #tpu.memory_space<hbm>>
        tpu.enqueue_indirect_dma source(%dma_start3A_195 : memref<10000x128xf32, #tpu.memory_space<hbm>>) target(%dma_start3A_189 : memref<128x128xf32, #tpu.memory_space<vmem>>) offsets(%dma_start3A_192 : memref<128xi32, #tpu.memory_space<vmem>>) semaphore(%arg11 : memref<!tpu.dma_semaphore, #tpu.memory_space<semaphore_mem>>)
      } else {
      }
      "tpu.region"() ({
        %run_scoped3A = tpu.sem_alloc : memref<!tpu.dma_semaphore, #tpu.memory_space<semaphore_mem>>
        %dma_start3A_143 = arith.constant 0 : i32
        %dma_start3A_144 = arith.constant 0 : i32
        %dma_start3A_145 = tpu.memref_slice %arg9[%rem3A_119, %dma_start3A_143, %dma_start3A_144] : memref<2x128x128xf32, #tpu.memory_space<vmem>> -> memref<1x128x128xf32, #tpu.memory_space<vmem>>
        %dma_start3A_146 = tpu.memref_squeeze %dma_start3A_145 : memref<1x128x128xf32, #tpu.memory_space<vmem>> -> memref<128x128xf32, #tpu.memory_space<vmem>>
        %dma_start3A_147 = arith.constant 0 : i32
        %dma_start3A_148 = tpu.memref_slice %arg8[%rem3A_119, %dma_start3A_147] : memref<2x128xi32, #tpu.memory_space<vmem>> -> memref<1x128xi32, #tpu.memory_space<vmem>>
        %dma_start3A_149 = tpu.memref_squeeze %dma_start3A_148 : memref<1x128xi32, #tpu.memory_space<vmem>> -> memref<128xi32, #tpu.memory_space<vmem>>
        %dma_start3A_150 = arith.constant 0 : i32
        %dma_start3A_151 = arith.constant 0 : i32
        %dma_start3A_152 = tpu.memref_slice %arg10[%dma_start3A_150, %dma_start3A_151] : memref<10016x128xf32, #tpu.memory_space<vmem_shared>> -> memref<10016x128xf32, #tpu.memory_space<vmem_shared>>
        tpu.enqueue_indirect_dma source(%dma_start3A_146 : memref<128x128xf32, #tpu.memory_space<vmem>>) target(%dma_start3A_152 : memref<10016x128xf32, #tpu.memory_space<vmem_shared>>) offsets(%dma_start3A_149 : memref<128xi32, #tpu.memory_space<vmem>>) semaphore(%run_scoped3A : memref<!tpu.dma_semaphore, #tpu.memory_space<semaphore_mem>>) {add = true}
        %dma_wait3A_153 = arith.constant 0 : i32
        %dma_wait3A_154 = arith.constant 0 : i32
        %dma_wait3A_155 = tpu.memref_slice %arg9[%rem3A_119, %dma_wait3A_153, %dma_wait3A_154] : memref<2x128x128xf32, #tpu.memory_space<vmem>> -> memref<1x128x128xf32, #tpu.memory_space<vmem>>
        %dma_wait3A_156 = tpu.memref_squeeze %dma_wait3A_155 : memref<1x128x128xf32, #tpu.memory_space<vmem>> -> memref<128x128xf32, #tpu.memory_space<vmem>>
        %dma_wait3A_157 = arith.constant 0 : i32
        %dma_wait3A_158 = tpu.memref_slice %arg8[%rem3A_119, %dma_wait3A_157] : memref<2x128xi32, #tpu.memory_space<vmem>> -> memref<1x128xi32, #tpu.memory_space<vmem>>
        %dma_wait3A_159 = tpu.memref_squeeze %dma_wait3A_158 : memref<1x128xi32, #tpu.memory_space<vmem>> -> memref<128xi32, #tpu.memory_space<vmem>>
        %dma_wait3A_160 = arith.constant 0 : i32
        %dma_wait3A_161 = arith.constant 0 : i32
        %dma_wait3A_162 = tpu.memref_slice %arg10[%dma_wait3A_160, %dma_wait3A_161] : memref<10016x128xf32, #tpu.memory_space<vmem_shared>> -> memref<10016x128xf32, #tpu.memory_space<vmem_shared>>
        tpu.wait_indirect_dma semaphore(%run_scoped3A : memref<!tpu.dma_semaphore, #tpu.memory_space<semaphore_mem>>) src(%dma_wait3A_156 : memref<128x128xf32, #tpu.memory_space<vmem>>) dst(%dma_wait3A_162 : memref<10016x128xf32, #tpu.memory_space<vmem_shared>>)
        tpu.yield
      }) : () -> ()
      %add3A_136 = arith.constant 2 : i32
      %add3A_137 = arith.addi %scan3A_118, %add3A_136 : i32
      %lt3A_138 = arith.constant 157 : i32
      %lt3A_139 = arith.cmpi slt, %add3A_137, %lt3A_138 : i32
      %convert_element_type3A_140 = arith.extui %lt3A_139 : i1 to i32
      %cond3A_141 = arith.constant 0 : i32
      %cond3A_142 = arith.cmpi ne, %convert_element_type3A_140, %cond3A_141 : i32
      scf.if %cond3A_142 {
        %add3A_143 = arith.constant 2 : i32
        %add3A_144 = arith.addi %scan3A_118, %add3A_143 : i32
        %mul3A_145 = arith.constant 321536 : i32
        %mul3A_146 = arith.muli %arg0, %mul3A_145 : i32
        %mul3A_147 = arith.constant 20096 : i32
        %mul3A_148 = arith.muli %arg1, %mul3A_147 : i32
        %add3A_149 = arith.addi %mul3A_146, %mul3A_148 : i32
        %mul3A_150 = arith.constant 128 : i32
        %mul3A_151 = arith.muli %add3A_144, %mul3A_150 : i32
        %add3A_152 = arith.addi %add3A_149, %mul3A_151 : i32
        %multiple_of3A_153 = tpu.assume_multiple %add3A_152, 8 : i32
        %add3A_154 = arith.constant 2 : i32
        %add3A_155 = arith.addi %add3A_154, %arg0 : i32
        %mul3A_156 = arith.constant 321536 : i32
        %mul3A_157 = arith.muli %add3A_155, %mul3A_156 : i32
        %mul3A_158 = arith.constant 20096 : i32
        %mul3A_159 = arith.muli %arg1, %mul3A_158 : i32
        %add3A_160 = arith.addi %mul3A_157, %mul3A_159 : i32
        %mul3A_161 = arith.constant 128 : i32
        %mul3A_162 = arith.muli %add3A_144, %mul3A_161 : i32
        %add3A_163 = arith.addi %add3A_160, %mul3A_162 : i32
        %multiple_of3A_164 = tpu.assume_multiple %add3A_163, 8 : i32
        %dma_start3A_165 = arith.constant 0 : i32
        %dma_start3A_166 = tpu.memref_slice %arg7[%rem3A_119, %dma_start3A_165] : memref<2x128xi32, #tpu.memory_space<vmem>> -> memref<1x128xi32, #tpu.memory_space<vmem>>
        %dma_start3A_167 = tpu.memref_squeeze %dma_start3A_166 : memref<1x128xi32, #tpu.memory_space<vmem>> -> memref<128xi32, #tpu.memory_space<vmem>>
        %dma_start3A_168 = tpu.memref_slice %arg3[%multiple_of3A_153] : memref<1286144xi32, #tpu.memory_space<hbm>> -> memref<128xi32, #tpu.memory_space<hbm>>
        %dma_start3A_169 = arith.constant 0 : i32
        %dma_start3A_170 = tpu.memref_slice %arg7[%rem3A_119, %dma_start3A_169] : memref<2x128xi32, #tpu.memory_space<vmem>> -> memref<1x128xi32, #tpu.memory_space<vmem>>
        %dma_start3A_171 = tpu.memref_squeeze %dma_start3A_170 : memref<1x128xi32, #tpu.memory_space<vmem>> -> memref<128xi32, #tpu.memory_space<vmem>>
        %dma_start3A_172 = tpu.memref_slice %arg3[%multiple_of3A_153] : memref<1286144xi32, #tpu.memory_space<hbm>> -> memref<128xi32, #tpu.memory_space<hbm>>
        tpu.enqueue_dma source(%dma_start3A_172 : memref<128xi32, #tpu.memory_space<hbm>>) target(%dma_start3A_171 : memref<128xi32, #tpu.memory_space<vmem>>) target_semaphore(%arg12 : memref<!tpu.dma_semaphore, #tpu.memory_space<semaphore_mem>>)
        %dma_start3A_173 = arith.constant 0 : i32
        %dma_start3A_174 = tpu.memref_slice %arg8[%rem3A_119, %dma_start3A_173] : memref<2x128xi32, #tpu.memory_space<vmem>> -> memref<1x128xi32, #tpu.memory_space<vmem>>
        %dma_start3A_175 = tpu.memref_squeeze %dma_start3A_174 : memref<1x128xi32, #tpu.memory_space<vmem>> -> memref<128xi32, #tpu.memory_space<vmem>>
        %dma_start3A_176 = tpu.memref_slice %arg3[%multiple_of3A_164] : memref<1286144xi32, #tpu.memory_space<hbm>> -> memref<128xi32, #tpu.memory_space<hbm>>
        %dma_start3A_177 = arith.constant 0 : i32
        %dma_start3A_178 = tpu.memref_slice %arg8[%rem3A_119, %dma_start3A_177] : memref<2x128xi32, #tpu.memory_space<vmem>> -> memref<1x128xi32, #tpu.memory_space<vmem>>
        %dma_start3A_179 = tpu.memref_squeeze %dma_start3A_178 : memref<1x128xi32, #tpu.memory_space<vmem>> -> memref<128xi32, #tpu.memory_space<vmem>>
        %dma_start3A_180 = tpu.memref_slice %arg3[%multiple_of3A_164] : memref<1286144xi32, #tpu.memory_space<hbm>> -> memref<128xi32, #tpu.memory_space<hbm>>
        tpu.enqueue_dma source(%dma_start3A_180 : memref<128xi32, #tpu.memory_space<hbm>>) target(%dma_start3A_179 : memref<128xi32, #tpu.memory_space<vmem>>) target_semaphore(%arg12 : memref<!tpu.dma_semaphore, #tpu.memory_space<semaphore_mem>>)
      } else {
      }
    }
    %scan3A_106 = arith.constant 157 : i32
    %barrier3A_107 = arith.constant 0 : index
    tpu.barrier barrier_id(%barrier3A_107)
    %eq3A_108 = arith.constant 0 : i32
    %eq3A_109 = arith.cmpi eq, %arg0, %eq3A_108 : i32
    %convert_element_type3A_110 = arith.extui %eq3A_109 : i1 to i32
    %cond3A_111 = arith.constant 0 : i32
    %cond3A_112 = arith.cmpi ne, %convert_element_type3A_110, %cond3A_111 : i32
    scf.if %cond3A_112 {
      "tpu.region"() ({
        %run_scoped3A = tpu.sem_alloc : memref<!tpu.dma_semaphore, #tpu.memory_space<semaphore_mem>>
        %dma_start3A_123 = arith.constant 0 : i32
        %dma_start3A_124 = tpu.memref_slice %arg5[%multiple_of3A, %dma_start3A_123] : memref<10000x128xf32, #tpu.memory_space<hbm>> -> memref<624x128xf32, #tpu.memory_space<hbm>>
        %dma_start3A_125 = arith.constant 0 : i32
        %dma_start3A_126 = tpu.memref_slice %arg10[%multiple_of3A, %dma_start3A_125] : memref<10016x128xf32, #tpu.memory_space<vmem_shared>> -> memref<624x128xf32, #tpu.memory_space<vmem_shared>>
        tpu.enqueue_dma source(%dma_start3A_126 : memref<624x128xf32, #tpu.memory_space<vmem_shared>>) target(%dma_start3A_124 : memref<624x128xf32, #tpu.memory_space<hbm>>) target_semaphore(%run_scoped3A : memref<!tpu.dma_semaphore, #tpu.memory_space<semaphore_mem>>)
        %dma_wait3A_127 = arith.constant 0 : i32
        %dma_wait3A_128 = tpu.memref_slice %arg5[%multiple_of3A, %dma_wait3A_127] : memref<10000x128xf32, #tpu.memory_space<hbm>> -> memref<624x128xf32, #tpu.memory_space<hbm>>
        %dma_wait3A_129 = arith.constant 0 : i32
        %dma_wait3A_130 = tpu.memref_slice %arg10[%multiple_of3A, %dma_wait3A_129] : memref<10016x128xf32, #tpu.memory_space<vmem_shared>> -> memref<624x128xf32, #tpu.memory_space<vmem_shared>>
        tpu.wait_dma2 semaphore(%run_scoped3A : memref<!tpu.dma_semaphore, #tpu.memory_space<semaphore_mem>>) src(%dma_wait3A_130 : memref<624x128xf32, #tpu.memory_space<vmem_shared>>) dst(%dma_wait3A_128 : memref<624x128xf32, #tpu.memory_space<hbm>>)
        tpu.yield
      }) : () -> ()
      %eq3A_118 = arith.constant 15 : i32
      %eq3A_119 = arith.cmpi eq, %arg1, %eq3A_118 : i32
      %convert_element_type3A_120 = arith.extui %eq3A_119 : i1 to i32
      %cond3A_121 = arith.constant 0 : i32
      %cond3A_122 = arith.cmpi ne, %convert_element_type3A_120, %cond3A_121 : i32
      scf.if %cond3A_122 {
        "tpu.region"() ({
          %run_scoped3A = tpu.sem_alloc : memref<!tpu.dma_semaphore, #tpu.memory_space<semaphore_mem>>
          %dma_start3A_123 = arith.constant 9984 : i32
          %dma_start3A_124 = arith.constant 0 : i32
          %dma_start3A_125 = tpu.memref_slice %arg5[%dma_start3A_123, %dma_start3A_124] : memref<10000x128xf32, #tpu.memory_space<hbm>> -> memref<16x128xf32, #tpu.memory_space<hbm>>
          %dma_start3A_126 = arith.constant 9984 : i32
          %dma_start3A_127 = arith.constant 0 : i32
          %dma_start3A_128 = tpu.memref_slice %arg10[%dma_start3A_126, %dma_start3A_127] : memref<10016x128xf32, #tpu.memory_space<vmem_shared>> -> memref<16x128xf32, #tpu.memory_space<vmem_shared>>
          tpu.enqueue_dma source(%dma_start3A_128 : memref<16x128xf32, #tpu.memory_space<vmem_shared>>) target(%dma_start3A_125 : memref<16x128xf32, #tpu.memory_space<hbm>>) target_semaphore(%run_scoped3A : memref<!tpu.dma_semaphore, #tpu.memory_space<semaphore_mem>>)
          %dma_wait3A_129 = arith.constant 9984 : i32
          %dma_wait3A_130 = arith.constant 0 : i32
          %dma_wait3A_131 = tpu.memref_slice %arg5[%dma_wait3A_129, %dma_wait3A_130] : memref<10000x128xf32, #tpu.memory_space<hbm>> -> memref<16x128xf32, #tpu.memory_space<hbm>>
          %dma_wait3A_132 = arith.constant 9984 : i32
          %dma_wait3A_133 = arith.constant 0 : i32
          %dma_wait3A_134 = tpu.memref_slice %arg10[%dma_wait3A_132, %dma_wait3A_133] : memref<10016x128xf32, #tpu.memory_space<vmem_shared>> -> memref<16x128xf32, #tpu.memory_space<vmem_shared>>
          tpu.wait_dma2 semaphore(%run_scoped3A : memref<!tpu.dma_semaphore, #tpu.memory_space<semaphore_mem>>) src(%dma_wait3A_134 : memref<16x128xf32, #tpu.memory_space<vmem_shared>>) dst(%dma_wait3A_131 : memref<16x128xf32, #tpu.memory_space<hbm>>)
          tpu.yield
        }) : () -> ()
      } else {
      }
    } else {
    }
    %eq3A_113 = arith.constant 1 : i32
    %eq3A_114 = arith.cmpi eq, %arg0, %eq3A_113 : i32
    %convert_element_type3A_115 = arith.extui %eq3A_114 : i1 to i32
    %cond3A_116 = arith.constant 0 : i32
    %cond3A_117 = arith.cmpi ne, %convert_element_type3A_115, %cond3A_116 : i32
    scf.if %cond3A_117 {
      "tpu.region"() ({
        %run_scoped3A = tpu.sem_alloc : memref<!tpu.dma_semaphore, #tpu.memory_space<semaphore_mem>>
        %dma_start3A_123 = arith.constant 0 : i32
        %dma_start3A_124 = tpu.memref_slice %arg6[%multiple_of3A, %dma_start3A_123] : memref<10000x128xf32, #tpu.memory_space<hbm>> -> memref<624x128xf32, #tpu.memory_space<hbm>>
        %dma_start3A_125 = arith.constant 0 : i32
        %dma_start3A_126 = tpu.memref_slice %arg10[%multiple_of3A, %dma_start3A_125] : memref<10016x128xf32, #tpu.memory_space<vmem_shared>> -> memref<624x128xf32, #tpu.memory_space<vmem_shared>>
        tpu.enqueue_dma source(%dma_start3A_126 : memref<624x128xf32, #tpu.memory_space<vmem_shared>>) target(%dma_start3A_124 : memref<624x128xf32, #tpu.memory_space<hbm>>) target_semaphore(%run_scoped3A : memref<!tpu.dma_semaphore, #tpu.memory_space<semaphore_mem>>)
        %dma_wait3A_127 = arith.constant 0 : i32
        %dma_wait3A_128 = tpu.memref_slice %arg6[%multiple_of3A, %dma_wait3A_127] : memref<10000x128xf32, #tpu.memory_space<hbm>> -> memref<624x128xf32, #tpu.memory_space<hbm>>
        %dma_wait3A_129 = arith.constant 0 : i32
        %dma_wait3A_130 = tpu.memref_slice %arg10[%multiple_of3A, %dma_wait3A_129] : memref<10016x128xf32, #tpu.memory_space<vmem_shared>> -> memref<624x128xf32, #tpu.memory_space<vmem_shared>>
        tpu.wait_dma2 semaphore(%run_scoped3A : memref<!tpu.dma_semaphore, #tpu.memory_space<semaphore_mem>>) src(%dma_wait3A_130 : memref<624x128xf32, #tpu.memory_space<vmem_shared>>) dst(%dma_wait3A_128 : memref<624x128xf32, #tpu.memory_space<hbm>>)
        tpu.yield
      }) : () -> ()
      %eq3A_118 = arith.constant 15 : i32
      %eq3A_119 = arith.cmpi eq, %arg1, %eq3A_118 : i32
      %convert_element_type3A_120 = arith.extui %eq3A_119 : i1 to i32
      %cond3A_121 = arith.constant 0 : i32
      %cond3A_122 = arith.cmpi ne, %convert_element_type3A_120, %cond3A_121 : i32
      scf.if %cond3A_122 {
        "tpu.region"() ({
          %run_scoped3A = tpu.sem_alloc : memref<!tpu.dma_semaphore, #tpu.memory_space<semaphore_mem>>
          %dma_start3A_123 = arith.constant 9984 : i32
          %dma_start3A_124 = arith.constant 0 : i32
          %dma_start3A_125 = tpu.memref_slice %arg6[%dma_start3A_123, %dma_start3A_124] : memref<10000x128xf32, #tpu.memory_space<hbm>> -> memref<16x128xf32, #tpu.memory_space<hbm>>
          %dma_start3A_126 = arith.constant 9984 : i32
          %dma_start3A_127 = arith.constant 0 : i32
          %dma_start3A_128 = tpu.memref_slice %arg10[%dma_start3A_126, %dma_start3A_127] : memref<10016x128xf32, #tpu.memory_space<vmem_shared>> -> memref<16x128xf32, #tpu.memory_space<vmem_shared>>
          tpu.enqueue_dma source(%dma_start3A_128 : memref<16x128xf32, #tpu.memory_space<vmem_shared>>) target(%dma_start3A_125 : memref<16x128xf32, #tpu.memory_space<hbm>>) target_semaphore(%run_scoped3A : memref<!tpu.dma_semaphore, #tpu.memory_space<semaphore_mem>>)
          %dma_wait3A_129 = arith.constant 9984 : i32
          %dma_wait3A_130 = arith.constant 0 : i32
          %dma_wait3A_131 = tpu.memref_slice %arg6[%dma_wait3A_129, %dma_wait3A_130] : memref<10000x128xf32, #tpu.memory_space<hbm>> -> memref<16x128xf32, #tpu.memory_space<hbm>>
          %dma_wait3A_132 = arith.constant 9984 : i32
          %dma_wait3A_133 = arith.constant 0 : i32
          %dma_wait3A_134 = tpu.memref_slice %arg10[%dma_wait3A_132, %dma_wait3A_133] : memref<10016x128xf32, #tpu.memory_space<vmem_shared>> -> memref<16x128xf32, #tpu.memory_space<vmem_shared>>
          tpu.wait_dma2 semaphore(%run_scoped3A : memref<!tpu.dma_semaphore, #tpu.memory_space<semaphore_mem>>) src(%dma_wait3A_134 : memref<16x128xf32, #tpu.memory_space<vmem_shared>>) dst(%dma_wait3A_131 : memref<16x128xf32, #tpu.memory_space<hbm>>)
          tpu.yield
        }) : () -> ()
      } else {
      }
    } else {
    }
    return
  }
}

#map = affine_map<(d0, d1) -> (0, 0)>
#map1 = affine_map<(d0, d1) -> (0)>
module attributes {stable_mosaic.version = 14 : i64} {
  func.func @_msg_body(%arg0: i32, %arg1: i32, %arg2: memref<10000x128xf32, #tpu.memory_space<hbm>>, %arg3: memref<1286144xi32, #tpu.memory_space<hbm>>, %arg4: memref<624x128xf32, #tpu.memory_space<hbm>>, %arg5: memref<10000x128xf32, #tpu.memory_space<hbm>>, %arg6: memref<10000x128xf32, #tpu.memory_space<hbm>>, %arg7: memref<2x128xi32, #tpu.memory_space<vmem>>, %arg8: memref<2x128xi32, #tpu.memory_space<vmem>>, %arg9: memref<2x128x128xf32, #tpu.memory_space<vmem>>, %arg10: memref<10016x128xf32, #tpu.memory_space<vmem_shared>>, %arg11: memref<!tpu.dma_semaphore, #tpu.memory_space<semaphore_mem>>, %arg12: memref<!tpu.dma_semaphore, #tpu.memory_space<semaphore_mem>>) attributes {dimension_semantics = [#tpu.dimension_semantics<core_parallel>, #tpu.dimension_semantics<subcore_parallel>], iteration_bounds = array<i64: 2, 16>, scalar_prefetch = 0 : i64, scratch_operands = 6 : i64, tpu.core_type = #tpu.core_type<sc_vector_subcore>, window_params = [{transform_indices = #map}, {transform_indices = #map1}, {transform_indices = #map}, {transform_indices = #map}, {transform_indices = #map}]} {
    %mul3A = arith.constant 624 : i32
    %mul3A_0 = arith.muli %arg1, %mul3A : i32
    %multiple_of3A = tpu.assume_multiple %mul3A_0, 8 : i32
    "tpu.region"() ({
      %run_scoped3A = tpu.sem_alloc : memref<!tpu.dma_semaphore, #tpu.memory_space<semaphore_mem>>
      %dma_start3A_118 = arith.constant 0 : i32
      %dma_start3A_119 = tpu.memref_slice %arg10[%multiple_of3A, %dma_start3A_118] : memref<10016x128xf32, #tpu.memory_space<vmem_shared>> -> memref<624x128xf32, #tpu.memory_space<vmem_shared>>
      %dma_start3A_120 = arith.constant 0 : i32
      %dma_start3A_121 = arith.constant 0 : i32
      %dma_start3A_122 = tpu.memref_slice %arg4[%dma_start3A_120, %dma_start3A_121] : memref<624x128xf32, #tpu.memory_space<hbm>> -> memref<624x128xf32, #tpu.memory_space<hbm>>
      tpu.enqueue_dma source(%dma_start3A_122 : memref<624x128xf32, #tpu.memory_space<hbm>>) target(%dma_start3A_119 : memref<624x128xf32, #tpu.memory_space<vmem_shared>>) target_semaphore(%run_scoped3A : memref<!tpu.dma_semaphore, #tpu.memory_space<semaphore_mem>>)
      %dma_wait3A_123 = arith.constant 0 : i32
      %dma_wait3A_124 = tpu.memref_slice %arg10[%multiple_of3A, %dma_wait3A_123] : memref<10016x128xf32, #tpu.memory_space<vmem_shared>> -> memref<624x128xf32, #tpu.memory_space<vmem_shared>>
      %dma_wait3A_125 = arith.constant 0 : i32
      %dma_wait3A_126 = arith.constant 0 : i32
      %dma_wait3A_127 = tpu.memref_slice %arg4[%dma_wait3A_125, %dma_wait3A_126] : memref<624x128xf32, #tpu.memory_space<hbm>> -> memref<624x128xf32, #tpu.memory_space<hbm>>
      tpu.wait_dma2 semaphore(%run_scoped3A : memref<!tpu.dma_semaphore, #tpu.memory_space<semaphore_mem>>) src(%dma_wait3A_127 : memref<624x128xf32, #tpu.memory_space<hbm>>) dst(%dma_wait3A_124 : memref<624x128xf32, #tpu.memory_space<vmem_shared>>)
      tpu.yield
    }) : () -> ()
    %eq3A = arith.constant 15 : i32
    %eq3A_1 = arith.cmpi eq, %arg1, %eq3A : i32
    %convert_element_type3A = arith.extui %eq3A_1 : i1 to i32
    %cond3A = arith.constant 0 : i32
    %cond3A_2 = arith.cmpi ne, %convert_element_type3A, %cond3A : i32
    scf.if %cond3A_2 {
      "tpu.region"() ({
        %run_scoped3A = tpu.sem_alloc : memref<!tpu.dma_semaphore, #tpu.memory_space<semaphore_mem>>
        %dma_start3A_118 = arith.constant 9984 : i32
        %dma_start3A_119 = arith.constant 0 : i32
        %dma_start3A_120 = tpu.memref_slice %arg10[%dma_start3A_118, %dma_start3A_119] : memref<10016x128xf32, #tpu.memory_space<vmem_shared>> -> memref<16x128xf32, #tpu.memory_space<vmem_shared>>
        %dma_start3A_121 = arith.constant 0 : i32
        %dma_start3A_122 = arith.constant 0 : i32
        %dma_start3A_123 = tpu.memref_slice %arg4[%dma_start3A_121, %dma_start3A_122] : memref<624x128xf32, #tpu.memory_space<hbm>> -> memref<16x128xf32, #tpu.memory_space<hbm>>
        tpu.enqueue_dma source(%dma_start3A_123 : memref<16x128xf32, #tpu.memory_space<hbm>>) target(%dma_start3A_120 : memref<16x128xf32, #tpu.memory_space<vmem_shared>>) target_semaphore(%run_scoped3A : memref<!tpu.dma_semaphore, #tpu.memory_space<semaphore_mem>>)
        %dma_wait3A_124 = arith.constant 9984 : i32
        %dma_wait3A_125 = arith.constant 0 : i32
        %dma_wait3A_126 = tpu.memref_slice %arg10[%dma_wait3A_124, %dma_wait3A_125] : memref<10016x128xf32, #tpu.memory_space<vmem_shared>> -> memref<16x128xf32, #tpu.memory_space<vmem_shared>>
        %dma_wait3A_127 = arith.constant 0 : i32
        %dma_wait3A_128 = arith.constant 0 : i32
        %dma_wait3A_129 = tpu.memref_slice %arg4[%dma_wait3A_127, %dma_wait3A_128] : memref<624x128xf32, #tpu.memory_space<hbm>> -> memref<16x128xf32, #tpu.memory_space<hbm>>
        tpu.wait_dma2 semaphore(%run_scoped3A : memref<!tpu.dma_semaphore, #tpu.memory_space<semaphore_mem>>) src(%dma_wait3A_129 : memref<16x128xf32, #tpu.memory_space<hbm>>) dst(%dma_wait3A_126 : memref<16x128xf32, #tpu.memory_space<vmem_shared>>)
        tpu.yield
      }) : () -> ()
    } else {
    }
    %barrier3A = arith.constant 0 : index
    tpu.barrier barrier_id(%barrier3A)
    %mul3A_3 = arith.constant 321536 : i32
    %mul3A_4 = arith.muli %arg0, %mul3A_3 : i32
    %mul3A_5 = arith.constant 20096 : i32
    %mul3A_6 = arith.muli %arg1, %mul3A_5 : i32
    %add3A = arith.addi %mul3A_4, %mul3A_6 : i32
    %add3A_7 = arith.constant 0 : i32
    %add3A_8 = arith.addi %add3A, %add3A_7 : i32
    %multiple_of3A_9 = tpu.assume_multiple %add3A_8, 8 : i32
    %add3A_10 = arith.constant 2 : i32
    %add3A_11 = arith.addi %add3A_10, %arg0 : i32
    %mul3A_12 = arith.constant 321536 : i32
    %mul3A_13 = arith.muli %add3A_11, %mul3A_12 : i32
    %mul3A_14 = arith.constant 20096 : i32
    %mul3A_15 = arith.muli %arg1, %mul3A_14 : i32
    %add3A_16 = arith.addi %mul3A_13, %mul3A_15 : i32
    %add3A_17 = arith.constant 0 : i32
    %add3A_18 = arith.addi %add3A_16, %add3A_17 : i32
    %multiple_of3A_19 = tpu.assume_multiple %add3A_18, 8 : i32
    %dma_start3A = arith.constant 0 : i32
    %dma_start3A_20 = arith.constant 0 : i32
    %dma_start3A_21 = tpu.memref_slice %arg7[%dma_start3A, %dma_start3A_20] : memref<2x128xi32, #tpu.memory_space<vmem>> -> memref<1x128xi32, #tpu.memory_space<vmem>>
    %dma_start3A_22 = tpu.memref_squeeze %dma_start3A_21 : memref<1x128xi32, #tpu.memory_space<vmem>> -> memref<128xi32, #tpu.memory_space<vmem>>
    %dma_start3A_23 = tpu.memref_slice %arg3[%multiple_of3A_9] : memref<1286144xi32, #tpu.memory_space<hbm>> -> memref<128xi32, #tpu.memory_space<hbm>>
    %dma_start3A_24 = arith.constant 0 : i32
    %dma_start3A_25 = tpu.memref_slice %arg7[%dma_start3A, %dma_start3A_24] : memref<2x128xi32, #tpu.memory_space<vmem>> -> memref<1x128xi32, #tpu.memory_space<vmem>>
    %dma_start3A_26 = tpu.memref_squeeze %dma_start3A_25 : memref<1x128xi32, #tpu.memory_space<vmem>> -> memref<128xi32, #tpu.memory_space<vmem>>
    %dma_start3A_27 = tpu.memref_slice %arg3[%multiple_of3A_9] : memref<1286144xi32, #tpu.memory_space<hbm>> -> memref<128xi32, #tpu.memory_space<hbm>>
    tpu.enqueue_dma source(%dma_start3A_27 : memref<128xi32, #tpu.memory_space<hbm>>) target(%dma_start3A_26 : memref<128xi32, #tpu.memory_space<vmem>>) target_semaphore(%arg12 : memref<!tpu.dma_semaphore, #tpu.memory_space<semaphore_mem>>)
    %dma_wait3A = arith.constant 0 : i32
    %dma_wait3A_28 = arith.constant 0 : i32
    %dma_wait3A_29 = tpu.memref_slice %arg7[%dma_wait3A, %dma_wait3A_28] : memref<2x128xi32, #tpu.memory_space<vmem>> -> memref<1x128xi32, #tpu.memory_space<vmem>>
    %dma_wait3A_30 = tpu.memref_squeeze %dma_wait3A_29 : memref<1x128xi32, #tpu.memory_space<vmem>> -> memref<128xi32, #tpu.memory_space<vmem>>
    %dma_wait3A_31 = tpu.memref_slice %arg3[%multiple_of3A_9] : memref<1286144xi32, #tpu.memory_space<hbm>> -> memref<128xi32, #tpu.memory_space<hbm>>
    %dma_wait3A_32 = arith.constant 0 : i32
    %dma_wait3A_33 = tpu.memref_slice %arg7[%dma_wait3A, %dma_wait3A_32] : memref<2x128xi32, #tpu.memory_space<vmem>> -> memref<1x128xi32, #tpu.memory_space<vmem>>
    %dma_wait3A_34 = tpu.memref_squeeze %dma_wait3A_33 : memref<1x128xi32, #tpu.memory_space<vmem>> -> memref<128xi32, #tpu.memory_space<vmem>>
    %dma_wait3A_35 = tpu.memref_slice %arg3[%multiple_of3A_9] : memref<1286144xi32, #tpu.memory_space<hbm>> -> memref<128xi32, #tpu.memory_space<hbm>>
    tpu.wait_dma2 semaphore(%arg12 : memref<!tpu.dma_semaphore, #tpu.memory_space<semaphore_mem>>) src(%dma_wait3A_35 : memref<128xi32, #tpu.memory_space<hbm>>) dst(%dma_wait3A_34 : memref<128xi32, #tpu.memory_space<vmem>>)
    %dma_start3A_36 = arith.constant 0 : i32
    %dma_start3A_37 = arith.constant 0 : i32
    %dma_start3A_38 = tpu.memref_slice %arg8[%dma_start3A_36, %dma_start3A_37] : memref<2x128xi32, #tpu.memory_space<vmem>> -> memref<1x128xi32, #tpu.memory_space<vmem>>
    %dma_start3A_39 = tpu.memref_squeeze %dma_start3A_38 : memref<1x128xi32, #tpu.memory_space<vmem>> -> memref<128xi32, #tpu.memory_space<vmem>>
    %dma_start3A_40 = tpu.memref_slice %arg3[%multiple_of3A_19] : memref<1286144xi32, #tpu.memory_space<hbm>> -> memref<128xi32, #tpu.memory_space<hbm>>
    %dma_start3A_41 = arith.constant 0 : i32
    %dma_start3A_42 = tpu.memref_slice %arg8[%dma_start3A_36, %dma_start3A_41] : memref<2x128xi32, #tpu.memory_space<vmem>> -> memref<1x128xi32, #tpu.memory_space<vmem>>
    %dma_start3A_43 = tpu.memref_squeeze %dma_start3A_42 : memref<1x128xi32, #tpu.memory_space<vmem>> -> memref<128xi32, #tpu.memory_space<vmem>>
    %dma_start3A_44 = tpu.memref_slice %arg3[%multiple_of3A_19] : memref<1286144xi32, #tpu.memory_space<hbm>> -> memref<128xi32, #tpu.memory_space<hbm>>
    tpu.enqueue_dma source(%dma_start3A_44 : memref<128xi32, #tpu.memory_space<hbm>>) target(%dma_start3A_43 : memref<128xi32, #tpu.memory_space<vmem>>) target_semaphore(%arg12 : memref<!tpu.dma_semaphore, #tpu.memory_space<semaphore_mem>>)
    %dma_wait3A_45 = arith.constant 0 : i32
    %dma_wait3A_46 = arith.constant 0 : i32
    %dma_wait3A_47 = tpu.memref_slice %arg8[%dma_wait3A_45, %dma_wait3A_46] : memref<2x128xi32, #tpu.memory_space<vmem>> -> memref<1x128xi32, #tpu.memory_space<vmem>>
    %dma_wait3A_48 = tpu.memref_squeeze %dma_wait3A_47 : memref<1x128xi32, #tpu.memory_space<vmem>> -> memref<128xi32, #tpu.memory_space<vmem>>
    %dma_wait3A_49 = tpu.memref_slice %arg3[%multiple_of3A_19] : memref<1286144xi32, #tpu.memory_space<hbm>> -> memref<128xi32, #tpu.memory_space<hbm>>
    %dma_wait3A_50 = arith.constant 0 : i32
    %dma_wait3A_51 = tpu.memref_slice %arg8[%dma_wait3A_45, %dma_wait3A_50] : memref<2x128xi32, #tpu.memory_space<vmem>> -> memref<1x128xi32, #tpu.memory_space<vmem>>
    %dma_wait3A_52 = tpu.memref_squeeze %dma_wait3A_51 : memref<1x128xi32, #tpu.memory_space<vmem>> -> memref<128xi32, #tpu.memory_space<vmem>>
    %dma_wait3A_53 = tpu.memref_slice %arg3[%multiple_of3A_19] : memref<1286144xi32, #tpu.memory_space<hbm>> -> memref<128xi32, #tpu.memory_space<hbm>>
    tpu.wait_dma2 semaphore(%arg12 : memref<!tpu.dma_semaphore, #tpu.memory_space<semaphore_mem>>) src(%dma_wait3A_53 : memref<128xi32, #tpu.memory_space<hbm>>) dst(%dma_wait3A_52 : memref<128xi32, #tpu.memory_space<vmem>>)
    %dma_start3A_54 = arith.constant 0 : i32
    %dma_start3A_55 = arith.constant 0 : i32
    %dma_start3A_56 = arith.constant 0 : i32
    %dma_start3A_57 = arith.constant 0 : i32
    %dma_start3A_58 = tpu.memref_slice %arg9[%dma_start3A_55, %dma_start3A_56, %dma_start3A_57] : memref<2x128x128xf32, #tpu.memory_space<vmem>> -> memref<1x128x128xf32, #tpu.memory_space<vmem>>
    %dma_start3A_59 = tpu.memref_squeeze %dma_start3A_58 : memref<1x128x128xf32, #tpu.memory_space<vmem>> -> memref<128x128xf32, #tpu.memory_space<vmem>>
    %dma_start3A_60 = arith.constant 0 : i32
    %dma_start3A_61 = tpu.memref_slice %arg7[%dma_start3A_54, %dma_start3A_60] : memref<2x128xi32, #tpu.memory_space<vmem>> -> memref<1x128xi32, #tpu.memory_space<vmem>>
    %dma_start3A_62 = tpu.memref_squeeze %dma_start3A_61 : memref<1x128xi32, #tpu.memory_space<vmem>> -> memref<128xi32, #tpu.memory_space<vmem>>
    %dma_start3A_63 = arith.constant 0 : i32
    %dma_start3A_64 = arith.constant 0 : i32
    %dma_start3A_65 = tpu.memref_slice %arg2[%dma_start3A_63, %dma_start3A_64] : memref<10000x128xf32, #tpu.memory_space<hbm>> -> memref<10000x128xf32, #tpu.memory_space<hbm>>
    tpu.enqueue_indirect_dma source(%dma_start3A_65 : memref<10000x128xf32, #tpu.memory_space<hbm>>) target(%dma_start3A_59 : memref<128x128xf32, #tpu.memory_space<vmem>>) offsets(%dma_start3A_62 : memref<128xi32, #tpu.memory_space<vmem>>) semaphore(%arg11 : memref<!tpu.dma_semaphore, #tpu.memory_space<semaphore_mem>>)
    %mul3A_66 = arith.constant 321536 : i32
    %mul3A_67 = arith.muli %arg0, %mul3A_66 : i32
    %mul3A_68 = arith.constant 20096 : i32
    %mul3A_69 = arith.muli %arg1, %mul3A_68 : i32
    %add3A_70 = arith.addi %mul3A_67, %mul3A_69 : i32
    %add3A_71 = arith.constant 128 : i32
    %add3A_72 = arith.addi %add3A_70, %add3A_71 : i32
    %multiple_of3A_73 = tpu.assume_multiple %add3A_72, 8 : i32
    %add3A_74 = arith.constant 2 : i32
    %add3A_75 = arith.addi %add3A_74, %arg0 : i32
    %mul3A_76 = arith.constant 321536 : i32
    %mul3A_77 = arith.muli %add3A_75, %mul3A_76 : i32
    %mul3A_78 = arith.constant 20096 : i32
    %mul3A_79 = arith.muli %arg1, %mul3A_78 : i32
    %add3A_80 = arith.addi %mul3A_77, %mul3A_79 : i32
    %add3A_81 = arith.constant 128 : i32
    %add3A_82 = arith.addi %add3A_80, %add3A_81 : i32
    %multiple_of3A_83 = tpu.assume_multiple %add3A_82, 8 : i32
    %dma_start3A_84 = arith.constant 1 : i32
    %dma_start3A_85 = arith.constant 0 : i32
    %dma_start3A_86 = tpu.memref_slice %arg7[%dma_start3A_84, %dma_start3A_85] : memref<2x128xi32, #tpu.memory_space<vmem>> -> memref<1x128xi32, #tpu.memory_space<vmem>>
    %dma_start3A_87 = tpu.memref_squeeze %dma_start3A_86 : memref<1x128xi32, #tpu.memory_space<vmem>> -> memref<128xi32, #tpu.memory_space<vmem>>
    %dma_start3A_88 = tpu.memref_slice %arg3[%multiple_of3A_73] : memref<1286144xi32, #tpu.memory_space<hbm>> -> memref<128xi32, #tpu.memory_space<hbm>>
    %dma_start3A_89 = arith.constant 0 : i32
    %dma_start3A_90 = tpu.memref_slice %arg7[%dma_start3A_84, %dma_start3A_89] : memref<2x128xi32, #tpu.memory_space<vmem>> -> memref<1x128xi32, #tpu.memory_space<vmem>>
    %dma_start3A_91 = tpu.memref_squeeze %dma_start3A_90 : memref<1x128xi32, #tpu.memory_space<vmem>> -> memref<128xi32, #tpu.memory_space<vmem>>
    %dma_start3A_92 = tpu.memref_slice %arg3[%multiple_of3A_73] : memref<1286144xi32, #tpu.memory_space<hbm>> -> memref<128xi32, #tpu.memory_space<hbm>>
    tpu.enqueue_dma source(%dma_start3A_92 : memref<128xi32, #tpu.memory_space<hbm>>) target(%dma_start3A_91 : memref<128xi32, #tpu.memory_space<vmem>>) target_semaphore(%arg12 : memref<!tpu.dma_semaphore, #tpu.memory_space<semaphore_mem>>)
    %dma_start3A_93 = arith.constant 1 : i32
    %dma_start3A_94 = arith.constant 0 : i32
    %dma_start3A_95 = tpu.memref_slice %arg8[%dma_start3A_93, %dma_start3A_94] : memref<2x128xi32, #tpu.memory_space<vmem>> -> memref<1x128xi32, #tpu.memory_space<vmem>>
    %dma_start3A_96 = tpu.memref_squeeze %dma_start3A_95 : memref<1x128xi32, #tpu.memory_space<vmem>> -> memref<128xi32, #tpu.memory_space<vmem>>
    %dma_start3A_97 = tpu.memref_slice %arg3[%multiple_of3A_83] : memref<1286144xi32, #tpu.memory_space<hbm>> -> memref<128xi32, #tpu.memory_space<hbm>>
    %dma_start3A_98 = arith.constant 0 : i32
    %dma_start3A_99 = tpu.memref_slice %arg8[%dma_start3A_93, %dma_start3A_98] : memref<2x128xi32, #tpu.memory_space<vmem>> -> memref<1x128xi32, #tpu.memory_space<vmem>>
    %dma_start3A_100 = tpu.memref_squeeze %dma_start3A_99 : memref<1x128xi32, #tpu.memory_space<vmem>> -> memref<128xi32, #tpu.memory_space<vmem>>
    %dma_start3A_101 = tpu.memref_slice %arg3[%multiple_of3A_83] : memref<1286144xi32, #tpu.memory_space<hbm>> -> memref<128xi32, #tpu.memory_space<hbm>>
    tpu.enqueue_dma source(%dma_start3A_101 : memref<128xi32, #tpu.memory_space<hbm>>) target(%dma_start3A_100 : memref<128xi32, #tpu.memory_space<vmem>>) target_semaphore(%arg12 : memref<!tpu.dma_semaphore, #tpu.memory_space<semaphore_mem>>)
    %scan3A = arith.constant 0 : i32
    %scan3A_102 = arith.constant 0 : i32
    %scan3A_103 = arith.constant 157 : i32
    %scan3A_104 = arith.addi %scan3A_102, %scan3A_103 : i32
    %scan3A_105 = arith.constant 1 : i32
    scf.for %scan3A_118 = %scan3A_102 to %scan3A_104 step %scan3A_105  : i32 {
      %rem3A = arith.constant 2 : i32
      %rem3A_119 = arith.remsi %scan3A_118, %rem3A : i32
      %dma_wait3A_120 = arith.constant 0 : i32
      %dma_wait3A_121 = arith.constant 0 : i32
      %dma_wait3A_122 = tpu.memref_slice %arg9[%rem3A_119, %dma_wait3A_120, %dma_wait3A_121] : memref<2x128x128xf32, #tpu.memory_space<vmem>> -> memref<1x128x128xf32, #tpu.memory_space<vmem>>
      %dma_wait3A_123 = tpu.memref_squeeze %dma_wait3A_122 : memref<1x128x128xf32, #tpu.memory_space<vmem>> -> memref<128x128xf32, #tpu.memory_space<vmem>>
      %dma_wait3A_124 = arith.constant 0 : i32
      %dma_wait3A_125 = tpu.memref_slice %arg7[%rem3A_119, %dma_wait3A_124] : memref<2x128xi32, #tpu.memory_space<vmem>> -> memref<1x128xi32, #tpu.memory_space<vmem>>
      %dma_wait3A_126 = tpu.memref_squeeze %dma_wait3A_125 : memref<1x128xi32, #tpu.memory_space<vmem>> -> memref<128xi32, #tpu.memory_space<vmem>>
      %dma_wait3A_127 = arith.constant 0 : i32
      %dma_wait3A_128 = arith.constant 0 : i32
      %dma_wait3A_129 = tpu.memref_slice %arg2[%dma_wait3A_127, %dma_wait3A_128] : memref<10000x128xf32, #tpu.memory_space<hbm>> -> memref<10000x128xf32, #tpu.memory_space<hbm>>
      tpu.wait_indirect_dma semaphore(%arg11 : memref<!tpu.dma_semaphore, #tpu.memory_space<semaphore_mem>>) src(%dma_wait3A_129 : memref<10000x128xf32, #tpu.memory_space<hbm>>) dst(%dma_wait3A_123 : memref<128x128xf32, #tpu.memory_space<vmem>>)
      %add3A_130 = arith.constant 1 : i32
      %add3A_131 = arith.addi %scan3A_118, %add3A_130 : i32
      %lt3A = arith.constant 157 : i32
      %lt3A_132 = arith.cmpi slt, %add3A_131, %lt3A : i32
      %convert_element_type3A_133 = arith.extui %lt3A_132 : i1 to i32
      %cond3A_134 = arith.constant 0 : i32
      %cond3A_135 = arith.cmpi ne, %convert_element_type3A_133, %cond3A_134 : i32
      scf.if %cond3A_135 {
        %add3A_143 = arith.constant 1 : i32
        %add3A_144 = arith.addi %scan3A_118, %add3A_143 : i32
        %sub3A = arith.constant 1 : i32
        %sub3A_145 = arith.subi %sub3A, %rem3A_119 : i32
        %mul3A_146 = arith.constant 321536 : i32
        %mul3A_147 = arith.muli %arg0, %mul3A_146 : i32
        %mul3A_148 = arith.constant 20096 : i32
        %mul3A_149 = arith.muli %arg1, %mul3A_148 : i32
        %add3A_150 = arith.addi %mul3A_147, %mul3A_149 : i32
        %mul3A_151 = arith.constant 128 : i32
        %mul3A_152 = arith.muli %add3A_144, %mul3A_151 : i32
        %add3A_153 = arith.addi %add3A_150, %mul3A_152 : i32
        %multiple_of3A_154 = tpu.assume_multiple %add3A_153, 8 : i32
        %add3A_155 = arith.constant 2 : i32
        %add3A_156 = arith.addi %add3A_155, %arg0 : i32
        %mul3A_157 = arith.constant 321536 : i32
        %mul3A_158 = arith.muli %add3A_156, %mul3A_157 : i32
        %mul3A_159 = arith.constant 20096 : i32
        %mul3A_160 = arith.muli %arg1, %mul3A_159 : i32
        %add3A_161 = arith.addi %mul3A_158, %mul3A_160 : i32
        %mul3A_162 = arith.constant 128 : i32
        %mul3A_163 = arith.muli %add3A_144, %mul3A_162 : i32
        %add3A_164 = arith.addi %add3A_161, %mul3A_163 : i32
        %multiple_of3A_165 = tpu.assume_multiple %add3A_164, 8 : i32
        %dma_wait3A_166 = arith.constant 0 : i32
        %dma_wait3A_167 = tpu.memref_slice %arg7[%sub3A_145, %dma_wait3A_166] : memref<2x128xi32, #tpu.memory_space<vmem>> -> memref<1x128xi32, #tpu.memory_space<vmem>>
        %dma_wait3A_168 = tpu.memref_squeeze %dma_wait3A_167 : memref<1x128xi32, #tpu.memory_space<vmem>> -> memref<128xi32, #tpu.memory_space<vmem>>
        %dma_wait3A_169 = tpu.memref_slice %arg3[%multiple_of3A_154] : memref<1286144xi32, #tpu.memory_space<hbm>> -> memref<128xi32, #tpu.memory_space<hbm>>
        %dma_wait3A_170 = arith.constant 0 : i32
        %dma_wait3A_171 = tpu.memref_slice %arg7[%sub3A_145, %dma_wait3A_170] : memref<2x128xi32, #tpu.memory_space<vmem>> -> memref<1x128xi32, #tpu.memory_space<vmem>>
        %dma_wait3A_172 = tpu.memref_squeeze %dma_wait3A_171 : memref<1x128xi32, #tpu.memory_space<vmem>> -> memref<128xi32, #tpu.memory_space<vmem>>
        %dma_wait3A_173 = tpu.memref_slice %arg3[%multiple_of3A_154] : memref<1286144xi32, #tpu.memory_space<hbm>> -> memref<128xi32, #tpu.memory_space<hbm>>
        tpu.wait_dma2 semaphore(%arg12 : memref<!tpu.dma_semaphore, #tpu.memory_space<semaphore_mem>>) src(%dma_wait3A_173 : memref<128xi32, #tpu.memory_space<hbm>>) dst(%dma_wait3A_172 : memref<128xi32, #tpu.memory_space<vmem>>)
        %dma_wait3A_174 = arith.constant 0 : i32
        %dma_wait3A_175 = tpu.memref_slice %arg8[%sub3A_145, %dma_wait3A_174] : memref<2x128xi32, #tpu.memory_space<vmem>> -> memref<1x128xi32, #tpu.memory_space<vmem>>
        %dma_wait3A_176 = tpu.memref_squeeze %dma_wait3A_175 : memref<1x128xi32, #tpu.memory_space<vmem>> -> memref<128xi32, #tpu.memory_space<vmem>>
        %dma_wait3A_177 = tpu.memref_slice %arg3[%multiple_of3A_165] : memref<1286144xi32, #tpu.memory_space<hbm>> -> memref<128xi32, #tpu.memory_space<hbm>>
        %dma_wait3A_178 = arith.constant 0 : i32
        %dma_wait3A_179 = tpu.memref_slice %arg8[%sub3A_145, %dma_wait3A_178] : memref<2x128xi32, #tpu.memory_space<vmem>> -> memref<1x128xi32, #tpu.memory_space<vmem>>
        %dma_wait3A_180 = tpu.memref_squeeze %dma_wait3A_179 : memref<1x128xi32, #tpu.memory_space<vmem>> -> memref<128xi32, #tpu.memory_space<vmem>>
        %dma_wait3A_181 = tpu.memref_slice %arg3[%multiple_of3A_165] : memref<1286144xi32, #tpu.memory_space<hbm>> -> memref<128xi32, #tpu.memory_space<hbm>>
        tpu.wait_dma2 semaphore(%arg12 : memref<!tpu.dma_semaphore, #tpu.memory_space<semaphore_mem>>) src(%dma_wait3A_181 : memref<128xi32, #tpu.memory_space<hbm>>) dst(%dma_wait3A_180 : memref<128xi32, #tpu.memory_space<vmem>>)
        %sub3A_182 = arith.constant 1 : i32
        %sub3A_183 = arith.subi %sub3A_182, %rem3A_119 : i32
        %sub3A_184 = arith.constant 1 : i32
        %sub3A_185 = arith.subi %sub3A_184, %rem3A_119 : i32
        %dma_start3A_186 = arith.constant 0 : i32
        %dma_start3A_187 = arith.constant 0 : i32
        %dma_start3A_188 = tpu.memref_slice %arg9[%sub3A_185, %dma_start3A_186, %dma_start3A_187] : memref<2x128x128xf32, #tpu.memory_space<vmem>> -> memref<1x128x128xf32, #tpu.memory_space<vmem>>
        %dma_start3A_189 = tpu.memref_squeeze %dma_start3A_188 : memref<1x128x128xf32, #tpu.memory_space<vmem>> -> memref<128x128xf32, #tpu.memory_space<vmem>>
        %dma_start3A_190 = arith.constant 0 : i32
        %dma_start3A_191 = tpu.memref_slice %arg7[%sub3A_183, %dma_start3A_190] : memref<2x128xi32, #tpu.memory_space<vmem>> -> memref<1x128xi32, #tpu.memory_space<vmem>>
        %dma_start3A_192 = tpu.memref_squeeze %dma_start3A_191 : memref<1x128xi32, #tpu.memory_space<vmem>> -> memref<128xi32, #tpu.memory_space<vmem>>
        %dma_start3A_193 = arith.constant 0 : i32
        %dma_start3A_194 = arith.constant 0 : i32
        %dma_start3A_195 = tpu.memref_slice %arg2[%dma_start3A_193, %dma_start3A_194] : memref<10000x128xf32, #tpu.memory_space<hbm>> -> memref<10000x128xf32, #tpu.memory_space<hbm>>
        tpu.enqueue_indirect_dma source(%dma_start3A_195 : memref<10000x128xf32, #tpu.memory_space<hbm>>) target(%dma_start3A_189 : memref<128x128xf32, #tpu.memory_space<vmem>>) offsets(%dma_start3A_192 : memref<128xi32, #tpu.memory_space<vmem>>) semaphore(%arg11 : memref<!tpu.dma_semaphore, #tpu.memory_space<semaphore_mem>>)
      } else {
      }
      "tpu.region"() ({
        %run_scoped3A = tpu.sem_alloc : memref<!tpu.dma_semaphore, #tpu.memory_space<semaphore_mem>>
        %dma_start3A_143 = arith.constant 0 : i32
        %dma_start3A_144 = arith.constant 0 : i32
        %dma_start3A_145 = tpu.memref_slice %arg9[%rem3A_119, %dma_start3A_143, %dma_start3A_144] : memref<2x128x128xf32, #tpu.memory_space<vmem>> -> memref<1x128x128xf32, #tpu.memory_space<vmem>>
        %dma_start3A_146 = tpu.memref_squeeze %dma_start3A_145 : memref<1x128x128xf32, #tpu.memory_space<vmem>> -> memref<128x128xf32, #tpu.memory_space<vmem>>
        %dma_start3A_147 = arith.constant 0 : i32
        %dma_start3A_148 = tpu.memref_slice %arg8[%rem3A_119, %dma_start3A_147] : memref<2x128xi32, #tpu.memory_space<vmem>> -> memref<1x128xi32, #tpu.memory_space<vmem>>
        %dma_start3A_149 = tpu.memref_squeeze %dma_start3A_148 : memref<1x128xi32, #tpu.memory_space<vmem>> -> memref<128xi32, #tpu.memory_space<vmem>>
        %dma_start3A_150 = arith.constant 0 : i32
        %dma_start3A_151 = arith.constant 0 : i32
        %dma_start3A_152 = tpu.memref_slice %arg10[%dma_start3A_150, %dma_start3A_151] : memref<10016x128xf32, #tpu.memory_space<vmem_shared>> -> memref<10016x128xf32, #tpu.memory_space<vmem_shared>>
        tpu.enqueue_indirect_dma source(%dma_start3A_146 : memref<128x128xf32, #tpu.memory_space<vmem>>) target(%dma_start3A_152 : memref<10016x128xf32, #tpu.memory_space<vmem_shared>>) offsets(%dma_start3A_149 : memref<128xi32, #tpu.memory_space<vmem>>) semaphore(%run_scoped3A : memref<!tpu.dma_semaphore, #tpu.memory_space<semaphore_mem>>) {add = true}
        %dma_wait3A_153 = arith.constant 0 : i32
        %dma_wait3A_154 = arith.constant 0 : i32
        %dma_wait3A_155 = tpu.memref_slice %arg9[%rem3A_119, %dma_wait3A_153, %dma_wait3A_154] : memref<2x128x128xf32, #tpu.memory_space<vmem>> -> memref<1x128x128xf32, #tpu.memory_space<vmem>>
        %dma_wait3A_156 = tpu.memref_squeeze %dma_wait3A_155 : memref<1x128x128xf32, #tpu.memory_space<vmem>> -> memref<128x128xf32, #tpu.memory_space<vmem>>
        %dma_wait3A_157 = arith.constant 0 : i32
        %dma_wait3A_158 = tpu.memref_slice %arg8[%rem3A_119, %dma_wait3A_157] : memref<2x128xi32, #tpu.memory_space<vmem>> -> memref<1x128xi32, #tpu.memory_space<vmem>>
        %dma_wait3A_159 = tpu.memref_squeeze %dma_wait3A_158 : memref<1x128xi32, #tpu.memory_space<vmem>> -> memref<128xi32, #tpu.memory_space<vmem>>
        %dma_wait3A_160 = arith.constant 0 : i32
        %dma_wait3A_161 = arith.constant 0 : i32
        %dma_wait3A_162 = tpu.memref_slice %arg10[%dma_wait3A_160, %dma_wait3A_161] : memref<10016x128xf32, #tpu.memory_space<vmem_shared>> -> memref<10016x128xf32, #tpu.memory_space<vmem_shared>>
        tpu.wait_indirect_dma semaphore(%run_scoped3A : memref<!tpu.dma_semaphore, #tpu.memory_space<semaphore_mem>>) src(%dma_wait3A_156 : memref<128x128xf32, #tpu.memory_space<vmem>>) dst(%dma_wait3A_162 : memref<10016x128xf32, #tpu.memory_space<vmem_shared>>)
        tpu.yield
      }) : () -> ()
      %add3A_136 = arith.constant 2 : i32
      %add3A_137 = arith.addi %scan3A_118, %add3A_136 : i32
      %lt3A_138 = arith.constant 157 : i32
      %lt3A_139 = arith.cmpi slt, %add3A_137, %lt3A_138 : i32
      %convert_element_type3A_140 = arith.extui %lt3A_139 : i1 to i32
      %cond3A_141 = arith.constant 0 : i32
      %cond3A_142 = arith.cmpi ne, %convert_element_type3A_140, %cond3A_141 : i32
      scf.if %cond3A_142 {
        %add3A_143 = arith.constant 2 : i32
        %add3A_144 = arith.addi %scan3A_118, %add3A_143 : i32
        %mul3A_145 = arith.constant 321536 : i32
        %mul3A_146 = arith.muli %arg0, %mul3A_145 : i32
        %mul3A_147 = arith.constant 20096 : i32
        %mul3A_148 = arith.muli %arg1, %mul3A_147 : i32
        %add3A_149 = arith.addi %mul3A_146, %mul3A_148 : i32
        %mul3A_150 = arith.constant 128 : i32
        %mul3A_151 = arith.muli %add3A_144, %mul3A_150 : i32
        %add3A_152 = arith.addi %add3A_149, %mul3A_151 : i32
        %multiple_of3A_153 = tpu.assume_multiple %add3A_152, 8 : i32
        %add3A_154 = arith.constant 2 : i32
        %add3A_155 = arith.addi %add3A_154, %arg0 : i32
        %mul3A_156 = arith.constant 321536 : i32
        %mul3A_157 = arith.muli %add3A_155, %mul3A_156 : i32
        %mul3A_158 = arith.constant 20096 : i32
        %mul3A_159 = arith.muli %arg1, %mul3A_158 : i32
        %add3A_160 = arith.addi %mul3A_157, %mul3A_159 : i32
        %mul3A_161 = arith.constant 128 : i32
        %mul3A_162 = arith.muli %add3A_144, %mul3A_161 : i32
        %add3A_163 = arith.addi %add3A_160, %mul3A_162 : i32
        %multiple_of3A_164 = tpu.assume_multiple %add3A_163, 8 : i32
        %dma_start3A_165 = arith.constant 0 : i32
        %dma_start3A_166 = tpu.memref_slice %arg7[%rem3A_119, %dma_start3A_165] : memref<2x128xi32, #tpu.memory_space<vmem>> -> memref<1x128xi32, #tpu.memory_space<vmem>>
        %dma_start3A_167 = tpu.memref_squeeze %dma_start3A_166 : memref<1x128xi32, #tpu.memory_space<vmem>> -> memref<128xi32, #tpu.memory_space<vmem>>
        %dma_start3A_168 = tpu.memref_slice %arg3[%multiple_of3A_153] : memref<1286144xi32, #tpu.memory_space<hbm>> -> memref<128xi32, #tpu.memory_space<hbm>>
        %dma_start3A_169 = arith.constant 0 : i32
        %dma_start3A_170 = tpu.memref_slice %arg7[%rem3A_119, %dma_start3A_169] : memref<2x128xi32, #tpu.memory_space<vmem>> -> memref<1x128xi32, #tpu.memory_space<vmem>>
        %dma_start3A_171 = tpu.memref_squeeze %dma_start3A_170 : memref<1x128xi32, #tpu.memory_space<vmem>> -> memref<128xi32, #tpu.memory_space<vmem>>
        %dma_start3A_172 = tpu.memref_slice %arg3[%multiple_of3A_153] : memref<1286144xi32, #tpu.memory_space<hbm>> -> memref<128xi32, #tpu.memory_space<hbm>>
        tpu.enqueue_dma source(%dma_start3A_172 : memref<128xi32, #tpu.memory_space<hbm>>) target(%dma_start3A_171 : memref<128xi32, #tpu.memory_space<vmem>>) target_semaphore(%arg12 : memref<!tpu.dma_semaphore, #tpu.memory_space<semaphore_mem>>)
        %dma_start3A_173 = arith.constant 0 : i32
        %dma_start3A_174 = tpu.memref_slice %arg8[%rem3A_119, %dma_start3A_173] : memref<2x128xi32, #tpu.memory_space<vmem>> -> memref<1x128xi32, #tpu.memory_space<vmem>>
        %dma_start3A_175 = tpu.memref_squeeze %dma_start3A_174 : memref<1x128xi32, #tpu.memory_space<vmem>> -> memref<128xi32, #tpu.memory_space<vmem>>
        %dma_start3A_176 = tpu.memref_slice %arg3[%multiple_of3A_164] : memref<1286144xi32, #tpu.memory_space<hbm>> -> memref<128xi32, #tpu.memory_space<hbm>>
        %dma_start3A_177 = arith.constant 0 : i32
        %dma_start3A_178 = tpu.memref_slice %arg8[%rem3A_119, %dma_start3A_177] : memref<2x128xi32, #tpu.memory_space<vmem>> -> memref<1x128xi32, #tpu.memory_space<vmem>>
        %dma_start3A_179 = tpu.memref_squeeze %dma_start3A_178 : memref<1x128xi32, #tpu.memory_space<vmem>> -> memref<128xi32, #tpu.memory_space<vmem>>
        %dma_start3A_180 = tpu.memref_slice %arg3[%multiple_of3A_164] : memref<1286144xi32, #tpu.memory_space<hbm>> -> memref<128xi32, #tpu.memory_space<hbm>>
        tpu.enqueue_dma source(%dma_start3A_180 : memref<128xi32, #tpu.memory_space<hbm>>) target(%dma_start3A_179 : memref<128xi32, #tpu.memory_space<vmem>>) target_semaphore(%arg12 : memref<!tpu.dma_semaphore, #tpu.memory_space<semaphore_mem>>)
      } else {
      }
    }
    %scan3A_106 = arith.constant 157 : i32
    %barrier3A_107 = arith.constant 0 : index
    tpu.barrier barrier_id(%barrier3A_107)
    %eq3A_108 = arith.constant 0 : i32
    %eq3A_109 = arith.cmpi eq, %arg0, %eq3A_108 : i32
    %convert_element_type3A_110 = arith.extui %eq3A_109 : i1 to i32
    %cond3A_111 = arith.constant 0 : i32
    %cond3A_112 = arith.cmpi ne, %convert_element_type3A_110, %cond3A_111 : i32
    scf.if %cond3A_112 {
      "tpu.region"() ({
        %run_scoped3A = tpu.sem_alloc : memref<!tpu.dma_semaphore, #tpu.memory_space<semaphore_mem>>
        %dma_start3A_123 = arith.constant 0 : i32
        %dma_start3A_124 = tpu.memref_slice %arg5[%multiple_of3A, %dma_start3A_123] : memref<10000x128xf32, #tpu.memory_space<hbm>> -> memref<624x128xf32, #tpu.memory_space<hbm>>
        %dma_start3A_125 = arith.constant 0 : i32
        %dma_start3A_126 = tpu.memref_slice %arg10[%multiple_of3A, %dma_start3A_125] : memref<10016x128xf32, #tpu.memory_space<vmem_shared>> -> memref<624x128xf32, #tpu.memory_space<vmem_shared>>
        tpu.enqueue_dma source(%dma_start3A_126 : memref<624x128xf32, #tpu.memory_space<vmem_shared>>) target(%dma_start3A_124 : memref<624x128xf32, #tpu.memory_space<hbm>>) target_semaphore(%run_scoped3A : memref<!tpu.dma_semaphore, #tpu.memory_space<semaphore_mem>>)
        %dma_wait3A_127 = arith.constant 0 : i32
        %dma_wait3A_128 = tpu.memref_slice %arg5[%multiple_of3A, %dma_wait3A_127] : memref<10000x128xf32, #tpu.memory_space<hbm>> -> memref<624x128xf32, #tpu.memory_space<hbm>>
        %dma_wait3A_129 = arith.constant 0 : i32
        %dma_wait3A_130 = tpu.memref_slice %arg10[%multiple_of3A, %dma_wait3A_129] : memref<10016x128xf32, #tpu.memory_space<vmem_shared>> -> memref<624x128xf32, #tpu.memory_space<vmem_shared>>
        tpu.wait_dma2 semaphore(%run_scoped3A : memref<!tpu.dma_semaphore, #tpu.memory_space<semaphore_mem>>) src(%dma_wait3A_130 : memref<624x128xf32, #tpu.memory_space<vmem_shared>>) dst(%dma_wait3A_128 : memref<624x128xf32, #tpu.memory_space<hbm>>)
        tpu.yield
      }) : () -> ()
      %eq3A_118 = arith.constant 15 : i32
      %eq3A_119 = arith.cmpi eq, %arg1, %eq3A_118 : i32
      %convert_element_type3A_120 = arith.extui %eq3A_119 : i1 to i32
      %cond3A_121 = arith.constant 0 : i32
      %cond3A_122 = arith.cmpi ne, %convert_element_type3A_120, %cond3A_121 : i32
      scf.if %cond3A_122 {
        "tpu.region"() ({
          %run_scoped3A = tpu.sem_alloc : memref<!tpu.dma_semaphore, #tpu.memory_space<semaphore_mem>>
          %dma_start3A_123 = arith.constant 9984 : i32
          %dma_start3A_124 = arith.constant 0 : i32
          %dma_start3A_125 = tpu.memref_slice %arg5[%dma_start3A_123, %dma_start3A_124] : memref<10000x128xf32, #tpu.memory_space<hbm>> -> memref<16x128xf32, #tpu.memory_space<hbm>>
          %dma_start3A_126 = arith.constant 9984 : i32
          %dma_start3A_127 = arith.constant 0 : i32
          %dma_start3A_128 = tpu.memref_slice %arg10[%dma_start3A_126, %dma_start3A_127] : memref<10016x128xf32, #tpu.memory_space<vmem_shared>> -> memref<16x128xf32, #tpu.memory_space<vmem_shared>>
          tpu.enqueue_dma source(%dma_start3A_128 : memref<16x128xf32, #tpu.memory_space<vmem_shared>>) target(%dma_start3A_125 : memref<16x128xf32, #tpu.memory_space<hbm>>) target_semaphore(%run_scoped3A : memref<!tpu.dma_semaphore, #tpu.memory_space<semaphore_mem>>)
          %dma_wait3A_129 = arith.constant 9984 : i32
          %dma_wait3A_130 = arith.constant 0 : i32
          %dma_wait3A_131 = tpu.memref_slice %arg5[%dma_wait3A_129, %dma_wait3A_130] : memref<10000x128xf32, #tpu.memory_space<hbm>> -> memref<16x128xf32, #tpu.memory_space<hbm>>
          %dma_wait3A_132 = arith.constant 9984 : i32
          %dma_wait3A_133 = arith.constant 0 : i32
          %dma_wait3A_134 = tpu.memref_slice %arg10[%dma_wait3A_132, %dma_wait3A_133] : memref<10016x128xf32, #tpu.memory_space<vmem_shared>> -> memref<16x128xf32, #tpu.memory_space<vmem_shared>>
          tpu.wait_dma2 semaphore(%run_scoped3A : memref<!tpu.dma_semaphore, #tpu.memory_space<semaphore_mem>>) src(%dma_wait3A_134 : memref<16x128xf32, #tpu.memory_space<vmem_shared>>) dst(%dma_wait3A_131 : memref<16x128xf32, #tpu.memory_space<hbm>>)
          tpu.yield
        }) : () -> ()
      } else {
      }
    } else {
    }
    %eq3A_113 = arith.constant 1 : i32
    %eq3A_114 = arith.cmpi eq, %arg0, %eq3A_113 : i32
    %convert_element_type3A_115 = arith.extui %eq3A_114 : i1 to i32
    %cond3A_116 = arith.constant 0 : i32
    %cond3A_117 = arith.cmpi ne, %convert_element_type3A_115, %cond3A_116 : i32
    scf.if %cond3A_117 {
      "tpu.region"() ({
        %run_scoped3A = tpu.sem_alloc : memref<!tpu.dma_semaphore, #tpu.memory_space<semaphore_mem>>
        %dma_start3A_123 = arith.constant 0 : i32
        %dma_start3A_124 = tpu.memref_slice %arg6[%multiple_of3A, %dma_start3A_123] : memref<10000x128xf32, #tpu.memory_space<hbm>> -> memref<624x128xf32, #tpu.memory_space<hbm>>
        %dma_start3A_125 = arith.constant 0 : i32
        %dma_start3A_126 = tpu.memref_slice %arg10[%multiple_of3A, %dma_start3A_125] : memref<10016x128xf32, #tpu.memory_space<vmem_shared>> -> memref<624x128xf32, #tpu.memory_space<vmem_shared>>
        tpu.enqueue_dma source(%dma_start3A_126 : memref<624x128xf32, #tpu.memory_space<vmem_shared>>) target(%dma_start3A_124 : memref<624x128xf32, #tpu.memory_space<hbm>>) target_semaphore(%run_scoped3A : memref<!tpu.dma_semaphore, #tpu.memory_space<semaphore_mem>>)
        %dma_wait3A_127 = arith.constant 0 : i32
        %dma_wait3A_128 = tpu.memref_slice %arg6[%multiple_of3A, %dma_wait3A_127] : memref<10000x128xf32, #tpu.memory_space<hbm>> -> memref<624x128xf32, #tpu.memory_space<hbm>>
        %dma_wait3A_129 = arith.constant 0 : i32
        %dma_wait3A_130 = tpu.memref_slice %arg10[%multiple_of3A, %dma_wait3A_129] : memref<10016x128xf32, #tpu.memory_space<vmem_shared>> -> memref<624x128xf32, #tpu.memory_space<vmem_shared>>
        tpu.wait_dma2 semaphore(%run_scoped3A : memref<!tpu.dma_semaphore, #tpu.memory_space<semaphore_mem>>) src(%dma_wait3A_130 : memref<624x128xf32, #tpu.memory_space<vmem_shared>>) dst(%dma_wait3A_128 : memref<624x128xf32, #tpu.memory_space<hbm>>)
        tpu.yield
      }) : () -> ()
      %eq3A_118 = arith.constant 15 : i32
      %eq3A_119 = arith.cmpi eq, %arg1, %eq3A_118 : i32
      %convert_element_type3A_120 = arith.extui %eq3A_119 : i1 to i32
      %cond3A_121 = arith.constant 0 : i32
      %cond3A_122 = arith.cmpi ne, %convert_element_type3A_120, %cond3A_121 : i32
      scf.if %cond3A_122 {
        "tpu.region"() ({
          %run_scoped3A = tpu.sem_alloc : memref<!tpu.dma_semaphore, #tpu.memory_space<semaphore_mem>>
          %dma_start3A_123 = arith.constant 9984 : i32
          %dma_start3A_124 = arith.constant 0 : i32
          %dma_start3A_125 = tpu.memref_slice %arg6[%dma_start3A_123, %dma_start3A_124] : memref<10000x128xf32, #tpu.memory_space<hbm>> -> memref<16x128xf32, #tpu.memory_space<hbm>>
          %dma_start3A_126 = arith.constant 9984 : i32
          %dma_start3A_127 = arith.constant 0 : i32
          %dma_start3A_128 = tpu.memref_slice %arg10[%dma_start3A_126, %dma_start3A_127] : memref<10016x128xf32, #tpu.memory_space<vmem_shared>> -> memref<16x128xf32, #tpu.memory_space<vmem_shared>>
          tpu.enqueue_dma source(%dma_start3A_128 : memref<16x128xf32, #tpu.memory_space<vmem_shared>>) target(%dma_start3A_125 : memref<16x128xf32, #tpu.memory_space<hbm>>) target_semaphore(%run_scoped3A : memref<!tpu.dma_semaphore, #tpu.memory_space<semaphore_mem>>)
          %dma_wait3A_129 = arith.constant 9984 : i32
          %dma_wait3A_130 = arith.constant 0 : i32
          %dma_wait3A_131 = tpu.memref_slice %arg6[%dma_wait3A_129, %dma_wait3A_130] : memref<10000x128xf32, #tpu.memory_space<hbm>> -> memref<16x128xf32, #tpu.memory_space<hbm>>
          %dma_wait3A_132 = arith.constant 9984 : i32
          %dma_wait3A_133 = arith.constant 0 : i32
          %dma_wait3A_134 = tpu.memref_slice %arg10[%dma_wait3A_132, %dma_wait3A_133] : memref<10016x128xf32, #tpu.memory_space<vmem_shared>> -> memref<16x128xf32, #tpu.memory_space<vmem_shared>>
          tpu.wait_dma2 semaphore(%run_scoped3A : memref<!tpu.dma_semaphore, #tpu.memory_space<semaphore_mem>>) src(%dma_wait3A_134 : memref<16x128xf32, #tpu.memory_space<vmem_shared>>) dst(%dma_wait3A_131 : memref<16x128xf32, #tpu.memory_space<hbm>>)
          tpu.yield
        }) : () -> ()
      } else {
      }
    } else {
    }
    return
  }
}

#map = affine_map<(d0, d1) -> (0, 0)>
#map1 = affine_map<(d0, d1) -> (0)>
module attributes {stable_mosaic.version = 14 : i64} {
  func.func @_msg_body(%arg0: i32, %arg1: i32, %arg2: memref<10000x128xf32, #tpu.memory_space<hbm>>, %arg3: memref<1286144xi32, #tpu.memory_space<hbm>>, %arg4: memref<624x128xf32, #tpu.memory_space<hbm>>, %arg5: memref<10000x128xf32, #tpu.memory_space<hbm>>, %arg6: memref<10000x128xf32, #tpu.memory_space<hbm>>, %arg7: memref<2x128xi32, #tpu.memory_space<vmem>>, %arg8: memref<2x128xi32, #tpu.memory_space<vmem>>, %arg9: memref<2x128x128xf32, #tpu.memory_space<vmem>>, %arg10: memref<10016x128xf32, #tpu.memory_space<vmem_shared>>, %arg11: memref<!tpu.dma_semaphore, #tpu.memory_space<semaphore_mem>>, %arg12: memref<!tpu.dma_semaphore, #tpu.memory_space<semaphore_mem>>) attributes {dimension_semantics = [#tpu.dimension_semantics<core_parallel>, #tpu.dimension_semantics<subcore_parallel>], iteration_bounds = array<i64: 2, 16>, scalar_prefetch = 0 : i64, scratch_operands = 6 : i64, tpu.core_type = #tpu.core_type<sc_vector_subcore>, window_params = [{transform_indices = #map}, {transform_indices = #map1}, {transform_indices = #map}, {transform_indices = #map}, {transform_indices = #map}]} {
    %mul3A = arith.constant 624 : i32
    %mul3A_0 = arith.muli %arg1, %mul3A : i32
    %multiple_of3A = tpu.assume_multiple %mul3A_0, 8 : i32
    "tpu.region"() ({
      %run_scoped3A = tpu.sem_alloc : memref<!tpu.dma_semaphore, #tpu.memory_space<semaphore_mem>>
      %dma_start3A_118 = arith.constant 0 : i32
      %dma_start3A_119 = tpu.memref_slice %arg10[%multiple_of3A, %dma_start3A_118] : memref<10016x128xf32, #tpu.memory_space<vmem_shared>> -> memref<624x128xf32, #tpu.memory_space<vmem_shared>>
      %dma_start3A_120 = arith.constant 0 : i32
      %dma_start3A_121 = arith.constant 0 : i32
      %dma_start3A_122 = tpu.memref_slice %arg4[%dma_start3A_120, %dma_start3A_121] : memref<624x128xf32, #tpu.memory_space<hbm>> -> memref<624x128xf32, #tpu.memory_space<hbm>>
      tpu.enqueue_dma source(%dma_start3A_122 : memref<624x128xf32, #tpu.memory_space<hbm>>) target(%dma_start3A_119 : memref<624x128xf32, #tpu.memory_space<vmem_shared>>) target_semaphore(%run_scoped3A : memref<!tpu.dma_semaphore, #tpu.memory_space<semaphore_mem>>)
      %dma_wait3A_123 = arith.constant 0 : i32
      %dma_wait3A_124 = tpu.memref_slice %arg10[%multiple_of3A, %dma_wait3A_123] : memref<10016x128xf32, #tpu.memory_space<vmem_shared>> -> memref<624x128xf32, #tpu.memory_space<vmem_shared>>
      %dma_wait3A_125 = arith.constant 0 : i32
      %dma_wait3A_126 = arith.constant 0 : i32
      %dma_wait3A_127 = tpu.memref_slice %arg4[%dma_wait3A_125, %dma_wait3A_126] : memref<624x128xf32, #tpu.memory_space<hbm>> -> memref<624x128xf32, #tpu.memory_space<hbm>>
      tpu.wait_dma2 semaphore(%run_scoped3A : memref<!tpu.dma_semaphore, #tpu.memory_space<semaphore_mem>>) src(%dma_wait3A_127 : memref<624x128xf32, #tpu.memory_space<hbm>>) dst(%dma_wait3A_124 : memref<624x128xf32, #tpu.memory_space<vmem_shared>>)
      tpu.yield
    }) : () -> ()
    %eq3A = arith.constant 15 : i32
    %eq3A_1 = arith.cmpi eq, %arg1, %eq3A : i32
    %convert_element_type3A = arith.extui %eq3A_1 : i1 to i32
    %cond3A = arith.constant 0 : i32
    %cond3A_2 = arith.cmpi ne, %convert_element_type3A, %cond3A : i32
    scf.if %cond3A_2 {
      "tpu.region"() ({
        %run_scoped3A = tpu.sem_alloc : memref<!tpu.dma_semaphore, #tpu.memory_space<semaphore_mem>>
        %dma_start3A_118 = arith.constant 9984 : i32
        %dma_start3A_119 = arith.constant 0 : i32
        %dma_start3A_120 = tpu.memref_slice %arg10[%dma_start3A_118, %dma_start3A_119] : memref<10016x128xf32, #tpu.memory_space<vmem_shared>> -> memref<16x128xf32, #tpu.memory_space<vmem_shared>>
        %dma_start3A_121 = arith.constant 0 : i32
        %dma_start3A_122 = arith.constant 0 : i32
        %dma_start3A_123 = tpu.memref_slice %arg4[%dma_start3A_121, %dma_start3A_122] : memref<624x128xf32, #tpu.memory_space<hbm>> -> memref<16x128xf32, #tpu.memory_space<hbm>>
        tpu.enqueue_dma source(%dma_start3A_123 : memref<16x128xf32, #tpu.memory_space<hbm>>) target(%dma_start3A_120 : memref<16x128xf32, #tpu.memory_space<vmem_shared>>) target_semaphore(%run_scoped3A : memref<!tpu.dma_semaphore, #tpu.memory_space<semaphore_mem>>)
        %dma_wait3A_124 = arith.constant 9984 : i32
        %dma_wait3A_125 = arith.constant 0 : i32
        %dma_wait3A_126 = tpu.memref_slice %arg10[%dma_wait3A_124, %dma_wait3A_125] : memref<10016x128xf32, #tpu.memory_space<vmem_shared>> -> memref<16x128xf32, #tpu.memory_space<vmem_shared>>
        %dma_wait3A_127 = arith.constant 0 : i32
        %dma_wait3A_128 = arith.constant 0 : i32
        %dma_wait3A_129 = tpu.memref_slice %arg4[%dma_wait3A_127, %dma_wait3A_128] : memref<624x128xf32, #tpu.memory_space<hbm>> -> memref<16x128xf32, #tpu.memory_space<hbm>>
        tpu.wait_dma2 semaphore(%run_scoped3A : memref<!tpu.dma_semaphore, #tpu.memory_space<semaphore_mem>>) src(%dma_wait3A_129 : memref<16x128xf32, #tpu.memory_space<hbm>>) dst(%dma_wait3A_126 : memref<16x128xf32, #tpu.memory_space<vmem_shared>>)
        tpu.yield
      }) : () -> ()
    } else {
    }
    %barrier3A = arith.constant 0 : index
    tpu.barrier barrier_id(%barrier3A)
    %mul3A_3 = arith.constant 321536 : i32
    %mul3A_4 = arith.muli %arg0, %mul3A_3 : i32
    %mul3A_5 = arith.constant 20096 : i32
    %mul3A_6 = arith.muli %arg1, %mul3A_5 : i32
    %add3A = arith.addi %mul3A_4, %mul3A_6 : i32
    %add3A_7 = arith.constant 0 : i32
    %add3A_8 = arith.addi %add3A, %add3A_7 : i32
    %multiple_of3A_9 = tpu.assume_multiple %add3A_8, 8 : i32
    %add3A_10 = arith.constant 2 : i32
    %add3A_11 = arith.addi %add3A_10, %arg0 : i32
    %mul3A_12 = arith.constant 321536 : i32
    %mul3A_13 = arith.muli %add3A_11, %mul3A_12 : i32
    %mul3A_14 = arith.constant 20096 : i32
    %mul3A_15 = arith.muli %arg1, %mul3A_14 : i32
    %add3A_16 = arith.addi %mul3A_13, %mul3A_15 : i32
    %add3A_17 = arith.constant 0 : i32
    %add3A_18 = arith.addi %add3A_16, %add3A_17 : i32
    %multiple_of3A_19 = tpu.assume_multiple %add3A_18, 8 : i32
    %dma_start3A = arith.constant 0 : i32
    %dma_start3A_20 = arith.constant 0 : i32
    %dma_start3A_21 = tpu.memref_slice %arg7[%dma_start3A, %dma_start3A_20] : memref<2x128xi32, #tpu.memory_space<vmem>> -> memref<1x128xi32, #tpu.memory_space<vmem>>
    %dma_start3A_22 = tpu.memref_squeeze %dma_start3A_21 : memref<1x128xi32, #tpu.memory_space<vmem>> -> memref<128xi32, #tpu.memory_space<vmem>>
    %dma_start3A_23 = tpu.memref_slice %arg3[%multiple_of3A_9] : memref<1286144xi32, #tpu.memory_space<hbm>> -> memref<128xi32, #tpu.memory_space<hbm>>
    %dma_start3A_24 = arith.constant 0 : i32
    %dma_start3A_25 = tpu.memref_slice %arg7[%dma_start3A, %dma_start3A_24] : memref<2x128xi32, #tpu.memory_space<vmem>> -> memref<1x128xi32, #tpu.memory_space<vmem>>
    %dma_start3A_26 = tpu.memref_squeeze %dma_start3A_25 : memref<1x128xi32, #tpu.memory_space<vmem>> -> memref<128xi32, #tpu.memory_space<vmem>>
    %dma_start3A_27 = tpu.memref_slice %arg3[%multiple_of3A_9] : memref<1286144xi32, #tpu.memory_space<hbm>> -> memref<128xi32, #tpu.memory_space<hbm>>
    tpu.enqueue_dma source(%dma_start3A_27 : memref<128xi32, #tpu.memory_space<hbm>>) target(%dma_start3A_26 : memref<128xi32, #tpu.memory_space<vmem>>) target_semaphore(%arg12 : memref<!tpu.dma_semaphore, #tpu.memory_space<semaphore_mem>>)
    %dma_wait3A = arith.constant 0 : i32
    %dma_wait3A_28 = arith.constant 0 : i32
    %dma_wait3A_29 = tpu.memref_slice %arg7[%dma_wait3A, %dma_wait3A_28] : memref<2x128xi32, #tpu.memory_space<vmem>> -> memref<1x128xi32, #tpu.memory_space<vmem>>
    %dma_wait3A_30 = tpu.memref_squeeze %dma_wait3A_29 : memref<1x128xi32, #tpu.memory_space<vmem>> -> memref<128xi32, #tpu.memory_space<vmem>>
    %dma_wait3A_31 = tpu.memref_slice %arg3[%multiple_of3A_9] : memref<1286144xi32, #tpu.memory_space<hbm>> -> memref<128xi32, #tpu.memory_space<hbm>>
    %dma_wait3A_32 = arith.constant 0 : i32
    %dma_wait3A_33 = tpu.memref_slice %arg7[%dma_wait3A, %dma_wait3A_32] : memref<2x128xi32, #tpu.memory_space<vmem>> -> memref<1x128xi32, #tpu.memory_space<vmem>>
    %dma_wait3A_34 = tpu.memref_squeeze %dma_wait3A_33 : memref<1x128xi32, #tpu.memory_space<vmem>> -> memref<128xi32, #tpu.memory_space<vmem>>
    %dma_wait3A_35 = tpu.memref_slice %arg3[%multiple_of3A_9] : memref<1286144xi32, #tpu.memory_space<hbm>> -> memref<128xi32, #tpu.memory_space<hbm>>
    tpu.wait_dma2 semaphore(%arg12 : memref<!tpu.dma_semaphore, #tpu.memory_space<semaphore_mem>>) src(%dma_wait3A_35 : memref<128xi32, #tpu.memory_space<hbm>>) dst(%dma_wait3A_34 : memref<128xi32, #tpu.memory_space<vmem>>)
    %dma_start3A_36 = arith.constant 0 : i32
    %dma_start3A_37 = arith.constant 0 : i32
    %dma_start3A_38 = tpu.memref_slice %arg8[%dma_start3A_36, %dma_start3A_37] : memref<2x128xi32, #tpu.memory_space<vmem>> -> memref<1x128xi32, #tpu.memory_space<vmem>>
    %dma_start3A_39 = tpu.memref_squeeze %dma_start3A_38 : memref<1x128xi32, #tpu.memory_space<vmem>> -> memref<128xi32, #tpu.memory_space<vmem>>
    %dma_start3A_40 = tpu.memref_slice %arg3[%multiple_of3A_19] : memref<1286144xi32, #tpu.memory_space<hbm>> -> memref<128xi32, #tpu.memory_space<hbm>>
    %dma_start3A_41 = arith.constant 0 : i32
    %dma_start3A_42 = tpu.memref_slice %arg8[%dma_start3A_36, %dma_start3A_41] : memref<2x128xi32, #tpu.memory_space<vmem>> -> memref<1x128xi32, #tpu.memory_space<vmem>>
    %dma_start3A_43 = tpu.memref_squeeze %dma_start3A_42 : memref<1x128xi32, #tpu.memory_space<vmem>> -> memref<128xi32, #tpu.memory_space<vmem>>
    %dma_start3A_44 = tpu.memref_slice %arg3[%multiple_of3A_19] : memref<1286144xi32, #tpu.memory_space<hbm>> -> memref<128xi32, #tpu.memory_space<hbm>>
    tpu.enqueue_dma source(%dma_start3A_44 : memref<128xi32, #tpu.memory_space<hbm>>) target(%dma_start3A_43 : memref<128xi32, #tpu.memory_space<vmem>>) target_semaphore(%arg12 : memref<!tpu.dma_semaphore, #tpu.memory_space<semaphore_mem>>)
    %dma_wait3A_45 = arith.constant 0 : i32
    %dma_wait3A_46 = arith.constant 0 : i32
    %dma_wait3A_47 = tpu.memref_slice %arg8[%dma_wait3A_45, %dma_wait3A_46] : memref<2x128xi32, #tpu.memory_space<vmem>> -> memref<1x128xi32, #tpu.memory_space<vmem>>
    %dma_wait3A_48 = tpu.memref_squeeze %dma_wait3A_47 : memref<1x128xi32, #tpu.memory_space<vmem>> -> memref<128xi32, #tpu.memory_space<vmem>>
    %dma_wait3A_49 = tpu.memref_slice %arg3[%multiple_of3A_19] : memref<1286144xi32, #tpu.memory_space<hbm>> -> memref<128xi32, #tpu.memory_space<hbm>>
    %dma_wait3A_50 = arith.constant 0 : i32
    %dma_wait3A_51 = tpu.memref_slice %arg8[%dma_wait3A_45, %dma_wait3A_50] : memref<2x128xi32, #tpu.memory_space<vmem>> -> memref<1x128xi32, #tpu.memory_space<vmem>>
    %dma_wait3A_52 = tpu.memref_squeeze %dma_wait3A_51 : memref<1x128xi32, #tpu.memory_space<vmem>> -> memref<128xi32, #tpu.memory_space<vmem>>
    %dma_wait3A_53 = tpu.memref_slice %arg3[%multiple_of3A_19] : memref<1286144xi32, #tpu.memory_space<hbm>> -> memref<128xi32, #tpu.memory_space<hbm>>
    tpu.wait_dma2 semaphore(%arg12 : memref<!tpu.dma_semaphore, #tpu.memory_space<semaphore_mem>>) src(%dma_wait3A_53 : memref<128xi32, #tpu.memory_space<hbm>>) dst(%dma_wait3A_52 : memref<128xi32, #tpu.memory_space<vmem>>)
    %dma_start3A_54 = arith.constant 0 : i32
    %dma_start3A_55 = arith.constant 0 : i32
    %dma_start3A_56 = arith.constant 0 : i32
    %dma_start3A_57 = arith.constant 0 : i32
    %dma_start3A_58 = tpu.memref_slice %arg9[%dma_start3A_55, %dma_start3A_56, %dma_start3A_57] : memref<2x128x128xf32, #tpu.memory_space<vmem>> -> memref<1x128x128xf32, #tpu.memory_space<vmem>>
    %dma_start3A_59 = tpu.memref_squeeze %dma_start3A_58 : memref<1x128x128xf32, #tpu.memory_space<vmem>> -> memref<128x128xf32, #tpu.memory_space<vmem>>
    %dma_start3A_60 = arith.constant 0 : i32
    %dma_start3A_61 = tpu.memref_slice %arg7[%dma_start3A_54, %dma_start3A_60] : memref<2x128xi32, #tpu.memory_space<vmem>> -> memref<1x128xi32, #tpu.memory_space<vmem>>
    %dma_start3A_62 = tpu.memref_squeeze %dma_start3A_61 : memref<1x128xi32, #tpu.memory_space<vmem>> -> memref<128xi32, #tpu.memory_space<vmem>>
    %dma_start3A_63 = arith.constant 0 : i32
    %dma_start3A_64 = arith.constant 0 : i32
    %dma_start3A_65 = tpu.memref_slice %arg2[%dma_start3A_63, %dma_start3A_64] : memref<10000x128xf32, #tpu.memory_space<hbm>> -> memref<10000x128xf32, #tpu.memory_space<hbm>>
    tpu.enqueue_indirect_dma source(%dma_start3A_65 : memref<10000x128xf32, #tpu.memory_space<hbm>>) target(%dma_start3A_59 : memref<128x128xf32, #tpu.memory_space<vmem>>) offsets(%dma_start3A_62 : memref<128xi32, #tpu.memory_space<vmem>>) semaphore(%arg11 : memref<!tpu.dma_semaphore, #tpu.memory_space<semaphore_mem>>)
    %mul3A_66 = arith.constant 321536 : i32
    %mul3A_67 = arith.muli %arg0, %mul3A_66 : i32
    %mul3A_68 = arith.constant 20096 : i32
    %mul3A_69 = arith.muli %arg1, %mul3A_68 : i32
    %add3A_70 = arith.addi %mul3A_67, %mul3A_69 : i32
    %add3A_71 = arith.constant 128 : i32
    %add3A_72 = arith.addi %add3A_70, %add3A_71 : i32
    %multiple_of3A_73 = tpu.assume_multiple %add3A_72, 8 : i32
    %add3A_74 = arith.constant 2 : i32
    %add3A_75 = arith.addi %add3A_74, %arg0 : i32
    %mul3A_76 = arith.constant 321536 : i32
    %mul3A_77 = arith.muli %add3A_75, %mul3A_76 : i32
    %mul3A_78 = arith.constant 20096 : i32
    %mul3A_79 = arith.muli %arg1, %mul3A_78 : i32
    %add3A_80 = arith.addi %mul3A_77, %mul3A_79 : i32
    %add3A_81 = arith.constant 128 : i32
    %add3A_82 = arith.addi %add3A_80, %add3A_81 : i32
    %multiple_of3A_83 = tpu.assume_multiple %add3A_82, 8 : i32
    %dma_start3A_84 = arith.constant 1 : i32
    %dma_start3A_85 = arith.constant 0 : i32
    %dma_start3A_86 = tpu.memref_slice %arg7[%dma_start3A_84, %dma_start3A_85] : memref<2x128xi32, #tpu.memory_space<vmem>> -> memref<1x128xi32, #tpu.memory_space<vmem>>
    %dma_start3A_87 = tpu.memref_squeeze %dma_start3A_86 : memref<1x128xi32, #tpu.memory_space<vmem>> -> memref<128xi32, #tpu.memory_space<vmem>>
    %dma_start3A_88 = tpu.memref_slice %arg3[%multiple_of3A_73] : memref<1286144xi32, #tpu.memory_space<hbm>> -> memref<128xi32, #tpu.memory_space<hbm>>
    %dma_start3A_89 = arith.constant 0 : i32
    %dma_start3A_90 = tpu.memref_slice %arg7[%dma_start3A_84, %dma_start3A_89] : memref<2x128xi32, #tpu.memory_space<vmem>> -> memref<1x128xi32, #tpu.memory_space<vmem>>
    %dma_start3A_91 = tpu.memref_squeeze %dma_start3A_90 : memref<1x128xi32, #tpu.memory_space<vmem>> -> memref<128xi32, #tpu.memory_space<vmem>>
    %dma_start3A_92 = tpu.memref_slice %arg3[%multiple_of3A_73] : memref<1286144xi32, #tpu.memory_space<hbm>> -> memref<128xi32, #tpu.memory_space<hbm>>
    tpu.enqueue_dma source(%dma_start3A_92 : memref<128xi32, #tpu.memory_space<hbm>>) target(%dma_start3A_91 : memref<128xi32, #tpu.memory_space<vmem>>) target_semaphore(%arg12 : memref<!tpu.dma_semaphore, #tpu.memory_space<semaphore_mem>>)
    %dma_start3A_93 = arith.constant 1 : i32
    %dma_start3A_94 = arith.constant 0 : i32
    %dma_start3A_95 = tpu.memref_slice %arg8[%dma_start3A_93, %dma_start3A_94] : memref<2x128xi32, #tpu.memory_space<vmem>> -> memref<1x128xi32, #tpu.memory_space<vmem>>
    %dma_start3A_96 = tpu.memref_squeeze %dma_start3A_95 : memref<1x128xi32, #tpu.memory_space<vmem>> -> memref<128xi32, #tpu.memory_space<vmem>>
    %dma_start3A_97 = tpu.memref_slice %arg3[%multiple_of3A_83] : memref<1286144xi32, #tpu.memory_space<hbm>> -> memref<128xi32, #tpu.memory_space<hbm>>
    %dma_start3A_98 = arith.constant 0 : i32
    %dma_start3A_99 = tpu.memref_slice %arg8[%dma_start3A_93, %dma_start3A_98] : memref<2x128xi32, #tpu.memory_space<vmem>> -> memref<1x128xi32, #tpu.memory_space<vmem>>
    %dma_start3A_100 = tpu.memref_squeeze %dma_start3A_99 : memref<1x128xi32, #tpu.memory_space<vmem>> -> memref<128xi32, #tpu.memory_space<vmem>>
    %dma_start3A_101 = tpu.memref_slice %arg3[%multiple_of3A_83] : memref<1286144xi32, #tpu.memory_space<hbm>> -> memref<128xi32, #tpu.memory_space<hbm>>
    tpu.enqueue_dma source(%dma_start3A_101 : memref<128xi32, #tpu.memory_space<hbm>>) target(%dma_start3A_100 : memref<128xi32, #tpu.memory_space<vmem>>) target_semaphore(%arg12 : memref<!tpu.dma_semaphore, #tpu.memory_space<semaphore_mem>>)
    %scan3A = arith.constant 0 : i32
    %scan3A_102 = arith.constant 0 : i32
    %scan3A_103 = arith.constant 157 : i32
    %scan3A_104 = arith.addi %scan3A_102, %scan3A_103 : i32
    %scan3A_105 = arith.constant 1 : i32
    scf.for %scan3A_118 = %scan3A_102 to %scan3A_104 step %scan3A_105  : i32 {
      %rem3A = arith.constant 2 : i32
      %rem3A_119 = arith.remsi %scan3A_118, %rem3A : i32
      %dma_wait3A_120 = arith.constant 0 : i32
      %dma_wait3A_121 = arith.constant 0 : i32
      %dma_wait3A_122 = tpu.memref_slice %arg9[%rem3A_119, %dma_wait3A_120, %dma_wait3A_121] : memref<2x128x128xf32, #tpu.memory_space<vmem>> -> memref<1x128x128xf32, #tpu.memory_space<vmem>>
      %dma_wait3A_123 = tpu.memref_squeeze %dma_wait3A_122 : memref<1x128x128xf32, #tpu.memory_space<vmem>> -> memref<128x128xf32, #tpu.memory_space<vmem>>
      %dma_wait3A_124 = arith.constant 0 : i32
      %dma_wait3A_125 = tpu.memref_slice %arg7[%rem3A_119, %dma_wait3A_124] : memref<2x128xi32, #tpu.memory_space<vmem>> -> memref<1x128xi32, #tpu.memory_space<vmem>>
      %dma_wait3A_126 = tpu.memref_squeeze %dma_wait3A_125 : memref<1x128xi32, #tpu.memory_space<vmem>> -> memref<128xi32, #tpu.memory_space<vmem>>
      %dma_wait3A_127 = arith.constant 0 : i32
      %dma_wait3A_128 = arith.constant 0 : i32
      %dma_wait3A_129 = tpu.memref_slice %arg2[%dma_wait3A_127, %dma_wait3A_128] : memref<10000x128xf32, #tpu.memory_space<hbm>> -> memref<10000x128xf32, #tpu.memory_space<hbm>>
      tpu.wait_indirect_dma semaphore(%arg11 : memref<!tpu.dma_semaphore, #tpu.memory_space<semaphore_mem>>) src(%dma_wait3A_129 : memref<10000x128xf32, #tpu.memory_space<hbm>>) dst(%dma_wait3A_123 : memref<128x128xf32, #tpu.memory_space<vmem>>)
      %add3A_130 = arith.constant 1 : i32
      %add3A_131 = arith.addi %scan3A_118, %add3A_130 : i32
      %lt3A = arith.constant 157 : i32
      %lt3A_132 = arith.cmpi slt, %add3A_131, %lt3A : i32
      %convert_element_type3A_133 = arith.extui %lt3A_132 : i1 to i32
      %cond3A_134 = arith.constant 0 : i32
      %cond3A_135 = arith.cmpi ne, %convert_element_type3A_133, %cond3A_134 : i32
      scf.if %cond3A_135 {
        %add3A_143 = arith.constant 1 : i32
        %add3A_144 = arith.addi %scan3A_118, %add3A_143 : i32
        %sub3A = arith.constant 1 : i32
        %sub3A_145 = arith.subi %sub3A, %rem3A_119 : i32
        %mul3A_146 = arith.constant 321536 : i32
        %mul3A_147 = arith.muli %arg0, %mul3A_146 : i32
        %mul3A_148 = arith.constant 20096 : i32
        %mul3A_149 = arith.muli %arg1, %mul3A_148 : i32
        %add3A_150 = arith.addi %mul3A_147, %mul3A_149 : i32
        %mul3A_151 = arith.constant 128 : i32
        %mul3A_152 = arith.muli %add3A_144, %mul3A_151 : i32
        %add3A_153 = arith.addi %add3A_150, %mul3A_152 : i32
        %multiple_of3A_154 = tpu.assume_multiple %add3A_153, 8 : i32
        %add3A_155 = arith.constant 2 : i32
        %add3A_156 = arith.addi %add3A_155, %arg0 : i32
        %mul3A_157 = arith.constant 321536 : i32
        %mul3A_158 = arith.muli %add3A_156, %mul3A_157 : i32
        %mul3A_159 = arith.constant 20096 : i32
        %mul3A_160 = arith.muli %arg1, %mul3A_159 : i32
        %add3A_161 = arith.addi %mul3A_158, %mul3A_160 : i32
        %mul3A_162 = arith.constant 128 : i32
        %mul3A_163 = arith.muli %add3A_144, %mul3A_162 : i32
        %add3A_164 = arith.addi %add3A_161, %mul3A_163 : i32
        %multiple_of3A_165 = tpu.assume_multiple %add3A_164, 8 : i32
        %dma_wait3A_166 = arith.constant 0 : i32
        %dma_wait3A_167 = tpu.memref_slice %arg7[%sub3A_145, %dma_wait3A_166] : memref<2x128xi32, #tpu.memory_space<vmem>> -> memref<1x128xi32, #tpu.memory_space<vmem>>
        %dma_wait3A_168 = tpu.memref_squeeze %dma_wait3A_167 : memref<1x128xi32, #tpu.memory_space<vmem>> -> memref<128xi32, #tpu.memory_space<vmem>>
        %dma_wait3A_169 = tpu.memref_slice %arg3[%multiple_of3A_154] : memref<1286144xi32, #tpu.memory_space<hbm>> -> memref<128xi32, #tpu.memory_space<hbm>>
        %dma_wait3A_170 = arith.constant 0 : i32
        %dma_wait3A_171 = tpu.memref_slice %arg7[%sub3A_145, %dma_wait3A_170] : memref<2x128xi32, #tpu.memory_space<vmem>> -> memref<1x128xi32, #tpu.memory_space<vmem>>
        %dma_wait3A_172 = tpu.memref_squeeze %dma_wait3A_171 : memref<1x128xi32, #tpu.memory_space<vmem>> -> memref<128xi32, #tpu.memory_space<vmem>>
        %dma_wait3A_173 = tpu.memref_slice %arg3[%multiple_of3A_154] : memref<1286144xi32, #tpu.memory_space<hbm>> -> memref<128xi32, #tpu.memory_space<hbm>>
        tpu.wait_dma2 semaphore(%arg12 : memref<!tpu.dma_semaphore, #tpu.memory_space<semaphore_mem>>) src(%dma_wait3A_173 : memref<128xi32, #tpu.memory_space<hbm>>) dst(%dma_wait3A_172 : memref<128xi32, #tpu.memory_space<vmem>>)
        %dma_wait3A_174 = arith.constant 0 : i32
        %dma_wait3A_175 = tpu.memref_slice %arg8[%sub3A_145, %dma_wait3A_174] : memref<2x128xi32, #tpu.memory_space<vmem>> -> memref<1x128xi32, #tpu.memory_space<vmem>>
        %dma_wait3A_176 = tpu.memref_squeeze %dma_wait3A_175 : memref<1x128xi32, #tpu.memory_space<vmem>> -> memref<128xi32, #tpu.memory_space<vmem>>
        %dma_wait3A_177 = tpu.memref_slice %arg3[%multiple_of3A_165] : memref<1286144xi32, #tpu.memory_space<hbm>> -> memref<128xi32, #tpu.memory_space<hbm>>
        %dma_wait3A_178 = arith.constant 0 : i32
        %dma_wait3A_179 = tpu.memref_slice %arg8[%sub3A_145, %dma_wait3A_178] : memref<2x128xi32, #tpu.memory_space<vmem>> -> memref<1x128xi32, #tpu.memory_space<vmem>>
        %dma_wait3A_180 = tpu.memref_squeeze %dma_wait3A_179 : memref<1x128xi32, #tpu.memory_space<vmem>> -> memref<128xi32, #tpu.memory_space<vmem>>
        %dma_wait3A_181 = tpu.memref_slice %arg3[%multiple_of3A_165] : memref<1286144xi32, #tpu.memory_space<hbm>> -> memref<128xi32, #tpu.memory_space<hbm>>
        tpu.wait_dma2 semaphore(%arg12 : memref<!tpu.dma_semaphore, #tpu.memory_space<semaphore_mem>>) src(%dma_wait3A_181 : memref<128xi32, #tpu.memory_space<hbm>>) dst(%dma_wait3A_180 : memref<128xi32, #tpu.memory_space<vmem>>)
        %sub3A_182 = arith.constant 1 : i32
        %sub3A_183 = arith.subi %sub3A_182, %rem3A_119 : i32
        %sub3A_184 = arith.constant 1 : i32
        %sub3A_185 = arith.subi %sub3A_184, %rem3A_119 : i32
        %dma_start3A_186 = arith.constant 0 : i32
        %dma_start3A_187 = arith.constant 0 : i32
        %dma_start3A_188 = tpu.memref_slice %arg9[%sub3A_185, %dma_start3A_186, %dma_start3A_187] : memref<2x128x128xf32, #tpu.memory_space<vmem>> -> memref<1x128x128xf32, #tpu.memory_space<vmem>>
        %dma_start3A_189 = tpu.memref_squeeze %dma_start3A_188 : memref<1x128x128xf32, #tpu.memory_space<vmem>> -> memref<128x128xf32, #tpu.memory_space<vmem>>
        %dma_start3A_190 = arith.constant 0 : i32
        %dma_start3A_191 = tpu.memref_slice %arg7[%sub3A_183, %dma_start3A_190] : memref<2x128xi32, #tpu.memory_space<vmem>> -> memref<1x128xi32, #tpu.memory_space<vmem>>
        %dma_start3A_192 = tpu.memref_squeeze %dma_start3A_191 : memref<1x128xi32, #tpu.memory_space<vmem>> -> memref<128xi32, #tpu.memory_space<vmem>>
        %dma_start3A_193 = arith.constant 0 : i32
        %dma_start3A_194 = arith.constant 0 : i32
        %dma_start3A_195 = tpu.memref_slice %arg2[%dma_start3A_193, %dma_start3A_194] : memref<10000x128xf32, #tpu.memory_space<hbm>> -> memref<10000x128xf32, #tpu.memory_space<hbm>>
        tpu.enqueue_indirect_dma source(%dma_start3A_195 : memref<10000x128xf32, #tpu.memory_space<hbm>>) target(%dma_start3A_189 : memref<128x128xf32, #tpu.memory_space<vmem>>) offsets(%dma_start3A_192 : memref<128xi32, #tpu.memory_space<vmem>>) semaphore(%arg11 : memref<!tpu.dma_semaphore, #tpu.memory_space<semaphore_mem>>)
      } else {
      }
      "tpu.region"() ({
        %run_scoped3A = tpu.sem_alloc : memref<!tpu.dma_semaphore, #tpu.memory_space<semaphore_mem>>
        %dma_start3A_143 = arith.constant 0 : i32
        %dma_start3A_144 = arith.constant 0 : i32
        %dma_start3A_145 = tpu.memref_slice %arg9[%rem3A_119, %dma_start3A_143, %dma_start3A_144] : memref<2x128x128xf32, #tpu.memory_space<vmem>> -> memref<1x128x128xf32, #tpu.memory_space<vmem>>
        %dma_start3A_146 = tpu.memref_squeeze %dma_start3A_145 : memref<1x128x128xf32, #tpu.memory_space<vmem>> -> memref<128x128xf32, #tpu.memory_space<vmem>>
        %dma_start3A_147 = arith.constant 0 : i32
        %dma_start3A_148 = tpu.memref_slice %arg8[%rem3A_119, %dma_start3A_147] : memref<2x128xi32, #tpu.memory_space<vmem>> -> memref<1x128xi32, #tpu.memory_space<vmem>>
        %dma_start3A_149 = tpu.memref_squeeze %dma_start3A_148 : memref<1x128xi32, #tpu.memory_space<vmem>> -> memref<128xi32, #tpu.memory_space<vmem>>
        %dma_start3A_150 = arith.constant 0 : i32
        %dma_start3A_151 = arith.constant 0 : i32
        %dma_start3A_152 = tpu.memref_slice %arg10[%dma_start3A_150, %dma_start3A_151] : memref<10016x128xf32, #tpu.memory_space<vmem_shared>> -> memref<10016x128xf32, #tpu.memory_space<vmem_shared>>
        tpu.enqueue_indirect_dma source(%dma_start3A_146 : memref<128x128xf32, #tpu.memory_space<vmem>>) target(%dma_start3A_152 : memref<10016x128xf32, #tpu.memory_space<vmem_shared>>) offsets(%dma_start3A_149 : memref<128xi32, #tpu.memory_space<vmem>>) semaphore(%run_scoped3A : memref<!tpu.dma_semaphore, #tpu.memory_space<semaphore_mem>>) {add = true}
        %dma_wait3A_153 = arith.constant 0 : i32
        %dma_wait3A_154 = arith.constant 0 : i32
        %dma_wait3A_155 = tpu.memref_slice %arg9[%rem3A_119, %dma_wait3A_153, %dma_wait3A_154] : memref<2x128x128xf32, #tpu.memory_space<vmem>> -> memref<1x128x128xf32, #tpu.memory_space<vmem>>
        %dma_wait3A_156 = tpu.memref_squeeze %dma_wait3A_155 : memref<1x128x128xf32, #tpu.memory_space<vmem>> -> memref<128x128xf32, #tpu.memory_space<vmem>>
        %dma_wait3A_157 = arith.constant 0 : i32
        %dma_wait3A_158 = tpu.memref_slice %arg8[%rem3A_119, %dma_wait3A_157] : memref<2x128xi32, #tpu.memory_space<vmem>> -> memref<1x128xi32, #tpu.memory_space<vmem>>
        %dma_wait3A_159 = tpu.memref_squeeze %dma_wait3A_158 : memref<1x128xi32, #tpu.memory_space<vmem>> -> memref<128xi32, #tpu.memory_space<vmem>>
        %dma_wait3A_160 = arith.constant 0 : i32
        %dma_wait3A_161 = arith.constant 0 : i32
        %dma_wait3A_162 = tpu.memref_slice %arg10[%dma_wait3A_160, %dma_wait3A_161] : memref<10016x128xf32, #tpu.memory_space<vmem_shared>> -> memref<10016x128xf32, #tpu.memory_space<vmem_shared>>
        tpu.wait_indirect_dma semaphore(%run_scoped3A : memref<!tpu.dma_semaphore, #tpu.memory_space<semaphore_mem>>) src(%dma_wait3A_156 : memref<128x128xf32, #tpu.memory_space<vmem>>) dst(%dma_wait3A_162 : memref<10016x128xf32, #tpu.memory_space<vmem_shared>>)
        tpu.yield
      }) : () -> ()
      %add3A_136 = arith.constant 2 : i32
      %add3A_137 = arith.addi %scan3A_118, %add3A_136 : i32
      %lt3A_138 = arith.constant 157 : i32
      %lt3A_139 = arith.cmpi slt, %add3A_137, %lt3A_138 : i32
      %convert_element_type3A_140 = arith.extui %lt3A_139 : i1 to i32
      %cond3A_141 = arith.constant 0 : i32
      %cond3A_142 = arith.cmpi ne, %convert_element_type3A_140, %cond3A_141 : i32
      scf.if %cond3A_142 {
        %add3A_143 = arith.constant 2 : i32
        %add3A_144 = arith.addi %scan3A_118, %add3A_143 : i32
        %mul3A_145 = arith.constant 321536 : i32
        %mul3A_146 = arith.muli %arg0, %mul3A_145 : i32
        %mul3A_147 = arith.constant 20096 : i32
        %mul3A_148 = arith.muli %arg1, %mul3A_147 : i32
        %add3A_149 = arith.addi %mul3A_146, %mul3A_148 : i32
        %mul3A_150 = arith.constant 128 : i32
        %mul3A_151 = arith.muli %add3A_144, %mul3A_150 : i32
        %add3A_152 = arith.addi %add3A_149, %mul3A_151 : i32
        %multiple_of3A_153 = tpu.assume_multiple %add3A_152, 8 : i32
        %add3A_154 = arith.constant 2 : i32
        %add3A_155 = arith.addi %add3A_154, %arg0 : i32
        %mul3A_156 = arith.constant 321536 : i32
        %mul3A_157 = arith.muli %add3A_155, %mul3A_156 : i32
        %mul3A_158 = arith.constant 20096 : i32
        %mul3A_159 = arith.muli %arg1, %mul3A_158 : i32
        %add3A_160 = arith.addi %mul3A_157, %mul3A_159 : i32
        %mul3A_161 = arith.constant 128 : i32
        %mul3A_162 = arith.muli %add3A_144, %mul3A_161 : i32
        %add3A_163 = arith.addi %add3A_160, %mul3A_162 : i32
        %multiple_of3A_164 = tpu.assume_multiple %add3A_163, 8 : i32
        %dma_start3A_165 = arith.constant 0 : i32
        %dma_start3A_166 = tpu.memref_slice %arg7[%rem3A_119, %dma_start3A_165] : memref<2x128xi32, #tpu.memory_space<vmem>> -> memref<1x128xi32, #tpu.memory_space<vmem>>
        %dma_start3A_167 = tpu.memref_squeeze %dma_start3A_166 : memref<1x128xi32, #tpu.memory_space<vmem>> -> memref<128xi32, #tpu.memory_space<vmem>>
        %dma_start3A_168 = tpu.memref_slice %arg3[%multiple_of3A_153] : memref<1286144xi32, #tpu.memory_space<hbm>> -> memref<128xi32, #tpu.memory_space<hbm>>
        %dma_start3A_169 = arith.constant 0 : i32
        %dma_start3A_170 = tpu.memref_slice %arg7[%rem3A_119, %dma_start3A_169] : memref<2x128xi32, #tpu.memory_space<vmem>> -> memref<1x128xi32, #tpu.memory_space<vmem>>
        %dma_start3A_171 = tpu.memref_squeeze %dma_start3A_170 : memref<1x128xi32, #tpu.memory_space<vmem>> -> memref<128xi32, #tpu.memory_space<vmem>>
        %dma_start3A_172 = tpu.memref_slice %arg3[%multiple_of3A_153] : memref<1286144xi32, #tpu.memory_space<hbm>> -> memref<128xi32, #tpu.memory_space<hbm>>
        tpu.enqueue_dma source(%dma_start3A_172 : memref<128xi32, #tpu.memory_space<hbm>>) target(%dma_start3A_171 : memref<128xi32, #tpu.memory_space<vmem>>) target_semaphore(%arg12 : memref<!tpu.dma_semaphore, #tpu.memory_space<semaphore_mem>>)
        %dma_start3A_173 = arith.constant 0 : i32
        %dma_start3A_174 = tpu.memref_slice %arg8[%rem3A_119, %dma_start3A_173] : memref<2x128xi32, #tpu.memory_space<vmem>> -> memref<1x128xi32, #tpu.memory_space<vmem>>
        %dma_start3A_175 = tpu.memref_squeeze %dma_start3A_174 : memref<1x128xi32, #tpu.memory_space<vmem>> -> memref<128xi32, #tpu.memory_space<vmem>>
        %dma_start3A_176 = tpu.memref_slice %arg3[%multiple_of3A_164] : memref<1286144xi32, #tpu.memory_space<hbm>> -> memref<128xi32, #tpu.memory_space<hbm>>
        %dma_start3A_177 = arith.constant 0 : i32
        %dma_start3A_178 = tpu.memref_slice %arg8[%rem3A_119, %dma_start3A_177] : memref<2x128xi32, #tpu.memory_space<vmem>> -> memref<1x128xi32, #tpu.memory_space<vmem>>
        %dma_start3A_179 = tpu.memref_squeeze %dma_start3A_178 : memref<1x128xi32, #tpu.memory_space<vmem>> -> memref<128xi32, #tpu.memory_space<vmem>>
        %dma_start3A_180 = tpu.memref_slice %arg3[%multiple_of3A_164] : memref<1286144xi32, #tpu.memory_space<hbm>> -> memref<128xi32, #tpu.memory_space<hbm>>
        tpu.enqueue_dma source(%dma_start3A_180 : memref<128xi32, #tpu.memory_space<hbm>>) target(%dma_start3A_179 : memref<128xi32, #tpu.memory_space<vmem>>) target_semaphore(%arg12 : memref<!tpu.dma_semaphore, #tpu.memory_space<semaphore_mem>>)
      } else {
      }
    }
    %scan3A_106 = arith.constant 157 : i32
    %barrier3A_107 = arith.constant 0 : index
    tpu.barrier barrier_id(%barrier3A_107)
    %eq3A_108 = arith.constant 0 : i32
    %eq3A_109 = arith.cmpi eq, %arg0, %eq3A_108 : i32
    %convert_element_type3A_110 = arith.extui %eq3A_109 : i1 to i32
    %cond3A_111 = arith.constant 0 : i32
    %cond3A_112 = arith.cmpi ne, %convert_element_type3A_110, %cond3A_111 : i32
    scf.if %cond3A_112 {
      "tpu.region"() ({
        %run_scoped3A = tpu.sem_alloc : memref<!tpu.dma_semaphore, #tpu.memory_space<semaphore_mem>>
        %dma_start3A_123 = arith.constant 0 : i32
        %dma_start3A_124 = tpu.memref_slice %arg5[%multiple_of3A, %dma_start3A_123] : memref<10000x128xf32, #tpu.memory_space<hbm>> -> memref<624x128xf32, #tpu.memory_space<hbm>>
        %dma_start3A_125 = arith.constant 0 : i32
        %dma_start3A_126 = tpu.memref_slice %arg10[%multiple_of3A, %dma_start3A_125] : memref<10016x128xf32, #tpu.memory_space<vmem_shared>> -> memref<624x128xf32, #tpu.memory_space<vmem_shared>>
        tpu.enqueue_dma source(%dma_start3A_126 : memref<624x128xf32, #tpu.memory_space<vmem_shared>>) target(%dma_start3A_124 : memref<624x128xf32, #tpu.memory_space<hbm>>) target_semaphore(%run_scoped3A : memref<!tpu.dma_semaphore, #tpu.memory_space<semaphore_mem>>)
        %dma_wait3A_127 = arith.constant 0 : i32
        %dma_wait3A_128 = tpu.memref_slice %arg5[%multiple_of3A, %dma_wait3A_127] : memref<10000x128xf32, #tpu.memory_space<hbm>> -> memref<624x128xf32, #tpu.memory_space<hbm>>
        %dma_wait3A_129 = arith.constant 0 : i32
        %dma_wait3A_130 = tpu.memref_slice %arg10[%multiple_of3A, %dma_wait3A_129] : memref<10016x128xf32, #tpu.memory_space<vmem_shared>> -> memref<624x128xf32, #tpu.memory_space<vmem_shared>>
        tpu.wait_dma2 semaphore(%run_scoped3A : memref<!tpu.dma_semaphore, #tpu.memory_space<semaphore_mem>>) src(%dma_wait3A_130 : memref<624x128xf32, #tpu.memory_space<vmem_shared>>) dst(%dma_wait3A_128 : memref<624x128xf32, #tpu.memory_space<hbm>>)
        tpu.yield
      }) : () -> ()
      %eq3A_118 = arith.constant 15 : i32
      %eq3A_119 = arith.cmpi eq, %arg1, %eq3A_118 : i32
      %convert_element_type3A_120 = arith.extui %eq3A_119 : i1 to i32
      %cond3A_121 = arith.constant 0 : i32
      %cond3A_122 = arith.cmpi ne, %convert_element_type3A_120, %cond3A_121 : i32
      scf.if %cond3A_122 {
        "tpu.region"() ({
          %run_scoped3A = tpu.sem_alloc : memref<!tpu.dma_semaphore, #tpu.memory_space<semaphore_mem>>
          %dma_start3A_123 = arith.constant 9984 : i32
          %dma_start3A_124 = arith.constant 0 : i32
          %dma_start3A_125 = tpu.memref_slice %arg5[%dma_start3A_123, %dma_start3A_124] : memref<10000x128xf32, #tpu.memory_space<hbm>> -> memref<16x128xf32, #tpu.memory_space<hbm>>
          %dma_start3A_126 = arith.constant 9984 : i32
          %dma_start3A_127 = arith.constant 0 : i32
          %dma_start3A_128 = tpu.memref_slice %arg10[%dma_start3A_126, %dma_start3A_127] : memref<10016x128xf32, #tpu.memory_space<vmem_shared>> -> memref<16x128xf32, #tpu.memory_space<vmem_shared>>
          tpu.enqueue_dma source(%dma_start3A_128 : memref<16x128xf32, #tpu.memory_space<vmem_shared>>) target(%dma_start3A_125 : memref<16x128xf32, #tpu.memory_space<hbm>>) target_semaphore(%run_scoped3A : memref<!tpu.dma_semaphore, #tpu.memory_space<semaphore_mem>>)
          %dma_wait3A_129 = arith.constant 9984 : i32
          %dma_wait3A_130 = arith.constant 0 : i32
          %dma_wait3A_131 = tpu.memref_slice %arg5[%dma_wait3A_129, %dma_wait3A_130] : memref<10000x128xf32, #tpu.memory_space<hbm>> -> memref<16x128xf32, #tpu.memory_space<hbm>>
          %dma_wait3A_132 = arith.constant 9984 : i32
          %dma_wait3A_133 = arith.constant 0 : i32
          %dma_wait3A_134 = tpu.memref_slice %arg10[%dma_wait3A_132, %dma_wait3A_133] : memref<10016x128xf32, #tpu.memory_space<vmem_shared>> -> memref<16x128xf32, #tpu.memory_space<vmem_shared>>
          tpu.wait_dma2 semaphore(%run_scoped3A : memref<!tpu.dma_semaphore, #tpu.memory_space<semaphore_mem>>) src(%dma_wait3A_134 : memref<16x128xf32, #tpu.memory_space<vmem_shared>>) dst(%dma_wait3A_131 : memref<16x128xf32, #tpu.memory_space<hbm>>)
          tpu.yield
        }) : () -> ()
      } else {
      }
    } else {
    }
    %eq3A_113 = arith.constant 1 : i32
    %eq3A_114 = arith.cmpi eq, %arg0, %eq3A_113 : i32
    %convert_element_type3A_115 = arith.extui %eq3A_114 : i1 to i32
    %cond3A_116 = arith.constant 0 : i32
    %cond3A_117 = arith.cmpi ne, %convert_element_type3A_115, %cond3A_116 : i32
    scf.if %cond3A_117 {
      "tpu.region"() ({
        %run_scoped3A = tpu.sem_alloc : memref<!tpu.dma_semaphore, #tpu.memory_space<semaphore_mem>>
        %dma_start3A_123 = arith.constant 0 : i32
        %dma_start3A_124 = tpu.memref_slice %arg6[%multiple_of3A, %dma_start3A_123] : memref<10000x128xf32, #tpu.memory_space<hbm>> -> memref<624x128xf32, #tpu.memory_space<hbm>>
        %dma_start3A_125 = arith.constant 0 : i32
        %dma_start3A_126 = tpu.memref_slice %arg10[%multiple_of3A, %dma_start3A_125] : memref<10016x128xf32, #tpu.memory_space<vmem_shared>> -> memref<624x128xf32, #tpu.memory_space<vmem_shared>>
        tpu.enqueue_dma source(%dma_start3A_126 : memref<624x128xf32, #tpu.memory_space<vmem_shared>>) target(%dma_start3A_124 : memref<624x128xf32, #tpu.memory_space<hbm>>) target_semaphore(%run_scoped3A : memref<!tpu.dma_semaphore, #tpu.memory_space<semaphore_mem>>)
        %dma_wait3A_127 = arith.constant 0 : i32
        %dma_wait3A_128 = tpu.memref_slice %arg6[%multiple_of3A, %dma_wait3A_127] : memref<10000x128xf32, #tpu.memory_space<hbm>> -> memref<624x128xf32, #tpu.memory_space<hbm>>
        %dma_wait3A_129 = arith.constant 0 : i32
        %dma_wait3A_130 = tpu.memref_slice %arg10[%multiple_of3A, %dma_wait3A_129] : memref<10016x128xf32, #tpu.memory_space<vmem_shared>> -> memref<624x128xf32, #tpu.memory_space<vmem_shared>>
        tpu.wait_dma2 semaphore(%run_scoped3A : memref<!tpu.dma_semaphore, #tpu.memory_space<semaphore_mem>>) src(%dma_wait3A_130 : memref<624x128xf32, #tpu.memory_space<vmem_shared>>) dst(%dma_wait3A_128 : memref<624x128xf32, #tpu.memory_space<hbm>>)
        tpu.yield
      }) : () -> ()
      %eq3A_118 = arith.constant 15 : i32
      %eq3A_119 = arith.cmpi eq, %arg1, %eq3A_118 : i32
      %convert_element_type3A_120 = arith.extui %eq3A_119 : i1 to i32
      %cond3A_121 = arith.constant 0 : i32
      %cond3A_122 = arith.cmpi ne, %convert_element_type3A_120, %cond3A_121 : i32
      scf.if %cond3A_122 {
        "tpu.region"() ({
          %run_scoped3A = tpu.sem_alloc : memref<!tpu.dma_semaphore, #tpu.memory_space<semaphore_mem>>
          %dma_start3A_123 = arith.constant 9984 : i32
          %dma_start3A_124 = arith.constant 0 : i32
          %dma_start3A_125 = tpu.memref_slice %arg6[%dma_start3A_123, %dma_start3A_124] : memref<10000x128xf32, #tpu.memory_space<hbm>> -> memref<16x128xf32, #tpu.memory_space<hbm>>
          %dma_start3A_126 = arith.constant 9984 : i32
          %dma_start3A_127 = arith.constant 0 : i32
          %dma_start3A_128 = tpu.memref_slice %arg10[%dma_start3A_126, %dma_start3A_127] : memref<10016x128xf32, #tpu.memory_space<vmem_shared>> -> memref<16x128xf32, #tpu.memory_space<vmem_shared>>
          tpu.enqueue_dma source(%dma_start3A_128 : memref<16x128xf32, #tpu.memory_space<vmem_shared>>) target(%dma_start3A_125 : memref<16x128xf32, #tpu.memory_space<hbm>>) target_semaphore(%run_scoped3A : memref<!tpu.dma_semaphore, #tpu.memory_space<semaphore_mem>>)
          %dma_wait3A_129 = arith.constant 9984 : i32
          %dma_wait3A_130 = arith.constant 0 : i32
          %dma_wait3A_131 = tpu.memref_slice %arg6[%dma_wait3A_129, %dma_wait3A_130] : memref<10000x128xf32, #tpu.memory_space<hbm>> -> memref<16x128xf32, #tpu.memory_space<hbm>>
          %dma_wait3A_132 = arith.constant 9984 : i32
          %dma_wait3A_133 = arith.constant 0 : i32
          %dma_wait3A_134 = tpu.memref_slice %arg10[%dma_wait3A_132, %dma_wait3A_133] : memref<10016x128xf32, #tpu.memory_space<vmem_shared>> -> memref<16x128xf32, #tpu.memory_space<vmem_shared>>
          tpu.wait_dma2 semaphore(%run_scoped3A : memref<!tpu.dma_semaphore, #tpu.memory_space<semaphore_mem>>) src(%dma_wait3A_134 : memref<16x128xf32, #tpu.memory_space<vmem_shared>>) dst(%dma_wait3A_131 : memref<16x128xf32, #tpu.memory_space<hbm>>)
          tpu.yield
        }) : () -> ()
      } else {
      }
    } else {
    }
    return
  }
}

#map = affine_map<(d0, d1) -> (0, 0)>
#map1 = affine_map<(d0, d1) -> (0)>
module attributes {stable_mosaic.version = 14 : i64} {
  func.func @_msg_body(%arg0: i32, %arg1: i32, %arg2: memref<10000x128xf32, #tpu.memory_space<hbm>>, %arg3: memref<1286144xi32, #tpu.memory_space<hbm>>, %arg4: memref<624x128xf32, #tpu.memory_space<hbm>>, %arg5: memref<10000x128xf32, #tpu.memory_space<hbm>>, %arg6: memref<10000x128xf32, #tpu.memory_space<hbm>>, %arg7: memref<2x128xi32, #tpu.memory_space<vmem>>, %arg8: memref<2x128xi32, #tpu.memory_space<vmem>>, %arg9: memref<2x128x128xf32, #tpu.memory_space<vmem>>, %arg10: memref<10016x128xf32, #tpu.memory_space<vmem_shared>>, %arg11: memref<!tpu.dma_semaphore, #tpu.memory_space<semaphore_mem>>, %arg12: memref<!tpu.dma_semaphore, #tpu.memory_space<semaphore_mem>>) attributes {dimension_semantics = [#tpu.dimension_semantics<core_parallel>, #tpu.dimension_semantics<subcore_parallel>], iteration_bounds = array<i64: 2, 16>, scalar_prefetch = 0 : i64, scratch_operands = 6 : i64, tpu.core_type = #tpu.core_type<sc_vector_subcore>, window_params = [{transform_indices = #map}, {transform_indices = #map1}, {transform_indices = #map}, {transform_indices = #map}, {transform_indices = #map}]} {
    %mul3A = arith.constant 624 : i32
    %mul3A_0 = arith.muli %arg1, %mul3A : i32
    %multiple_of3A = tpu.assume_multiple %mul3A_0, 8 : i32
    "tpu.region"() ({
      %run_scoped3A = tpu.sem_alloc : memref<!tpu.dma_semaphore, #tpu.memory_space<semaphore_mem>>
      %dma_start3A_118 = arith.constant 0 : i32
      %dma_start3A_119 = tpu.memref_slice %arg10[%multiple_of3A, %dma_start3A_118] : memref<10016x128xf32, #tpu.memory_space<vmem_shared>> -> memref<624x128xf32, #tpu.memory_space<vmem_shared>>
      %dma_start3A_120 = arith.constant 0 : i32
      %dma_start3A_121 = arith.constant 0 : i32
      %dma_start3A_122 = tpu.memref_slice %arg4[%dma_start3A_120, %dma_start3A_121] : memref<624x128xf32, #tpu.memory_space<hbm>> -> memref<624x128xf32, #tpu.memory_space<hbm>>
      tpu.enqueue_dma source(%dma_start3A_122 : memref<624x128xf32, #tpu.memory_space<hbm>>) target(%dma_start3A_119 : memref<624x128xf32, #tpu.memory_space<vmem_shared>>) target_semaphore(%run_scoped3A : memref<!tpu.dma_semaphore, #tpu.memory_space<semaphore_mem>>)
      %dma_wait3A_123 = arith.constant 0 : i32
      %dma_wait3A_124 = tpu.memref_slice %arg10[%multiple_of3A, %dma_wait3A_123] : memref<10016x128xf32, #tpu.memory_space<vmem_shared>> -> memref<624x128xf32, #tpu.memory_space<vmem_shared>>
      %dma_wait3A_125 = arith.constant 0 : i32
      %dma_wait3A_126 = arith.constant 0 : i32
      %dma_wait3A_127 = tpu.memref_slice %arg4[%dma_wait3A_125, %dma_wait3A_126] : memref<624x128xf32, #tpu.memory_space<hbm>> -> memref<624x128xf32, #tpu.memory_space<hbm>>
      tpu.wait_dma2 semaphore(%run_scoped3A : memref<!tpu.dma_semaphore, #tpu.memory_space<semaphore_mem>>) src(%dma_wait3A_127 : memref<624x128xf32, #tpu.memory_space<hbm>>) dst(%dma_wait3A_124 : memref<624x128xf32, #tpu.memory_space<vmem_shared>>)
      tpu.yield
    }) : () -> ()
    %eq3A = arith.constant 15 : i32
    %eq3A_1 = arith.cmpi eq, %arg1, %eq3A : i32
    %convert_element_type3A = arith.extui %eq3A_1 : i1 to i32
    %cond3A = arith.constant 0 : i32
    %cond3A_2 = arith.cmpi ne, %convert_element_type3A, %cond3A : i32
    scf.if %cond3A_2 {
      "tpu.region"() ({
        %run_scoped3A = tpu.sem_alloc : memref<!tpu.dma_semaphore, #tpu.memory_space<semaphore_mem>>
        %dma_start3A_118 = arith.constant 9984 : i32
        %dma_start3A_119 = arith.constant 0 : i32
        %dma_start3A_120 = tpu.memref_slice %arg10[%dma_start3A_118, %dma_start3A_119] : memref<10016x128xf32, #tpu.memory_space<vmem_shared>> -> memref<16x128xf32, #tpu.memory_space<vmem_shared>>
        %dma_start3A_121 = arith.constant 0 : i32
        %dma_start3A_122 = arith.constant 0 : i32
        %dma_start3A_123 = tpu.memref_slice %arg4[%dma_start3A_121, %dma_start3A_122] : memref<624x128xf32, #tpu.memory_space<hbm>> -> memref<16x128xf32, #tpu.memory_space<hbm>>
        tpu.enqueue_dma source(%dma_start3A_123 : memref<16x128xf32, #tpu.memory_space<hbm>>) target(%dma_start3A_120 : memref<16x128xf32, #tpu.memory_space<vmem_shared>>) target_semaphore(%run_scoped3A : memref<!tpu.dma_semaphore, #tpu.memory_space<semaphore_mem>>)
        %dma_wait3A_124 = arith.constant 9984 : i32
        %dma_wait3A_125 = arith.constant 0 : i32
        %dma_wait3A_126 = tpu.memref_slice %arg10[%dma_wait3A_124, %dma_wait3A_125] : memref<10016x128xf32, #tpu.memory_space<vmem_shared>> -> memref<16x128xf32, #tpu.memory_space<vmem_shared>>
        %dma_wait3A_127 = arith.constant 0 : i32
        %dma_wait3A_128 = arith.constant 0 : i32
        %dma_wait3A_129 = tpu.memref_slice %arg4[%dma_wait3A_127, %dma_wait3A_128] : memref<624x128xf32, #tpu.memory_space<hbm>> -> memref<16x128xf32, #tpu.memory_space<hbm>>
        tpu.wait_dma2 semaphore(%run_scoped3A : memref<!tpu.dma_semaphore, #tpu.memory_space<semaphore_mem>>) src(%dma_wait3A_129 : memref<16x128xf32, #tpu.memory_space<hbm>>) dst(%dma_wait3A_126 : memref<16x128xf32, #tpu.memory_space<vmem_shared>>)
        tpu.yield
      }) : () -> ()
    } else {
    }
    %barrier3A = arith.constant 0 : index
    tpu.barrier barrier_id(%barrier3A)
    %mul3A_3 = arith.constant 321536 : i32
    %mul3A_4 = arith.muli %arg0, %mul3A_3 : i32
    %mul3A_5 = arith.constant 20096 : i32
    %mul3A_6 = arith.muli %arg1, %mul3A_5 : i32
    %add3A = arith.addi %mul3A_4, %mul3A_6 : i32
    %add3A_7 = arith.constant 0 : i32
    %add3A_8 = arith.addi %add3A, %add3A_7 : i32
    %multiple_of3A_9 = tpu.assume_multiple %add3A_8, 8 : i32
    %add3A_10 = arith.constant 2 : i32
    %add3A_11 = arith.addi %add3A_10, %arg0 : i32
    %mul3A_12 = arith.constant 321536 : i32
    %mul3A_13 = arith.muli %add3A_11, %mul3A_12 : i32
    %mul3A_14 = arith.constant 20096 : i32
    %mul3A_15 = arith.muli %arg1, %mul3A_14 : i32
    %add3A_16 = arith.addi %mul3A_13, %mul3A_15 : i32
    %add3A_17 = arith.constant 0 : i32
    %add3A_18 = arith.addi %add3A_16, %add3A_17 : i32
    %multiple_of3A_19 = tpu.assume_multiple %add3A_18, 8 : i32
    %dma_start3A = arith.constant 0 : i32
    %dma_start3A_20 = arith.constant 0 : i32
    %dma_start3A_21 = tpu.memref_slice %arg7[%dma_start3A, %dma_start3A_20] : memref<2x128xi32, #tpu.memory_space<vmem>> -> memref<1x128xi32, #tpu.memory_space<vmem>>
    %dma_start3A_22 = tpu.memref_squeeze %dma_start3A_21 : memref<1x128xi32, #tpu.memory_space<vmem>> -> memref<128xi32, #tpu.memory_space<vmem>>
    %dma_start3A_23 = tpu.memref_slice %arg3[%multiple_of3A_9] : memref<1286144xi32, #tpu.memory_space<hbm>> -> memref<128xi32, #tpu.memory_space<hbm>>
    %dma_start3A_24 = arith.constant 0 : i32
    %dma_start3A_25 = tpu.memref_slice %arg7[%dma_start3A, %dma_start3A_24] : memref<2x128xi32, #tpu.memory_space<vmem>> -> memref<1x128xi32, #tpu.memory_space<vmem>>
    %dma_start3A_26 = tpu.memref_squeeze %dma_start3A_25 : memref<1x128xi32, #tpu.memory_space<vmem>> -> memref<128xi32, #tpu.memory_space<vmem>>
    %dma_start3A_27 = tpu.memref_slice %arg3[%multiple_of3A_9] : memref<1286144xi32, #tpu.memory_space<hbm>> -> memref<128xi32, #tpu.memory_space<hbm>>
    tpu.enqueue_dma source(%dma_start3A_27 : memref<128xi32, #tpu.memory_space<hbm>>) target(%dma_start3A_26 : memref<128xi32, #tpu.memory_space<vmem>>) target_semaphore(%arg12 : memref<!tpu.dma_semaphore, #tpu.memory_space<semaphore_mem>>)
    %dma_wait3A = arith.constant 0 : i32
    %dma_wait3A_28 = arith.constant 0 : i32
    %dma_wait3A_29 = tpu.memref_slice %arg7[%dma_wait3A, %dma_wait3A_28] : memref<2x128xi32, #tpu.memory_space<vmem>> -> memref<1x128xi32, #tpu.memory_space<vmem>>
    %dma_wait3A_30 = tpu.memref_squeeze %dma_wait3A_29 : memref<1x128xi32, #tpu.memory_space<vmem>> -> memref<128xi32, #tpu.memory_space<vmem>>
    %dma_wait3A_31 = tpu.memref_slice %arg3[%multiple_of3A_9] : memref<1286144xi32, #tpu.memory_space<hbm>> -> memref<128xi32, #tpu.memory_space<hbm>>
    %dma_wait3A_32 = arith.constant 0 : i32
    %dma_wait3A_33 = tpu.memref_slice %arg7[%dma_wait3A, %dma_wait3A_32] : memref<2x128xi32, #tpu.memory_space<vmem>> -> memref<1x128xi32, #tpu.memory_space<vmem>>
    %dma_wait3A_34 = tpu.memref_squeeze %dma_wait3A_33 : memref<1x128xi32, #tpu.memory_space<vmem>> -> memref<128xi32, #tpu.memory_space<vmem>>
    %dma_wait3A_35 = tpu.memref_slice %arg3[%multiple_of3A_9] : memref<1286144xi32, #tpu.memory_space<hbm>> -> memref<128xi32, #tpu.memory_space<hbm>>
    tpu.wait_dma2 semaphore(%arg12 : memref<!tpu.dma_semaphore, #tpu.memory_space<semaphore_mem>>) src(%dma_wait3A_35 : memref<128xi32, #tpu.memory_space<hbm>>) dst(%dma_wait3A_34 : memref<128xi32, #tpu.memory_space<vmem>>)
    %dma_start3A_36 = arith.constant 0 : i32
    %dma_start3A_37 = arith.constant 0 : i32
    %dma_start3A_38 = tpu.memref_slice %arg8[%dma_start3A_36, %dma_start3A_37] : memref<2x128xi32, #tpu.memory_space<vmem>> -> memref<1x128xi32, #tpu.memory_space<vmem>>
    %dma_start3A_39 = tpu.memref_squeeze %dma_start3A_38 : memref<1x128xi32, #tpu.memory_space<vmem>> -> memref<128xi32, #tpu.memory_space<vmem>>
    %dma_start3A_40 = tpu.memref_slice %arg3[%multiple_of3A_19] : memref<1286144xi32, #tpu.memory_space<hbm>> -> memref<128xi32, #tpu.memory_space<hbm>>
    %dma_start3A_41 = arith.constant 0 : i32
    %dma_start3A_42 = tpu.memref_slice %arg8[%dma_start3A_36, %dma_start3A_41] : memref<2x128xi32, #tpu.memory_space<vmem>> -> memref<1x128xi32, #tpu.memory_space<vmem>>
    %dma_start3A_43 = tpu.memref_squeeze %dma_start3A_42 : memref<1x128xi32, #tpu.memory_space<vmem>> -> memref<128xi32, #tpu.memory_space<vmem>>
    %dma_start3A_44 = tpu.memref_slice %arg3[%multiple_of3A_19] : memref<1286144xi32, #tpu.memory_space<hbm>> -> memref<128xi32, #tpu.memory_space<hbm>>
    tpu.enqueue_dma source(%dma_start3A_44 : memref<128xi32, #tpu.memory_space<hbm>>) target(%dma_start3A_43 : memref<128xi32, #tpu.memory_space<vmem>>) target_semaphore(%arg12 : memref<!tpu.dma_semaphore, #tpu.memory_space<semaphore_mem>>)
    %dma_wait3A_45 = arith.constant 0 : i32
    %dma_wait3A_46 = arith.constant 0 : i32
    %dma_wait3A_47 = tpu.memref_slice %arg8[%dma_wait3A_45, %dma_wait3A_46] : memref<2x128xi32, #tpu.memory_space<vmem>> -> memref<1x128xi32, #tpu.memory_space<vmem>>
    %dma_wait3A_48 = tpu.memref_squeeze %dma_wait3A_47 : memref<1x128xi32, #tpu.memory_space<vmem>> -> memref<128xi32, #tpu.memory_space<vmem>>
    %dma_wait3A_49 = tpu.memref_slice %arg3[%multiple_of3A_19] : memref<1286144xi32, #tpu.memory_space<hbm>> -> memref<128xi32, #tpu.memory_space<hbm>>
    %dma_wait3A_50 = arith.constant 0 : i32
    %dma_wait3A_51 = tpu.memref_slice %arg8[%dma_wait3A_45, %dma_wait3A_50] : memref<2x128xi32, #tpu.memory_space<vmem>> -> memref<1x128xi32, #tpu.memory_space<vmem>>
    %dma_wait3A_52 = tpu.memref_squeeze %dma_wait3A_51 : memref<1x128xi32, #tpu.memory_space<vmem>> -> memref<128xi32, #tpu.memory_space<vmem>>
    %dma_wait3A_53 = tpu.memref_slice %arg3[%multiple_of3A_19] : memref<1286144xi32, #tpu.memory_space<hbm>> -> memref<128xi32, #tpu.memory_space<hbm>>
    tpu.wait_dma2 semaphore(%arg12 : memref<!tpu.dma_semaphore, #tpu.memory_space<semaphore_mem>>) src(%dma_wait3A_53 : memref<128xi32, #tpu.memory_space<hbm>>) dst(%dma_wait3A_52 : memref<128xi32, #tpu.memory_space<vmem>>)
    %dma_start3A_54 = arith.constant 0 : i32
    %dma_start3A_55 = arith.constant 0 : i32
    %dma_start3A_56 = arith.constant 0 : i32
    %dma_start3A_57 = arith.constant 0 : i32
    %dma_start3A_58 = tpu.memref_slice %arg9[%dma_start3A_55, %dma_start3A_56, %dma_start3A_57] : memref<2x128x128xf32, #tpu.memory_space<vmem>> -> memref<1x128x128xf32, #tpu.memory_space<vmem>>
    %dma_start3A_59 = tpu.memref_squeeze %dma_start3A_58 : memref<1x128x128xf32, #tpu.memory_space<vmem>> -> memref<128x128xf32, #tpu.memory_space<vmem>>
    %dma_start3A_60 = arith.constant 0 : i32
    %dma_start3A_61 = tpu.memref_slice %arg7[%dma_start3A_54, %dma_start3A_60] : memref<2x128xi32, #tpu.memory_space<vmem>> -> memref<1x128xi32, #tpu.memory_space<vmem>>
    %dma_start3A_62 = tpu.memref_squeeze %dma_start3A_61 : memref<1x128xi32, #tpu.memory_space<vmem>> -> memref<128xi32, #tpu.memory_space<vmem>>
    %dma_start3A_63 = arith.constant 0 : i32
    %dma_start3A_64 = arith.constant 0 : i32
    %dma_start3A_65 = tpu.memref_slice %arg2[%dma_start3A_63, %dma_start3A_64] : memref<10000x128xf32, #tpu.memory_space<hbm>> -> memref<10000x128xf32, #tpu.memory_space<hbm>>
    tpu.enqueue_indirect_dma source(%dma_start3A_65 : memref<10000x128xf32, #tpu.memory_space<hbm>>) target(%dma_start3A_59 : memref<128x128xf32, #tpu.memory_space<vmem>>) offsets(%dma_start3A_62 : memref<128xi32, #tpu.memory_space<vmem>>) semaphore(%arg11 : memref<!tpu.dma_semaphore, #tpu.memory_space<semaphore_mem>>)
    %mul3A_66 = arith.constant 321536 : i32
    %mul3A_67 = arith.muli %arg0, %mul3A_66 : i32
    %mul3A_68 = arith.constant 20096 : i32
    %mul3A_69 = arith.muli %arg1, %mul3A_68 : i32
    %add3A_70 = arith.addi %mul3A_67, %mul3A_69 : i32
    %add3A_71 = arith.constant 128 : i32
    %add3A_72 = arith.addi %add3A_70, %add3A_71 : i32
    %multiple_of3A_73 = tpu.assume_multiple %add3A_72, 8 : i32
    %add3A_74 = arith.constant 2 : i32
    %add3A_75 = arith.addi %add3A_74, %arg0 : i32
    %mul3A_76 = arith.constant 321536 : i32
    %mul3A_77 = arith.muli %add3A_75, %mul3A_76 : i32
    %mul3A_78 = arith.constant 20096 : i32
    %mul3A_79 = arith.muli %arg1, %mul3A_78 : i32
    %add3A_80 = arith.addi %mul3A_77, %mul3A_79 : i32
    %add3A_81 = arith.constant 128 : i32
    %add3A_82 = arith.addi %add3A_80, %add3A_81 : i32
    %multiple_of3A_83 = tpu.assume_multiple %add3A_82, 8 : i32
    %dma_start3A_84 = arith.constant 1 : i32
    %dma_start3A_85 = arith.constant 0 : i32
    %dma_start3A_86 = tpu.memref_slice %arg7[%dma_start3A_84, %dma_start3A_85] : memref<2x128xi32, #tpu.memory_space<vmem>> -> memref<1x128xi32, #tpu.memory_space<vmem>>
    %dma_start3A_87 = tpu.memref_squeeze %dma_start3A_86 : memref<1x128xi32, #tpu.memory_space<vmem>> -> memref<128xi32, #tpu.memory_space<vmem>>
    %dma_start3A_88 = tpu.memref_slice %arg3[%multiple_of3A_73] : memref<1286144xi32, #tpu.memory_space<hbm>> -> memref<128xi32, #tpu.memory_space<hbm>>
    %dma_start3A_89 = arith.constant 0 : i32
    %dma_start3A_90 = tpu.memref_slice %arg7[%dma_start3A_84, %dma_start3A_89] : memref<2x128xi32, #tpu.memory_space<vmem>> -> memref<1x128xi32, #tpu.memory_space<vmem>>
    %dma_start3A_91 = tpu.memref_squeeze %dma_start3A_90 : memref<1x128xi32, #tpu.memory_space<vmem>> -> memref<128xi32, #tpu.memory_space<vmem>>
    %dma_start3A_92 = tpu.memref_slice %arg3[%multiple_of3A_73] : memref<1286144xi32, #tpu.memory_space<hbm>> -> memref<128xi32, #tpu.memory_space<hbm>>
    tpu.enqueue_dma source(%dma_start3A_92 : memref<128xi32, #tpu.memory_space<hbm>>) target(%dma_start3A_91 : memref<128xi32, #tpu.memory_space<vmem>>) target_semaphore(%arg12 : memref<!tpu.dma_semaphore, #tpu.memory_space<semaphore_mem>>)
    %dma_start3A_93 = arith.constant 1 : i32
    %dma_start3A_94 = arith.constant 0 : i32
    %dma_start3A_95 = tpu.memref_slice %arg8[%dma_start3A_93, %dma_start3A_94] : memref<2x128xi32, #tpu.memory_space<vmem>> -> memref<1x128xi32, #tpu.memory_space<vmem>>
    %dma_start3A_96 = tpu.memref_squeeze %dma_start3A_95 : memref<1x128xi32, #tpu.memory_space<vmem>> -> memref<128xi32, #tpu.memory_space<vmem>>
    %dma_start3A_97 = tpu.memref_slice %arg3[%multiple_of3A_83] : memref<1286144xi32, #tpu.memory_space<hbm>> -> memref<128xi32, #tpu.memory_space<hbm>>
    %dma_start3A_98 = arith.constant 0 : i32
    %dma_start3A_99 = tpu.memref_slice %arg8[%dma_start3A_93, %dma_start3A_98] : memref<2x128xi32, #tpu.memory_space<vmem>> -> memref<1x128xi32, #tpu.memory_space<vmem>>
    %dma_start3A_100 = tpu.memref_squeeze %dma_start3A_99 : memref<1x128xi32, #tpu.memory_space<vmem>> -> memref<128xi32, #tpu.memory_space<vmem>>
    %dma_start3A_101 = tpu.memref_slice %arg3[%multiple_of3A_83] : memref<1286144xi32, #tpu.memory_space<hbm>> -> memref<128xi32, #tpu.memory_space<hbm>>
    tpu.enqueue_dma source(%dma_start3A_101 : memref<128xi32, #tpu.memory_space<hbm>>) target(%dma_start3A_100 : memref<128xi32, #tpu.memory_space<vmem>>) target_semaphore(%arg12 : memref<!tpu.dma_semaphore, #tpu.memory_space<semaphore_mem>>)
    %scan3A = arith.constant 0 : i32
    %scan3A_102 = arith.constant 0 : i32
    %scan3A_103 = arith.constant 157 : i32
    %scan3A_104 = arith.addi %scan3A_102, %scan3A_103 : i32
    %scan3A_105 = arith.constant 1 : i32
    scf.for %scan3A_118 = %scan3A_102 to %scan3A_104 step %scan3A_105  : i32 {
      %rem3A = arith.constant 2 : i32
      %rem3A_119 = arith.remsi %scan3A_118, %rem3A : i32
      %dma_wait3A_120 = arith.constant 0 : i32
      %dma_wait3A_121 = arith.constant 0 : i32
      %dma_wait3A_122 = tpu.memref_slice %arg9[%rem3A_119, %dma_wait3A_120, %dma_wait3A_121] : memref<2x128x128xf32, #tpu.memory_space<vmem>> -> memref<1x128x128xf32, #tpu.memory_space<vmem>>
      %dma_wait3A_123 = tpu.memref_squeeze %dma_wait3A_122 : memref<1x128x128xf32, #tpu.memory_space<vmem>> -> memref<128x128xf32, #tpu.memory_space<vmem>>
      %dma_wait3A_124 = arith.constant 0 : i32
      %dma_wait3A_125 = tpu.memref_slice %arg7[%rem3A_119, %dma_wait3A_124] : memref<2x128xi32, #tpu.memory_space<vmem>> -> memref<1x128xi32, #tpu.memory_space<vmem>>
      %dma_wait3A_126 = tpu.memref_squeeze %dma_wait3A_125 : memref<1x128xi32, #tpu.memory_space<vmem>> -> memref<128xi32, #tpu.memory_space<vmem>>
      %dma_wait3A_127 = arith.constant 0 : i32
      %dma_wait3A_128 = arith.constant 0 : i32
      %dma_wait3A_129 = tpu.memref_slice %arg2[%dma_wait3A_127, %dma_wait3A_128] : memref<10000x128xf32, #tpu.memory_space<hbm>> -> memref<10000x128xf32, #tpu.memory_space<hbm>>
      tpu.wait_indirect_dma semaphore(%arg11 : memref<!tpu.dma_semaphore, #tpu.memory_space<semaphore_mem>>) src(%dma_wait3A_129 : memref<10000x128xf32, #tpu.memory_space<hbm>>) dst(%dma_wait3A_123 : memref<128x128xf32, #tpu.memory_space<vmem>>)
      %add3A_130 = arith.constant 1 : i32
      %add3A_131 = arith.addi %scan3A_118, %add3A_130 : i32
      %lt3A = arith.constant 157 : i32
      %lt3A_132 = arith.cmpi slt, %add3A_131, %lt3A : i32
      %convert_element_type3A_133 = arith.extui %lt3A_132 : i1 to i32
      %cond3A_134 = arith.constant 0 : i32
      %cond3A_135 = arith.cmpi ne, %convert_element_type3A_133, %cond3A_134 : i32
      scf.if %cond3A_135 {
        %add3A_143 = arith.constant 1 : i32
        %add3A_144 = arith.addi %scan3A_118, %add3A_143 : i32
        %sub3A = arith.constant 1 : i32
        %sub3A_145 = arith.subi %sub3A, %rem3A_119 : i32
        %mul3A_146 = arith.constant 321536 : i32
        %mul3A_147 = arith.muli %arg0, %mul3A_146 : i32
        %mul3A_148 = arith.constant 20096 : i32
        %mul3A_149 = arith.muli %arg1, %mul3A_148 : i32
        %add3A_150 = arith.addi %mul3A_147, %mul3A_149 : i32
        %mul3A_151 = arith.constant 128 : i32
        %mul3A_152 = arith.muli %add3A_144, %mul3A_151 : i32
        %add3A_153 = arith.addi %add3A_150, %mul3A_152 : i32
        %multiple_of3A_154 = tpu.assume_multiple %add3A_153, 8 : i32
        %add3A_155 = arith.constant 2 : i32
        %add3A_156 = arith.addi %add3A_155, %arg0 : i32
        %mul3A_157 = arith.constant 321536 : i32
        %mul3A_158 = arith.muli %add3A_156, %mul3A_157 : i32
        %mul3A_159 = arith.constant 20096 : i32
        %mul3A_160 = arith.muli %arg1, %mul3A_159 : i32
        %add3A_161 = arith.addi %mul3A_158, %mul3A_160 : i32
        %mul3A_162 = arith.constant 128 : i32
        %mul3A_163 = arith.muli %add3A_144, %mul3A_162 : i32
        %add3A_164 = arith.addi %add3A_161, %mul3A_163 : i32
        %multiple_of3A_165 = tpu.assume_multiple %add3A_164, 8 : i32
        %dma_wait3A_166 = arith.constant 0 : i32
        %dma_wait3A_167 = tpu.memref_slice %arg7[%sub3A_145, %dma_wait3A_166] : memref<2x128xi32, #tpu.memory_space<vmem>> -> memref<1x128xi32, #tpu.memory_space<vmem>>
        %dma_wait3A_168 = tpu.memref_squeeze %dma_wait3A_167 : memref<1x128xi32, #tpu.memory_space<vmem>> -> memref<128xi32, #tpu.memory_space<vmem>>
        %dma_wait3A_169 = tpu.memref_slice %arg3[%multiple_of3A_154] : memref<1286144xi32, #tpu.memory_space<hbm>> -> memref<128xi32, #tpu.memory_space<hbm>>
        %dma_wait3A_170 = arith.constant 0 : i32
        %dma_wait3A_171 = tpu.memref_slice %arg7[%sub3A_145, %dma_wait3A_170] : memref<2x128xi32, #tpu.memory_space<vmem>> -> memref<1x128xi32, #tpu.memory_space<vmem>>
        %dma_wait3A_172 = tpu.memref_squeeze %dma_wait3A_171 : memref<1x128xi32, #tpu.memory_space<vmem>> -> memref<128xi32, #tpu.memory_space<vmem>>
        %dma_wait3A_173 = tpu.memref_slice %arg3[%multiple_of3A_154] : memref<1286144xi32, #tpu.memory_space<hbm>> -> memref<128xi32, #tpu.memory_space<hbm>>
        tpu.wait_dma2 semaphore(%arg12 : memref<!tpu.dma_semaphore, #tpu.memory_space<semaphore_mem>>) src(%dma_wait3A_173 : memref<128xi32, #tpu.memory_space<hbm>>) dst(%dma_wait3A_172 : memref<128xi32, #tpu.memory_space<vmem>>)
        %dma_wait3A_174 = arith.constant 0 : i32
        %dma_wait3A_175 = tpu.memref_slice %arg8[%sub3A_145, %dma_wait3A_174] : memref<2x128xi32, #tpu.memory_space<vmem>> -> memref<1x128xi32, #tpu.memory_space<vmem>>
        %dma_wait3A_176 = tpu.memref_squeeze %dma_wait3A_175 : memref<1x128xi32, #tpu.memory_space<vmem>> -> memref<128xi32, #tpu.memory_space<vmem>>
        %dma_wait3A_177 = tpu.memref_slice %arg3[%multiple_of3A_165] : memref<1286144xi32, #tpu.memory_space<hbm>> -> memref<128xi32, #tpu.memory_space<hbm>>
        %dma_wait3A_178 = arith.constant 0 : i32
        %dma_wait3A_179 = tpu.memref_slice %arg8[%sub3A_145, %dma_wait3A_178] : memref<2x128xi32, #tpu.memory_space<vmem>> -> memref<1x128xi32, #tpu.memory_space<vmem>>
        %dma_wait3A_180 = tpu.memref_squeeze %dma_wait3A_179 : memref<1x128xi32, #tpu.memory_space<vmem>> -> memref<128xi32, #tpu.memory_space<vmem>>
        %dma_wait3A_181 = tpu.memref_slice %arg3[%multiple_of3A_165] : memref<1286144xi32, #tpu.memory_space<hbm>> -> memref<128xi32, #tpu.memory_space<hbm>>
        tpu.wait_dma2 semaphore(%arg12 : memref<!tpu.dma_semaphore, #tpu.memory_space<semaphore_mem>>) src(%dma_wait3A_181 : memref<128xi32, #tpu.memory_space<hbm>>) dst(%dma_wait3A_180 : memref<128xi32, #tpu.memory_space<vmem>>)
        %sub3A_182 = arith.constant 1 : i32
        %sub3A_183 = arith.subi %sub3A_182, %rem3A_119 : i32
        %sub3A_184 = arith.constant 1 : i32
        %sub3A_185 = arith.subi %sub3A_184, %rem3A_119 : i32
        %dma_start3A_186 = arith.constant 0 : i32
        %dma_start3A_187 = arith.constant 0 : i32
        %dma_start3A_188 = tpu.memref_slice %arg9[%sub3A_185, %dma_start3A_186, %dma_start3A_187] : memref<2x128x128xf32, #tpu.memory_space<vmem>> -> memref<1x128x128xf32, #tpu.memory_space<vmem>>
        %dma_start3A_189 = tpu.memref_squeeze %dma_start3A_188 : memref<1x128x128xf32, #tpu.memory_space<vmem>> -> memref<128x128xf32, #tpu.memory_space<vmem>>
        %dma_start3A_190 = arith.constant 0 : i32
        %dma_start3A_191 = tpu.memref_slice %arg7[%sub3A_183, %dma_start3A_190] : memref<2x128xi32, #tpu.memory_space<vmem>> -> memref<1x128xi32, #tpu.memory_space<vmem>>
        %dma_start3A_192 = tpu.memref_squeeze %dma_start3A_191 : memref<1x128xi32, #tpu.memory_space<vmem>> -> memref<128xi32, #tpu.memory_space<vmem>>
        %dma_start3A_193 = arith.constant 0 : i32
        %dma_start3A_194 = arith.constant 0 : i32
        %dma_start3A_195 = tpu.memref_slice %arg2[%dma_start3A_193, %dma_start3A_194] : memref<10000x128xf32, #tpu.memory_space<hbm>> -> memref<10000x128xf32, #tpu.memory_space<hbm>>
        tpu.enqueue_indirect_dma source(%dma_start3A_195 : memref<10000x128xf32, #tpu.memory_space<hbm>>) target(%dma_start3A_189 : memref<128x128xf32, #tpu.memory_space<vmem>>) offsets(%dma_start3A_192 : memref<128xi32, #tpu.memory_space<vmem>>) semaphore(%arg11 : memref<!tpu.dma_semaphore, #tpu.memory_space<semaphore_mem>>)
      } else {
      }
      "tpu.region"() ({
        %run_scoped3A = tpu.sem_alloc : memref<!tpu.dma_semaphore, #tpu.memory_space<semaphore_mem>>
        %dma_start3A_143 = arith.constant 0 : i32
        %dma_start3A_144 = arith.constant 0 : i32
        %dma_start3A_145 = tpu.memref_slice %arg9[%rem3A_119, %dma_start3A_143, %dma_start3A_144] : memref<2x128x128xf32, #tpu.memory_space<vmem>> -> memref<1x128x128xf32, #tpu.memory_space<vmem>>
        %dma_start3A_146 = tpu.memref_squeeze %dma_start3A_145 : memref<1x128x128xf32, #tpu.memory_space<vmem>> -> memref<128x128xf32, #tpu.memory_space<vmem>>
        %dma_start3A_147 = arith.constant 0 : i32
        %dma_start3A_148 = tpu.memref_slice %arg8[%rem3A_119, %dma_start3A_147] : memref<2x128xi32, #tpu.memory_space<vmem>> -> memref<1x128xi32, #tpu.memory_space<vmem>>
        %dma_start3A_149 = tpu.memref_squeeze %dma_start3A_148 : memref<1x128xi32, #tpu.memory_space<vmem>> -> memref<128xi32, #tpu.memory_space<vmem>>
        %dma_start3A_150 = arith.constant 0 : i32
        %dma_start3A_151 = arith.constant 0 : i32
        %dma_start3A_152 = tpu.memref_slice %arg10[%dma_start3A_150, %dma_start3A_151] : memref<10016x128xf32, #tpu.memory_space<vmem_shared>> -> memref<10016x128xf32, #tpu.memory_space<vmem_shared>>
        tpu.enqueue_indirect_dma source(%dma_start3A_146 : memref<128x128xf32, #tpu.memory_space<vmem>>) target(%dma_start3A_152 : memref<10016x128xf32, #tpu.memory_space<vmem_shared>>) offsets(%dma_start3A_149 : memref<128xi32, #tpu.memory_space<vmem>>) semaphore(%run_scoped3A : memref<!tpu.dma_semaphore, #tpu.memory_space<semaphore_mem>>) {add = true}
        %dma_wait3A_153 = arith.constant 0 : i32
        %dma_wait3A_154 = arith.constant 0 : i32
        %dma_wait3A_155 = tpu.memref_slice %arg9[%rem3A_119, %dma_wait3A_153, %dma_wait3A_154] : memref<2x128x128xf32, #tpu.memory_space<vmem>> -> memref<1x128x128xf32, #tpu.memory_space<vmem>>
        %dma_wait3A_156 = tpu.memref_squeeze %dma_wait3A_155 : memref<1x128x128xf32, #tpu.memory_space<vmem>> -> memref<128x128xf32, #tpu.memory_space<vmem>>
        %dma_wait3A_157 = arith.constant 0 : i32
        %dma_wait3A_158 = tpu.memref_slice %arg8[%rem3A_119, %dma_wait3A_157] : memref<2x128xi32, #tpu.memory_space<vmem>> -> memref<1x128xi32, #tpu.memory_space<vmem>>
        %dma_wait3A_159 = tpu.memref_squeeze %dma_wait3A_158 : memref<1x128xi32, #tpu.memory_space<vmem>> -> memref<128xi32, #tpu.memory_space<vmem>>
        %dma_wait3A_160 = arith.constant 0 : i32
        %dma_wait3A_161 = arith.constant 0 : i32
        %dma_wait3A_162 = tpu.memref_slice %arg10[%dma_wait3A_160, %dma_wait3A_161] : memref<10016x128xf32, #tpu.memory_space<vmem_shared>> -> memref<10016x128xf32, #tpu.memory_space<vmem_shared>>
        tpu.wait_indirect_dma semaphore(%run_scoped3A : memref<!tpu.dma_semaphore, #tpu.memory_space<semaphore_mem>>) src(%dma_wait3A_156 : memref<128x128xf32, #tpu.memory_space<vmem>>) dst(%dma_wait3A_162 : memref<10016x128xf32, #tpu.memory_space<vmem_shared>>)
        tpu.yield
      }) : () -> ()
      %add3A_136 = arith.constant 2 : i32
      %add3A_137 = arith.addi %scan3A_118, %add3A_136 : i32
      %lt3A_138 = arith.constant 157 : i32
      %lt3A_139 = arith.cmpi slt, %add3A_137, %lt3A_138 : i32
      %convert_element_type3A_140 = arith.extui %lt3A_139 : i1 to i32
      %cond3A_141 = arith.constant 0 : i32
      %cond3A_142 = arith.cmpi ne, %convert_element_type3A_140, %cond3A_141 : i32
      scf.if %cond3A_142 {
        %add3A_143 = arith.constant 2 : i32
        %add3A_144 = arith.addi %scan3A_118, %add3A_143 : i32
        %mul3A_145 = arith.constant 321536 : i32
        %mul3A_146 = arith.muli %arg0, %mul3A_145 : i32
        %mul3A_147 = arith.constant 20096 : i32
        %mul3A_148 = arith.muli %arg1, %mul3A_147 : i32
        %add3A_149 = arith.addi %mul3A_146, %mul3A_148 : i32
        %mul3A_150 = arith.constant 128 : i32
        %mul3A_151 = arith.muli %add3A_144, %mul3A_150 : i32
        %add3A_152 = arith.addi %add3A_149, %mul3A_151 : i32
        %multiple_of3A_153 = tpu.assume_multiple %add3A_152, 8 : i32
        %add3A_154 = arith.constant 2 : i32
        %add3A_155 = arith.addi %add3A_154, %arg0 : i32
        %mul3A_156 = arith.constant 321536 : i32
        %mul3A_157 = arith.muli %add3A_155, %mul3A_156 : i32
        %mul3A_158 = arith.constant 20096 : i32
        %mul3A_159 = arith.muli %arg1, %mul3A_158 : i32
        %add3A_160 = arith.addi %mul3A_157, %mul3A_159 : i32
        %mul3A_161 = arith.constant 128 : i32
        %mul3A_162 = arith.muli %add3A_144, %mul3A_161 : i32
        %add3A_163 = arith.addi %add3A_160, %mul3A_162 : i32
        %multiple_of3A_164 = tpu.assume_multiple %add3A_163, 8 : i32
        %dma_start3A_165 = arith.constant 0 : i32
        %dma_start3A_166 = tpu.memref_slice %arg7[%rem3A_119, %dma_start3A_165] : memref<2x128xi32, #tpu.memory_space<vmem>> -> memref<1x128xi32, #tpu.memory_space<vmem>>
        %dma_start3A_167 = tpu.memref_squeeze %dma_start3A_166 : memref<1x128xi32, #tpu.memory_space<vmem>> -> memref<128xi32, #tpu.memory_space<vmem>>
        %dma_start3A_168 = tpu.memref_slice %arg3[%multiple_of3A_153] : memref<1286144xi32, #tpu.memory_space<hbm>> -> memref<128xi32, #tpu.memory_space<hbm>>
        %dma_start3A_169 = arith.constant 0 : i32
        %dma_start3A_170 = tpu.memref_slice %arg7[%rem3A_119, %dma_start3A_169] : memref<2x128xi32, #tpu.memory_space<vmem>> -> memref<1x128xi32, #tpu.memory_space<vmem>>
        %dma_start3A_171 = tpu.memref_squeeze %dma_start3A_170 : memref<1x128xi32, #tpu.memory_space<vmem>> -> memref<128xi32, #tpu.memory_space<vmem>>
        %dma_start3A_172 = tpu.memref_slice %arg3[%multiple_of3A_153] : memref<1286144xi32, #tpu.memory_space<hbm>> -> memref<128xi32, #tpu.memory_space<hbm>>
        tpu.enqueue_dma source(%dma_start3A_172 : memref<128xi32, #tpu.memory_space<hbm>>) target(%dma_start3A_171 : memref<128xi32, #tpu.memory_space<vmem>>) target_semaphore(%arg12 : memref<!tpu.dma_semaphore, #tpu.memory_space<semaphore_mem>>)
        %dma_start3A_173 = arith.constant 0 : i32
        %dma_start3A_174 = tpu.memref_slice %arg8[%rem3A_119, %dma_start3A_173] : memref<2x128xi32, #tpu.memory_space<vmem>> -> memref<1x128xi32, #tpu.memory_space<vmem>>
        %dma_start3A_175 = tpu.memref_squeeze %dma_start3A_174 : memref<1x128xi32, #tpu.memory_space<vmem>> -> memref<128xi32, #tpu.memory_space<vmem>>
        %dma_start3A_176 = tpu.memref_slice %arg3[%multiple_of3A_164] : memref<1286144xi32, #tpu.memory_space<hbm>> -> memref<128xi32, #tpu.memory_space<hbm>>
        %dma_start3A_177 = arith.constant 0 : i32
        %dma_start3A_178 = tpu.memref_slice %arg8[%rem3A_119, %dma_start3A_177] : memref<2x128xi32, #tpu.memory_space<vmem>> -> memref<1x128xi32, #tpu.memory_space<vmem>>
        %dma_start3A_179 = tpu.memref_squeeze %dma_start3A_178 : memref<1x128xi32, #tpu.memory_space<vmem>> -> memref<128xi32, #tpu.memory_space<vmem>>
        %dma_start3A_180 = tpu.memref_slice %arg3[%multiple_of3A_164] : memref<1286144xi32, #tpu.memory_space<hbm>> -> memref<128xi32, #tpu.memory_space<hbm>>
        tpu.enqueue_dma source(%dma_start3A_180 : memref<128xi32, #tpu.memory_space<hbm>>) target(%dma_start3A_179 : memref<128xi32, #tpu.memory_space<vmem>>) target_semaphore(%arg12 : memref<!tpu.dma_semaphore, #tpu.memory_space<semaphore_mem>>)
      } else {
      }
    }
    %scan3A_106 = arith.constant 157 : i32
    %barrier3A_107 = arith.constant 0 : index
    tpu.barrier barrier_id(%barrier3A_107)
    %eq3A_108 = arith.constant 0 : i32
    %eq3A_109 = arith.cmpi eq, %arg0, %eq3A_108 : i32
    %convert_element_type3A_110 = arith.extui %eq3A_109 : i1 to i32
    %cond3A_111 = arith.constant 0 : i32
    %cond3A_112 = arith.cmpi ne, %convert_element_type3A_110, %cond3A_111 : i32
    scf.if %cond3A_112 {
      "tpu.region"() ({
        %run_scoped3A = tpu.sem_alloc : memref<!tpu.dma_semaphore, #tpu.memory_space<semaphore_mem>>
        %dma_start3A_123 = arith.constant 0 : i32
        %dma_start3A_124 = tpu.memref_slice %arg5[%multiple_of3A, %dma_start3A_123] : memref<10000x128xf32, #tpu.memory_space<hbm>> -> memref<624x128xf32, #tpu.memory_space<hbm>>
        %dma_start3A_125 = arith.constant 0 : i32
        %dma_start3A_126 = tpu.memref_slice %arg10[%multiple_of3A, %dma_start3A_125] : memref<10016x128xf32, #tpu.memory_space<vmem_shared>> -> memref<624x128xf32, #tpu.memory_space<vmem_shared>>
        tpu.enqueue_dma source(%dma_start3A_126 : memref<624x128xf32, #tpu.memory_space<vmem_shared>>) target(%dma_start3A_124 : memref<624x128xf32, #tpu.memory_space<hbm>>) target_semaphore(%run_scoped3A : memref<!tpu.dma_semaphore, #tpu.memory_space<semaphore_mem>>)
        %dma_wait3A_127 = arith.constant 0 : i32
        %dma_wait3A_128 = tpu.memref_slice %arg5[%multiple_of3A, %dma_wait3A_127] : memref<10000x128xf32, #tpu.memory_space<hbm>> -> memref<624x128xf32, #tpu.memory_space<hbm>>
        %dma_wait3A_129 = arith.constant 0 : i32
        %dma_wait3A_130 = tpu.memref_slice %arg10[%multiple_of3A, %dma_wait3A_129] : memref<10016x128xf32, #tpu.memory_space<vmem_shared>> -> memref<624x128xf32, #tpu.memory_space<vmem_shared>>
        tpu.wait_dma2 semaphore(%run_scoped3A : memref<!tpu.dma_semaphore, #tpu.memory_space<semaphore_mem>>) src(%dma_wait3A_130 : memref<624x128xf32, #tpu.memory_space<vmem_shared>>) dst(%dma_wait3A_128 : memref<624x128xf32, #tpu.memory_space<hbm>>)
        tpu.yield
      }) : () -> ()
      %eq3A_118 = arith.constant 15 : i32
      %eq3A_119 = arith.cmpi eq, %arg1, %eq3A_118 : i32
      %convert_element_type3A_120 = arith.extui %eq3A_119 : i1 to i32
      %cond3A_121 = arith.constant 0 : i32
      %cond3A_122 = arith.cmpi ne, %convert_element_type3A_120, %cond3A_121 : i32
      scf.if %cond3A_122 {
        "tpu.region"() ({
          %run_scoped3A = tpu.sem_alloc : memref<!tpu.dma_semaphore, #tpu.memory_space<semaphore_mem>>
          %dma_start3A_123 = arith.constant 9984 : i32
          %dma_start3A_124 = arith.constant 0 : i32
          %dma_start3A_125 = tpu.memref_slice %arg5[%dma_start3A_123, %dma_start3A_124] : memref<10000x128xf32, #tpu.memory_space<hbm>> -> memref<16x128xf32, #tpu.memory_space<hbm>>
          %dma_start3A_126 = arith.constant 9984 : i32
          %dma_start3A_127 = arith.constant 0 : i32
          %dma_start3A_128 = tpu.memref_slice %arg10[%dma_start3A_126, %dma_start3A_127] : memref<10016x128xf32, #tpu.memory_space<vmem_shared>> -> memref<16x128xf32, #tpu.memory_space<vmem_shared>>
          tpu.enqueue_dma source(%dma_start3A_128 : memref<16x128xf32, #tpu.memory_space<vmem_shared>>) target(%dma_start3A_125 : memref<16x128xf32, #tpu.memory_space<hbm>>) target_semaphore(%run_scoped3A : memref<!tpu.dma_semaphore, #tpu.memory_space<semaphore_mem>>)
          %dma_wait3A_129 = arith.constant 9984 : i32
          %dma_wait3A_130 = arith.constant 0 : i32
          %dma_wait3A_131 = tpu.memref_slice %arg5[%dma_wait3A_129, %dma_wait3A_130] : memref<10000x128xf32, #tpu.memory_space<hbm>> -> memref<16x128xf32, #tpu.memory_space<hbm>>
          %dma_wait3A_132 = arith.constant 9984 : i32
          %dma_wait3A_133 = arith.constant 0 : i32
          %dma_wait3A_134 = tpu.memref_slice %arg10[%dma_wait3A_132, %dma_wait3A_133] : memref<10016x128xf32, #tpu.memory_space<vmem_shared>> -> memref<16x128xf32, #tpu.memory_space<vmem_shared>>
          tpu.wait_dma2 semaphore(%run_scoped3A : memref<!tpu.dma_semaphore, #tpu.memory_space<semaphore_mem>>) src(%dma_wait3A_134 : memref<16x128xf32, #tpu.memory_space<vmem_shared>>) dst(%dma_wait3A_131 : memref<16x128xf32, #tpu.memory_space<hbm>>)
          tpu.yield
        }) : () -> ()
      } else {
      }
    } else {
    }
    %eq3A_113 = arith.constant 1 : i32
    %eq3A_114 = arith.cmpi eq, %arg0, %eq3A_113 : i32
    %convert_element_type3A_115 = arith.extui %eq3A_114 : i1 to i32
    %cond3A_116 = arith.constant 0 : i32
    %cond3A_117 = arith.cmpi ne, %convert_element_type3A_115, %cond3A_116 : i32
    scf.if %cond3A_117 {
      "tpu.region"() ({
        %run_scoped3A = tpu.sem_alloc : memref<!tpu.dma_semaphore, #tpu.memory_space<semaphore_mem>>
        %dma_start3A_123 = arith.constant 0 : i32
        %dma_start3A_124 = tpu.memref_slice %arg6[%multiple_of3A, %dma_start3A_123] : memref<10000x128xf32, #tpu.memory_space<hbm>> -> memref<624x128xf32, #tpu.memory_space<hbm>>
        %dma_start3A_125 = arith.constant 0 : i32
        %dma_start3A_126 = tpu.memref_slice %arg10[%multiple_of3A, %dma_start3A_125] : memref<10016x128xf32, #tpu.memory_space<vmem_shared>> -> memref<624x128xf32, #tpu.memory_space<vmem_shared>>
        tpu.enqueue_dma source(%dma_start3A_126 : memref<624x128xf32, #tpu.memory_space<vmem_shared>>) target(%dma_start3A_124 : memref<624x128xf32, #tpu.memory_space<hbm>>) target_semaphore(%run_scoped3A : memref<!tpu.dma_semaphore, #tpu.memory_space<semaphore_mem>>)
        %dma_wait3A_127 = arith.constant 0 : i32
        %dma_wait3A_128 = tpu.memref_slice %arg6[%multiple_of3A, %dma_wait3A_127] : memref<10000x128xf32, #tpu.memory_space<hbm>> -> memref<624x128xf32, #tpu.memory_space<hbm>>
        %dma_wait3A_129 = arith.constant 0 : i32
        %dma_wait3A_130 = tpu.memref_slice %arg10[%multiple_of3A, %dma_wait3A_129] : memref<10016x128xf32, #tpu.memory_space<vmem_shared>> -> memref<624x128xf32, #tpu.memory_space<vmem_shared>>
        tpu.wait_dma2 semaphore(%run_scoped3A : memref<!tpu.dma_semaphore, #tpu.memory_space<semaphore_mem>>) src(%dma_wait3A_130 : memref<624x128xf32, #tpu.memory_space<vmem_shared>>) dst(%dma_wait3A_128 : memref<624x128xf32, #tpu.memory_space<hbm>>)
        tpu.yield
      }) : () -> ()
      %eq3A_118 = arith.constant 15 : i32
      %eq3A_119 = arith.cmpi eq, %arg1, %eq3A_118 : i32
      %convert_element_type3A_120 = arith.extui %eq3A_119 : i1 to i32
      %cond3A_121 = arith.constant 0 : i32
      %cond3A_122 = arith.cmpi ne, %convert_element_type3A_120, %cond3A_121 : i32
      scf.if %cond3A_122 {
        "tpu.region"() ({
          %run_scoped3A = tpu.sem_alloc : memref<!tpu.dma_semaphore, #tpu.memory_space<semaphore_mem>>
          %dma_start3A_123 = arith.constant 9984 : i32
          %dma_start3A_124 = arith.constant 0 : i32
          %dma_start3A_125 = tpu.memref_slice %arg6[%dma_start3A_123, %dma_start3A_124] : memref<10000x128xf32, #tpu.memory_space<hbm>> -> memref<16x128xf32, #tpu.memory_space<hbm>>
          %dma_start3A_126 = arith.constant 9984 : i32
          %dma_start3A_127 = arith.constant 0 : i32
          %dma_start3A_128 = tpu.memref_slice %arg10[%dma_start3A_126, %dma_start3A_127] : memref<10016x128xf32, #tpu.memory_space<vmem_shared>> -> memref<16x128xf32, #tpu.memory_space<vmem_shared>>
          tpu.enqueue_dma source(%dma_start3A_128 : memref<16x128xf32, #tpu.memory_space<vmem_shared>>) target(%dma_start3A_125 : memref<16x128xf32, #tpu.memory_space<hbm>>) target_semaphore(%run_scoped3A : memref<!tpu.dma_semaphore, #tpu.memory_space<semaphore_mem>>)
          %dma_wait3A_129 = arith.constant 9984 : i32
          %dma_wait3A_130 = arith.constant 0 : i32
          %dma_wait3A_131 = tpu.memref_slice %arg6[%dma_wait3A_129, %dma_wait3A_130] : memref<10000x128xf32, #tpu.memory_space<hbm>> -> memref<16x128xf32, #tpu.memory_space<hbm>>
          %dma_wait3A_132 = arith.constant 9984 : i32
          %dma_wait3A_133 = arith.constant 0 : i32
          %dma_wait3A_134 = tpu.memref_slice %arg10[%dma_wait3A_132, %dma_wait3A_133] : memref<10016x128xf32, #tpu.memory_space<vmem_shared>> -> memref<16x128xf32, #tpu.memory_space<vmem_shared>>
          tpu.wait_dma2 semaphore(%run_scoped3A : memref<!tpu.dma_semaphore, #tpu.memory_space<semaphore_mem>>) src(%dma_wait3A_134 : memref<16x128xf32, #tpu.memory_space<vmem_shared>>) dst(%dma_wait3A_131 : memref<16x128xf32, #tpu.memory_space<hbm>>)
          tpu.yield
        }) : () -> ()
      } else {
      }
    } else {
    }
    return
  }
}

#map = affine_map<(d0, d1) -> (0, 0)>
#map1 = affine_map<(d0, d1) -> (0)>
module attributes {stable_mosaic.version = 14 : i64} {
  func.func @_msg_body(%arg0: i32, %arg1: i32, %arg2: memref<10000x128xf32, #tpu.memory_space<hbm>>, %arg3: memref<1286144xi32, #tpu.memory_space<hbm>>, %arg4: memref<624x128xf32, #tpu.memory_space<hbm>>, %arg5: memref<10000x128xf32, #tpu.memory_space<hbm>>, %arg6: memref<10000x128xf32, #tpu.memory_space<hbm>>, %arg7: memref<2x128xi32, #tpu.memory_space<vmem>>, %arg8: memref<2x128xi32, #tpu.memory_space<vmem>>, %arg9: memref<2x128x128xf32, #tpu.memory_space<vmem>>, %arg10: memref<10016x128xf32, #tpu.memory_space<vmem_shared>>, %arg11: memref<!tpu.dma_semaphore, #tpu.memory_space<semaphore_mem>>, %arg12: memref<!tpu.dma_semaphore, #tpu.memory_space<semaphore_mem>>) attributes {dimension_semantics = [#tpu.dimension_semantics<core_parallel>, #tpu.dimension_semantics<subcore_parallel>], iteration_bounds = array<i64: 2, 16>, scalar_prefetch = 0 : i64, scratch_operands = 6 : i64, tpu.core_type = #tpu.core_type<sc_vector_subcore>, window_params = [{transform_indices = #map}, {transform_indices = #map1}, {transform_indices = #map}, {transform_indices = #map}, {transform_indices = #map}]} {
    %mul3A = arith.constant 624 : i32
    %mul3A_0 = arith.muli %arg1, %mul3A : i32
    %multiple_of3A = tpu.assume_multiple %mul3A_0, 8 : i32
    "tpu.region"() ({
      %run_scoped3A = tpu.sem_alloc : memref<!tpu.dma_semaphore, #tpu.memory_space<semaphore_mem>>
      %dma_start3A_118 = arith.constant 0 : i32
      %dma_start3A_119 = tpu.memref_slice %arg10[%multiple_of3A, %dma_start3A_118] : memref<10016x128xf32, #tpu.memory_space<vmem_shared>> -> memref<624x128xf32, #tpu.memory_space<vmem_shared>>
      %dma_start3A_120 = arith.constant 0 : i32
      %dma_start3A_121 = arith.constant 0 : i32
      %dma_start3A_122 = tpu.memref_slice %arg4[%dma_start3A_120, %dma_start3A_121] : memref<624x128xf32, #tpu.memory_space<hbm>> -> memref<624x128xf32, #tpu.memory_space<hbm>>
      tpu.enqueue_dma source(%dma_start3A_122 : memref<624x128xf32, #tpu.memory_space<hbm>>) target(%dma_start3A_119 : memref<624x128xf32, #tpu.memory_space<vmem_shared>>) target_semaphore(%run_scoped3A : memref<!tpu.dma_semaphore, #tpu.memory_space<semaphore_mem>>)
      %dma_wait3A_123 = arith.constant 0 : i32
      %dma_wait3A_124 = tpu.memref_slice %arg10[%multiple_of3A, %dma_wait3A_123] : memref<10016x128xf32, #tpu.memory_space<vmem_shared>> -> memref<624x128xf32, #tpu.memory_space<vmem_shared>>
      %dma_wait3A_125 = arith.constant 0 : i32
      %dma_wait3A_126 = arith.constant 0 : i32
      %dma_wait3A_127 = tpu.memref_slice %arg4[%dma_wait3A_125, %dma_wait3A_126] : memref<624x128xf32, #tpu.memory_space<hbm>> -> memref<624x128xf32, #tpu.memory_space<hbm>>
      tpu.wait_dma2 semaphore(%run_scoped3A : memref<!tpu.dma_semaphore, #tpu.memory_space<semaphore_mem>>) src(%dma_wait3A_127 : memref<624x128xf32, #tpu.memory_space<hbm>>) dst(%dma_wait3A_124 : memref<624x128xf32, #tpu.memory_space<vmem_shared>>)
      tpu.yield
    }) : () -> ()
    %eq3A = arith.constant 15 : i32
    %eq3A_1 = arith.cmpi eq, %arg1, %eq3A : i32
    %convert_element_type3A = arith.extui %eq3A_1 : i1 to i32
    %cond3A = arith.constant 0 : i32
    %cond3A_2 = arith.cmpi ne, %convert_element_type3A, %cond3A : i32
    scf.if %cond3A_2 {
      "tpu.region"() ({
        %run_scoped3A = tpu.sem_alloc : memref<!tpu.dma_semaphore, #tpu.memory_space<semaphore_mem>>
        %dma_start3A_118 = arith.constant 9984 : i32
        %dma_start3A_119 = arith.constant 0 : i32
        %dma_start3A_120 = tpu.memref_slice %arg10[%dma_start3A_118, %dma_start3A_119] : memref<10016x128xf32, #tpu.memory_space<vmem_shared>> -> memref<16x128xf32, #tpu.memory_space<vmem_shared>>
        %dma_start3A_121 = arith.constant 0 : i32
        %dma_start3A_122 = arith.constant 0 : i32
        %dma_start3A_123 = tpu.memref_slice %arg4[%dma_start3A_121, %dma_start3A_122] : memref<624x128xf32, #tpu.memory_space<hbm>> -> memref<16x128xf32, #tpu.memory_space<hbm>>
        tpu.enqueue_dma source(%dma_start3A_123 : memref<16x128xf32, #tpu.memory_space<hbm>>) target(%dma_start3A_120 : memref<16x128xf32, #tpu.memory_space<vmem_shared>>) target_semaphore(%run_scoped3A : memref<!tpu.dma_semaphore, #tpu.memory_space<semaphore_mem>>)
        %dma_wait3A_124 = arith.constant 9984 : i32
        %dma_wait3A_125 = arith.constant 0 : i32
        %dma_wait3A_126 = tpu.memref_slice %arg10[%dma_wait3A_124, %dma_wait3A_125] : memref<10016x128xf32, #tpu.memory_space<vmem_shared>> -> memref<16x128xf32, #tpu.memory_space<vmem_shared>>
        %dma_wait3A_127 = arith.constant 0 : i32
        %dma_wait3A_128 = arith.constant 0 : i32
        %dma_wait3A_129 = tpu.memref_slice %arg4[%dma_wait3A_127, %dma_wait3A_128] : memref<624x128xf32, #tpu.memory_space<hbm>> -> memref<16x128xf32, #tpu.memory_space<hbm>>
        tpu.wait_dma2 semaphore(%run_scoped3A : memref<!tpu.dma_semaphore, #tpu.memory_space<semaphore_mem>>) src(%dma_wait3A_129 : memref<16x128xf32, #tpu.memory_space<hbm>>) dst(%dma_wait3A_126 : memref<16x128xf32, #tpu.memory_space<vmem_shared>>)
        tpu.yield
      }) : () -> ()
    } else {
    }
    %barrier3A = arith.constant 0 : index
    tpu.barrier barrier_id(%barrier3A)
    %mul3A_3 = arith.constant 321536 : i32
    %mul3A_4 = arith.muli %arg0, %mul3A_3 : i32
    %mul3A_5 = arith.constant 20096 : i32
    %mul3A_6 = arith.muli %arg1, %mul3A_5 : i32
    %add3A = arith.addi %mul3A_4, %mul3A_6 : i32
    %add3A_7 = arith.constant 0 : i32
    %add3A_8 = arith.addi %add3A, %add3A_7 : i32
    %multiple_of3A_9 = tpu.assume_multiple %add3A_8, 8 : i32
    %add3A_10 = arith.constant 2 : i32
    %add3A_11 = arith.addi %add3A_10, %arg0 : i32
    %mul3A_12 = arith.constant 321536 : i32
    %mul3A_13 = arith.muli %add3A_11, %mul3A_12 : i32
    %mul3A_14 = arith.constant 20096 : i32
    %mul3A_15 = arith.muli %arg1, %mul3A_14 : i32
    %add3A_16 = arith.addi %mul3A_13, %mul3A_15 : i32
    %add3A_17 = arith.constant 0 : i32
    %add3A_18 = arith.addi %add3A_16, %add3A_17 : i32
    %multiple_of3A_19 = tpu.assume_multiple %add3A_18, 8 : i32
    %dma_start3A = arith.constant 0 : i32
    %dma_start3A_20 = arith.constant 0 : i32
    %dma_start3A_21 = tpu.memref_slice %arg7[%dma_start3A, %dma_start3A_20] : memref<2x128xi32, #tpu.memory_space<vmem>> -> memref<1x128xi32, #tpu.memory_space<vmem>>
    %dma_start3A_22 = tpu.memref_squeeze %dma_start3A_21 : memref<1x128xi32, #tpu.memory_space<vmem>> -> memref<128xi32, #tpu.memory_space<vmem>>
    %dma_start3A_23 = tpu.memref_slice %arg3[%multiple_of3A_9] : memref<1286144xi32, #tpu.memory_space<hbm>> -> memref<128xi32, #tpu.memory_space<hbm>>
    %dma_start3A_24 = arith.constant 0 : i32
    %dma_start3A_25 = tpu.memref_slice %arg7[%dma_start3A, %dma_start3A_24] : memref<2x128xi32, #tpu.memory_space<vmem>> -> memref<1x128xi32, #tpu.memory_space<vmem>>
    %dma_start3A_26 = tpu.memref_squeeze %dma_start3A_25 : memref<1x128xi32, #tpu.memory_space<vmem>> -> memref<128xi32, #tpu.memory_space<vmem>>
    %dma_start3A_27 = tpu.memref_slice %arg3[%multiple_of3A_9] : memref<1286144xi32, #tpu.memory_space<hbm>> -> memref<128xi32, #tpu.memory_space<hbm>>
    tpu.enqueue_dma source(%dma_start3A_27 : memref<128xi32, #tpu.memory_space<hbm>>) target(%dma_start3A_26 : memref<128xi32, #tpu.memory_space<vmem>>) target_semaphore(%arg12 : memref<!tpu.dma_semaphore, #tpu.memory_space<semaphore_mem>>)
    %dma_wait3A = arith.constant 0 : i32
    %dma_wait3A_28 = arith.constant 0 : i32
    %dma_wait3A_29 = tpu.memref_slice %arg7[%dma_wait3A, %dma_wait3A_28] : memref<2x128xi32, #tpu.memory_space<vmem>> -> memref<1x128xi32, #tpu.memory_space<vmem>>
    %dma_wait3A_30 = tpu.memref_squeeze %dma_wait3A_29 : memref<1x128xi32, #tpu.memory_space<vmem>> -> memref<128xi32, #tpu.memory_space<vmem>>
    %dma_wait3A_31 = tpu.memref_slice %arg3[%multiple_of3A_9] : memref<1286144xi32, #tpu.memory_space<hbm>> -> memref<128xi32, #tpu.memory_space<hbm>>
    %dma_wait3A_32 = arith.constant 0 : i32
    %dma_wait3A_33 = tpu.memref_slice %arg7[%dma_wait3A, %dma_wait3A_32] : memref<2x128xi32, #tpu.memory_space<vmem>> -> memref<1x128xi32, #tpu.memory_space<vmem>>
    %dma_wait3A_34 = tpu.memref_squeeze %dma_wait3A_33 : memref<1x128xi32, #tpu.memory_space<vmem>> -> memref<128xi32, #tpu.memory_space<vmem>>
    %dma_wait3A_35 = tpu.memref_slice %arg3[%multiple_of3A_9] : memref<1286144xi32, #tpu.memory_space<hbm>> -> memref<128xi32, #tpu.memory_space<hbm>>
    tpu.wait_dma2 semaphore(%arg12 : memref<!tpu.dma_semaphore, #tpu.memory_space<semaphore_mem>>) src(%dma_wait3A_35 : memref<128xi32, #tpu.memory_space<hbm>>) dst(%dma_wait3A_34 : memref<128xi32, #tpu.memory_space<vmem>>)
    %dma_start3A_36 = arith.constant 0 : i32
    %dma_start3A_37 = arith.constant 0 : i32
    %dma_start3A_38 = tpu.memref_slice %arg8[%dma_start3A_36, %dma_start3A_37] : memref<2x128xi32, #tpu.memory_space<vmem>> -> memref<1x128xi32, #tpu.memory_space<vmem>>
    %dma_start3A_39 = tpu.memref_squeeze %dma_start3A_38 : memref<1x128xi32, #tpu.memory_space<vmem>> -> memref<128xi32, #tpu.memory_space<vmem>>
    %dma_start3A_40 = tpu.memref_slice %arg3[%multiple_of3A_19] : memref<1286144xi32, #tpu.memory_space<hbm>> -> memref<128xi32, #tpu.memory_space<hbm>>
    %dma_start3A_41 = arith.constant 0 : i32
    %dma_start3A_42 = tpu.memref_slice %arg8[%dma_start3A_36, %dma_start3A_41] : memref<2x128xi32, #tpu.memory_space<vmem>> -> memref<1x128xi32, #tpu.memory_space<vmem>>
    %dma_start3A_43 = tpu.memref_squeeze %dma_start3A_42 : memref<1x128xi32, #tpu.memory_space<vmem>> -> memref<128xi32, #tpu.memory_space<vmem>>
    %dma_start3A_44 = tpu.memref_slice %arg3[%multiple_of3A_19] : memref<1286144xi32, #tpu.memory_space<hbm>> -> memref<128xi32, #tpu.memory_space<hbm>>
    tpu.enqueue_dma source(%dma_start3A_44 : memref<128xi32, #tpu.memory_space<hbm>>) target(%dma_start3A_43 : memref<128xi32, #tpu.memory_space<vmem>>) target_semaphore(%arg12 : memref<!tpu.dma_semaphore, #tpu.memory_space<semaphore_mem>>)
    %dma_wait3A_45 = arith.constant 0 : i32
    %dma_wait3A_46 = arith.constant 0 : i32
    %dma_wait3A_47 = tpu.memref_slice %arg8[%dma_wait3A_45, %dma_wait3A_46] : memref<2x128xi32, #tpu.memory_space<vmem>> -> memref<1x128xi32, #tpu.memory_space<vmem>>
    %dma_wait3A_48 = tpu.memref_squeeze %dma_wait3A_47 : memref<1x128xi32, #tpu.memory_space<vmem>> -> memref<128xi32, #tpu.memory_space<vmem>>
    %dma_wait3A_49 = tpu.memref_slice %arg3[%multiple_of3A_19] : memref<1286144xi32, #tpu.memory_space<hbm>> -> memref<128xi32, #tpu.memory_space<hbm>>
    %dma_wait3A_50 = arith.constant 0 : i32
    %dma_wait3A_51 = tpu.memref_slice %arg8[%dma_wait3A_45, %dma_wait3A_50] : memref<2x128xi32, #tpu.memory_space<vmem>> -> memref<1x128xi32, #tpu.memory_space<vmem>>
    %dma_wait3A_52 = tpu.memref_squeeze %dma_wait3A_51 : memref<1x128xi32, #tpu.memory_space<vmem>> -> memref<128xi32, #tpu.memory_space<vmem>>
    %dma_wait3A_53 = tpu.memref_slice %arg3[%multiple_of3A_19] : memref<1286144xi32, #tpu.memory_space<hbm>> -> memref<128xi32, #tpu.memory_space<hbm>>
    tpu.wait_dma2 semaphore(%arg12 : memref<!tpu.dma_semaphore, #tpu.memory_space<semaphore_mem>>) src(%dma_wait3A_53 : memref<128xi32, #tpu.memory_space<hbm>>) dst(%dma_wait3A_52 : memref<128xi32, #tpu.memory_space<vmem>>)
    %dma_start3A_54 = arith.constant 0 : i32
    %dma_start3A_55 = arith.constant 0 : i32
    %dma_start3A_56 = arith.constant 0 : i32
    %dma_start3A_57 = arith.constant 0 : i32
    %dma_start3A_58 = tpu.memref_slice %arg9[%dma_start3A_55, %dma_start3A_56, %dma_start3A_57] : memref<2x128x128xf32, #tpu.memory_space<vmem>> -> memref<1x128x128xf32, #tpu.memory_space<vmem>>
    %dma_start3A_59 = tpu.memref_squeeze %dma_start3A_58 : memref<1x128x128xf32, #tpu.memory_space<vmem>> -> memref<128x128xf32, #tpu.memory_space<vmem>>
    %dma_start3A_60 = arith.constant 0 : i32
    %dma_start3A_61 = tpu.memref_slice %arg7[%dma_start3A_54, %dma_start3A_60] : memref<2x128xi32, #tpu.memory_space<vmem>> -> memref<1x128xi32, #tpu.memory_space<vmem>>
    %dma_start3A_62 = tpu.memref_squeeze %dma_start3A_61 : memref<1x128xi32, #tpu.memory_space<vmem>> -> memref<128xi32, #tpu.memory_space<vmem>>
    %dma_start3A_63 = arith.constant 0 : i32
    %dma_start3A_64 = arith.constant 0 : i32
    %dma_start3A_65 = tpu.memref_slice %arg2[%dma_start3A_63, %dma_start3A_64] : memref<10000x128xf32, #tpu.memory_space<hbm>> -> memref<10000x128xf32, #tpu.memory_space<hbm>>
    tpu.enqueue_indirect_dma source(%dma_start3A_65 : memref<10000x128xf32, #tpu.memory_space<hbm>>) target(%dma_start3A_59 : memref<128x128xf32, #tpu.memory_space<vmem>>) offsets(%dma_start3A_62 : memref<128xi32, #tpu.memory_space<vmem>>) semaphore(%arg11 : memref<!tpu.dma_semaphore, #tpu.memory_space<semaphore_mem>>)
    %mul3A_66 = arith.constant 321536 : i32
    %mul3A_67 = arith.muli %arg0, %mul3A_66 : i32
    %mul3A_68 = arith.constant 20096 : i32
    %mul3A_69 = arith.muli %arg1, %mul3A_68 : i32
    %add3A_70 = arith.addi %mul3A_67, %mul3A_69 : i32
    %add3A_71 = arith.constant 128 : i32
    %add3A_72 = arith.addi %add3A_70, %add3A_71 : i32
    %multiple_of3A_73 = tpu.assume_multiple %add3A_72, 8 : i32
    %add3A_74 = arith.constant 2 : i32
    %add3A_75 = arith.addi %add3A_74, %arg0 : i32
    %mul3A_76 = arith.constant 321536 : i32
    %mul3A_77 = arith.muli %add3A_75, %mul3A_76 : i32
    %mul3A_78 = arith.constant 20096 : i32
    %mul3A_79 = arith.muli %arg1, %mul3A_78 : i32
    %add3A_80 = arith.addi %mul3A_77, %mul3A_79 : i32
    %add3A_81 = arith.constant 128 : i32
    %add3A_82 = arith.addi %add3A_80, %add3A_81 : i32
    %multiple_of3A_83 = tpu.assume_multiple %add3A_82, 8 : i32
    %dma_start3A_84 = arith.constant 1 : i32
    %dma_start3A_85 = arith.constant 0 : i32
    %dma_start3A_86 = tpu.memref_slice %arg7[%dma_start3A_84, %dma_start3A_85] : memref<2x128xi32, #tpu.memory_space<vmem>> -> memref<1x128xi32, #tpu.memory_space<vmem>>
    %dma_start3A_87 = tpu.memref_squeeze %dma_start3A_86 : memref<1x128xi32, #tpu.memory_space<vmem>> -> memref<128xi32, #tpu.memory_space<vmem>>
    %dma_start3A_88 = tpu.memref_slice %arg3[%multiple_of3A_73] : memref<1286144xi32, #tpu.memory_space<hbm>> -> memref<128xi32, #tpu.memory_space<hbm>>
    %dma_start3A_89 = arith.constant 0 : i32
    %dma_start3A_90 = tpu.memref_slice %arg7[%dma_start3A_84, %dma_start3A_89] : memref<2x128xi32, #tpu.memory_space<vmem>> -> memref<1x128xi32, #tpu.memory_space<vmem>>
    %dma_start3A_91 = tpu.memref_squeeze %dma_start3A_90 : memref<1x128xi32, #tpu.memory_space<vmem>> -> memref<128xi32, #tpu.memory_space<vmem>>
    %dma_start3A_92 = tpu.memref_slice %arg3[%multiple_of3A_73] : memref<1286144xi32, #tpu.memory_space<hbm>> -> memref<128xi32, #tpu.memory_space<hbm>>
    tpu.enqueue_dma source(%dma_start3A_92 : memref<128xi32, #tpu.memory_space<hbm>>) target(%dma_start3A_91 : memref<128xi32, #tpu.memory_space<vmem>>) target_semaphore(%arg12 : memref<!tpu.dma_semaphore, #tpu.memory_space<semaphore_mem>>)
    %dma_start3A_93 = arith.constant 1 : i32
    %dma_start3A_94 = arith.constant 0 : i32
    %dma_start3A_95 = tpu.memref_slice %arg8[%dma_start3A_93, %dma_start3A_94] : memref<2x128xi32, #tpu.memory_space<vmem>> -> memref<1x128xi32, #tpu.memory_space<vmem>>
    %dma_start3A_96 = tpu.memref_squeeze %dma_start3A_95 : memref<1x128xi32, #tpu.memory_space<vmem>> -> memref<128xi32, #tpu.memory_space<vmem>>
    %dma_start3A_97 = tpu.memref_slice %arg3[%multiple_of3A_83] : memref<1286144xi32, #tpu.memory_space<hbm>> -> memref<128xi32, #tpu.memory_space<hbm>>
    %dma_start3A_98 = arith.constant 0 : i32
    %dma_start3A_99 = tpu.memref_slice %arg8[%dma_start3A_93, %dma_start3A_98] : memref<2x128xi32, #tpu.memory_space<vmem>> -> memref<1x128xi32, #tpu.memory_space<vmem>>
    %dma_start3A_100 = tpu.memref_squeeze %dma_start3A_99 : memref<1x128xi32, #tpu.memory_space<vmem>> -> memref<128xi32, #tpu.memory_space<vmem>>
    %dma_start3A_101 = tpu.memref_slice %arg3[%multiple_of3A_83] : memref<1286144xi32, #tpu.memory_space<hbm>> -> memref<128xi32, #tpu.memory_space<hbm>>
    tpu.enqueue_dma source(%dma_start3A_101 : memref<128xi32, #tpu.memory_space<hbm>>) target(%dma_start3A_100 : memref<128xi32, #tpu.memory_space<vmem>>) target_semaphore(%arg12 : memref<!tpu.dma_semaphore, #tpu.memory_space<semaphore_mem>>)
    %scan3A = arith.constant 0 : i32
    %scan3A_102 = arith.constant 0 : i32
    %scan3A_103 = arith.constant 157 : i32
    %scan3A_104 = arith.addi %scan3A_102, %scan3A_103 : i32
    %scan3A_105 = arith.constant 1 : i32
    scf.for %scan3A_118 = %scan3A_102 to %scan3A_104 step %scan3A_105  : i32 {
      %rem3A = arith.constant 2 : i32
      %rem3A_119 = arith.remsi %scan3A_118, %rem3A : i32
      %dma_wait3A_120 = arith.constant 0 : i32
      %dma_wait3A_121 = arith.constant 0 : i32
      %dma_wait3A_122 = tpu.memref_slice %arg9[%rem3A_119, %dma_wait3A_120, %dma_wait3A_121] : memref<2x128x128xf32, #tpu.memory_space<vmem>> -> memref<1x128x128xf32, #tpu.memory_space<vmem>>
      %dma_wait3A_123 = tpu.memref_squeeze %dma_wait3A_122 : memref<1x128x128xf32, #tpu.memory_space<vmem>> -> memref<128x128xf32, #tpu.memory_space<vmem>>
      %dma_wait3A_124 = arith.constant 0 : i32
      %dma_wait3A_125 = tpu.memref_slice %arg7[%rem3A_119, %dma_wait3A_124] : memref<2x128xi32, #tpu.memory_space<vmem>> -> memref<1x128xi32, #tpu.memory_space<vmem>>
      %dma_wait3A_126 = tpu.memref_squeeze %dma_wait3A_125 : memref<1x128xi32, #tpu.memory_space<vmem>> -> memref<128xi32, #tpu.memory_space<vmem>>
      %dma_wait3A_127 = arith.constant 0 : i32
      %dma_wait3A_128 = arith.constant 0 : i32
      %dma_wait3A_129 = tpu.memref_slice %arg2[%dma_wait3A_127, %dma_wait3A_128] : memref<10000x128xf32, #tpu.memory_space<hbm>> -> memref<10000x128xf32, #tpu.memory_space<hbm>>
      tpu.wait_indirect_dma semaphore(%arg11 : memref<!tpu.dma_semaphore, #tpu.memory_space<semaphore_mem>>) src(%dma_wait3A_129 : memref<10000x128xf32, #tpu.memory_space<hbm>>) dst(%dma_wait3A_123 : memref<128x128xf32, #tpu.memory_space<vmem>>)
      %add3A_130 = arith.constant 1 : i32
      %add3A_131 = arith.addi %scan3A_118, %add3A_130 : i32
      %lt3A = arith.constant 157 : i32
      %lt3A_132 = arith.cmpi slt, %add3A_131, %lt3A : i32
      %convert_element_type3A_133 = arith.extui %lt3A_132 : i1 to i32
      %cond3A_134 = arith.constant 0 : i32
      %cond3A_135 = arith.cmpi ne, %convert_element_type3A_133, %cond3A_134 : i32
      scf.if %cond3A_135 {
        %add3A_143 = arith.constant 1 : i32
        %add3A_144 = arith.addi %scan3A_118, %add3A_143 : i32
        %sub3A = arith.constant 1 : i32
        %sub3A_145 = arith.subi %sub3A, %rem3A_119 : i32
        %mul3A_146 = arith.constant 321536 : i32
        %mul3A_147 = arith.muli %arg0, %mul3A_146 : i32
        %mul3A_148 = arith.constant 20096 : i32
        %mul3A_149 = arith.muli %arg1, %mul3A_148 : i32
        %add3A_150 = arith.addi %mul3A_147, %mul3A_149 : i32
        %mul3A_151 = arith.constant 128 : i32
        %mul3A_152 = arith.muli %add3A_144, %mul3A_151 : i32
        %add3A_153 = arith.addi %add3A_150, %mul3A_152 : i32
        %multiple_of3A_154 = tpu.assume_multiple %add3A_153, 8 : i32
        %add3A_155 = arith.constant 2 : i32
        %add3A_156 = arith.addi %add3A_155, %arg0 : i32
        %mul3A_157 = arith.constant 321536 : i32
        %mul3A_158 = arith.muli %add3A_156, %mul3A_157 : i32
        %mul3A_159 = arith.constant 20096 : i32
        %mul3A_160 = arith.muli %arg1, %mul3A_159 : i32
        %add3A_161 = arith.addi %mul3A_158, %mul3A_160 : i32
        %mul3A_162 = arith.constant 128 : i32
        %mul3A_163 = arith.muli %add3A_144, %mul3A_162 : i32
        %add3A_164 = arith.addi %add3A_161, %mul3A_163 : i32
        %multiple_of3A_165 = tpu.assume_multiple %add3A_164, 8 : i32
        %dma_wait3A_166 = arith.constant 0 : i32
        %dma_wait3A_167 = tpu.memref_slice %arg7[%sub3A_145, %dma_wait3A_166] : memref<2x128xi32, #tpu.memory_space<vmem>> -> memref<1x128xi32, #tpu.memory_space<vmem>>
        %dma_wait3A_168 = tpu.memref_squeeze %dma_wait3A_167 : memref<1x128xi32, #tpu.memory_space<vmem>> -> memref<128xi32, #tpu.memory_space<vmem>>
        %dma_wait3A_169 = tpu.memref_slice %arg3[%multiple_of3A_154] : memref<1286144xi32, #tpu.memory_space<hbm>> -> memref<128xi32, #tpu.memory_space<hbm>>
        %dma_wait3A_170 = arith.constant 0 : i32
        %dma_wait3A_171 = tpu.memref_slice %arg7[%sub3A_145, %dma_wait3A_170] : memref<2x128xi32, #tpu.memory_space<vmem>> -> memref<1x128xi32, #tpu.memory_space<vmem>>
        %dma_wait3A_172 = tpu.memref_squeeze %dma_wait3A_171 : memref<1x128xi32, #tpu.memory_space<vmem>> -> memref<128xi32, #tpu.memory_space<vmem>>
        %dma_wait3A_173 = tpu.memref_slice %arg3[%multiple_of3A_154] : memref<1286144xi32, #tpu.memory_space<hbm>> -> memref<128xi32, #tpu.memory_space<hbm>>
        tpu.wait_dma2 semaphore(%arg12 : memref<!tpu.dma_semaphore, #tpu.memory_space<semaphore_mem>>) src(%dma_wait3A_173 : memref<128xi32, #tpu.memory_space<hbm>>) dst(%dma_wait3A_172 : memref<128xi32, #tpu.memory_space<vmem>>)
        %dma_wait3A_174 = arith.constant 0 : i32
        %dma_wait3A_175 = tpu.memref_slice %arg8[%sub3A_145, %dma_wait3A_174] : memref<2x128xi32, #tpu.memory_space<vmem>> -> memref<1x128xi32, #tpu.memory_space<vmem>>
        %dma_wait3A_176 = tpu.memref_squeeze %dma_wait3A_175 : memref<1x128xi32, #tpu.memory_space<vmem>> -> memref<128xi32, #tpu.memory_space<vmem>>
        %dma_wait3A_177 = tpu.memref_slice %arg3[%multiple_of3A_165] : memref<1286144xi32, #tpu.memory_space<hbm>> -> memref<128xi32, #tpu.memory_space<hbm>>
        %dma_wait3A_178 = arith.constant 0 : i32
        %dma_wait3A_179 = tpu.memref_slice %arg8[%sub3A_145, %dma_wait3A_178] : memref<2x128xi32, #tpu.memory_space<vmem>> -> memref<1x128xi32, #tpu.memory_space<vmem>>
        %dma_wait3A_180 = tpu.memref_squeeze %dma_wait3A_179 : memref<1x128xi32, #tpu.memory_space<vmem>> -> memref<128xi32, #tpu.memory_space<vmem>>
        %dma_wait3A_181 = tpu.memref_slice %arg3[%multiple_of3A_165] : memref<1286144xi32, #tpu.memory_space<hbm>> -> memref<128xi32, #tpu.memory_space<hbm>>
        tpu.wait_dma2 semaphore(%arg12 : memref<!tpu.dma_semaphore, #tpu.memory_space<semaphore_mem>>) src(%dma_wait3A_181 : memref<128xi32, #tpu.memory_space<hbm>>) dst(%dma_wait3A_180 : memref<128xi32, #tpu.memory_space<vmem>>)
        %sub3A_182 = arith.constant 1 : i32
        %sub3A_183 = arith.subi %sub3A_182, %rem3A_119 : i32
        %sub3A_184 = arith.constant 1 : i32
        %sub3A_185 = arith.subi %sub3A_184, %rem3A_119 : i32
        %dma_start3A_186 = arith.constant 0 : i32
        %dma_start3A_187 = arith.constant 0 : i32
        %dma_start3A_188 = tpu.memref_slice %arg9[%sub3A_185, %dma_start3A_186, %dma_start3A_187] : memref<2x128x128xf32, #tpu.memory_space<vmem>> -> memref<1x128x128xf32, #tpu.memory_space<vmem>>
        %dma_start3A_189 = tpu.memref_squeeze %dma_start3A_188 : memref<1x128x128xf32, #tpu.memory_space<vmem>> -> memref<128x128xf32, #tpu.memory_space<vmem>>
        %dma_start3A_190 = arith.constant 0 : i32
        %dma_start3A_191 = tpu.memref_slice %arg7[%sub3A_183, %dma_start3A_190] : memref<2x128xi32, #tpu.memory_space<vmem>> -> memref<1x128xi32, #tpu.memory_space<vmem>>
        %dma_start3A_192 = tpu.memref_squeeze %dma_start3A_191 : memref<1x128xi32, #tpu.memory_space<vmem>> -> memref<128xi32, #tpu.memory_space<vmem>>
        %dma_start3A_193 = arith.constant 0 : i32
        %dma_start3A_194 = arith.constant 0 : i32
        %dma_start3A_195 = tpu.memref_slice %arg2[%dma_start3A_193, %dma_start3A_194] : memref<10000x128xf32, #tpu.memory_space<hbm>> -> memref<10000x128xf32, #tpu.memory_space<hbm>>
        tpu.enqueue_indirect_dma source(%dma_start3A_195 : memref<10000x128xf32, #tpu.memory_space<hbm>>) target(%dma_start3A_189 : memref<128x128xf32, #tpu.memory_space<vmem>>) offsets(%dma_start3A_192 : memref<128xi32, #tpu.memory_space<vmem>>) semaphore(%arg11 : memref<!tpu.dma_semaphore, #tpu.memory_space<semaphore_mem>>)
      } else {
      }
      "tpu.region"() ({
        %run_scoped3A = tpu.sem_alloc : memref<!tpu.dma_semaphore, #tpu.memory_space<semaphore_mem>>
        %dma_start3A_143 = arith.constant 0 : i32
        %dma_start3A_144 = arith.constant 0 : i32
        %dma_start3A_145 = tpu.memref_slice %arg9[%rem3A_119, %dma_start3A_143, %dma_start3A_144] : memref<2x128x128xf32, #tpu.memory_space<vmem>> -> memref<1x128x128xf32, #tpu.memory_space<vmem>>
        %dma_start3A_146 = tpu.memref_squeeze %dma_start3A_145 : memref<1x128x128xf32, #tpu.memory_space<vmem>> -> memref<128x128xf32, #tpu.memory_space<vmem>>
        %dma_start3A_147 = arith.constant 0 : i32
        %dma_start3A_148 = tpu.memref_slice %arg8[%rem3A_119, %dma_start3A_147] : memref<2x128xi32, #tpu.memory_space<vmem>> -> memref<1x128xi32, #tpu.memory_space<vmem>>
        %dma_start3A_149 = tpu.memref_squeeze %dma_start3A_148 : memref<1x128xi32, #tpu.memory_space<vmem>> -> memref<128xi32, #tpu.memory_space<vmem>>
        %dma_start3A_150 = arith.constant 0 : i32
        %dma_start3A_151 = arith.constant 0 : i32
        %dma_start3A_152 = tpu.memref_slice %arg10[%dma_start3A_150, %dma_start3A_151] : memref<10016x128xf32, #tpu.memory_space<vmem_shared>> -> memref<10016x128xf32, #tpu.memory_space<vmem_shared>>
        tpu.enqueue_indirect_dma source(%dma_start3A_146 : memref<128x128xf32, #tpu.memory_space<vmem>>) target(%dma_start3A_152 : memref<10016x128xf32, #tpu.memory_space<vmem_shared>>) offsets(%dma_start3A_149 : memref<128xi32, #tpu.memory_space<vmem>>) semaphore(%run_scoped3A : memref<!tpu.dma_semaphore, #tpu.memory_space<semaphore_mem>>) {add = true}
        %dma_wait3A_153 = arith.constant 0 : i32
        %dma_wait3A_154 = arith.constant 0 : i32
        %dma_wait3A_155 = tpu.memref_slice %arg9[%rem3A_119, %dma_wait3A_153, %dma_wait3A_154] : memref<2x128x128xf32, #tpu.memory_space<vmem>> -> memref<1x128x128xf32, #tpu.memory_space<vmem>>
        %dma_wait3A_156 = tpu.memref_squeeze %dma_wait3A_155 : memref<1x128x128xf32, #tpu.memory_space<vmem>> -> memref<128x128xf32, #tpu.memory_space<vmem>>
        %dma_wait3A_157 = arith.constant 0 : i32
        %dma_wait3A_158 = tpu.memref_slice %arg8[%rem3A_119, %dma_wait3A_157] : memref<2x128xi32, #tpu.memory_space<vmem>> -> memref<1x128xi32, #tpu.memory_space<vmem>>
        %dma_wait3A_159 = tpu.memref_squeeze %dma_wait3A_158 : memref<1x128xi32, #tpu.memory_space<vmem>> -> memref<128xi32, #tpu.memory_space<vmem>>
        %dma_wait3A_160 = arith.constant 0 : i32
        %dma_wait3A_161 = arith.constant 0 : i32
        %dma_wait3A_162 = tpu.memref_slice %arg10[%dma_wait3A_160, %dma_wait3A_161] : memref<10016x128xf32, #tpu.memory_space<vmem_shared>> -> memref<10016x128xf32, #tpu.memory_space<vmem_shared>>
        tpu.wait_indirect_dma semaphore(%run_scoped3A : memref<!tpu.dma_semaphore, #tpu.memory_space<semaphore_mem>>) src(%dma_wait3A_156 : memref<128x128xf32, #tpu.memory_space<vmem>>) dst(%dma_wait3A_162 : memref<10016x128xf32, #tpu.memory_space<vmem_shared>>)
        tpu.yield
      }) : () -> ()
      %add3A_136 = arith.constant 2 : i32
      %add3A_137 = arith.addi %scan3A_118, %add3A_136 : i32
      %lt3A_138 = arith.constant 157 : i32
      %lt3A_139 = arith.cmpi slt, %add3A_137, %lt3A_138 : i32
      %convert_element_type3A_140 = arith.extui %lt3A_139 : i1 to i32
      %cond3A_141 = arith.constant 0 : i32
      %cond3A_142 = arith.cmpi ne, %convert_element_type3A_140, %cond3A_141 : i32
      scf.if %cond3A_142 {
        %add3A_143 = arith.constant 2 : i32
        %add3A_144 = arith.addi %scan3A_118, %add3A_143 : i32
        %mul3A_145 = arith.constant 321536 : i32
        %mul3A_146 = arith.muli %arg0, %mul3A_145 : i32
        %mul3A_147 = arith.constant 20096 : i32
        %mul3A_148 = arith.muli %arg1, %mul3A_147 : i32
        %add3A_149 = arith.addi %mul3A_146, %mul3A_148 : i32
        %mul3A_150 = arith.constant 128 : i32
        %mul3A_151 = arith.muli %add3A_144, %mul3A_150 : i32
        %add3A_152 = arith.addi %add3A_149, %mul3A_151 : i32
        %multiple_of3A_153 = tpu.assume_multiple %add3A_152, 8 : i32
        %add3A_154 = arith.constant 2 : i32
        %add3A_155 = arith.addi %add3A_154, %arg0 : i32
        %mul3A_156 = arith.constant 321536 : i32
        %mul3A_157 = arith.muli %add3A_155, %mul3A_156 : i32
        %mul3A_158 = arith.constant 20096 : i32
        %mul3A_159 = arith.muli %arg1, %mul3A_158 : i32
        %add3A_160 = arith.addi %mul3A_157, %mul3A_159 : i32
        %mul3A_161 = arith.constant 128 : i32
        %mul3A_162 = arith.muli %add3A_144, %mul3A_161 : i32
        %add3A_163 = arith.addi %add3A_160, %mul3A_162 : i32
        %multiple_of3A_164 = tpu.assume_multiple %add3A_163, 8 : i32
        %dma_start3A_165 = arith.constant 0 : i32
        %dma_start3A_166 = tpu.memref_slice %arg7[%rem3A_119, %dma_start3A_165] : memref<2x128xi32, #tpu.memory_space<vmem>> -> memref<1x128xi32, #tpu.memory_space<vmem>>
        %dma_start3A_167 = tpu.memref_squeeze %dma_start3A_166 : memref<1x128xi32, #tpu.memory_space<vmem>> -> memref<128xi32, #tpu.memory_space<vmem>>
        %dma_start3A_168 = tpu.memref_slice %arg3[%multiple_of3A_153] : memref<1286144xi32, #tpu.memory_space<hbm>> -> memref<128xi32, #tpu.memory_space<hbm>>
        %dma_start3A_169 = arith.constant 0 : i32
        %dma_start3A_170 = tpu.memref_slice %arg7[%rem3A_119, %dma_start3A_169] : memref<2x128xi32, #tpu.memory_space<vmem>> -> memref<1x128xi32, #tpu.memory_space<vmem>>
        %dma_start3A_171 = tpu.memref_squeeze %dma_start3A_170 : memref<1x128xi32, #tpu.memory_space<vmem>> -> memref<128xi32, #tpu.memory_space<vmem>>
        %dma_start3A_172 = tpu.memref_slice %arg3[%multiple_of3A_153] : memref<1286144xi32, #tpu.memory_space<hbm>> -> memref<128xi32, #tpu.memory_space<hbm>>
        tpu.enqueue_dma source(%dma_start3A_172 : memref<128xi32, #tpu.memory_space<hbm>>) target(%dma_start3A_171 : memref<128xi32, #tpu.memory_space<vmem>>) target_semaphore(%arg12 : memref<!tpu.dma_semaphore, #tpu.memory_space<semaphore_mem>>)
        %dma_start3A_173 = arith.constant 0 : i32
        %dma_start3A_174 = tpu.memref_slice %arg8[%rem3A_119, %dma_start3A_173] : memref<2x128xi32, #tpu.memory_space<vmem>> -> memref<1x128xi32, #tpu.memory_space<vmem>>
        %dma_start3A_175 = tpu.memref_squeeze %dma_start3A_174 : memref<1x128xi32, #tpu.memory_space<vmem>> -> memref<128xi32, #tpu.memory_space<vmem>>
        %dma_start3A_176 = tpu.memref_slice %arg3[%multiple_of3A_164] : memref<1286144xi32, #tpu.memory_space<hbm>> -> memref<128xi32, #tpu.memory_space<hbm>>
        %dma_start3A_177 = arith.constant 0 : i32
        %dma_start3A_178 = tpu.memref_slice %arg8[%rem3A_119, %dma_start3A_177] : memref<2x128xi32, #tpu.memory_space<vmem>> -> memref<1x128xi32, #tpu.memory_space<vmem>>
        %dma_start3A_179 = tpu.memref_squeeze %dma_start3A_178 : memref<1x128xi32, #tpu.memory_space<vmem>> -> memref<128xi32, #tpu.memory_space<vmem>>
        %dma_start3A_180 = tpu.memref_slice %arg3[%multiple_of3A_164] : memref<1286144xi32, #tpu.memory_space<hbm>> -> memref<128xi32, #tpu.memory_space<hbm>>
        tpu.enqueue_dma source(%dma_start3A_180 : memref<128xi32, #tpu.memory_space<hbm>>) target(%dma_start3A_179 : memref<128xi32, #tpu.memory_space<vmem>>) target_semaphore(%arg12 : memref<!tpu.dma_semaphore, #tpu.memory_space<semaphore_mem>>)
      } else {
      }
    }
    %scan3A_106 = arith.constant 157 : i32
    %barrier3A_107 = arith.constant 0 : index
    tpu.barrier barrier_id(%barrier3A_107)
    %eq3A_108 = arith.constant 0 : i32
    %eq3A_109 = arith.cmpi eq, %arg0, %eq3A_108 : i32
    %convert_element_type3A_110 = arith.extui %eq3A_109 : i1 to i32
    %cond3A_111 = arith.constant 0 : i32
    %cond3A_112 = arith.cmpi ne, %convert_element_type3A_110, %cond3A_111 : i32
    scf.if %cond3A_112 {
      "tpu.region"() ({
        %run_scoped3A = tpu.sem_alloc : memref<!tpu.dma_semaphore, #tpu.memory_space<semaphore_mem>>
        %dma_start3A_123 = arith.constant 0 : i32
        %dma_start3A_124 = tpu.memref_slice %arg5[%multiple_of3A, %dma_start3A_123] : memref<10000x128xf32, #tpu.memory_space<hbm>> -> memref<624x128xf32, #tpu.memory_space<hbm>>
        %dma_start3A_125 = arith.constant 0 : i32
        %dma_start3A_126 = tpu.memref_slice %arg10[%multiple_of3A, %dma_start3A_125] : memref<10016x128xf32, #tpu.memory_space<vmem_shared>> -> memref<624x128xf32, #tpu.memory_space<vmem_shared>>
        tpu.enqueue_dma source(%dma_start3A_126 : memref<624x128xf32, #tpu.memory_space<vmem_shared>>) target(%dma_start3A_124 : memref<624x128xf32, #tpu.memory_space<hbm>>) target_semaphore(%run_scoped3A : memref<!tpu.dma_semaphore, #tpu.memory_space<semaphore_mem>>)
        %dma_wait3A_127 = arith.constant 0 : i32
        %dma_wait3A_128 = tpu.memref_slice %arg5[%multiple_of3A, %dma_wait3A_127] : memref<10000x128xf32, #tpu.memory_space<hbm>> -> memref<624x128xf32, #tpu.memory_space<hbm>>
        %dma_wait3A_129 = arith.constant 0 : i32
        %dma_wait3A_130 = tpu.memref_slice %arg10[%multiple_of3A, %dma_wait3A_129] : memref<10016x128xf32, #tpu.memory_space<vmem_shared>> -> memref<624x128xf32, #tpu.memory_space<vmem_shared>>
        tpu.wait_dma2 semaphore(%run_scoped3A : memref<!tpu.dma_semaphore, #tpu.memory_space<semaphore_mem>>) src(%dma_wait3A_130 : memref<624x128xf32, #tpu.memory_space<vmem_shared>>) dst(%dma_wait3A_128 : memref<624x128xf32, #tpu.memory_space<hbm>>)
        tpu.yield
      }) : () -> ()
      %eq3A_118 = arith.constant 15 : i32
      %eq3A_119 = arith.cmpi eq, %arg1, %eq3A_118 : i32
      %convert_element_type3A_120 = arith.extui %eq3A_119 : i1 to i32
      %cond3A_121 = arith.constant 0 : i32
      %cond3A_122 = arith.cmpi ne, %convert_element_type3A_120, %cond3A_121 : i32
      scf.if %cond3A_122 {
        "tpu.region"() ({
          %run_scoped3A = tpu.sem_alloc : memref<!tpu.dma_semaphore, #tpu.memory_space<semaphore_mem>>
          %dma_start3A_123 = arith.constant 9984 : i32
          %dma_start3A_124 = arith.constant 0 : i32
          %dma_start3A_125 = tpu.memref_slice %arg5[%dma_start3A_123, %dma_start3A_124] : memref<10000x128xf32, #tpu.memory_space<hbm>> -> memref<16x128xf32, #tpu.memory_space<hbm>>
          %dma_start3A_126 = arith.constant 9984 : i32
          %dma_start3A_127 = arith.constant 0 : i32
          %dma_start3A_128 = tpu.memref_slice %arg10[%dma_start3A_126, %dma_start3A_127] : memref<10016x128xf32, #tpu.memory_space<vmem_shared>> -> memref<16x128xf32, #tpu.memory_space<vmem_shared>>
          tpu.enqueue_dma source(%dma_start3A_128 : memref<16x128xf32, #tpu.memory_space<vmem_shared>>) target(%dma_start3A_125 : memref<16x128xf32, #tpu.memory_space<hbm>>) target_semaphore(%run_scoped3A : memref<!tpu.dma_semaphore, #tpu.memory_space<semaphore_mem>>)
          %dma_wait3A_129 = arith.constant 9984 : i32
          %dma_wait3A_130 = arith.constant 0 : i32
          %dma_wait3A_131 = tpu.memref_slice %arg5[%dma_wait3A_129, %dma_wait3A_130] : memref<10000x128xf32, #tpu.memory_space<hbm>> -> memref<16x128xf32, #tpu.memory_space<hbm>>
          %dma_wait3A_132 = arith.constant 9984 : i32
          %dma_wait3A_133 = arith.constant 0 : i32
          %dma_wait3A_134 = tpu.memref_slice %arg10[%dma_wait3A_132, %dma_wait3A_133] : memref<10016x128xf32, #tpu.memory_space<vmem_shared>> -> memref<16x128xf32, #tpu.memory_space<vmem_shared>>
          tpu.wait_dma2 semaphore(%run_scoped3A : memref<!tpu.dma_semaphore, #tpu.memory_space<semaphore_mem>>) src(%dma_wait3A_134 : memref<16x128xf32, #tpu.memory_space<vmem_shared>>) dst(%dma_wait3A_131 : memref<16x128xf32, #tpu.memory_space<hbm>>)
          tpu.yield
        }) : () -> ()
      } else {
      }
    } else {
    }
    %eq3A_113 = arith.constant 1 : i32
    %eq3A_114 = arith.cmpi eq, %arg0, %eq3A_113 : i32
    %convert_element_type3A_115 = arith.extui %eq3A_114 : i1 to i32
    %cond3A_116 = arith.constant 0 : i32
    %cond3A_117 = arith.cmpi ne, %convert_element_type3A_115, %cond3A_116 : i32
    scf.if %cond3A_117 {
      "tpu.region"() ({
        %run_scoped3A = tpu.sem_alloc : memref<!tpu.dma_semaphore, #tpu.memory_space<semaphore_mem>>
        %dma_start3A_123 = arith.constant 0 : i32
        %dma_start3A_124 = tpu.memref_slice %arg6[%multiple_of3A, %dma_start3A_123] : memref<10000x128xf32, #tpu.memory_space<hbm>> -> memref<624x128xf32, #tpu.memory_space<hbm>>
        %dma_start3A_125 = arith.constant 0 : i32
        %dma_start3A_126 = tpu.memref_slice %arg10[%multiple_of3A, %dma_start3A_125] : memref<10016x128xf32, #tpu.memory_space<vmem_shared>> -> memref<624x128xf32, #tpu.memory_space<vmem_shared>>
        tpu.enqueue_dma source(%dma_start3A_126 : memref<624x128xf32, #tpu.memory_space<vmem_shared>>) target(%dma_start3A_124 : memref<624x128xf32, #tpu.memory_space<hbm>>) target_semaphore(%run_scoped3A : memref<!tpu.dma_semaphore, #tpu.memory_space<semaphore_mem>>)
        %dma_wait3A_127 = arith.constant 0 : i32
        %dma_wait3A_128 = tpu.memref_slice %arg6[%multiple_of3A, %dma_wait3A_127] : memref<10000x128xf32, #tpu.memory_space<hbm>> -> memref<624x128xf32, #tpu.memory_space<hbm>>
        %dma_wait3A_129 = arith.constant 0 : i32
        %dma_wait3A_130 = tpu.memref_slice %arg10[%multiple_of3A, %dma_wait3A_129] : memref<10016x128xf32, #tpu.memory_space<vmem_shared>> -> memref<624x128xf32, #tpu.memory_space<vmem_shared>>
        tpu.wait_dma2 semaphore(%run_scoped3A : memref<!tpu.dma_semaphore, #tpu.memory_space<semaphore_mem>>) src(%dma_wait3A_130 : memref<624x128xf32, #tpu.memory_space<vmem_shared>>) dst(%dma_wait3A_128 : memref<624x128xf32, #tpu.memory_space<hbm>>)
        tpu.yield
      }) : () -> ()
      %eq3A_118 = arith.constant 15 : i32
      %eq3A_119 = arith.cmpi eq, %arg1, %eq3A_118 : i32
      %convert_element_type3A_120 = arith.extui %eq3A_119 : i1 to i32
      %cond3A_121 = arith.constant 0 : i32
      %cond3A_122 = arith.cmpi ne, %convert_element_type3A_120, %cond3A_121 : i32
      scf.if %cond3A_122 {
        "tpu.region"() ({
          %run_scoped3A = tpu.sem_alloc : memref<!tpu.dma_semaphore, #tpu.memory_space<semaphore_mem>>
          %dma_start3A_123 = arith.constant 9984 : i32
          %dma_start3A_124 = arith.constant 0 : i32
          %dma_start3A_125 = tpu.memref_slice %arg6[%dma_start3A_123, %dma_start3A_124] : memref<10000x128xf32, #tpu.memory_space<hbm>> -> memref<16x128xf32, #tpu.memory_space<hbm>>
          %dma_start3A_126 = arith.constant 9984 : i32
          %dma_start3A_127 = arith.constant 0 : i32
          %dma_start3A_128 = tpu.memref_slice %arg10[%dma_start3A_126, %dma_start3A_127] : memref<10016x128xf32, #tpu.memory_space<vmem_shared>> -> memref<16x128xf32, #tpu.memory_space<vmem_shared>>
          tpu.enqueue_dma source(%dma_start3A_128 : memref<16x128xf32, #tpu.memory_space<vmem_shared>>) target(%dma_start3A_125 : memref<16x128xf32, #tpu.memory_space<hbm>>) target_semaphore(%run_scoped3A : memref<!tpu.dma_semaphore, #tpu.memory_space<semaphore_mem>>)
          %dma_wait3A_129 = arith.constant 9984 : i32
          %dma_wait3A_130 = arith.constant 0 : i32
          %dma_wait3A_131 = tpu.memref_slice %arg6[%dma_wait3A_129, %dma_wait3A_130] : memref<10000x128xf32, #tpu.memory_space<hbm>> -> memref<16x128xf32, #tpu.memory_space<hbm>>
          %dma_wait3A_132 = arith.constant 9984 : i32
          %dma_wait3A_133 = arith.constant 0 : i32
          %dma_wait3A_134 = tpu.memref_slice %arg10[%dma_wait3A_132, %dma_wait3A_133] : memref<10016x128xf32, #tpu.memory_space<vmem_shared>> -> memref<16x128xf32, #tpu.memory_space<vmem_shared>>
          tpu.wait_dma2 semaphore(%run_scoped3A : memref<!tpu.dma_semaphore, #tpu.memory_space<semaphore_mem>>) src(%dma_wait3A_134 : memref<16x128xf32, #tpu.memory_space<vmem_shared>>) dst(%dma_wait3A_131 : memref<16x128xf32, #tpu.memory_space<hbm>>)
          tpu.yield
        }) : () -> ()
      } else {
      }
    } else {
    }
    return
  }
}

module attributes {stable_mosaic.version = 14 : i64} {
  func.func @_combine_body(%arg0: i32, %arg1: memref<2000x128xf32, #tpu.memory_space<vmem>>, %arg2: memref<2000x128xf32, #tpu.memory_space<vmem>>, %arg3: memref<2000x128xf32, #tpu.memory_space<vmem>>, %arg4: memref<2000x1xf32, #tpu.memory_space<vmem>>, %arg5: memref<2000x1xf32, #tpu.memory_space<vmem>>, %arg6: memref<2000x128xf32, #tpu.memory_space<vmem>>) attributes {dimension_semantics = [#tpu.dimension_semantics<arbitrary>], iteration_bounds = array<i64: 5>, scalar_prefetch = 0 : i64, scratch_operands = 0 : i64, tpu.core_type = #tpu.core_type<tc>, window_params = [{transform_indices = @transform_0, window_bounds = array<i64: 2000, 128>}, {transform_indices = @transform_1, window_bounds = array<i64: 2000, 128>}, {transform_indices = @transform_2, window_bounds = array<i64: 2000, 128>}, {transform_indices = @transform_3, window_bounds = array<i64: 2000, 1>}, {transform_indices = @transform_4, window_bounds = array<i64: 2000, 1>}, {transform_indices = @transform_5, window_bounds = array<i64: 2000, 128>}]} {
    %get3A = arith.constant 0 : index
    %get3A_0 = arith.constant 0 : index
    %get3A_1 = vector.load %arg4[%get3A, %get3A_0] : memref<2000x1xf32, #tpu.memory_space<vmem>>, vector<2000x1xf32>
    %max3A = arith.constant 1.000000e+00 : f32
    %max3A_2 = vector.broadcast %max3A : f32 to vector<2000x1xf32>
    %max3A_3 = arith.maximumf %get3A_1, %max3A_2 : vector<2000x1xf32>
    %div3A = arith.constant 5.000000e-01 : f32
    %div3A_4 = vector.broadcast %div3A : f32 to vector<2000x1xf32>
    %div3A_5 = arith.divf %div3A_4, %max3A_3 : vector<2000x1xf32>
    %get3A_6 = arith.constant 0 : index
    %get3A_7 = arith.constant 0 : index
    %get3A_8 = vector.load %arg5[%get3A_6, %get3A_7] : memref<2000x1xf32, #tpu.memory_space<vmem>>, vector<2000x1xf32>
    %max3A_9 = arith.constant 1.000000e+00 : f32
    %max3A_10 = vector.broadcast %max3A_9 : f32 to vector<2000x1xf32>
    %max3A_11 = arith.maximumf %get3A_8, %max3A_10 : vector<2000x1xf32>
    %div3A_12 = arith.constant 5.000000e-01 : f32
    %div3A_13 = vector.broadcast %div3A_12 : f32 to vector<2000x1xf32>
    %div3A_14 = arith.divf %div3A_13, %max3A_11 : vector<2000x1xf32>
    %get3A_15 = arith.constant 0 : index
    %get3A_16 = arith.constant 0 : index
    %get3A_17 = vector.load %arg1[%get3A_15, %get3A_16] : memref<2000x128xf32, #tpu.memory_space<vmem>>, vector<2000x128xf32>
    %get3A_18 = arith.constant 0 : index
    %get3A_19 = arith.constant 0 : index
    %get3A_20 = vector.load %arg2[%get3A_18, %get3A_19] : memref<2000x128xf32, #tpu.memory_space<vmem>>, vector<2000x128xf32>
    %mul3A = vector.broadcast %div3A_5 : vector<2000x1xf32> to vector<2000x128xf32>
    %mul3A_21 = arith.mulf %get3A_20, %mul3A : vector<2000x128xf32>
    %add3A = arith.addf %get3A_17, %mul3A_21 : vector<2000x128xf32>
    %get3A_22 = arith.constant 0 : index
    %get3A_23 = arith.constant 0 : index
    %get3A_24 = vector.load %arg3[%get3A_22, %get3A_23] : memref<2000x128xf32, #tpu.memory_space<vmem>>, vector<2000x128xf32>
    %mul3A_25 = vector.broadcast %div3A_14 : vector<2000x1xf32> to vector<2000x128xf32>
    %mul3A_26 = arith.mulf %get3A_24, %mul3A_25 : vector<2000x128xf32>
    %add3A_27 = arith.addf %add3A, %mul3A_26 : vector<2000x128xf32>
    %swap3A = arith.constant 0 : index
    %swap3A_28 = arith.constant 0 : index
    %swap3A_29 = vector.load %arg6[%swap3A, %swap3A_28] : memref<2000x128xf32, #tpu.memory_space<vmem>>, vector<2000x128xf32>
    tpu.vector_store %arg6[%swap3A, %swap3A_28], %add3A_27 {strides = array<i32>} : memref<2000x128xf32, #tpu.memory_space<vmem>>, vector<2000x128xf32>,
    return
  }
  func.func @transform_0(%arg0: i32) -> (i32, i32) {
    %c0_i32 = arith.constant 0 : i32
    %c0_i32_0 = arith.constant 0 : i32
    return %arg0, %c0_i32 : i32, i32
  }
  func.func @transform_1(%arg0: i32) -> (i32, i32) {
    %c0_i32 = arith.constant 0 : i32
    %c0_i32_0 = arith.constant 0 : i32
    return %arg0, %c0_i32 : i32, i32
  }
  func.func @transform_2(%arg0: i32) -> (i32, i32) {
    %c0_i32 = arith.constant 0 : i32
    %c0_i32_0 = arith.constant 0 : i32
    return %arg0, %c0_i32 : i32, i32
  }
  func.func @transform_3(%arg0: i32) -> (i32, i32) {
    %c0_i32 = arith.constant 0 : i32
    %c0_i32_0 = arith.constant 0 : i32
    return %arg0, %c0_i32 : i32, i32
  }
  func.func @transform_4(%arg0: i32) -> (i32, i32) {
    %c0_i32 = arith.constant 0 : i32
    %c0_i32_0 = arith.constant 0 : i32
    return %arg0, %c0_i32 : i32, i32
  }
  func.func @transform_5(%arg0: i32) -> (i32, i32) {
    %c0_i32 = arith.constant 0 : i32
    %c0_i32_0 = arith.constant 0 : i32
    return %arg0, %c0_i32 : i32, i32
  }
}

module attributes {stable_mosaic.version = 14 : i64} {
  func.func @_combine_dense_body(%arg0: i32, %arg1: memref<2000x128xf32, #tpu.memory_space<vmem>>, %arg2: memref<2000x128xf32, #tpu.memory_space<vmem>>, %arg3: memref<2000x128xf32, #tpu.memory_space<vmem>>, %arg4: memref<2000x1xf32, #tpu.memory_space<vmem>>, %arg5: memref<2000x1xf32, #tpu.memory_space<vmem>>, %arg6: memref<128x128xf32, #tpu.memory_space<vmem>>, %arg7: memref<1x128xf32, #tpu.memory_space<vmem>>, %arg8: memref<2000x128xf32, #tpu.memory_space<vmem>>) attributes {dimension_semantics = [#tpu.dimension_semantics<arbitrary>], iteration_bounds = array<i64: 5>, scalar_prefetch = 0 : i64, scratch_operands = 0 : i64, tpu.core_type = #tpu.core_type<tc>, window_params = [{transform_indices = @transform_0, window_bounds = array<i64: 2000, 128>}, {transform_indices = @transform_1, window_bounds = array<i64: 2000, 128>}, {transform_indices = @transform_2, window_bounds = array<i64: 2000, 128>}, {transform_indices = @transform_3, window_bounds = array<i64: 2000, 1>}, {transform_indices = @transform_4, window_bounds = array<i64: 2000, 1>}, {pipeline_mode = #tpu.pipeline_mode<synchronous>, transform_indices = @transform_5, window_bounds = array<i64: 128, 128>}, {pipeline_mode = #tpu.pipeline_mode<synchronous>, transform_indices = @transform_6, window_bounds = array<i64: 1, 128>}, {transform_indices = @transform_7, window_bounds = array<i64: 2000, 128>}]} {
    %get3A = arith.constant 0 : index
    %get3A_0 = arith.constant 0 : index
    %get3A_1 = vector.load %arg4[%get3A, %get3A_0] : memref<2000x1xf32, #tpu.memory_space<vmem>>, vector<2000x1xf32>
    %max3A = arith.constant 1.000000e+00 : f32
    %max3A_2 = vector.broadcast %max3A : f32 to vector<2000x1xf32>
    %max3A_3 = arith.maximumf %get3A_1, %max3A_2 : vector<2000x1xf32>
    %div3A = arith.constant 5.000000e-01 : f32
    %div3A_4 = vector.broadcast %div3A : f32 to vector<2000x1xf32>
    %div3A_5 = arith.divf %div3A_4, %max3A_3 : vector<2000x1xf32>
    %get3A_6 = arith.constant 0 : index
    %get3A_7 = arith.constant 0 : index
    %get3A_8 = vector.load %arg5[%get3A_6, %get3A_7] : memref<2000x1xf32, #tpu.memory_space<vmem>>, vector<2000x1xf32>
    %max3A_9 = arith.constant 1.000000e+00 : f32
    %max3A_10 = vector.broadcast %max3A_9 : f32 to vector<2000x1xf32>
    %max3A_11 = arith.maximumf %get3A_8, %max3A_10 : vector<2000x1xf32>
    %div3A_12 = arith.constant 5.000000e-01 : f32
    %div3A_13 = vector.broadcast %div3A_12 : f32 to vector<2000x1xf32>
    %div3A_14 = arith.divf %div3A_13, %max3A_11 : vector<2000x1xf32>
    %get3A_15 = arith.constant 0 : index
    %get3A_16 = arith.constant 0 : index
    %get3A_17 = vector.load %arg1[%get3A_15, %get3A_16] : memref<2000x128xf32, #tpu.memory_space<vmem>>, vector<2000x128xf32>
    %get3A_18 = arith.constant 0 : index
    %get3A_19 = arith.constant 0 : index
    %get3A_20 = vector.load %arg2[%get3A_18, %get3A_19] : memref<2000x128xf32, #tpu.memory_space<vmem>>, vector<2000x128xf32>
    %mul3A = vector.broadcast %div3A_5 : vector<2000x1xf32> to vector<2000x128xf32>
    %mul3A_21 = arith.mulf %get3A_20, %mul3A : vector<2000x128xf32>
    %add3A = arith.addf %get3A_17, %mul3A_21 : vector<2000x128xf32>
    %get3A_22 = arith.constant 0 : index
    %get3A_23 = arith.constant 0 : index
    %get3A_24 = vector.load %arg3[%get3A_22, %get3A_23] : memref<2000x128xf32, #tpu.memory_space<vmem>>, vector<2000x128xf32>
    %mul3A_25 = vector.broadcast %div3A_14 : vector<2000x1xf32> to vector<2000x128xf32>
    %mul3A_26 = arith.mulf %get3A_24, %mul3A_25 : vector<2000x128xf32>
    %add3A_27 = arith.addf %add3A, %mul3A_26 : vector<2000x128xf32>
    %get3A_28 = arith.constant 0 : index
    %get3A_29 = arith.constant 0 : index
    %get3A_30 = vector.load %arg6[%get3A_28, %get3A_29] : memref<128x128xf32, #tpu.memory_space<vmem>>, vector<128x128xf32>
    %dot_general3A = arith.constant dense<0.000000e+00> : vector<2000x128xf32>
    %dot_general3A_31 = tpu.matmul %add3A_27, %get3A_30, %dot_general3A {dimension_numbers = #tpu.dot_dimension_numbers<[1], [0], [0], [1], [0, 0, 1, 1], [], []>, precision = #tpu.contract_precision<fp32>, transpose_lhs_hint = false} : vector<2000x128xf32>, vector<128x128xf32>, vector<2000x128xf32> -> vector<2000x128xf32>
    %get3A_32 = arith.constant 0 : index
    %get3A_33 = arith.constant 0 : index
    %get3A_34 = vector.load %arg7[%get3A_32, %get3A_33] : memref<1x128xf32, #tpu.memory_space<vmem>>, vector<1x128xf32>
    %add3A_35 = vector.broadcast %get3A_34 : vector<1x128xf32> to vector<2000x128xf32>
    %add3A_36 = arith.addf %dot_general3A_31, %add3A_35 : vector<2000x128xf32>
    %max3A_37 = arith.constant 0.000000e+00 : f32
    %max3A_38 = vector.broadcast %max3A_37 : f32 to vector<2000x128xf32>
    %max3A_39 = arith.maximumf %add3A_36, %max3A_38 : vector<2000x128xf32>
    %add3A_40 = arith.addf %add3A_27, %max3A_39 : vector<2000x128xf32>
    %swap3A = arith.constant 0 : index
    %swap3A_41 = arith.constant 0 : index
    %swap3A_42 = vector.load %arg8[%swap3A, %swap3A_41] : memref<2000x128xf32, #tpu.memory_space<vmem>>, vector<2000x128xf32>
    tpu.vector_store %arg8[%swap3A, %swap3A_41], %add3A_40 {strides = array<i32>} : memref<2000x128xf32, #tpu.memory_space<vmem>>, vector<2000x128xf32>,
    return
  }
  func.func @transform_0(%arg0: i32) -> (i32, i32) {
    %c0_i32 = arith.constant 0 : i32
    %c0_i32_0 = arith.constant 0 : i32
    return %arg0, %c0_i32 : i32, i32
  }
  func.func @transform_1(%arg0: i32) -> (i32, i32) {
    %c0_i32 = arith.constant 0 : i32
    %c0_i32_0 = arith.constant 0 : i32
    return %arg0, %c0_i32 : i32, i32
  }
  func.func @transform_2(%arg0: i32) -> (i32, i32) {
    %c0_i32 = arith.constant 0 : i32
    %c0_i32_0 = arith.constant 0 : i32
    return %arg0, %c0_i32 : i32, i32
  }
  func.func @transform_3(%arg0: i32) -> (i32, i32) {
    %c0_i32 = arith.constant 0 : i32
    %c0_i32_0 = arith.constant 0 : i32
    return %arg0, %c0_i32 : i32, i32
  }
  func.func @transform_4(%arg0: i32) -> (i32, i32) {
    %c0_i32 = arith.constant 0 : i32
    %c0_i32_0 = arith.constant 0 : i32
    return %arg0, %c0_i32 : i32, i32
  }
  func.func @transform_5(%arg0: i32) -> (i32, i32) {
    %c0_i32 = arith.constant 0 : i32
    %c0_i32_0 = arith.constant 0 : i32
    %c0_i32_1 = arith.constant 0 : i32
    return %c0_i32, %c0_i32_0 : i32, i32
  }
  func.func @transform_6(%arg0: i32) -> (i32, i32) {
    %c0_i32 = arith.constant 0 : i32
    %c0_i32_0 = arith.constant 0 : i32
    %c0_i32_1 = arith.constant 0 : i32
    return %c0_i32, %c0_i32_0 : i32, i32
  }
  func.func @transform_7(%arg0: i32) -> (i32, i32) {
    %c0_i32 = arith.constant 0 : i32
    %c0_i32_0 = arith.constant 0 : i32
    return %arg0, %c0_i32 : i32, i32
  }
}

module attributes {stable_mosaic.version = 14 : i64} {
  func.func @_combine_dense_body(%arg0: i32, %arg1: memref<2000x128xf32, #tpu.memory_space<vmem>>, %arg2: memref<2000x128xf32, #tpu.memory_space<vmem>>, %arg3: memref<2000x128xf32, #tpu.memory_space<vmem>>, %arg4: memref<2000x1xf32, #tpu.memory_space<vmem>>, %arg5: memref<2000x1xf32, #tpu.memory_space<vmem>>, %arg6: memref<128x128xf32, #tpu.memory_space<vmem>>, %arg7: memref<1x128xf32, #tpu.memory_space<vmem>>, %arg8: memref<2000x128xf32, #tpu.memory_space<vmem>>) attributes {dimension_semantics = [#tpu.dimension_semantics<arbitrary>], iteration_bounds = array<i64: 5>, scalar_prefetch = 0 : i64, scratch_operands = 0 : i64, tpu.core_type = #tpu.core_type<tc>, window_params = [{transform_indices = @transform_0, window_bounds = array<i64: 2000, 128>}, {transform_indices = @transform_1, window_bounds = array<i64: 2000, 128>}, {transform_indices = @transform_2, window_bounds = array<i64: 2000, 128>}, {transform_indices = @transform_3, window_bounds = array<i64: 2000, 1>}, {transform_indices = @transform_4, window_bounds = array<i64: 2000, 1>}, {pipeline_mode = #tpu.pipeline_mode<synchronous>, transform_indices = @transform_5, window_bounds = array<i64: 128, 128>}, {pipeline_mode = #tpu.pipeline_mode<synchronous>, transform_indices = @transform_6, window_bounds = array<i64: 1, 128>}, {transform_indices = @transform_7, window_bounds = array<i64: 2000, 128>}]} {
    %get3A = arith.constant 0 : index
    %get3A_0 = arith.constant 0 : index
    %get3A_1 = vector.load %arg4[%get3A, %get3A_0] : memref<2000x1xf32, #tpu.memory_space<vmem>>, vector<2000x1xf32>
    %max3A = arith.constant 1.000000e+00 : f32
    %max3A_2 = vector.broadcast %max3A : f32 to vector<2000x1xf32>
    %max3A_3 = arith.maximumf %get3A_1, %max3A_2 : vector<2000x1xf32>
    %div3A = arith.constant 5.000000e-01 : f32
    %div3A_4 = vector.broadcast %div3A : f32 to vector<2000x1xf32>
    %div3A_5 = arith.divf %div3A_4, %max3A_3 : vector<2000x1xf32>
    %get3A_6 = arith.constant 0 : index
    %get3A_7 = arith.constant 0 : index
    %get3A_8 = vector.load %arg5[%get3A_6, %get3A_7] : memref<2000x1xf32, #tpu.memory_space<vmem>>, vector<2000x1xf32>
    %max3A_9 = arith.constant 1.000000e+00 : f32
    %max3A_10 = vector.broadcast %max3A_9 : f32 to vector<2000x1xf32>
    %max3A_11 = arith.maximumf %get3A_8, %max3A_10 : vector<2000x1xf32>
    %div3A_12 = arith.constant 5.000000e-01 : f32
    %div3A_13 = vector.broadcast %div3A_12 : f32 to vector<2000x1xf32>
    %div3A_14 = arith.divf %div3A_13, %max3A_11 : vector<2000x1xf32>
    %get3A_15 = arith.constant 0 : index
    %get3A_16 = arith.constant 0 : index
    %get3A_17 = vector.load %arg1[%get3A_15, %get3A_16] : memref<2000x128xf32, #tpu.memory_space<vmem>>, vector<2000x128xf32>
    %get3A_18 = arith.constant 0 : index
    %get3A_19 = arith.constant 0 : index
    %get3A_20 = vector.load %arg2[%get3A_18, %get3A_19] : memref<2000x128xf32, #tpu.memory_space<vmem>>, vector<2000x128xf32>
    %mul3A = vector.broadcast %div3A_5 : vector<2000x1xf32> to vector<2000x128xf32>
    %mul3A_21 = arith.mulf %get3A_20, %mul3A : vector<2000x128xf32>
    %add3A = arith.addf %get3A_17, %mul3A_21 : vector<2000x128xf32>
    %get3A_22 = arith.constant 0 : index
    %get3A_23 = arith.constant 0 : index
    %get3A_24 = vector.load %arg3[%get3A_22, %get3A_23] : memref<2000x128xf32, #tpu.memory_space<vmem>>, vector<2000x128xf32>
    %mul3A_25 = vector.broadcast %div3A_14 : vector<2000x1xf32> to vector<2000x128xf32>
    %mul3A_26 = arith.mulf %get3A_24, %mul3A_25 : vector<2000x128xf32>
    %add3A_27 = arith.addf %add3A, %mul3A_26 : vector<2000x128xf32>
    %get3A_28 = arith.constant 0 : index
    %get3A_29 = arith.constant 0 : index
    %get3A_30 = vector.load %arg6[%get3A_28, %get3A_29] : memref<128x128xf32, #tpu.memory_space<vmem>>, vector<128x128xf32>
    %dot_general3A = arith.constant dense<0.000000e+00> : vector<2000x128xf32>
    %dot_general3A_31 = tpu.matmul %add3A_27, %get3A_30, %dot_general3A {dimension_numbers = #tpu.dot_dimension_numbers<[1], [0], [0], [1], [0, 0, 1, 1], [], []>, precision = #tpu.contract_precision<fp32>, transpose_lhs_hint = false} : vector<2000x128xf32>, vector<128x128xf32>, vector<2000x128xf32> -> vector<2000x128xf32>
    %get3A_32 = arith.constant 0 : index
    %get3A_33 = arith.constant 0 : index
    %get3A_34 = vector.load %arg7[%get3A_32, %get3A_33] : memref<1x128xf32, #tpu.memory_space<vmem>>, vector<1x128xf32>
    %add3A_35 = vector.broadcast %get3A_34 : vector<1x128xf32> to vector<2000x128xf32>
    %add3A_36 = arith.addf %dot_general3A_31, %add3A_35 : vector<2000x128xf32>
    %max3A_37 = arith.constant 0.000000e+00 : f32
    %max3A_38 = vector.broadcast %max3A_37 : f32 to vector<2000x128xf32>
    %max3A_39 = arith.maximumf %add3A_36, %max3A_38 : vector<2000x128xf32>
    %add3A_40 = arith.addf %add3A_27, %max3A_39 : vector<2000x128xf32>
    %swap3A = arith.constant 0 : index
    %swap3A_41 = arith.constant 0 : index
    %swap3A_42 = vector.load %arg8[%swap3A, %swap3A_41] : memref<2000x128xf32, #tpu.memory_space<vmem>>, vector<2000x128xf32>
    tpu.vector_store %arg8[%swap3A, %swap3A_41], %add3A_40 {strides = array<i32>} : memref<2000x128xf32, #tpu.memory_space<vmem>>, vector<2000x128xf32>,
    return
  }
  func.func @transform_0(%arg0: i32) -> (i32, i32) {
    %c0_i32 = arith.constant 0 : i32
    %c0_i32_0 = arith.constant 0 : i32
    return %arg0, %c0_i32 : i32, i32
  }
  func.func @transform_1(%arg0: i32) -> (i32, i32) {
    %c0_i32 = arith.constant 0 : i32
    %c0_i32_0 = arith.constant 0 : i32
    return %arg0, %c0_i32 : i32, i32
  }
  func.func @transform_2(%arg0: i32) -> (i32, i32) {
    %c0_i32 = arith.constant 0 : i32
    %c0_i32_0 = arith.constant 0 : i32
    return %arg0, %c0_i32 : i32, i32
  }
  func.func @transform_3(%arg0: i32) -> (i32, i32) {
    %c0_i32 = arith.constant 0 : i32
    %c0_i32_0 = arith.constant 0 : i32
    return %arg0, %c0_i32 : i32, i32
  }
  func.func @transform_4(%arg0: i32) -> (i32, i32) {
    %c0_i32 = arith.constant 0 : i32
    %c0_i32_0 = arith.constant 0 : i32
    return %arg0, %c0_i32 : i32, i32
  }
  func.func @transform_5(%arg0: i32) -> (i32, i32) {
    %c0_i32 = arith.constant 0 : i32
    %c0_i32_0 = arith.constant 0 : i32
    %c0_i32_1 = arith.constant 0 : i32
    return %c0_i32, %c0_i32_0 : i32, i32
  }
  func.func @transform_6(%arg0: i32) -> (i32, i32) {
    %c0_i32 = arith.constant 0 : i32
    %c0_i32_0 = arith.constant 0 : i32
    %c0_i32_1 = arith.constant 0 : i32
    return %c0_i32, %c0_i32_0 : i32, i32
  }
  func.func @transform_7(%arg0: i32) -> (i32, i32) {
    %c0_i32 = arith.constant 0 : i32
    %c0_i32_0 = arith.constant 0 : i32
    return %arg0, %c0_i32 : i32, i32
  }
}

</mosaic_0001>

<sc_bundles>
// kernel: kernel.15.cloned.1.call-start
scs
__scs_entry_jumppad:
0x0: {  	(pc) =	sbr.rel $0x88, $3  }
0x1: {  	(tag) =	ssettag $0x0;
	lr =	simm.s32 $0x1  }
0x2: {  	[smem:$0x3F99] =	sst lr;
	_ =	strace $0xD0000000  }
0x3: {  	_ = 	snop  }
0x4: {  	_ = 	snop  }
0x5: {  	_ = 	snop  }
0x6: {  	_ = 	snop  }
0x7: {  	_ = 	snop  }
__scs_overlays_trampoline_lowered:
0x8: {  	[smem:$0x3FA8] =	sst s0  }
0x9: {  	[smem:$0x3FA9] =	sst s1  }
0xa: {  	[smem:$0x3FAA] =	sst s2  }
0xb: {  	[smem:$0x3FAB] =	sst s3  }
0xc: {  	[smem:$0x3FAC] =	sst s4  }
0xd: {  	[smem:$0x3FAD] =	sst s5  }
0xe: {  	[smem:$0x3FAE] =	sst s6  }
0xf: {  	[smem:$0x3FAF] =	sst s7  }
0x10: {  	[smem:$0x3FB0] =	sst s8  }
0x11: {  	[smem:$0x3FB1] =	sst s9;
	s0 =	simm.s32 @!p0 $0x0  }
0x12: {  	s1 =	sld [smem:$0x3F97];
	s0 =	simm.s32 @p0 $0x1  }
0x13: {  	[smem:$0x3FB2] =	sst s0;
	s0 =	simm.s32 @!p1 $0x0  }
0x14: {  	s2 =	sld [smem:$0x3F96];
	s0 =	simm.s32 @p1 $0x1  }
0x15: {  	[smem:$0x3FB3] =	sst s0;
	s0 =	simm.s32 @!p2 $0x0  }
0x16: {  	s3 =	sld [smem:$0x3FDB];
	s0 =	simm.s32 @p2 $0x1  }
0x17: {  	s4 =	simm.s32 $0x1BF5;
	[smem:$0x3FB5] =	sst s0  }
0x18: {  	s0 =	sld [smem:$0x3F98];
	_ =	swait.ge [sflag:s4], $0x0  }
0x19: {  	s7 =	sld [smem:$0x3F99]  }
0x1a: {  	s8 =	sadd.s32 $0xFFFFE003, lr  }
0x1b: {  	s9 =	sadd.s32 $0xFFFFFEF7, lr;
	s5 =	simm.s32 $0xFFFFFFFF;
	p2 =	slt.u32 s8, $0xFFFFF086  }
0x1c: {  	p1 =	slt.u32 s9, $0xF7A;
	s5 =	simm.s32 @!p2 $0x0  }
0x1d: {  	s5 =	simm.s32 @p1 $0x1;
	p0 =	seq.s32 s7, s2  }
0x1e: {  	s7 =	smul.u32 @!p0 $0xF7A, s2;
	p2 =	seq.s32 @!p0 s5, $0x0  }
0x1f: {  	s9 =	smul.u32 $0xF7A, s1;
	s8 =	simm.s32 @!p0 $0x1BF5;
	p2 =	por !p2, p0  }
0x20: {  	[sflag:s8] =	ssyncset.s32 @!p0 $0xFFFFF086;
	s6 =	sadd.s32 @!p0 s3, s7;
	s7 =	simm.s32 @!p0 $0x108  }
0x21: {  	s3 =	sadd.s32 s3, s9;
	s6 =	sadd.s32 @!p0 $0x88, s6;
	s7 =	simm.s32 @p2 $0x1082  }
0x22: {  	[simem:s7], [sflag:s8] =	dma.local @!p0 [hbm:s6], $0xF7A  }
0x23: {  	s9 =	sor.u32 $0xD0000000, s2;
	s6 =	simm.s32 $0x108;
	_ =	swait.ge @!p0 [sflag:s8], $0x0  }
0x24: {  	s3 =	sadd.s32 $0x88, s3;
	s6 =	simm.s32 @!p1 $0x1082;
	[sflag:s4] =	ssyncset.s32 $0xFFFFF086  }
0x25: {  	[simem:s6], [sflag:s4] =	dma.local [hbm:s3], $0xF7A  }
0x26: {  	[smem:$0x3F99] =	sst s1;
	(tag) =	ssettag s2;
	_ =	strace s9  }
0x27: {  	s1 =	sld [smem:$0x3FA9]  }
0x28: {  	s2 =	sld [smem:$0x3FAA]  }
0x29: {  	s4 =	sld [smem:$0x3FAC]  }
0x2a: {  	p0 =	seq.s32 s5, $0x0;
	s5 =	sld [smem:$0x3FAD]  }
0x2b: {  	s6 =	sld [smem:$0x3FAE]  }
0x2c: {  	s7 =	sld [smem:$0x3FAF]  }
0x2d: {  	s3 =	simm.s32 $0x108;
	s8 =	sld [smem:$0x3FB0]  }
0x2e: {  	s3 =	simm.s32 @!p0 $0x1082;
	s9 =	sld [smem:$0x3FB1]  }
0x2f: {  	lr =	sadd.s32 s0, s3;
	s0 =	sld [smem:$0x3FA8]  }
0x30: {  	s3 =	sld [smem:$0x3FAB]  }
0x31: {  	[smem:$0x3FB4] =	sst s10  }
0x32: {  	s10 =	sld [smem:$0x3FB2];
	_ =	sdelay $0x3  }
0x33: {  	p0 =	seq.s32 s10, $0x1;
	s10 =	sld [smem:$0x3FB4];
	_ =	sdelay $0x3  }
0x34: {  	[smem:$0x3FB4] =	sst s10  }
0x35: {  	s10 =	sld [smem:$0x3FB3];
	_ =	sdelay $0x3  }
0x36: {  	p1 =	seq.s32 s10, $0x1;
	s10 =	sld [smem:$0x3FB4];
	_ =	sdelay $0x3  }
0x37: {  	[smem:$0x3FB4] =	sst s10  }
0x38: {  	s10 =	sld [smem:$0x3FB5]  }
0x39: {  	_ = 	snop;
	(pc) =	sbr.ind lr, $3  }
0x3a: {  	_ = 	snop  }
0x3b: {  	_ = 	snop  }
0x3c: {  	p2 =	seq.s32 s10, $0x1;
	s10 =	sld [smem:$0x3FB4]  }
0x3d: {  	_ =	shalt  }
0x3e: {  	_ =	shalt  }
0x3f: {  	_ =	shalt  }
0x40: {  	_ =	shalt  }
0x41: {  	_ =	shalt  }
0x42: {  	_ =	shalt  }
0x43: {  	_ =	shalt  }
0x44: {  	_ =	shalt  }
0x45: {  	_ =	shalt  }
0x46: {  	_ =	shalt  }
0x47: {  	_ =	shalt  }
0x48: {  	_ =	shalt  }
0x49: {  	_ =	shalt  }
0x4a: {  	_ =	shalt  }
0x4b: {  	_ =	shalt  }
0x4c: {  	_ =	shalt  }
0x4d: {  	_ =	shalt  }
0x4e: {  	_ =	shalt  }
0x4f: {  	_ =	shalt  }
0x50: {  	_ =	shalt  }
0x51: {  	_ =	shalt  }
0x52: {  	_ =	shalt  }
0x53: {  	_ =	shalt  }
0x54: {  	_ =	shalt  }
0x55: {  	_ =	shalt  }
0x56: {  	_ =	shalt  }
0x57: {  	_ =	shalt  }
0x58: {  	_ =	shalt  }
0x59: {  	_ =	shalt  }
0x5a: {  	_ =	shalt  }
0x5b: {  	_ =	shalt  }
0x5c: {  	_ =	shalt  }
0x5d: {  	_ =	shalt  }
0x5e: {  	_ =	shalt  }
0x5f: {  	_ =	shalt  }
0x60: {  	_ =	shalt  }
0x61: {  	_ =	shalt  }
0x62: {  	_ =	shalt  }
0x63: {  	_ =	shalt  }
0x64: {  	_ =	shalt  }
0x65: {  	_ =	shalt  }
0x66: {  	_ =	shalt  }
0x67: {  	_ =	shalt  }
0x68: {  	_ =	shalt  }
0x69: {  	_ =	shalt  }
0x6a: {  	_ =	shalt  }
0x6b: {  	_ =	shalt  }
0x6c: {  	_ =	shalt  }
0x6d: {  	_ =	shalt  }
0x6e: {  	_ =	shalt  }
0x6f: {  	_ =	shalt  }
0x70: {  	_ =	shalt  }
0x71: {  	_ =	shalt  }
0x72: {  	_ =	shalt  }
0x73: {  	_ =	shalt  }
0x74: {  	_ =	shalt  }
0x75: {  	_ =	shalt  }
0x76: {  	_ =	shalt  }
0x77: {  	_ =	shalt  }
0x78: {  	_ =	shalt  }
0x79: {  	_ =	shalt  }
0x7a: {  	_ =	shalt  }
0x7b: {  	_ =	shalt  }
0x7c: {  	_ =	shalt  }
0x7d: {  	_ =	shalt  }
0x7e: {  	_ =	shalt  }
0x7f: {  	_ =	shalt  }
0x80: {  	_ =	shalt  }
0x81: {  	_ =	shalt  }
0x82: {  	_ =	shalt  }
0x83: {  	_ =	shalt  }
0x84: {  	_ =	shalt  }
0x85: {  	_ =	shalt  }
0x86: {  	_ =	shalt  }
0x87: {  	_ =	shalt  }
.Lfunc_end0:
.L_simem_size_0:
called_computation_lowered:
.L_overlay_start_0:
0x88: {  	s2 =	sld [smem:$0x3FD9]  }
0x89: {  	s3 =	sld [smem:$0x3FFE];
	_ =	sdelay $0x1  }
0x8a: {  	s1 =	srdreg.scid  }
0x8b: {  	s0 =	sand.u32 $0x1, s1  }
0x8c: {  	s17 =	sshll.u32 s0, $0xA;
	s2 =	sadd.s32 s3, s2  }
0x8d: {  	s2 =	sadd.s32 s2, s17  }
0x8e: {  	[smem:$0x3FC0] =	sst s2  }
0x8f: {  	_ = 	snop  }
0x90: {  	s2 =	sld [smem:$0x3FD0];
	(tm) =	ssettm $0x1  }
0x91: {  	s18 =	sld [smem:$0x3FFB];
	_ =	sdelay $0x3  }
0x92: {  	_ =	strace s18  }
0x93: {  	s3 =	sld [smem:$0x3FFC];
	_ =	sdelay $0x3  }
0x94: {  	_ =	strace s3  }
0x95: {  	s3 =	sld [smem:$0x3FFD];
	_ =	sdelay $0x3  }
0x96: {  	_ =	strace s3  }
0x97: {  	_ =	strace $0x8FFFFFFF  }
0x98: {  	s19 =	sld [smem:$0x3FDB];
	_ =	sdelay $0x1  }
0x99: {  	s4 =	simm.s32 $_scs_section_size  }
0x9a: {  	s5 =	simm.s32 $_size__tile_overlayer_lowered;
	s6 =	simm.s32 $_tile_overlayer_lowered  }
0x9b: {  	s22 =	simm.s32 $0x1BFF;
	s21 =	sshll.u32 s6, $0x1;
	s3 =	sadd.s32 s4, s19  }
0x9c: {  	s7 =	simm.s32 $0x0;
	s20 =	sshll.u32 s5, $0x1;
	s5 =	sadd.s32 s21, s3  }
0x9d: {  	[timem:s7], [sflag:s22] =	dma.local [hbm:s5], s20  }
0x9e: {  	_ =	swait.ge [sflag:s22], s20  }
0x9f: {  	s4 =	ssub.s32 $0x0, s20;
	[sflag:s22] =	ssyncset.done $0x0  }
0xa0: {  	[sflag:s22] =	ssyncadd.s32 s4;
	_ =	sdelay $0x1  }
0xa1: {  	s23 =	simm.s32 $0x1B8B  }
0xa2: {  	_ =	swait.ge [sflag:s23], $0x1  }
0xa3: {  	[sflag:s23] =	ssyncset.done $0x0  }
0xa4: {  	s25 =	simm.s32 $0x1B8E;
	s24 =	sld [smem:$0x3FFE];
	[sflag:s23] =	ssyncadd.s32 $0xFFFFFFFF  }
0xa5: {  	s26 =	simm.s32 $execute0_lowered;
	[smem:$0x3FD2] =	sst s25  }
0xa6: {  	s5 =	sshll.u32 s26, $0x1;
	_ =	strace $0x80000046;
	[dreg:$0x1] =	wrdreg $0xFFFFFFFF  }
0xa7: {  	s28 =	simm.s32 $_size_execute0_lowered;
	s3 =	sadd.s32 s3, s5;
	[dreg:$0x0] =	wrdreg $0x0  }
0xa8: {  	s5 =	sshll.u32 s28, $0x1;
	[dreg:$0x2] =	wrdreg s3  }
0xa9: {  	[dreg:$0x3] =	wrdreg s5  }
0xaa: {  	[dreg:$0x4] =	wrdreg $0xC0  }
0xab: {  	_ =	task [dreg:s7], $0x5FFFF  }
0xac: {  	[dreg:$0x1] =	wrdreg $0xFFFFFFFF  }
0xad: {  	[dreg:$0x0] =	wrdreg $0x60  }
0xae: {  	[dreg:$0x2] =	wrdreg s2  }
0xaf: {  	[dreg:$0x3] =	wrdreg s24  }
0xb0: {  	[dreg:$0x4] =	wrdreg $0x82000  }
0xb1: {  	[dreg:$0x5] =	wrdreg $0x9  }
0xb2: {  	_ =	task.clear_ibuf [dreg:s7], $0x6FFFF;
	_ =	strace $0x90000046  }
0xb3: {  	s29 =	simm.s32 $0x9;
	_ =	strace $0x80000048  }
0xb4: {  	_ =	swait.ge [sflag:s29], $0x1  }
0xb5: {  	[sflag:s29] =	ssyncadd.s32 $0xFFFFFFFF  }
0xb6: {  	_ =	strace $0x90000048  }
0xb7: {  	_ =	sfence  }
0xb8: {  	s30 =	sld [smem:$0x0];
	_ =	sdelay $0x2  }
0xb9: {  	s31 =	sshll.u32 s1, $0xD;
	s1 =	sshrl.u32 s1, $0x2  }
0xba: {  	s3 =	sand.u32 $0x4000, s31;
	s1 =	sadd.s32 s1, s30  }
0xbb: {  	s0 =	sor.u32 s3, s0;
	s1 =	sshll.u32 s1, $0x11  }
0xbc: {  	s0 =	sor.u32 s1, s0  }
0xbd: {  	s0 =	sadd.s32 $0x8F2B, s0  }
0xbe: {  	[sflag:s0] =	ssyncadd.remote.s32 $0x1  }
0xbf: {  	_ =	sfence.sel $0xFFFF  }
0xc0: {  	[dreg:$0x0] =	wrdreg $0xFFFFFFFF;
	(pc) =	sbr.abs _section_cstart, $3  }
0xc1: {  	[dreg:$0x1] =	wrdreg $0xFFFFFFFF  }
0xc2: {  	_ =	task.clear_ibuf [dreg:s7], $0x2FFFF;
	_ =	strace $0x9FFFFFFF  }
0xc3: {  	(tm) =	ssettm $0x7FFFFFFF  }
tec
execute0_lowered:
.L_overlay_start_1:
0x0: {  	(tag) =	ssettag $0x1  }
0x1: {  	s1 =	rddreg [dreg:$0x0]  }
0x2: {  	s0 =	rddreg [dreg:$0x1]  }
0x3: {  	s3 =	rddreg [dreg:$0x2];
	s4 =	simm.s32 $0x0;
	s2 =	srdreg.scid  }
0x4: {  	s14 =	stileid.u32;
	s28 =	simm.s32 $0x1;
	s30 =	simm.s32 $0x0  }
0x5: {  	[smem:$0x7FF] =	sst s4;
	s2 =	sand.u32 $0x1, s2;
	s6 =	smul.u32 $0x4E000, s14  }
0x6: {  	s7 =	sadd.s32 $0x7C00, s0;
	s5 =	sadd.s32 $0x2F000, s0;
	s10 =	smul.u32 $0x4E80, s14  }
0x7: {  	s15 =	sadd.s32 $0x31800, s0;
	s18 =	sadd.s32 $0x58A00, s0;
	s20 =	sshll.u32 s14, $0x6  }
0x8: {  	s22 =	smul.u32 $0x2700, s14;
	p1 =	sne.s32 s14, $0xF;
	p2 =	seq.s32 s14, $0xF  }
0x9: {  	_ =	strace $0x80000047;
	s8 =	smul.u32 $0x4E800, s2;
	[dreg:$0x4] =	wrdreg s15  }
0xa: {  	s9 =	ssub.s32 $0x2, s2;
	p0 =	seq.s32 s2, $0x1;
	[dreg:$0x5] =	wrdreg s18  }
0xb: {  	s19 =	sshrl.u32 s9, $0x1;
	s6 =	sshrl.u32 s6, $0x2;
	s23 =	sadd.s32 s15, s22  }
0xc: {  	s24 =	sadd.s32 s18, s22;
	s22 =	simm.s32 $0x2;
	s0 =	ssub.s32 s9, s19  }
0xd: {  	s16 =	sadd.s32 s10, s8;
	s17 =	sadd.s32 s6, s3;
	[dreg:$0x7] =	wrdreg s23  }
0xe: {  	s8 =	sor.u32 $0x1C03, s20;
	s10 =	sadd.s32 $0x138000, s3;
	[dreg:$0x8] =	wrdreg s24  }
0xf: {  	s20 =	simm.s32 $0x3;
	s23 =	simm.s32 $0x100;
	s24 =	simm.s32 $0x80  }
0x10: {  	s21 =	sshrl.u32 s16, $0x3;
	s25 =	sadd.s32 $0x9D100, s16;
	s26 =	sadd.s32 $0x100, s16  }
.Ltmp0:
0x11: {  	s16 =	smax.u32 s0, $0x1;
	s19 =	sshrl.u32 s17, $0x3;
	(pc) =	sbr.rel .LBB2_1-.Ltmp0, $4  }
0x12: {  	[dreg:$0x6] =	wrdreg s10;
	s9 =	sadd.s32 s7, s21;
	s29 =	sshrl.u32 s25, $0x3  }
0x13: {  	s31 =	sshrl.u32 s26, $0x3;
	s21 =	sshrl.u32 @!p1 s10, $0x3;
	s25 =	simm.s32 $0x200  }
0x14: {  	s26 =	simm.s32 $0x180;
	s11 =	sadd.s32 $0x13A00, s9;
	s12 =	sadd.s32 $0x10, s9  }
0x15: {  	s13 =	sadd.s32 $0x13A10, s9;
	s6 =	sadd.s32 s29, s7;
	s18 =	sadd.s32 s31, s7  }
.LBB2_6:
0x16: {  	s2 =	rddreg [dreg:$0x6]  }
0x17: {  	s0 =	sadd.s32 $0x27000, s0;
	s2 =	sshrl.u32 s2, $0x3  }
0x18: {  	[hbm:s0], [sflag:s8] =	dma.local [spmem:s2], $0x100  }
0x19: {  	_ =	swait.ge [sflag:s20], $0x100  }
0x1a: {  	[sflag:s20] =	ssyncset.done $0x0  }
0x1b: {  	[sflag:s20] =	ssyncadd.s32 $0xFFFFFF00  }
.LBB2_7:
0x1c: {  	s30 =	sadd.s32 $0x1, s30  }
0x1d: {  	p3 =	sne.s32 s30, s16  }
.Ltmp1:
0x1e: {  	_ = 	snop;
	(pc) =	sbr.rel @!p3 .LBB2_8-.Ltmp1, $1  }
0x1f: {  	_ =	sdelay $0x3  }
.LBB2_1:
0x20: {  	[spmem:s19], [sflag:s8] =	dma.local [hbm:s5], $0x2700  }
0x21: {  	_ =	swait.ge [sflag:s20], $0x2700  }
0x22: {  	[sflag:s20] =	ssyncset.done $0x0  }
0x23: {  	s0 =	simm.s32 @!p1 $0x3;
	[sflag:s20] =	ssyncadd.s32 $0xFFFFD900  }
0x24: {  	[spmem:s21], [sflag:s8] =	dma.local @!p1 [hbm:s5], $0x100  }
0x25: {  	_ =	swait.ge @!p1 [sflag:s0], $0x100  }
0x26: {  	[sflag:s0] =	ssyncset.done @!p1 $0x0  }
0x27: {  	[sflag:s0] =	ssyncadd.s32 @!p1 $0xFFFFFF00  }
0x28: {  	[bflag:$0x0] =	sbarrier.arrive $0xFFFF  }
0x29: {  	[tilespmem:s4], [sflag:$0x2] =	stream.linear.gather [hbm4b:s9+s4], $0x80, $0x38;
	[tilespmem:$0x1BB00] =	vst v63  }
0x2a: {  	_ =	swait.ge [sflag:s22], $0x80  }
0x2b: {  	[sflag:s22] =	ssyncset.done $0x0  }
0x2c: {  	[sflag:s22] =	ssyncadd.s32 $0xFFFFFF80  }
0x2d: {  	[tilespmem:s23], [sflag:$0x2] =	stream.linear.gather [hbm4b:s11+s4], $0x80, $0x38;
	[tilespmem:$0x1BB00] =	vst v63  }
0x2e: {  	_ =	swait.ge [sflag:s22], $0x80  }
0x2f: {  	[sflag:s22] =	ssyncset.done $0x0  }
0x30: {  	[sflag:s22] =	ssyncadd.s32 $0xFFFFFF80  }
0x31: {  	[tilespmem:s25], [sflag:$0x1] =	stream.indirect.gather [hbm4b:s1+s24], $0x80, s4, s24, $0xb8;
	[tilespmem:$0x1BB00] =	vst v63  }
0x32: {  	_ = 	snop  }
0x33: {  	[tilespmem:s24], [sflag:$0x2] =	stream.linear.gather [hbm4b:s12+s4], $0x80, $0x38;
	[tilespmem:$0x1BB00] =	vst v63  }
0x34: {  	_ = 	snop  }
0x35: {  	[tilespmem:s26], [sflag:$0x2] =	stream.linear.gather [hbm4b:s13+s4], $0x80, $0x38;
	[tilespmem:$0x1BB00] =	vst v63  }
0x36: {  	_ =	swait.ge [sflag:s28], $0x4000  }
0x37: {  	[sflag:s28] =	ssyncset.done $0x0  }
0x38: {  	[sflag:s28] =	ssyncadd.s32 $0xFFFFC000  }
0x39: {  	_ =	swait.ge [sflag:s22], $0x80  }
0x3a: {  	[sflag:s22] =	ssyncset.done $0x0  }
0x3b: {  	s29 =	sand.u32 $0x1, s4;
	[sflag:s22] =	ssyncadd.s32 $0xFFFFFF80  }
0x3c: {  	s2 =	sshll.u32 s29, $0xE;
	s7 =	sxor.u32 $0x1, s29;
	_ =	swait.ge [sflag:s22], $0x80  }
0x3d: {  	s17 =	sshll.u32 s7, $0xE;
	s7 =	sshll.u32 s7, $0x7;
	[sflag:s22] =	ssyncset.done $0x0  }
0x3e: {  	s17 =	sor.u32 $0x200, s17;
	s0 =	sshll.u32 s29, $0x7;
	[sflag:s22] =	ssyncadd.s32 $0xFFFFFF80  }
0x3f: {  	[tilespmem:s17], [sflag:$0x1] =	stream.indirect.gather [hbm4b:s1+s24], $0x80, s7, s24, $0xb8;
	[tilespmem:$0x1BB00] =	vst v63  }
0x40: {  	s2 =	sor.u32 $0x200, s2;
	s7 =	sor.u32 $0x100, s0  }
0x41: {  	[spmem:s3] =	stream.indirect.scatter.add.f32 [tilespmem:s2], [sflag:$0x3], $0x80, s7, s24, $0xb8;
	[tilespmem:$0x1BB00] =	vst v63  }
0x42: {  	_ =	swait.ge [sflag:s20], $0x4000  }
0x43: {  	[sflag:s20] =	ssyncset.done $0x0  }
0x44: {  	s31 =	simm.s32 $0x1;
	[sflag:s20] =	ssyncadd.s32 $0xFFFFC000  }
0x45: {  	[tilespmem:s0], [sflag:$0x2] =	stream.linear.gather [hbm4b:s18+s4], $0x80, $0x38;
	[tilespmem:$0x1BB00] =	vst v63  }
0x46: {  	s17 =	smov.u32 s6;
	s2 =	sadd.s32 $0x10, s18;
	s0 =	sadd.s32 $0x10, s6  }
.LBB2_2:
0x47: {  	[tilespmem:s7], [sflag:$0x2] =	stream.linear.gather [hbm4b:s17+s4], $0x80, $0x38;
	[tilespmem:$0x1BB00] =	vst v63  }
0x48: {  	s7 =	smov.u32 s31;
	s17 =	smov.u32 s0  }
0x49: {  	p3 =	sne.s32 s31, $0x9A;
	s31 =	sadd.s32 $0x1, s31;
	_ =	swait.ge [sflag:s28], $0x4000  }
0x4a: {  	[sflag:s28] =	ssyncset.done $0x0  }
0x4b: {  	[sflag:s28] =	ssyncadd.s32 $0xFFFFC000  }
0x4c: {  	_ =	swait.ge [sflag:s22], $0x80  }
0x4d: {  	[sflag:s22] =	ssyncset.done $0x0  }
0x4e: {  	s7 =	sand.u32 $0x1, s7;
	[sflag:s22] =	ssyncadd.s32 $0xFFFFFF80  }
0x4f: {  	s14 =	sshll.u32 s7, $0xE;
	s15 =	sxor.u32 $0x1, s7;
	_ =	swait.ge [sflag:s22], $0x80  }
0x50: {  	s29 =	sshll.u32 s7, $0x7;
	s10 =	sshll.u32 s15, $0xE;
	[sflag:s22] =	ssyncset.done $0x0  }
0x51: {  	s7 =	sshll.u32 s15, $0x7;
	s10 =	sor.u32 $0x200, s10;
	[sflag:s22] =	ssyncadd.s32 $0xFFFFFF80  }
0x52: {  	[tilespmem:s10], [sflag:$0x1] =	stream.indirect.gather [hbm4b:s1+s24], $0x80, s7, s24, $0xb8;
	[tilespmem:$0x1BB00] =	vst v63  }
0x53: {  	s10 =	sor.u32 $0x200, s14;
	s7 =	sor.u32 $0x100, s29  }
0x54: {  	[spmem:s3] =	stream.indirect.scatter.add.f32 [tilespmem:s10], [sflag:$0x3], $0x80, s7, s24, $0xb8;
	[tilespmem:$0x1BB00] =	vst v63  }
.Ltmp2:
0x55: {  	_ =	swait.ge [sflag:s20], $0x4000;
	(pc) =	sbr.rel @p3 .LBB2_2-.Ltmp2, $4  }
0x56: {  	[sflag:s20] =	ssyncset.done $0x0  }
0x57: {  	[sflag:s20] =	ssyncadd.s32 $0xFFFFC000  }
0x58: {  	[tilespmem:s29], [sflag:$0x2] =	stream.linear.gather [hbm4b:s2+s4], $0x80, $0x38;
	[tilespmem:$0x1BB00] =	vst v63  }
0x59: {  	s0 =	sadd.s32 $0x10, s0;
	s2 =	sadd.s32 $0x10, s2  }
0x5a: {  	[tilespmem:s7], [sflag:$0x2] =	stream.linear.gather [hbm4b:s17+s4], $0x80, $0x38;
	[tilespmem:$0x1BB00] =	vst v63  }
0x5b: {  	_ =	swait.ge [sflag:s28], $0x4000  }
0x5c: {  	[sflag:s28] =	ssyncset.done $0x0  }
0x5d: {  	[sflag:s28] =	ssyncadd.s32 $0xFFFFC000  }
0x5e: {  	_ =	swait.ge [sflag:s22], $0x80  }
0x5f: {  	[sflag:s22] =	ssyncset.done $0x0  }
0x60: {  	[sflag:s22] =	ssyncadd.s32 $0xFFFFFF80  }
0x61: {  	_ =	swait.ge [sflag:s22], $0x80  }
0x62: {  	[sflag:s22] =	ssyncset.done $0x0  }
0x63: {  	[sflag:s22] =	ssyncadd.s32 $0xFFFFFF80  }
0x64: {  	[tilespmem:s25], [sflag:$0x1] =	stream.indirect.gather [hbm4b:s1+s24], $0x80, s4, s24, $0xb8;
	[tilespmem:$0x1BB00] =	vst v63  }
0x65: {  	s0 =	simm.s32 $0x4200  }
0x66: {  	[spmem:s3] =	stream.indirect.scatter.add.f32 [tilespmem:s0], [sflag:$0x3], $0x80, s26, s24, $0xb8;
	[tilespmem:$0x1BB00] =	vst v63  }
0x67: {  	_ =	swait.ge [sflag:s20], $0x4000  }
0x68: {  	[sflag:s20] =	ssyncset.done $0x0  }
0x69: {  	[sflag:s20] =	ssyncadd.s32 $0xFFFFC000  }
0x6a: {  	_ =	swait.ge [sflag:s28], $0x4000  }
0x6b: {  	[sflag:s28] =	ssyncset.done $0x0  }
0x6c: {  	[sflag:s28] =	ssyncadd.s32 $0xFFFFC000  }
0x6d: {  	[spmem:s3] =	stream.indirect.scatter.add.f32 [tilespmem:s25], [sflag:$0x3], $0x80, s23, s24, $0xb8;
	[tilespmem:$0x1BB00] =	vst v63  }
.Ltmp3:
0x6e: {  	_ =	swait.ge [sflag:s20], $0x4000;
	(pc) =	sbr.rel @!p0 .LBB2_4-.Ltmp3, $3  }
0x6f: {  	[sflag:s20] =	ssyncset.done $0x0  }
0x70: {  	[sflag:s20] =	ssyncadd.s32 $0xFFFFC000  }
0x71: {  	[bflag:$0x0] =	sbarrier.arrive $0xFFFF;
	_ =	sdelay $0x1  }
0x72: {  	s0 =	rddreg [dreg:$0x8]  }
0x73: {  	[hbm:s0], [sflag:s8] =	dma.local [spmem:s19], $0x2700  }
.Ltmp4:
0x74: {  	_ = 	snop;
	(pc) =	sbr.rel @p1 .LBB2_7-.Ltmp4, $4  }
.Ltmp5:
0x75: {  	_ = 	snop;
	(pc) =	sbr.rel @!p1 .LBB2_6-.Ltmp5, $4  }
0x76: {  	_ =	swait.ge [sflag:s20], $0x2700  }
0x77: {  	[sflag:s20] =	ssyncset.done $0x0  }
0x78: {  	s0 =	rddreg [dreg:$0x5];
	[sflag:s20] =	ssyncadd.s32 $0xFFFFD900  }
0x79: {  	_ = 	snop  }
.LBB2_4:
0x7a: {  	s0 =	rddreg [dreg:$0x7]  }
0x7b: {  	[hbm:s0], [sflag:s8] =	dma.local [spmem:s19], $0x2700  }
.Ltmp6:
0x7c: {  	_ = 	snop;
	(pc) =	sbr.rel @p2 .LBB2_6-.Ltmp6, $4  }
.Ltmp7:
0x7d: {  	_ = 	snop;
	(pc) =	sbr.rel @!p2 .LBB2_7-.Ltmp7, $4  }
0x7e: {  	_ =	swait.ge [sflag:s20], $0x2700  }
0x7f: {  	[sflag:s20] =	ssyncset.done $0x0  }
0x80: {  	s0 =	rddreg [dreg:$0x4];
	[sflag:s20] =	ssyncadd.s32 $0xFFFFD900  }
0x81: {  	_ = 	snop  }
.LBB2_8:
0x82: {  	_ =	sfence.sel $0x180000  }
0x83: {  	[bflag:$0x0] =	sbarrier.arrive $0xFFFF  }
0x84: {  	_ =	strace $0x90000047  }
0x85: {  	s0 =	stileid.u32;
	[bflag:$0x2] =	sbarrier.arrive $0xFFFF  }
0x86: {  	p0 =	sne.s32 s0, $0x0;
	s0 =	rddreg [dreg:$0x3]  }
0x87: {  	s0 =	sadd.s32 @!p0 $0x100000, s0  }
0x88: {  	[sflag:s0] =	ssyncadd.tile.s32 @!p0 $0x1;
	_ =	shalt  }
.Lfunc_end2:
_tile_overlayer_lowered:
.L_overlay_start_2:
0x89: {  	(tag) =	ssettag $0x2  }
0x8a: {  	s0 =	rddreg [dreg:$0x0];
	s2 =	stileid.u32  }
0x8b: {  	s1 =	rddreg [dreg:$0x1];
	p0 =	sne.s32 s2, $0x0  }
0x8c: {  	s3 =	rddreg [dreg:$0x2];
	[bflag:$0x3] =	sbarrier.arrive $0xFFFF;
	s2 =	simm.s32 @!p0 $0x1C03  }
0x8d: {  	[timem:s3], [sflag:s2] =	dma.local @!p0 [hbm:s0], s1  }
0x8e: {  	s0 =	simm.s32 @!p0 $0x3  }
0x8f: {  	_ =	swait.ge @!p0 [sflag:s0], s1  }
0x90: {  	s1 =	ssub.s32 @!p0 $0x0, s1;
	[sflag:s0] =	ssyncset.done @!p0 $0x0  }
0x91: {  	[sflag:s0] =	ssyncadd.s32 @!p0 s1  }
0x92: {  	[bflag:$0x3] =	sbarrier.arrive $0xFFFF  }
0x93: {  	_ =	shalt  }

// kernel: kernel.18.cloned.1.call-start
scs
__scs_entry_jumppad:
0x0: {  	(pc) =	sbr.rel $0x88, $3  }
0x1: {  	(tag) =	ssettag $0x0;
	lr =	simm.s32 $0x1  }
0x2: {  	[smem:$0x3F99] =	sst lr;
	_ =	strace $0xD0000000  }
0x3: {  	_ = 	snop  }
0x4: {  	_ = 	snop  }
0x5: {  	_ = 	snop  }
0x6: {  	_ = 	snop  }
0x7: {  	_ = 	snop  }
__scs_overlays_trampoline_lowered:
0x8: {  	[smem:$0x3FA8] =	sst s0  }
0x9: {  	[smem:$0x3FA9] =	sst s1  }
0xa: {  	[smem:$0x3FAA] =	sst s2  }
0xb: {  	[smem:$0x3FAB] =	sst s3  }
0xc: {  	[smem:$0x3FAC] =	sst s4  }
0xd: {  	[smem:$0x3FAD] =	sst s5  }
0xe: {  	[smem:$0x3FAE] =	sst s6  }
0xf: {  	[smem:$0x3FAF] =	sst s7  }
0x10: {  	[smem:$0x3FB0] =	sst s8  }
0x11: {  	[smem:$0x3FB1] =	sst s9;
	s0 =	simm.s32 @!p0 $0x0  }
0x12: {  	s1 =	sld [smem:$0x3F97];
	s0 =	simm.s32 @p0 $0x1  }
0x13: {  	[smem:$0x3FB2] =	sst s0;
	s0 =	simm.s32 @!p1 $0x0  }
0x14: {  	s2 =	sld [smem:$0x3F96];
	s0 =	simm.s32 @p1 $0x1  }
0x15: {  	[smem:$0x3FB3] =	sst s0;
	s0 =	simm.s32 @!p2 $0x0  }
0x16: {  	s3 =	sld [smem:$0x3FDB];
	s0 =	simm.s32 @p2 $0x1  }
0x17: {  	s4 =	simm.s32 $0x1BF5;
	[smem:$0x3FB5] =	sst s0  }
0x18: {  	s0 =	sld [smem:$0x3F98];
	_ =	swait.ge [sflag:s4], $0x0  }
0x19: {  	s7 =	sld [smem:$0x3F99]  }
0x1a: {  	s8 =	sadd.s32 $0xFFFFE003, lr  }
0x1b: {  	s9 =	sadd.s32 $0xFFFFFEF7, lr;
	s5 =	simm.s32 $0xFFFFFFFF;
	p2 =	slt.u32 s8, $0xFFFFF086  }
0x1c: {  	p1 =	slt.u32 s9, $0xF7A;
	s5 =	simm.s32 @!p2 $0x0  }
0x1d: {  	s5 =	simm.s32 @p1 $0x1;
	p0 =	seq.s32 s7, s2  }
0x1e: {  	s7 =	smul.u32 @!p0 $0xF7A, s2;
	p2 =	seq.s32 @!p0 s5, $0x0  }
0x1f: {  	s9 =	smul.u32 $0xF7A, s1;
	s8 =	simm.s32 @!p0 $0x1BF5;
	p2 =	por !p2, p0  }
0x20: {  	[sflag:s8] =	ssyncset.s32 @!p0 $0xFFFFF086;
	s6 =	sadd.s32 @!p0 s3, s7;
	s7 =	simm.s32 @!p0 $0x108  }
0x21: {  	s3 =	sadd.s32 s3, s9;
	s6 =	sadd.s32 @!p0 $0x88, s6;
	s7 =	simm.s32 @p2 $0x1082  }
0x22: {  	[simem:s7], [sflag:s8] =	dma.local @!p0 [hbm:s6], $0xF7A  }
0x23: {  	s9 =	sor.u32 $0xD0000000, s2;
	s6 =	simm.s32 $0x108;
	_ =	swait.ge @!p0 [sflag:s8], $0x0  }
0x24: {  	s3 =	sadd.s32 $0x88, s3;
	s6 =	simm.s32 @!p1 $0x1082;
	[sflag:s4] =	ssyncset.s32 $0xFFFFF086  }
0x25: {  	[simem:s6], [sflag:s4] =	dma.local [hbm:s3], $0xF7A  }
0x26: {  	[smem:$0x3F99] =	sst s1;
	(tag) =	ssettag s2;
	_ =	strace s9  }
0x27: {  	s1 =	sld [smem:$0x3FA9]  }
0x28: {  	s2 =	sld [smem:$0x3FAA]  }
0x29: {  	s4 =	sld [smem:$0x3FAC]  }
0x2a: {  	p0 =	seq.s32 s5, $0x0;
	s5 =	sld [smem:$0x3FAD]  }
0x2b: {  	s6 =	sld [smem:$0x3FAE]  }
0x2c: {  	s7 =	sld [smem:$0x3FAF]  }
0x2d: {  	s3 =	simm.s32 $0x108;
	s8 =	sld [smem:$0x3FB0]  }
0x2e: {  	s3 =	simm.s32 @!p0 $0x1082;
	s9 =	sld [smem:$0x3FB1]  }
0x2f: {  	lr =	sadd.s32 s0, s3;
	s0 =	sld [smem:$0x3FA8]  }
0x30: {  	s3 =	sld [smem:$0x3FAB]  }
0x31: {  	[smem:$0x3FB4] =	sst s10  }
0x32: {  	s10 =	sld [smem:$0x3FB2];
	_ =	sdelay $0x3  }
0x33: {  	p0 =	seq.s32 s10, $0x1;
	s10 =	sld [smem:$0x3FB4];
	_ =	sdelay $0x3  }
0x34: {  	[smem:$0x3FB4] =	sst s10  }
0x35: {  	s10 =	sld [smem:$0x3FB3];
	_ =	sdelay $0x3  }
0x36: {  	p1 =	seq.s32 s10, $0x1;
	s10 =	sld [smem:$0x3FB4];
	_ =	sdelay $0x3  }
0x37: {  	[smem:$0x3FB4] =	sst s10  }
0x38: {  	s10 =	sld [smem:$0x3FB5]  }
0x39: {  	_ = 	snop;
	(pc) =	sbr.ind lr, $3  }
0x3a: {  	_ = 	snop  }
0x3b: {  	_ = 	snop  }
0x3c: {  	p2 =	seq.s32 s10, $0x1;
	s10 =	sld [smem:$0x3FB4]  }
0x3d: {  	_ =	shalt  }
0x3e: {  	_ =	shalt  }
0x3f: {  	_ =	shalt  }
0x40: {  	_ =	shalt  }
0x41: {  	_ =	shalt  }
0x42: {  	_ =	shalt  }
0x43: {  	_ =	shalt  }
0x44: {  	_ =	shalt  }
0x45: {  	_ =	shalt  }
0x46: {  	_ =	shalt  }
0x47: {  	_ =	shalt  }
0x48: {  	_ =	shalt  }
0x49: {  	_ =	shalt  }
0x4a: {  	_ =	shalt  }
0x4b: {  	_ =	shalt  }
0x4c: {  	_ =	shalt  }
0x4d: {  	_ =	shalt  }
0x4e: {  	_ =	shalt  }
0x4f: {  	_ =	shalt  }
0x50: {  	_ =	shalt  }
0x51: {  	_ =	shalt  }
0x52: {  	_ =	shalt  }
0x53: {  	_ =	shalt  }
0x54: {  	_ =	shalt  }
0x55: {  	_ =	shalt  }
0x56: {  	_ =	shalt  }
0x57: {  	_ =	shalt  }
0x58: {  	_ =	shalt  }
0x59: {  	_ =	shalt  }
0x5a: {  	_ =	shalt  }
0x5b: {  	_ =	shalt  }
0x5c: {  	_ =	shalt  }
0x5d: {  	_ =	shalt  }
0x5e: {  	_ =	shalt  }
0x5f: {  	_ =	shalt  }
0x60: {  	_ =	shalt  }
0x61: {  	_ =	shalt  }
0x62: {  	_ =	shalt  }
0x63: {  	_ =	shalt  }
0x64: {  	_ =	shalt  }
0x65: {  	_ =	shalt  }
0x66: {  	_ =	shalt  }
0x67: {  	_ =	shalt  }
0x68: {  	_ =	shalt  }
0x69: {  	_ =	shalt  }
0x6a: {  	_ =	shalt  }
0x6b: {  	_ =	shalt  }
0x6c: {  	_ =	shalt  }
0x6d: {  	_ =	shalt  }
0x6e: {  	_ =	shalt  }
0x6f: {  	_ =	shalt  }
0x70: {  	_ =	shalt  }
0x71: {  	_ =	shalt  }
0x72: {  	_ =	shalt  }
0x73: {  	_ =	shalt  }
0x74: {  	_ =	shalt  }
0x75: {  	_ =	shalt  }
0x76: {  	_ =	shalt  }
0x77: {  	_ =	shalt  }
0x78: {  	_ =	shalt  }
0x79: {  	_ =	shalt  }
0x7a: {  	_ =	shalt  }
0x7b: {  	_ =	shalt  }
0x7c: {  	_ =	shalt  }
0x7d: {  	_ =	shalt  }
0x7e: {  	_ =	shalt  }
0x7f: {  	_ =	shalt  }
0x80: {  	_ =	shalt  }
0x81: {  	_ =	shalt  }
0x82: {  	_ =	shalt  }
0x83: {  	_ =	shalt  }
0x84: {  	_ =	shalt  }
0x85: {  	_ =	shalt  }
0x86: {  	_ =	shalt  }
0x87: {  	_ =	shalt  }
.Lfunc_end0:
.L_simem_size_0:
called_computation.1_lowered:
.L_overlay_start_0:
0x88: {  	s2 =	sld [smem:$0x3FD9]  }
0x89: {  	s3 =	sld [smem:$0x3FFE];
	_ =	sdelay $0x1  }
0x8a: {  	s1 =	srdreg.scid  }
0x8b: {  	s0 =	sand.u32 $0x1, s1  }
0x8c: {  	s17 =	sshll.u32 s0, $0xA;
	s2 =	sadd.s32 s3, s2  }
0x8d: {  	s2 =	sadd.s32 s2, s17  }
0x8e: {  	[smem:$0x3FC0] =	sst s2  }
0x8f: {  	_ = 	snop  }
0x90: {  	s18 =	sld [smem:$0x3FC9];
	(tm) =	ssettm $0x1  }
0x91: {  	s19 =	sld [smem:$0x3FFB];
	_ =	sdelay $0x3  }
0x92: {  	_ =	strace s19  }
0x93: {  	s2 =	sld [smem:$0x3FFC];
	_ =	sdelay $0x3  }
0x94: {  	_ =	strace s2  }
0x95: {  	s2 =	sld [smem:$0x3FFD];
	_ =	sdelay $0x3  }
0x96: {  	_ =	strace s2  }
0x97: {  	_ =	strace $0x8FFFFFFF  }
0x98: {  	s20 =	sld [smem:$0x3FDB];
	_ =	sdelay $0x1  }
0x99: {  	s4 =	simm.s32 $_scs_section_size  }
0x9a: {  	s5 =	simm.s32 $_size__tile_overlayer_lowered;
	s6 =	simm.s32 $_tile_overlayer_lowered  }
0x9b: {  	s7 =	simm.s32 $0x1BFF;
	s21 =	sshll.u32 s6, $0x1;
	s4 =	sadd.s32 s4, s20  }
0x9c: {  	s22 =	simm.s32 $0x0;
	s5 =	sshll.u32 s5, $0x1;
	s6 =	sadd.s32 s21, s4  }
0x9d: {  	[timem:s22], [sflag:s7] =	dma.local [hbm:s6], s5  }
0x9e: {  	_ =	swait.ge [sflag:s7], s5  }
0x9f: {  	s5 =	ssub.s32 $0x0, s5;
	[sflag:s7] =	ssyncset.done $0x0  }
0xa0: {  	[sflag:s7] =	ssyncadd.s32 s5;
	_ =	sdelay $0x1  }
0xa1: {  	s23 =	simm.s32 $0x1B8B  }
0xa2: {  	_ =	swait.ge [sflag:s23], $0x1  }
0xa3: {  	[sflag:s23] =	ssyncset.done $0x0  }
0xa4: {  	[sflag:s23] =	ssyncadd.s32 $0xFFFFFFFF  }
0xa5: {  	s5 =	sld [smem:$0x0]  }
0xa6: {  	s6 =	sand.u32 $0xFFFFFFFE, s1  }
0xa7: {  	p0 =	sne.s32 s1, s6  }
0xa8: {  	s6 =	sshll.u32 @p0 s6, $0xE  }
0xa9: {  	s6 =	sadd.s32 @p0 $0x11B8D, s6;
	s7 =	sshll.u32 @p0 s5, $0x11  }
0xaa: {  	s6 =	sor.u32 @p0 s7, s6  }
0xab: {  	[sflag:s6] =	ssyncadd.remote.s32 @p0 $0x1;
	_ =	sdelay $0x1  }
0xac: {  	s6 =	simm.s32 @p0 $0x1B8D  }
0xad: {  	_ =	swait.eq @p0 [sflag:s6], $0x1  }
0xae: {  	[sflag:s6] =	ssyncadd.s32 @p0 $0xFFFFFFFF  }
0xaf: {  	s7 =	sshll.u32 @!p0 s1, $0xE  }
0xb0: {  	s7 =	sor.u32 @!p0 $0x4000, s7;
	s6 =	simm.s32 @!p0 $0x1B8D  }
0xb1: {  	s5 =	sshll.u32 @!p0 s5, $0x11;
	s7 =	sadd.s32 @!p0 $0x11B8D, s7;
	_ =	swait.eq @!p0 [sflag:s6], $0x1  }
0xb2: {  	s5 =	sor.u32 @!p0 s5, s7;
	[sflag:s6] =	ssyncadd.s32 @!p0 $0xFFFFFFFF  }
0xb3: {  	s25 =	simm.s32 $0x1B8E;
	s24 =	sld [smem:$0x3FFE];
	[sflag:s5] =	ssyncadd.remote.s32 @!p0 $0x1  }
0xb4: {  	s26 =	simm.s32 $execute0_lowered;
	[smem:$0x3FD2] =	sst s25  }
0xb5: {  	s6 =	sshll.u32 s26, $0x1;
	_ =	strace $0x80000049;
	[dreg:$0x1] =	wrdreg $0xFFFFFFFF  }
0xb6: {  	s28 =	simm.s32 $_size_execute0_lowered;
	s4 =	sadd.s32 s4, s6;
	[dreg:$0x0] =	wrdreg $0x0  }
0xb7: {  	s6 =	sshll.u32 s28, $0x1;
	[dreg:$0x2] =	wrdreg s4  }
0xb8: {  	[dreg:$0x3] =	wrdreg s6  }
0xb9: {  	[dreg:$0x4] =	wrdreg $0xC0  }
0xba: {  	_ =	task [dreg:s22], $0x5FFFF  }
0xbb: {  	[dreg:$0x1] =	wrdreg $0xFFFFFFFF  }
0xbc: {  	[dreg:$0x0] =	wrdreg $0x60  }
0xbd: {  	[dreg:$0x2] =	wrdreg s18  }
0xbe: {  	[dreg:$0x3] =	wrdreg s24  }
0xbf: {  	[dreg:$0x4] =	wrdreg $0x82000  }
0xc0: {  	[dreg:$0x5] =	wrdreg $0xA  }
0xc1: {  	_ =	task.clear_ibuf [dreg:s22], $0x6FFFF;
	_ =	strace $0x90000049  }
0xc2: {  	s29 =	simm.s32 $0xA;
	_ =	strace $0x8000004B  }
0xc3: {  	_ =	swait.ge [sflag:s29], $0x1  }
0xc4: {  	[sflag:s29] =	ssyncadd.s32 $0xFFFFFFFF  }
0xc5: {  	_ =	strace $0x9000004B  }
0xc6: {  	_ =	sfence  }
0xc7: {  	s30 =	sld [smem:$0x0];
	_ =	sdelay $0x2  }
0xc8: {  	s31 =	sshll.u32 s1, $0xD;
	s1 =	sshrl.u32 s1, $0x2  }
0xc9: {  	s4 =	sand.u32 $0x4000, s31;
	s1 =	sadd.s32 s1, s30  }
0xca: {  	s0 =	sor.u32 s4, s0;
	s1 =	sshll.u32 s1, $0x11  }
0xcb: {  	s0 =	sor.u32 s1, s0  }
0xcc: {  	s0 =	sadd.s32 $0x8F2B, s0  }
0xcd: {  	[sflag:s0] =	ssyncadd.remote.s32 $0x1  }
0xce: {  	_ =	sfence.sel $0xFFFF  }
0xcf: {  	[dreg:$0x0] =	wrdreg $0xFFFFFFFF;
	(pc) =	sbr.abs _section_cstart, $3  }
0xd0: {  	[dreg:$0x1] =	wrdreg $0xFFFFFFFF  }
0xd1: {  	_ =	task.clear_ibuf [dreg:s22], $0x2FFFF;
	_ =	strace $0x9FFFFFFF  }
0xd2: {  	(tm) =	ssettm $0x7FFFFFFF  }
0xd3: {  	_ =	shalt  }
tec
execute0_lowered:
.L_overlay_start_1:
0x0: {  	(tag) =	ssettag $0x1  }
0x1: {  	s1 =	rddreg [dreg:$0x0]  }
0x2: {  	s0 =	rddreg [dreg:$0x1]  }
0x3: {  	s3 =	rddreg [dreg:$0x2];
	s4 =	simm.s32 $0x0;
	s2 =	srdreg.scid  }
0x4: {  	s14 =	stileid.u32;
	s28 =	simm.s32 $0x1;
	s30 =	simm.s32 $0x0  }
0x5: {  	[smem:$0x7FF] =	sst s4;
	s2 =	sand.u32 $0x1, s2;
	s6 =	smul.u32 $0x4E000, s14  }
0x6: {  	s7 =	sadd.s32 $0x7C00, s0;
	s5 =	sadd.s32 $0x2F000, s0;
	s10 =	smul.u32 $0x4E80, s14  }
0x7: {  	s15 =	sadd.s32 $0x7FC00, s0;
	s18 =	sadd.s32 $0xA6E00, s0;
	s20 =	sshll.u32 s14, $0x6  }
0x8: {  	s22 =	smul.u32 $0x2700, s14;
	p1 =	sne.s32 s14, $0xF;
	p2 =	seq.s32 s14, $0xF  }
0x9: {  	_ =	strace $0x8000004A;
	s8 =	smul.u32 $0x4E800, s2;
	[dreg:$0x4] =	wrdreg s15  }
0xa: {  	s9 =	ssub.s32 $0x2, s2;
	p0 =	seq.s32 s2, $0x1;
	[dreg:$0x5] =	wrdreg s18  }
0xb: {  	s19 =	sshrl.u32 s9, $0x1;
	s6 =	sshrl.u32 s6, $0x2;
	s23 =	sadd.s32 s15, s22  }
0xc: {  	s24 =	sadd.s32 s18, s22;
	s22 =	simm.s32 $0x2;
	s0 =	ssub.s32 s9, s19  }
0xd: {  	s16 =	sadd.s32 s10, s8;
	s17 =	sadd.s32 s6, s3;
	[dreg:$0x7] =	wrdreg s23  }
0xe: {  	s8 =	sor.u32 $0x1C03, s20;
	s10 =	sadd.s32 $0x138000, s3;
	[dreg:$0x8] =	wrdreg s24  }
0xf: {  	s20 =	simm.s32 $0x3;
	s23 =	simm.s32 $0x100;
	s24 =	simm.s32 $0x80  }
0x10: {  	s21 =	sshrl.u32 s16, $0x3;
	s25 =	sadd.s32 $0x9D100, s16;
	s26 =	sadd.s32 $0x100, s16  }
.Ltmp0:
0x11: {  	s16 =	smax.u32 s0, $0x1;
	s19 =	sshrl.u32 s17, $0x3;
	(pc) =	sbr.rel .LBB2_1-.Ltmp0, $4  }
0x12: {  	[dreg:$0x6] =	wrdreg s10;
	s9 =	sadd.s32 s7, s21;
	s29 =	sshrl.u32 s25, $0x3  }
0x13: {  	s31 =	sshrl.u32 s26, $0x3;
	s21 =	sshrl.u32 @!p1 s10, $0x3;
	s25 =	simm.s32 $0x200  }
0x14: {  	s26 =	simm.s32 $0x180;
	s11 =	sadd.s32 $0x13A00, s9;
	s12 =	sadd.s32 $0x10, s9  }
0x15: {  	s13 =	sadd.s32 $0x13A10, s9;
	s6 =	sadd.s32 s29, s7;
	s18 =	sadd.s32 s31, s7  }
.LBB2_6:
0x16: {  	s2 =	rddreg [dreg:$0x6]  }
0x17: {  	s0 =	sadd.s32 $0x27000, s0;
	s2 =	sshrl.u32 s2, $0x3  }
0x18: {  	[hbm:s0], [sflag:s8] =	dma.local [spmem:s2], $0x100  }
0x19: {  	_ =	swait.ge [sflag:s20], $0x100  }
0x1a: {  	[sflag:s20] =	ssyncset.done $0x0  }
0x1b: {  	[sflag:s20] =	ssyncadd.s32 $0xFFFFFF00  }
.LBB2_7:
0x1c: {  	s30 =	sadd.s32 $0x1, s30  }
0x1d: {  	p3 =	sne.s32 s30, s16  }
.Ltmp1:
0x1e: {  	_ = 	snop;
	(pc) =	sbr.rel @!p3 .LBB2_8-.Ltmp1, $1  }
0x1f: {  	_ =	sdelay $0x3  }
.LBB2_1:
0x20: {  	[spmem:s19], [sflag:s8] =	dma.local [hbm:s5], $0x2700  }
0x21: {  	_ =	swait.ge [sflag:s20], $0x2700  }
0x22: {  	[sflag:s20] =	ssyncset.done $0x0  }
0x23: {  	s0 =	simm.s32 @!p1 $0x3;
	[sflag:s20] =	ssyncadd.s32 $0xFFFFD900  }
0x24: {  	[spmem:s21], [sflag:s8] =	dma.local @!p1 [hbm:s5], $0x100  }
0x25: {  	_ =	swait.ge @!p1 [sflag:s0], $0x100  }
0x26: {  	[sflag:s0] =	ssyncset.done @!p1 $0x0  }
0x27: {  	[sflag:s0] =	ssyncadd.s32 @!p1 $0xFFFFFF00  }
0x28: {  	[bflag:$0x0] =	sbarrier.arrive $0xFFFF  }
0x29: {  	[tilespmem:s4], [sflag:$0x2] =	stream.linear.gather [hbm4b:s9+s4], $0x80, $0x38;
	[tilespmem:$0x1BB00] =	vst v63  }
0x2a: {  	_ =	swait.ge [sflag:s22], $0x80  }
0x2b: {  	[sflag:s22] =	ssyncset.done $0x0  }
0x2c: {  	[sflag:s22] =	ssyncadd.s32 $0xFFFFFF80  }
0x2d: {  	[tilespmem:s23], [sflag:$0x2] =	stream.linear.gather [hbm4b:s11+s4], $0x80, $0x38;
	[tilespmem:$0x1BB00] =	vst v63  }
0x2e: {  	_ =	swait.ge [sflag:s22], $0x80  }
0x2f: {  	[sflag:s22] =	ssyncset.done $0x0  }
0x30: {  	[sflag:s22] =	ssyncadd.s32 $0xFFFFFF80  }
0x31: {  	[tilespmem:s25], [sflag:$0x1] =	stream.indirect.gather [hbm4b:s1+s24], $0x80, s4, s24, $0xb8;
	[tilespmem:$0x1BB00] =	vst v63  }
0x32: {  	_ = 	snop  }
0x33: {  	[tilespmem:s24], [sflag:$0x2] =	stream.linear.gather [hbm4b:s12+s4], $0x80, $0x38;
	[tilespmem:$0x1BB00] =	vst v63  }
0x34: {  	_ = 	snop  }
0x35: {  	[tilespmem:s26], [sflag:$0x2] =	stream.linear.gather [hbm4b:s13+s4], $0x80, $0x38;
	[tilespmem:$0x1BB00] =	vst v63  }
0x36: {  	_ =	swait.ge [sflag:s28], $0x4000  }
0x37: {  	[sflag:s28] =	ssyncset.done $0x0  }
0x38: {  	[sflag:s28] =	ssyncadd.s32 $0xFFFFC000  }
0x39: {  	_ =	swait.ge [sflag:s22], $0x80  }
0x3a: {  	[sflag:s22] =	ssyncset.done $0x0  }
0x3b: {  	s29 =	sand.u32 $0x1, s4;
	[sflag:s22] =	ssyncadd.s32 $0xFFFFFF80  }
0x3c: {  	s2 =	sshll.u32 s29, $0xE;
	s7 =	sxor.u32 $0x1, s29;
	_ =	swait.ge [sflag:s22], $0x80  }
0x3d: {  	s17 =	sshll.u32 s7, $0xE;
	s7 =	sshll.u32 s7, $0x7;
	[sflag:s22] =	ssyncset.done $0x0  }
0x3e: {  	s17 =	sor.u32 $0x200, s17;
	s0 =	sshll.u32 s29, $0x7;
	[sflag:s22] =	ssyncadd.s32 $0xFFFFFF80  }
0x3f: {  	[tilespmem:s17], [sflag:$0x1] =	stream.indirect.gather [hbm4b:s1+s24], $0x80, s7, s24, $0xb8;
	[tilespmem:$0x1BB00] =	vst v63  }
0x40: {  	s2 =	sor.u32 $0x200, s2;
	s7 =	sor.u32 $0x100, s0  }
0x41: {  	[spmem:s3] =	stream.indirect.scatter.add.f32 [tilespmem:s2], [sflag:$0x3], $0x80, s7, s24, $0xb8;
	[tilespmem:$0x1BB00] =	vst v63  }
0x42: {  	_ =	swait.ge [sflag:s20], $0x4000  }
0x43: {  	[sflag:s20] =	ssyncset.done $0x0  }
0x44: {  	s31 =	simm.s32 $0x1;
	[sflag:s20] =	ssyncadd.s32 $0xFFFFC000  }
0x45: {  	[tilespmem:s0], [sflag:$0x2] =	stream.linear.gather [hbm4b:s18+s4], $0x80, $0x38;
	[tilespmem:$0x1BB00] =	vst v63  }
0x46: {  	s17 =	smov.u32 s6;
	s2 =	sadd.s32 $0x10, s18;
	s0 =	sadd.s32 $0x10, s6  }
.LBB2_2:
0x47: {  	[tilespmem:s7], [sflag:$0x2] =	stream.linear.gather [hbm4b:s17+s4], $0x80, $0x38;
	[tilespmem:$0x1BB00] =	vst v63  }
0x48: {  	s7 =	smov.u32 s31;
	s17 =	smov.u32 s0  }
0x49: {  	p3 =	sne.s32 s31, $0x9A;
	s31 =	sadd.s32 $0x1, s31;
	_ =	swait.ge [sflag:s28], $0x4000  }
0x4a: {  	[sflag:s28] =	ssyncset.done $0x0  }
0x4b: {  	[sflag:s28] =	ssyncadd.s32 $0xFFFFC000  }
0x4c: {  	_ =	swait.ge [sflag:s22], $0x80  }
0x4d: {  	[sflag:s22] =	ssyncset.done $0x0  }
0x4e: {  	s7 =	sand.u32 $0x1, s7;
	[sflag:s22] =	ssyncadd.s32 $0xFFFFFF80  }
0x4f: {  	s14 =	sshll.u32 s7, $0xE;
	s15 =	sxor.u32 $0x1, s7;
	_ =	swait.ge [sflag:s22], $0x80  }
0x50: {  	s29 =	sshll.u32 s7, $0x7;
	s10 =	sshll.u32 s15, $0xE;
	[sflag:s22] =	ssyncset.done $0x0  }
0x51: {  	s7 =	sshll.u32 s15, $0x7;
	s10 =	sor.u32 $0x200, s10;
	[sflag:s22] =	ssyncadd.s32 $0xFFFFFF80  }
0x52: {  	[tilespmem:s10], [sflag:$0x1] =	stream.indirect.gather [hbm4b:s1+s24], $0x80, s7, s24, $0xb8;
	[tilespmem:$0x1BB00] =	vst v63  }
0x53: {  	s10 =	sor.u32 $0x200, s14;
	s7 =	sor.u32 $0x100, s29  }
0x54: {  	[spmem:s3] =	stream.indirect.scatter.add.f32 [tilespmem:s10], [sflag:$0x3], $0x80, s7, s24, $0xb8;
	[tilespmem:$0x1BB00] =	vst v63  }
.Ltmp2:
0x55: {  	_ =	swait.ge [sflag:s20], $0x4000;
	(pc) =	sbr.rel @p3 .LBB2_2-.Ltmp2, $4  }
0x56: {  	[sflag:s20] =	ssyncset.done $0x0  }
0x57: {  	[sflag:s20] =	ssyncadd.s32 $0xFFFFC000  }
0x58: {  	[tilespmem:s29], [sflag:$0x2] =	stream.linear.gather [hbm4b:s2+s4], $0x80, $0x38;
	[tilespmem:$0x1BB00] =	vst v63  }
0x59: {  	s0 =	sadd.s32 $0x10, s0;
	s2 =	sadd.s32 $0x10, s2  }
0x5a: {  	[tilespmem:s7], [sflag:$0x2] =	stream.linear.gather [hbm4b:s17+s4], $0x80, $0x38;
	[tilespmem:$0x1BB00] =	vst v63  }
0x5b: {  	_ =	swait.ge [sflag:s28], $0x4000  }
0x5c: {  	[sflag:s28] =	ssyncset.done $0x0  }
0x5d: {  	[sflag:s28] =	ssyncadd.s32 $0xFFFFC000  }
0x5e: {  	_ =	swait.ge [sflag:s22], $0x80  }
0x5f: {  	[sflag:s22] =	ssyncset.done $0x0  }
0x60: {  	[sflag:s22] =	ssyncadd.s32 $0xFFFFFF80  }
0x61: {  	_ =	swait.ge [sflag:s22], $0x80  }
0x62: {  	[sflag:s22] =	ssyncset.done $0x0  }
0x63: {  	[sflag:s22] =	ssyncadd.s32 $0xFFFFFF80  }
0x64: {  	[tilespmem:s25], [sflag:$0x1] =	stream.indirect.gather [hbm4b:s1+s24], $0x80, s4, s24, $0xb8;
	[tilespmem:$0x1BB00] =	vst v63  }
0x65: {  	s0 =	simm.s32 $0x4200  }
0x66: {  	[spmem:s3] =	stream.indirect.scatter.add.f32 [tilespmem:s0], [sflag:$0x3], $0x80, s26, s24, $0xb8;
	[tilespmem:$0x1BB00] =	vst v63  }
0x67: {  	_ =	swait.ge [sflag:s20], $0x4000  }
0x68: {  	[sflag:s20] =	ssyncset.done $0x0  }
0x69: {  	[sflag:s20] =	ssyncadd.s32 $0xFFFFC000  }
0x6a: {  	_ =	swait.ge [sflag:s28], $0x4000  }
0x6b: {  	[sflag:s28] =	ssyncset.done $0x0  }
0x6c: {  	[sflag:s28] =	ssyncadd.s32 $0xFFFFC000  }
0x6d: {  	[spmem:s3] =	stream.indirect.scatter.add.f32 [tilespmem:s25], [sflag:$0x3], $0x80, s23, s24, $0xb8;
	[tilespmem:$0x1BB00] =	vst v63  }
.Ltmp3:
0x6e: {  	_ =	swait.ge [sflag:s20], $0x4000;
	(pc) =	sbr.rel @!p0 .LBB2_4-.Ltmp3, $3  }
0x6f: {  	[sflag:s20] =	ssyncset.done $0x0  }
0x70: {  	[sflag:s20] =	ssyncadd.s32 $0xFFFFC000  }
0x71: {  	[bflag:$0x0] =	sbarrier.arrive $0xFFFF;
	_ =	sdelay $0x1  }
0x72: {  	s0 =	rddreg [dreg:$0x8]  }
0x73: {  	[hbm:s0], [sflag:s8] =	dma.local [spmem:s19], $0x2700  }
.Ltmp4:
0x74: {  	_ = 	snop;
	(pc) =	sbr.rel @p1 .LBB2_7-.Ltmp4, $4  }
.Ltmp5:
0x75: {  	_ = 	snop;
	(pc) =	sbr.rel @!p1 .LBB2_6-.Ltmp5, $4  }
0x76: {  	_ =	swait.ge [sflag:s20], $0x2700  }
0x77: {  	[sflag:s20] =	ssyncset.done $0x0  }
0x78: {  	s0 =	rddreg [dreg:$0x5];
	[sflag:s20] =	ssyncadd.s32 $0xFFFFD900  }
0x79: {  	_ = 	snop  }
.LBB2_4:
0x7a: {  	s0 =	rddreg [dreg:$0x7]  }
0x7b: {  	[hbm:s0], [sflag:s8] =	dma.local [spmem:s19], $0x2700  }
.Ltmp6:
0x7c: {  	_ = 	snop;
	(pc) =	sbr.rel @p2 .LBB2_6-.Ltmp6, $4  }
.Ltmp7:
0x7d: {  	_ = 	snop;
	(pc) =	sbr.rel @!p2 .LBB2_7-.Ltmp7, $4  }
0x7e: {  	_ =	swait.ge [sflag:s20], $0x2700  }
0x7f: {  	[sflag:s20] =	ssyncset.done $0x0  }
0x80: {  	s0 =	rddreg [dreg:$0x4];
	[sflag:s20] =	ssyncadd.s32 $0xFFFFD900  }
0x81: {  	_ = 	snop  }
.LBB2_8:
0x82: {  	_ =	sfence.sel $0x180000  }
0x83: {  	[bflag:$0x0] =	sbarrier.arrive $0xFFFF  }
0x84: {  	_ =	strace $0x9000004A  }
0x85: {  	s0 =	stileid.u32;
	[bflag:$0x2] =	sbarrier.arrive $0xFFFF  }
0x86: {  	p0 =	sne.s32 s0, $0x0;
	s0 =	rddreg [dreg:$0x3]  }
0x87: {  	s0 =	sadd.s32 @!p0 $0x100000, s0  }
0x88: {  	[sflag:s0] =	ssyncadd.tile.s32 @!p0 $0x1;
	_ =	shalt  }
.Lfunc_end2:
_tile_overlayer_lowered:
.L_overlay_start_2:
0x89: {  	(tag) =	ssettag $0x2  }
0x8a: {  	s0 =	rddreg [dreg:$0x0];
	s2 =	stileid.u32  }
0x8b: {  	s1 =	rddreg [dreg:$0x1];
	p0 =	sne.s32 s2, $0x0  }
0x8c: {  	s3 =	rddreg [dreg:$0x2];
	[bflag:$0x3] =	sbarrier.arrive $0xFFFF;
	s2 =	simm.s32 @!p0 $0x1C03  }
0x8d: {  	[timem:s3], [sflag:s2] =	dma.local @!p0 [hbm:s0], s1  }
0x8e: {  	s0 =	simm.s32 @!p0 $0x3  }
0x8f: {  	_ =	swait.ge @!p0 [sflag:s0], s1  }
0x90: {  	s1 =	ssub.s32 @!p0 $0x0, s1;
	[sflag:s0] =	ssyncset.done @!p0 $0x0  }
0x91: {  	[sflag:s0] =	ssyncadd.s32 @!p0 s1  }
0x92: {  	[bflag:$0x3] =	sbarrier.arrive $0xFFFF  }
0x93: {  	_ =	shalt  }

// kernel: kernel.21.cloned.1.call-start
scs
__scs_entry_jumppad:
0x0: {  	(pc) =	sbr.rel $0x88, $3  }
0x1: {  	(tag) =	ssettag $0x0;
	lr =	simm.s32 $0x1  }
0x2: {  	[smem:$0x3F99] =	sst lr;
	_ =	strace $0xD0000000  }
0x3: {  	_ = 	snop  }
0x4: {  	_ = 	snop  }
0x5: {  	_ = 	snop  }
0x6: {  	_ = 	snop  }
0x7: {  	_ = 	snop  }
__scs_overlays_trampoline_lowered:
0x8: {  	[smem:$0x3FA8] =	sst s0  }
0x9: {  	[smem:$0x3FA9] =	sst s1  }
0xa: {  	[smem:$0x3FAA] =	sst s2  }
0xb: {  	[smem:$0x3FAB] =	sst s3  }
0xc: {  	[smem:$0x3FAC] =	sst s4  }
0xd: {  	[smem:$0x3FAD] =	sst s5  }
0xe: {  	[smem:$0x3FAE] =	sst s6  }
0xf: {  	[smem:$0x3FAF] =	sst s7  }
0x10: {  	[smem:$0x3FB0] =	sst s8  }
0x11: {  	[smem:$0x3FB1] =	sst s9;
	s0 =	simm.s32 @!p0 $0x0  }
0x12: {  	s1 =	sld [smem:$0x3F97];
	s0 =	simm.s32 @p0 $0x1  }
0x13: {  	[smem:$0x3FB2] =	sst s0;
	s0 =	simm.s32 @!p1 $0x0  }
0x14: {  	s2 =	sld [smem:$0x3F96];
	s0 =	simm.s32 @p1 $0x1  }
0x15: {  	[smem:$0x3FB3] =	sst s0;
	s0 =	simm.s32 @!p2 $0x0  }
0x16: {  	s3 =	sld [smem:$0x3FDB];
	s0 =	simm.s32 @p2 $0x1  }
0x17: {  	s4 =	simm.s32 $0x1BF5;
	[smem:$0x3FB5] =	sst s0  }
0x18: {  	s0 =	sld [smem:$0x3F98];
	_ =	swait.ge [sflag:s4], $0x0  }
0x19: {  	s7 =	sld [smem:$0x3F99]  }
0x1a: {  	s8 =	sadd.s32 $0xFFFFE003, lr  }
0x1b: {  	s9 =	sadd.s32 $0xFFFFFEF7, lr;
	s5 =	simm.s32 $0xFFFFFFFF;
	p2 =	slt.u32 s8, $0xFFFFF086  }
0x1c: {  	p1 =	slt.u32 s9, $0xF7A;
	s5 =	simm.s32 @!p2 $0x0  }
0x1d: {  	s5 =	simm.s32 @p1 $0x1;
	p0 =	seq.s32 s7, s2  }
0x1e: {  	s7 =	smul.u32 @!p0 $0xF7A, s2;
	p2 =	seq.s32 @!p0 s5, $0x0  }
0x1f: {  	s9 =	smul.u32 $0xF7A, s1;
	s8 =	simm.s32 @!p0 $0x1BF5;
	p2 =	por !p2, p0  }
0x20: {  	[sflag:s8] =	ssyncset.s32 @!p0 $0xFFFFF086;
	s6 =	sadd.s32 @!p0 s3, s7;
	s7 =	simm.s32 @!p0 $0x108  }
0x21: {  	s3 =	sadd.s32 s3, s9;
	s6 =	sadd.s32 @!p0 $0x88, s6;
	s7 =	simm.s32 @p2 $0x1082  }
0x22: {  	[simem:s7], [sflag:s8] =	dma.local @!p0 [hbm:s6], $0xF7A  }
0x23: {  	s9 =	sor.u32 $0xD0000000, s2;
	s6 =	simm.s32 $0x108;
	_ =	swait.ge @!p0 [sflag:s8], $0x0  }
0x24: {  	s3 =	sadd.s32 $0x88, s3;
	s6 =	simm.s32 @!p1 $0x1082;
	[sflag:s4] =	ssyncset.s32 $0xFFFFF086  }
0x25: {  	[simem:s6], [sflag:s4] =	dma.local [hbm:s3], $0xF7A  }
0x26: {  	[smem:$0x3F99] =	sst s1;
	(tag) =	ssettag s2;
	_ =	strace s9  }
0x27: {  	s1 =	sld [smem:$0x3FA9]  }
0x28: {  	s2 =	sld [smem:$0x3FAA]  }
0x29: {  	s4 =	sld [smem:$0x3FAC]  }
0x2a: {  	p0 =	seq.s32 s5, $0x0;
	s5 =	sld [smem:$0x3FAD]  }
0x2b: {  	s6 =	sld [smem:$0x3FAE]  }
0x2c: {  	s7 =	sld [smem:$0x3FAF]  }
0x2d: {  	s3 =	simm.s32 $0x108;
	s8 =	sld [smem:$0x3FB0]  }
0x2e: {  	s3 =	simm.s32 @!p0 $0x1082;
	s9 =	sld [smem:$0x3FB1]  }
0x2f: {  	lr =	sadd.s32 s0, s3;
	s0 =	sld [smem:$0x3FA8]  }
0x30: {  	s3 =	sld [smem:$0x3FAB]  }
0x31: {  	[smem:$0x3FB4] =	sst s10  }
0x32: {  	s10 =	sld [smem:$0x3FB2];
	_ =	sdelay $0x3  }
0x33: {  	p0 =	seq.s32 s10, $0x1;
	s10 =	sld [smem:$0x3FB4];
	_ =	sdelay $0x3  }
0x34: {  	[smem:$0x3FB4] =	sst s10  }
0x35: {  	s10 =	sld [smem:$0x3FB3];
	_ =	sdelay $0x3  }
0x36: {  	p1 =	seq.s32 s10, $0x1;
	s10 =	sld [smem:$0x3FB4];
	_ =	sdelay $0x3  }
0x37: {  	[smem:$0x3FB4] =	sst s10  }
0x38: {  	s10 =	sld [smem:$0x3FB5]  }
0x39: {  	_ = 	snop;
	(pc) =	sbr.ind lr, $3  }
0x3a: {  	_ = 	snop  }
0x3b: {  	_ = 	snop  }
0x3c: {  	p2 =	seq.s32 s10, $0x1;
	s10 =	sld [smem:$0x3FB4]  }
0x3d: {  	_ =	shalt  }
0x3e: {  	_ =	shalt  }
0x3f: {  	_ =	shalt  }
0x40: {  	_ =	shalt  }
0x41: {  	_ =	shalt  }
0x42: {  	_ =	shalt  }
0x43: {  	_ =	shalt  }
0x44: {  	_ =	shalt  }
0x45: {  	_ =	shalt  }
0x46: {  	_ =	shalt  }
0x47: {  	_ =	shalt  }
0x48: {  	_ =	shalt  }
0x49: {  	_ =	shalt  }
0x4a: {  	_ =	shalt  }
0x4b: {  	_ =	shalt  }
0x4c: {  	_ =	shalt  }
0x4d: {  	_ =	shalt  }
0x4e: {  	_ =	shalt  }
0x4f: {  	_ =	shalt  }
0x50: {  	_ =	shalt  }
0x51: {  	_ =	shalt  }
0x52: {  	_ =	shalt  }
0x53: {  	_ =	shalt  }
0x54: {  	_ =	shalt  }
0x55: {  	_ =	shalt  }
0x56: {  	_ =	shalt  }
0x57: {  	_ =	shalt  }
0x58: {  	_ =	shalt  }
0x59: {  	_ =	shalt  }
0x5a: {  	_ =	shalt  }
0x5b: {  	_ =	shalt  }
0x5c: {  	_ =	shalt  }
0x5d: {  	_ =	shalt  }
0x5e: {  	_ =	shalt  }
0x5f: {  	_ =	shalt  }
0x60: {  	_ =	shalt  }
0x61: {  	_ =	shalt  }
0x62: {  	_ =	shalt  }
0x63: {  	_ =	shalt  }
0x64: {  	_ =	shalt  }
0x65: {  	_ =	shalt  }
0x66: {  	_ =	shalt  }
0x67: {  	_ =	shalt  }
0x68: {  	_ =	shalt  }
0x69: {  	_ =	shalt  }
0x6a: {  	_ =	shalt  }
0x6b: {  	_ =	shalt  }
0x6c: {  	_ =	shalt  }
0x6d: {  	_ =	shalt  }
0x6e: {  	_ =	shalt  }
0x6f: {  	_ =	shalt  }
0x70: {  	_ =	shalt  }
0x71: {  	_ =	shalt  }
0x72: {  	_ =	shalt  }
0x73: {  	_ =	shalt  }
0x74: {  	_ =	shalt  }
0x75: {  	_ =	shalt  }
0x76: {  	_ =	shalt  }
0x77: {  	_ =	shalt  }
0x78: {  	_ =	shalt  }
0x79: {  	_ =	shalt  }
0x7a: {  	_ =	shalt  }
0x7b: {  	_ =	shalt  }
0x7c: {  	_ =	shalt  }
0x7d: {  	_ =	shalt  }
0x7e: {  	_ =	shalt  }
0x7f: {  	_ =	shalt  }
0x80: {  	_ =	shalt  }
0x81: {  	_ =	shalt  }
0x82: {  	_ =	shalt  }
0x83: {  	_ =	shalt  }
0x84: {  	_ =	shalt  }
0x85: {  	_ =	shalt  }
0x86: {  	_ =	shalt  }
0x87: {  	_ =	shalt  }
.Lfunc_end0:
.L_simem_size_0:
called_computation.2_lowered:
.L_overlay_start_0:
0x88: {  	s2 =	sld [smem:$0x3FD9]  }
0x89: {  	s3 =	sld [smem:$0x3FFE];
	_ =	sdelay $0x1  }
0x8a: {  	s1 =	srdreg.scid  }
0x8b: {  	s0 =	sand.u32 $0x1, s1  }
0x8c: {  	s17 =	sshll.u32 s0, $0xA;
	s2 =	sadd.s32 s3, s2  }
0x8d: {  	s2 =	sadd.s32 s2, s17  }
0x8e: {  	[smem:$0x3FC0] =	sst s2  }
0x8f: {  	_ = 	snop  }
0x90: {  	s2 =	sld [smem:$0x3FD0];
	(tm) =	ssettm $0x1  }
0x91: {  	s18 =	sld [smem:$0x3FFB];
	_ =	sdelay $0x3  }
0x92: {  	_ =	strace s18  }
0x93: {  	s3 =	sld [smem:$0x3FFC];
	_ =	sdelay $0x3  }
0x94: {  	_ =	strace s3  }
0x95: {  	s3 =	sld [smem:$0x3FFD];
	_ =	sdelay $0x3  }
0x96: {  	_ =	strace s3  }
0x97: {  	_ =	strace $0x8FFFFFFF  }
0x98: {  	s19 =	sld [smem:$0x3FDB];
	_ =	sdelay $0x1  }
0x99: {  	s4 =	simm.s32 $_scs_section_size  }
0x9a: {  	s5 =	simm.s32 $_size__tile_overlayer_lowered;
	s6 =	simm.s32 $_tile_overlayer_lowered  }
0x9b: {  	s22 =	simm.s32 $0x1BFF;
	s21 =	sshll.u32 s6, $0x1;
	s3 =	sadd.s32 s4, s19  }
0x9c: {  	s7 =	simm.s32 $0x0;
	s20 =	sshll.u32 s5, $0x1;
	s5 =	sadd.s32 s21, s3  }
0x9d: {  	[timem:s7], [sflag:s22] =	dma.local [hbm:s5], s20  }
0x9e: {  	_ =	swait.ge [sflag:s22], s20  }
0x9f: {  	s4 =	ssub.s32 $0x0, s20;
	[sflag:s22] =	ssyncset.done $0x0  }
0xa0: {  	[sflag:s22] =	ssyncadd.s32 s4;
	_ =	sdelay $0x1  }
0xa1: {  	s23 =	simm.s32 $0x1B8B  }
0xa2: {  	_ =	swait.ge [sflag:s23], $0x1  }
0xa3: {  	[sflag:s23] =	ssyncset.done $0x0  }
0xa4: {  	s25 =	simm.s32 $0x1B8E;
	s24 =	sld [smem:$0x3FFE];
	[sflag:s23] =	ssyncadd.s32 $0xFFFFFFFF  }
0xa5: {  	s26 =	simm.s32 $execute0_lowered;
	[smem:$0x3FD2] =	sst s25  }
0xa6: {  	s5 =	sshll.u32 s26, $0x1;
	_ =	strace $0x8000004C;
	[dreg:$0x1] =	wrdreg $0xFFFFFFFF  }
0xa7: {  	s28 =	simm.s32 $_size_execute0_lowered;
	s3 =	sadd.s32 s3, s5;
	[dreg:$0x0] =	wrdreg $0x0  }
0xa8: {  	s5 =	sshll.u32 s28, $0x1;
	[dreg:$0x2] =	wrdreg s3  }
0xa9: {  	[dreg:$0x3] =	wrdreg s5  }
0xaa: {  	[dreg:$0x4] =	wrdreg $0xC0  }
0xab: {  	_ =	task [dreg:s7], $0x5FFFF  }
0xac: {  	[dreg:$0x1] =	wrdreg $0xFFFFFFFF  }
0xad: {  	[dreg:$0x0] =	wrdreg $0x60  }
0xae: {  	[dreg:$0x2] =	wrdreg s2  }
0xaf: {  	[dreg:$0x3] =	wrdreg s24  }
0xb0: {  	[dreg:$0x4] =	wrdreg $0x82000  }
0xb1: {  	[dreg:$0x5] =	wrdreg $0x9  }
0xb2: {  	_ =	task.clear_ibuf [dreg:s7], $0x6FFFF;
	_ =	strace $0x9000004C  }
0xb3: {  	s29 =	simm.s32 $0x9;
	_ =	strace $0x8000004E  }
0xb4: {  	_ =	swait.ge [sflag:s29], $0x1  }
0xb5: {  	[sflag:s29] =	ssyncadd.s32 $0xFFFFFFFF  }
0xb6: {  	_ =	strace $0x9000004E  }
0xb7: {  	_ =	sfence  }
0xb8: {  	s30 =	sld [smem:$0x0];
	_ =	sdelay $0x2  }
0xb9: {  	s31 =	sshll.u32 s1, $0xD;
	s1 =	sshrl.u32 s1, $0x2  }
0xba: {  	s3 =	sand.u32 $0x4000, s31;
	s1 =	sadd.s32 s1, s30  }
0xbb: {  	s0 =	sor.u32 s3, s0;
	s1 =	sshll.u32 s1, $0x11  }
0xbc: {  	s0 =	sor.u32 s1, s0  }
0xbd: {  	s0 =	sadd.s32 $0x8F2B, s0  }
0xbe: {  	[sflag:s0] =	ssyncadd.remote.s32 $0x1  }
0xbf: {  	_ =	sfence.sel $0xFFFF  }
0xc0: {  	[dreg:$0x0] =	wrdreg $0xFFFFFFFF;
	(pc) =	sbr.abs _section_cstart, $3  }
0xc1: {  	[dreg:$0x1] =	wrdreg $0xFFFFFFFF  }
0xc2: {  	_ =	task.clear_ibuf [dreg:s7], $0x2FFFF;
	_ =	strace $0x9FFFFFFF  }
0xc3: {  	(tm) =	ssettm $0x7FFFFFFF  }
tec
execute0_lowered:
.L_overlay_start_1:
0x0: {  	(tag) =	ssettag $0x1  }
0x1: {  	s1 =	rddreg [dreg:$0x0]  }
0x2: {  	s0 =	rddreg [dreg:$0x1]  }
0x3: {  	s3 =	rddreg [dreg:$0x2];
	s4 =	simm.s32 $0x0;
	s2 =	srdreg.scid  }
0x4: {  	s14 =	stileid.u32;
	s28 =	simm.s32 $0x1;
	s30 =	simm.s32 $0x0  }
0x5: {  	[smem:$0x7FF] =	sst s4;
	s2 =	sand.u32 $0x1, s2;
	s6 =	smul.u32 $0x4E000, s14  }
0x6: {  	s7 =	sadd.s32 $0x7C00, s0;
	s5 =	sadd.s32 $0x2F000, s0;
	s10 =	smul.u32 $0x4E80, s14  }
0x7: {  	s15 =	sadd.s32 $0x7FC00, s0;
	s18 =	sadd.s32 $0xA6E00, s0;
	s20 =	sshll.u32 s14, $0x6  }
0x8: {  	s22 =	smul.u32 $0x2700, s14;
	p1 =	sne.s32 s14, $0xF;
	p2 =	seq.s32 s14, $0xF  }
0x9: {  	_ =	strace $0x8000004D;
	s8 =	smul.u32 $0x4E800, s2;
	[dreg:$0x4] =	wrdreg s15  }
0xa: {  	s9 =	ssub.s32 $0x2, s2;
	p0 =	seq.s32 s2, $0x1;
	[dreg:$0x5] =	wrdreg s18  }
0xb: {  	s19 =	sshrl.u32 s9, $0x1;
	s6 =	sshrl.u32 s6, $0x2;
	s23 =	sadd.s32 s15, s22  }
0xc: {  	s24 =	sadd.s32 s18, s22;
	s22 =	simm.s32 $0x2;
	s0 =	ssub.s32 s9, s19  }
0xd: {  	s16 =	sadd.s32 s10, s8;
	s17 =	sadd.s32 s6, s3;
	[dreg:$0x7] =	wrdreg s23  }
0xe: {  	s8 =	sor.u32 $0x1C03, s20;
	s10 =	sadd.s32 $0x138000, s3;
	[dreg:$0x8] =	wrdreg s24  }
0xf: {  	s20 =	simm.s32 $0x3;
	s23 =	simm.s32 $0x100;
	s24 =	simm.s32 $0x80  }
0x10: {  	s21 =	sshrl.u32 s16, $0x3;
	s25 =	sadd.s32 $0x9D100, s16;
	s26 =	sadd.s32 $0x100, s16  }
.Ltmp0:
0x11: {  	s16 =	smax.u32 s0, $0x1;
	s19 =	sshrl.u32 s17, $0x3;
	(pc) =	sbr.rel .LBB2_1-.Ltmp0, $4  }
0x12: {  	[dreg:$0x6] =	wrdreg s10;
	s9 =	sadd.s32 s7, s21;
	s29 =	sshrl.u32 s25, $0x3  }
0x13: {  	s31 =	sshrl.u32 s26, $0x3;
	s21 =	sshrl.u32 @!p1 s10, $0x3;
	s25 =	simm.s32 $0x200  }
0x14: {  	s26 =	simm.s32 $0x180;
	s11 =	sadd.s32 $0x13A00, s9;
	s12 =	sadd.s32 $0x10, s9  }
0x15: {  	s13 =	sadd.s32 $0x13A10, s9;
	s6 =	sadd.s32 s29, s7;
	s18 =	sadd.s32 s31, s7  }
.LBB2_6:
0x16: {  	s2 =	rddreg [dreg:$0x6]  }
0x17: {  	s0 =	sadd.s32 $0x27000, s0;
	s2 =	sshrl.u32 s2, $0x3  }
0x18: {  	[hbm:s0], [sflag:s8] =	dma.local [spmem:s2], $0x100  }
0x19: {  	_ =	swait.ge [sflag:s20], $0x100  }
0x1a: {  	[sflag:s20] =	ssyncset.done $0x0  }
0x1b: {  	[sflag:s20] =	ssyncadd.s32 $0xFFFFFF00  }
.LBB2_7:
0x1c: {  	s30 =	sadd.s32 $0x1, s30  }
0x1d: {  	p3 =	sne.s32 s30, s16  }
.Ltmp1:
0x1e: {  	_ = 	snop;
	(pc) =	sbr.rel @!p3 .LBB2_8-.Ltmp1, $1  }
0x1f: {  	_ =	sdelay $0x3  }
.LBB2_1:
0x20: {  	[spmem:s19], [sflag:s8] =	dma.local [hbm:s5], $0x2700  }
0x21: {  	_ =	swait.ge [sflag:s20], $0x2700  }
0x22: {  	[sflag:s20] =	ssyncset.done $0x0  }
0x23: {  	s0 =	simm.s32 @!p1 $0x3;
	[sflag:s20] =	ssyncadd.s32 $0xFFFFD900  }
0x24: {  	[spmem:s21], [sflag:s8] =	dma.local @!p1 [hbm:s5], $0x100  }
0x25: {  	_ =	swait.ge @!p1 [sflag:s0], $0x100  }
0x26: {  	[sflag:s0] =	ssyncset.done @!p1 $0x0  }
0x27: {  	[sflag:s0] =	ssyncadd.s32 @!p1 $0xFFFFFF00  }
0x28: {  	[bflag:$0x0] =	sbarrier.arrive $0xFFFF  }
0x29: {  	[tilespmem:s4], [sflag:$0x2] =	stream.linear.gather [hbm4b:s9+s4], $0x80, $0x38;
	[tilespmem:$0x1BB00] =	vst v63  }
0x2a: {  	_ =	swait.ge [sflag:s22], $0x80  }
0x2b: {  	[sflag:s22] =	ssyncset.done $0x0  }
0x2c: {  	[sflag:s22] =	ssyncadd.s32 $0xFFFFFF80  }
0x2d: {  	[tilespmem:s23], [sflag:$0x2] =	stream.linear.gather [hbm4b:s11+s4], $0x80, $0x38;
	[tilespmem:$0x1BB00] =	vst v63  }
0x2e: {  	_ =	swait.ge [sflag:s22], $0x80  }
0x2f: {  	[sflag:s22] =	ssyncset.done $0x0  }
0x30: {  	[sflag:s22] =	ssyncadd.s32 $0xFFFFFF80  }
0x31: {  	[tilespmem:s25], [sflag:$0x1] =	stream.indirect.gather [hbm4b:s1+s24], $0x80, s4, s24, $0xb8;
	[tilespmem:$0x1BB00] =	vst v63  }
0x32: {  	_ = 	snop  }
0x33: {  	[tilespmem:s24], [sflag:$0x2] =	stream.linear.gather [hbm4b:s12+s4], $0x80, $0x38;
	[tilespmem:$0x1BB00] =	vst v63  }
0x34: {  	_ = 	snop  }
0x35: {  	[tilespmem:s26], [sflag:$0x2] =	stream.linear.gather [hbm4b:s13+s4], $0x80, $0x38;
	[tilespmem:$0x1BB00] =	vst v63  }
0x36: {  	_ =	swait.ge [sflag:s28], $0x4000  }
0x37: {  	[sflag:s28] =	ssyncset.done $0x0  }
0x38: {  	[sflag:s28] =	ssyncadd.s32 $0xFFFFC000  }
0x39: {  	_ =	swait.ge [sflag:s22], $0x80  }
0x3a: {  	[sflag:s22] =	ssyncset.done $0x0  }
0x3b: {  	s29 =	sand.u32 $0x1, s4;
	[sflag:s22] =	ssyncadd.s32 $0xFFFFFF80  }
0x3c: {  	s2 =	sshll.u32 s29, $0xE;
	s7 =	sxor.u32 $0x1, s29;
	_ =	swait.ge [sflag:s22], $0x80  }
0x3d: {  	s17 =	sshll.u32 s7, $0xE;
	s7 =	sshll.u32 s7, $0x7;
	[sflag:s22] =	ssyncset.done $0x0  }
0x3e: {  	s17 =	sor.u32 $0x200, s17;
	s0 =	sshll.u32 s29, $0x7;
	[sflag:s22] =	ssyncadd.s32 $0xFFFFFF80  }
0x3f: {  	[tilespmem:s17], [sflag:$0x1] =	stream.indirect.gather [hbm4b:s1+s24], $0x80, s7, s24, $0xb8;
	[tilespmem:$0x1BB00] =	vst v63  }
0x40: {  	s2 =	sor.u32 $0x200, s2;
	s7 =	sor.u32 $0x100, s0  }
0x41: {  	[spmem:s3] =	stream.indirect.scatter.add.f32 [tilespmem:s2], [sflag:$0x3], $0x80, s7, s24, $0xb8;
	[tilespmem:$0x1BB00] =	vst v63  }
0x42: {  	_ =	swait.ge [sflag:s20], $0x4000  }
0x43: {  	[sflag:s20] =	ssyncset.done $0x0  }
0x44: {  	s31 =	simm.s32 $0x1;
	[sflag:s20] =	ssyncadd.s32 $0xFFFFC000  }
0x45: {  	[tilespmem:s0], [sflag:$0x2] =	stream.linear.gather [hbm4b:s18+s4], $0x80, $0x38;
	[tilespmem:$0x1BB00] =	vst v63  }
0x46: {  	s17 =	smov.u32 s6;
	s2 =	sadd.s32 $0x10, s18;
	s0 =	sadd.s32 $0x10, s6  }
.LBB2_2:
0x47: {  	[tilespmem:s7], [sflag:$0x2] =	stream.linear.gather [hbm4b:s17+s4], $0x80, $0x38;
	[tilespmem:$0x1BB00] =	vst v63  }
0x48: {  	s7 =	smov.u32 s31;
	s17 =	smov.u32 s0  }
0x49: {  	p3 =	sne.s32 s31, $0x9A;
	s31 =	sadd.s32 $0x1, s31;
	_ =	swait.ge [sflag:s28], $0x4000  }
0x4a: {  	[sflag:s28] =	ssyncset.done $0x0  }
0x4b: {  	[sflag:s28] =	ssyncadd.s32 $0xFFFFC000  }
0x4c: {  	_ =	swait.ge [sflag:s22], $0x80  }
0x4d: {  	[sflag:s22] =	ssyncset.done $0x0  }
0x4e: {  	s7 =	sand.u32 $0x1, s7;
	[sflag:s22] =	ssyncadd.s32 $0xFFFFFF80  }
0x4f: {  	s14 =	sshll.u32 s7, $0xE;
	s15 =	sxor.u32 $0x1, s7;
	_ =	swait.ge [sflag:s22], $0x80  }
0x50: {  	s29 =	sshll.u32 s7, $0x7;
	s10 =	sshll.u32 s15, $0xE;
	[sflag:s22] =	ssyncset.done $0x0  }
0x51: {  	s7 =	sshll.u32 s15, $0x7;
	s10 =	sor.u32 $0x200, s10;
	[sflag:s22] =	ssyncadd.s32 $0xFFFFFF80  }
0x52: {  	[tilespmem:s10], [sflag:$0x1] =	stream.indirect.gather [hbm4b:s1+s24], $0x80, s7, s24, $0xb8;
	[tilespmem:$0x1BB00] =	vst v63  }
0x53: {  	s10 =	sor.u32 $0x200, s14;
	s7 =	sor.u32 $0x100, s29  }
0x54: {  	[spmem:s3] =	stream.indirect.scatter.add.f32 [tilespmem:s10], [sflag:$0x3], $0x80, s7, s24, $0xb8;
	[tilespmem:$0x1BB00] =	vst v63  }
.Ltmp2:
0x55: {  	_ =	swait.ge [sflag:s20], $0x4000;
	(pc) =	sbr.rel @p3 .LBB2_2-.Ltmp2, $4  }
0x56: {  	[sflag:s20] =	ssyncset.done $0x0  }
0x57: {  	[sflag:s20] =	ssyncadd.s32 $0xFFFFC000  }
0x58: {  	[tilespmem:s29], [sflag:$0x2] =	stream.linear.gather [hbm4b:s2+s4], $0x80, $0x38;
	[tilespmem:$0x1BB00] =	vst v63  }
0x59: {  	s0 =	sadd.s32 $0x10, s0;
	s2 =	sadd.s32 $0x10, s2  }
0x5a: {  	[tilespmem:s7], [sflag:$0x2] =	stream.linear.gather [hbm4b:s17+s4], $0x80, $0x38;
	[tilespmem:$0x1BB00] =	vst v63  }
0x5b: {  	_ =	swait.ge [sflag:s28], $0x4000  }
0x5c: {  	[sflag:s28] =	ssyncset.done $0x0  }
0x5d: {  	[sflag:s28] =	ssyncadd.s32 $0xFFFFC000  }
0x5e: {  	_ =	swait.ge [sflag:s22], $0x80  }
0x5f: {  	[sflag:s22] =	ssyncset.done $0x0  }
0x60: {  	[sflag:s22] =	ssyncadd.s32 $0xFFFFFF80  }
0x61: {  	_ =	swait.ge [sflag:s22], $0x80  }
0x62: {  	[sflag:s22] =	ssyncset.done $0x0  }
0x63: {  	[sflag:s22] =	ssyncadd.s32 $0xFFFFFF80  }
0x64: {  	[tilespmem:s25], [sflag:$0x1] =	stream.indirect.gather [hbm4b:s1+s24], $0x80, s4, s24, $0xb8;
	[tilespmem:$0x1BB00] =	vst v63  }
0x65: {  	s0 =	simm.s32 $0x4200  }
0x66: {  	[spmem:s3] =	stream.indirect.scatter.add.f32 [tilespmem:s0], [sflag:$0x3], $0x80, s26, s24, $0xb8;
	[tilespmem:$0x1BB00] =	vst v63  }
0x67: {  	_ =	swait.ge [sflag:s20], $0x4000  }
0x68: {  	[sflag:s20] =	ssyncset.done $0x0  }
0x69: {  	[sflag:s20] =	ssyncadd.s32 $0xFFFFC000  }
0x6a: {  	_ =	swait.ge [sflag:s28], $0x4000  }
0x6b: {  	[sflag:s28] =	ssyncset.done $0x0  }
0x6c: {  	[sflag:s28] =	ssyncadd.s32 $0xFFFFC000  }
0x6d: {  	[spmem:s3] =	stream.indirect.scatter.add.f32 [tilespmem:s25], [sflag:$0x3], $0x80, s23, s24, $0xb8;
	[tilespmem:$0x1BB00] =	vst v63  }
.Ltmp3:
0x6e: {  	_ =	swait.ge [sflag:s20], $0x4000;
	(pc) =	sbr.rel @!p0 .LBB2_4-.Ltmp3, $3  }
0x6f: {  	[sflag:s20] =	ssyncset.done $0x0  }
0x70: {  	[sflag:s20] =	ssyncadd.s32 $0xFFFFC000  }
0x71: {  	[bflag:$0x0] =	sbarrier.arrive $0xFFFF;
	_ =	sdelay $0x1  }
0x72: {  	s0 =	rddreg [dreg:$0x8]  }
0x73: {  	[hbm:s0], [sflag:s8] =	dma.local [spmem:s19], $0x2700  }
.Ltmp4:
0x74: {  	_ = 	snop;
	(pc) =	sbr.rel @p1 .LBB2_7-.Ltmp4, $4  }
.Ltmp5:
0x75: {  	_ = 	snop;
	(pc) =	sbr.rel @!p1 .LBB2_6-.Ltmp5, $4  }
0x76: {  	_ =	swait.ge [sflag:s20], $0x2700  }
0x77: {  	[sflag:s20] =	ssyncset.done $0x0  }
0x78: {  	s0 =	rddreg [dreg:$0x5];
	[sflag:s20] =	ssyncadd.s32 $0xFFFFD900  }
0x79: {  	_ = 	snop  }
.LBB2_4:
0x7a: {  	s0 =	rddreg [dreg:$0x7]  }
0x7b: {  	[hbm:s0], [sflag:s8] =	dma.local [spmem:s19], $0x2700  }
.Ltmp6:
0x7c: {  	_ = 	snop;
	(pc) =	sbr.rel @p2 .LBB2_6-.Ltmp6, $4  }
.Ltmp7:
0x7d: {  	_ = 	snop;
	(pc) =	sbr.rel @!p2 .LBB2_7-.Ltmp7, $4  }
0x7e: {  	_ =	swait.ge [sflag:s20], $0x2700  }
0x7f: {  	[sflag:s20] =	ssyncset.done $0x0  }
0x80: {  	s0 =	rddreg [dreg:$0x4];
	[sflag:s20] =	ssyncadd.s32 $0xFFFFD900  }
0x81: {  	_ = 	snop  }
.LBB2_8:
0x82: {  	_ =	sfence.sel $0x180000  }
0x83: {  	[bflag:$0x0] =	sbarrier.arrive $0xFFFF  }
0x84: {  	_ =	strace $0x9000004D  }
0x85: {  	s0 =	stileid.u32;
	[bflag:$0x2] =	sbarrier.arrive $0xFFFF  }
0x86: {  	p0 =	sne.s32 s0, $0x0;
	s0 =	rddreg [dreg:$0x3]  }
0x87: {  	s0 =	sadd.s32 @!p0 $0x100000, s0  }
0x88: {  	[sflag:s0] =	ssyncadd.tile.s32 @!p0 $0x1;
	_ =	shalt  }
.Lfunc_end2:
_tile_overlayer_lowered:
.L_overlay_start_2:
0x89: {  	(tag) =	ssettag $0x2  }
0x8a: {  	s0 =	rddreg [dreg:$0x0];
	s2 =	stileid.u32  }
0x8b: {  	s1 =	rddreg [dreg:$0x1];
	p0 =	sne.s32 s2, $0x0  }
0x8c: {  	s3 =	rddreg [dreg:$0x2];
	[bflag:$0x3] =	sbarrier.arrive $0xFFFF;
	s2 =	simm.s32 @!p0 $0x1C03  }
0x8d: {  	[timem:s3], [sflag:s2] =	dma.local @!p0 [hbm:s0], s1  }
0x8e: {  	s0 =	simm.s32 @!p0 $0x3  }
0x8f: {  	_ =	swait.ge @!p0 [sflag:s0], s1  }
0x90: {  	s1 =	ssub.s32 @!p0 $0x0, s1;
	[sflag:s0] =	ssyncset.done @!p0 $0x0  }
0x91: {  	[sflag:s0] =	ssyncadd.s32 @!p0 s1  }
0x92: {  	[bflag:$0x3] =	sbarrier.arrive $0xFFFF  }
0x93: {  	_ =	shalt  }

// kernel: kernel.24.cloned.1.call-start
scs
__scs_entry_jumppad:
0x0: {  	(pc) =	sbr.rel $0x88, $3  }
0x1: {  	(tag) =	ssettag $0x0;
	lr =	simm.s32 $0x1  }
0x2: {  	[smem:$0x3F99] =	sst lr;
	_ =	strace $0xD0000000  }
0x3: {  	_ = 	snop  }
0x4: {  	_ = 	snop  }
0x5: {  	_ = 	snop  }
0x6: {  	_ = 	snop  }
0x7: {  	_ = 	snop  }
__scs_overlays_trampoline_lowered:
0x8: {  	[smem:$0x3FA8] =	sst s0  }
0x9: {  	[smem:$0x3FA9] =	sst s1  }
0xa: {  	[smem:$0x3FAA] =	sst s2  }
0xb: {  	[smem:$0x3FAB] =	sst s3  }
0xc: {  	[smem:$0x3FAC] =	sst s4  }
0xd: {  	[smem:$0x3FAD] =	sst s5  }
0xe: {  	[smem:$0x3FAE] =	sst s6  }
0xf: {  	[smem:$0x3FAF] =	sst s7  }
0x10: {  	[smem:$0x3FB0] =	sst s8  }
0x11: {  	[smem:$0x3FB1] =	sst s9;
	s0 =	simm.s32 @!p0 $0x0  }
0x12: {  	s1 =	sld [smem:$0x3F97];
	s0 =	simm.s32 @p0 $0x1  }
0x13: {  	[smem:$0x3FB2] =	sst s0;
	s0 =	simm.s32 @!p1 $0x0  }
0x14: {  	s2 =	sld [smem:$0x3F96];
	s0 =	simm.s32 @p1 $0x1  }
0x15: {  	[smem:$0x3FB3] =	sst s0;
	s0 =	simm.s32 @!p2 $0x0  }
0x16: {  	s3 =	sld [smem:$0x3FDB];
	s0 =	simm.s32 @p2 $0x1  }
0x17: {  	s4 =	simm.s32 $0x1BF5;
	[smem:$0x3FB5] =	sst s0  }
0x18: {  	s0 =	sld [smem:$0x3F98];
	_ =	swait.ge [sflag:s4], $0x0  }
0x19: {  	s7 =	sld [smem:$0x3F99]  }
0x1a: {  	s8 =	sadd.s32 $0xFFFFE003, lr  }
0x1b: {  	s9 =	sadd.s32 $0xFFFFFEF7, lr;
	s5 =	simm.s32 $0xFFFFFFFF;
	p2 =	slt.u32 s8, $0xFFFFF086  }
0x1c: {  	p1 =	slt.u32 s9, $0xF7A;
	s5 =	simm.s32 @!p2 $0x0  }
0x1d: {  	s5 =	simm.s32 @p1 $0x1;
	p0 =	seq.s32 s7, s2  }
0x1e: {  	s7 =	smul.u32 @!p0 $0xF7A, s2;
	p2 =	seq.s32 @!p0 s5, $0x0  }
0x1f: {  	s9 =	smul.u32 $0xF7A, s1;
	s8 =	simm.s32 @!p0 $0x1BF5;
	p2 =	por !p2, p0  }
0x20: {  	[sflag:s8] =	ssyncset.s32 @!p0 $0xFFFFF086;
	s6 =	sadd.s32 @!p0 s3, s7;
	s7 =	simm.s32 @!p0 $0x108  }
0x21: {  	s3 =	sadd.s32 s3, s9;
	s6 =	sadd.s32 @!p0 $0x88, s6;
	s7 =	simm.s32 @p2 $0x1082  }
0x22: {  	[simem:s7], [sflag:s8] =	dma.local @!p0 [hbm:s6], $0xF7A  }
0x23: {  	s9 =	sor.u32 $0xD0000000, s2;
	s6 =	simm.s32 $0x108;
	_ =	swait.ge @!p0 [sflag:s8], $0x0  }
0x24: {  	s3 =	sadd.s32 $0x88, s3;
	s6 =	simm.s32 @!p1 $0x1082;
	[sflag:s4] =	ssyncset.s32 $0xFFFFF086  }
0x25: {  	[simem:s6], [sflag:s4] =	dma.local [hbm:s3], $0xF7A  }
0x26: {  	[smem:$0x3F99] =	sst s1;
	(tag) =	ssettag s2;
	_ =	strace s9  }
0x27: {  	s1 =	sld [smem:$0x3FA9]  }
0x28: {  	s2 =	sld [smem:$0x3FAA]  }
0x29: {  	s4 =	sld [smem:$0x3FAC]  }
0x2a: {  	p0 =	seq.s32 s5, $0x0;
	s5 =	sld [smem:$0x3FAD]  }
0x2b: {  	s6 =	sld [smem:$0x3FAE]  }
0x2c: {  	s7 =	sld [smem:$0x3FAF]  }
0x2d: {  	s3 =	simm.s32 $0x108;
	s8 =	sld [smem:$0x3FB0]  }
0x2e: {  	s3 =	simm.s32 @!p0 $0x1082;
	s9 =	sld [smem:$0x3FB1]  }
0x2f: {  	lr =	sadd.s32 s0, s3;
	s0 =	sld [smem:$0x3FA8]  }
0x30: {  	s3 =	sld [smem:$0x3FAB]  }
0x31: {  	[smem:$0x3FB4] =	sst s10  }
0x32: {  	s10 =	sld [smem:$0x3FB2];
	_ =	sdelay $0x3  }
0x33: {  	p0 =	seq.s32 s10, $0x1;
	s10 =	sld [smem:$0x3FB4];
	_ =	sdelay $0x3  }
0x34: {  	[smem:$0x3FB4] =	sst s10  }
0x35: {  	s10 =	sld [smem:$0x3FB3];
	_ =	sdelay $0x3  }
0x36: {  	p1 =	seq.s32 s10, $0x1;
	s10 =	sld [smem:$0x3FB4];
	_ =	sdelay $0x3  }
0x37: {  	[smem:$0x3FB4] =	sst s10  }
0x38: {  	s10 =	sld [smem:$0x3FB5]  }
0x39: {  	_ = 	snop;
	(pc) =	sbr.ind lr, $3  }
0x3a: {  	_ = 	snop  }
0x3b: {  	_ = 	snop  }
0x3c: {  	p2 =	seq.s32 s10, $0x1;
	s10 =	sld [smem:$0x3FB4]  }
0x3d: {  	_ =	shalt  }
0x3e: {  	_ =	shalt  }
0x3f: {  	_ =	shalt  }
0x40: {  	_ =	shalt  }
0x41: {  	_ =	shalt  }
0x42: {  	_ =	shalt  }
0x43: {  	_ =	shalt  }
0x44: {  	_ =	shalt  }
0x45: {  	_ =	shalt  }
0x46: {  	_ =	shalt  }
0x47: {  	_ =	shalt  }
0x48: {  	_ =	shalt  }
0x49: {  	_ =	shalt  }
0x4a: {  	_ =	shalt  }
0x4b: {  	_ =	shalt  }
0x4c: {  	_ =	shalt  }
0x4d: {  	_ =	shalt  }
0x4e: {  	_ =	shalt  }
0x4f: {  	_ =	shalt  }
0x50: {  	_ =	shalt  }
0x51: {  	_ =	shalt  }
0x52: {  	_ =	shalt  }
0x53: {  	_ =	shalt  }
0x54: {  	_ =	shalt  }
0x55: {  	_ =	shalt  }
0x56: {  	_ =	shalt  }
0x57: {  	_ =	shalt  }
0x58: {  	_ =	shalt  }
0x59: {  	_ =	shalt  }
0x5a: {  	_ =	shalt  }
0x5b: {  	_ =	shalt  }
0x5c: {  	_ =	shalt  }
0x5d: {  	_ =	shalt  }
0x5e: {  	_ =	shalt  }
0x5f: {  	_ =	shalt  }
0x60: {  	_ =	shalt  }
0x61: {  	_ =	shalt  }
0x62: {  	_ =	shalt  }
0x63: {  	_ =	shalt  }
0x64: {  	_ =	shalt  }
0x65: {  	_ =	shalt  }
0x66: {  	_ =	shalt  }
0x67: {  	_ =	shalt  }
0x68: {  	_ =	shalt  }
0x69: {  	_ =	shalt  }
0x6a: {  	_ =	shalt  }
0x6b: {  	_ =	shalt  }
0x6c: {  	_ =	shalt  }
0x6d: {  	_ =	shalt  }
0x6e: {  	_ =	shalt  }
0x6f: {  	_ =	shalt  }
0x70: {  	_ =	shalt  }
0x71: {  	_ =	shalt  }
0x72: {  	_ =	shalt  }
0x73: {  	_ =	shalt  }
0x74: {  	_ =	shalt  }
0x75: {  	_ =	shalt  }
0x76: {  	_ =	shalt  }
0x77: {  	_ =	shalt  }
0x78: {  	_ =	shalt  }
0x79: {  	_ =	shalt  }
0x7a: {  	_ =	shalt  }
0x7b: {  	_ =	shalt  }
0x7c: {  	_ =	shalt  }
0x7d: {  	_ =	shalt  }
0x7e: {  	_ =	shalt  }
0x7f: {  	_ =	shalt  }
0x80: {  	_ =	shalt  }
0x81: {  	_ =	shalt  }
0x82: {  	_ =	shalt  }
0x83: {  	_ =	shalt  }
0x84: {  	_ =	shalt  }
0x85: {  	_ =	shalt  }
0x86: {  	_ =	shalt  }
0x87: {  	_ =	shalt  }
.Lfunc_end0:
.L_simem_size_0:
called_computation.3_lowered:
.L_overlay_start_0:
0x88: {  	s2 =	sld [smem:$0x3FD9]  }
0x89: {  	s3 =	sld [smem:$0x3FFE];
	_ =	sdelay $0x1  }
0x8a: {  	s1 =	srdreg.scid  }
0x8b: {  	s0 =	sand.u32 $0x1, s1  }
0x8c: {  	s17 =	sshll.u32 s0, $0xA;
	s2 =	sadd.s32 s3, s2  }
0x8d: {  	s2 =	sadd.s32 s2, s17  }
0x8e: {  	[smem:$0x3FC0] =	sst s2  }
0x8f: {  	_ = 	snop  }
0x90: {  	s2 =	sld [smem:$0x3FD0];
	(tm) =	ssettm $0x1  }
0x91: {  	s18 =	sld [smem:$0x3FFB];
	_ =	sdelay $0x3  }
0x92: {  	_ =	strace s18  }
0x93: {  	s3 =	sld [smem:$0x3FFC];
	_ =	sdelay $0x3  }
0x94: {  	_ =	strace s3  }
0x95: {  	s3 =	sld [smem:$0x3FFD];
	_ =	sdelay $0x3  }
0x96: {  	_ =	strace s3  }
0x97: {  	_ =	strace $0x8FFFFFFF  }
0x98: {  	s19 =	sld [smem:$0x3FDB];
	_ =	sdelay $0x1  }
0x99: {  	s4 =	simm.s32 $_scs_section_size  }
0x9a: {  	s5 =	simm.s32 $_size__tile_overlayer_lowered;
	s6 =	simm.s32 $_tile_overlayer_lowered  }
0x9b: {  	s22 =	simm.s32 $0x1BFF;
	s21 =	sshll.u32 s6, $0x1;
	s3 =	sadd.s32 s4, s19  }
0x9c: {  	s7 =	simm.s32 $0x0;
	s20 =	sshll.u32 s5, $0x1;
	s5 =	sadd.s32 s21, s3  }
0x9d: {  	[timem:s7], [sflag:s22] =	dma.local [hbm:s5], s20  }
0x9e: {  	_ =	swait.ge [sflag:s22], s20  }
0x9f: {  	s4 =	ssub.s32 $0x0, s20;
	[sflag:s22] =	ssyncset.done $0x0  }
0xa0: {  	[sflag:s22] =	ssyncadd.s32 s4;
	_ =	sdelay $0x1  }
0xa1: {  	s23 =	simm.s32 $0x1B8B  }
0xa2: {  	_ =	swait.ge [sflag:s23], $0x1  }
0xa3: {  	[sflag:s23] =	ssyncset.done $0x0  }
0xa4: {  	s25 =	simm.s32 $0x1B8E;
	s24 =	sld [smem:$0x3FFE];
	[sflag:s23] =	ssyncadd.s32 $0xFFFFFFFF  }
0xa5: {  	s26 =	simm.s32 $execute0_lowered;
	[smem:$0x3FD2] =	sst s25  }
0xa6: {  	s5 =	sshll.u32 s26, $0x1;
	_ =	strace $0x8000004F;
	[dreg:$0x1] =	wrdreg $0xFFFFFFFF  }
0xa7: {  	s28 =	simm.s32 $_size_execute0_lowered;
	s3 =	sadd.s32 s3, s5;
	[dreg:$0x0] =	wrdreg $0x0  }
0xa8: {  	s5 =	sshll.u32 s28, $0x1;
	[dreg:$0x2] =	wrdreg s3  }
0xa9: {  	[dreg:$0x3] =	wrdreg s5  }
0xaa: {  	[dreg:$0x4] =	wrdreg $0xC0  }
0xab: {  	_ =	task [dreg:s7], $0x5FFFF  }
0xac: {  	[dreg:$0x1] =	wrdreg $0xFFFFFFFF  }
0xad: {  	[dreg:$0x0] =	wrdreg $0x60  }
0xae: {  	[dreg:$0x2] =	wrdreg s2  }
0xaf: {  	[dreg:$0x3] =	wrdreg s24  }
0xb0: {  	[dreg:$0x4] =	wrdreg $0x82000  }
0xb1: {  	[dreg:$0x5] =	wrdreg $0x9  }
0xb2: {  	_ =	task.clear_ibuf [dreg:s7], $0x6FFFF;
	_ =	strace $0x9000004F  }
0xb3: {  	s29 =	simm.s32 $0x9;
	_ =	strace $0x80000051  }
0xb4: {  	_ =	swait.ge [sflag:s29], $0x1  }
0xb5: {  	[sflag:s29] =	ssyncadd.s32 $0xFFFFFFFF  }
0xb6: {  	_ =	strace $0x90000051  }
0xb7: {  	_ =	sfence  }
0xb8: {  	s30 =	sld [smem:$0x0];
	_ =	sdelay $0x2  }
0xb9: {  	s31 =	sshll.u32 s1, $0xD;
	s1 =	sshrl.u32 s1, $0x2  }
0xba: {  	s3 =	sand.u32 $0x4000, s31;
	s1 =	sadd.s32 s1, s30  }
0xbb: {  	s0 =	sor.u32 s3, s0;
	s1 =	sshll.u32 s1, $0x11  }
0xbc: {  	s0 =	sor.u32 s1, s0  }
0xbd: {  	s0 =	sadd.s32 $0x8F2B, s0  }
0xbe: {  	[sflag:s0] =	ssyncadd.remote.s32 $0x1  }
0xbf: {  	_ =	sfence.sel $0xFFFF  }
0xc0: {  	[dreg:$0x0] =	wrdreg $0xFFFFFFFF;
	(pc) =	sbr.abs _section_cstart, $3  }
0xc1: {  	[dreg:$0x1] =	wrdreg $0xFFFFFFFF  }
0xc2: {  	_ =	task.clear_ibuf [dreg:s7], $0x2FFFF;
	_ =	strace $0x9FFFFFFF  }
0xc3: {  	(tm) =	ssettm $0x7FFFFFFF  }
tec
execute0_lowered:
.L_overlay_start_1:
0x0: {  	(tag) =	ssettag $0x1  }
0x1: {  	s1 =	rddreg [dreg:$0x0]  }
0x2: {  	s0 =	rddreg [dreg:$0x1]  }
0x3: {  	s3 =	rddreg [dreg:$0x2];
	s4 =	simm.s32 $0x0;
	s2 =	srdreg.scid  }
0x4: {  	s14 =	stileid.u32;
	s28 =	simm.s32 $0x1;
	s30 =	simm.s32 $0x0  }
0x5: {  	[smem:$0x7FF] =	sst s4;
	s2 =	sand.u32 $0x1, s2;
	s6 =	smul.u32 $0x4E000, s14  }
0x6: {  	s7 =	sadd.s32 $0x7C00, s0;
	s5 =	sadd.s32 $0x2F000, s0;
	s10 =	smul.u32 $0x4E80, s14  }
0x7: {  	s15 =	sadd.s32 $0x7FC00, s0;
	s18 =	sadd.s32 $0xA6E00, s0;
	s20 =	sshll.u32 s14, $0x6  }
0x8: {  	s22 =	smul.u32 $0x2700, s14;
	p1 =	sne.s32 s14, $0xF;
	p2 =	seq.s32 s14, $0xF  }
0x9: {  	_ =	strace $0x80000050;
	s8 =	smul.u32 $0x4E800, s2;
	[dreg:$0x4] =	wrdreg s15  }
0xa: {  	s9 =	ssub.s32 $0x2, s2;
	p0 =	seq.s32 s2, $0x1;
	[dreg:$0x5] =	wrdreg s18  }
0xb: {  	s19 =	sshrl.u32 s9, $0x1;
	s6 =	sshrl.u32 s6, $0x2;
	s23 =	sadd.s32 s15, s22  }
0xc: {  	s24 =	sadd.s32 s18, s22;
	s22 =	simm.s32 $0x2;
	s0 =	ssub.s32 s9, s19  }
0xd: {  	s16 =	sadd.s32 s10, s8;
	s17 =	sadd.s32 s6, s3;
	[dreg:$0x7] =	wrdreg s23  }
0xe: {  	s8 =	sor.u32 $0x1C03, s20;
	s10 =	sadd.s32 $0x138000, s3;
	[dreg:$0x8] =	wrdreg s24  }
0xf: {  	s20 =	simm.s32 $0x3;
	s23 =	simm.s32 $0x100;
	s24 =	simm.s32 $0x80  }
0x10: {  	s21 =	sshrl.u32 s16, $0x3;
	s25 =	sadd.s32 $0x9D100, s16;
	s26 =	sadd.s32 $0x100, s16  }
.Ltmp0:
0x11: {  	s16 =	smax.u32 s0, $0x1;
	s19 =	sshrl.u32 s17, $0x3;
	(pc) =	sbr.rel .LBB2_1-.Ltmp0, $4  }
0x12: {  	[dreg:$0x6] =	wrdreg s10;
	s9 =	sadd.s32 s7, s21;
	s29 =	sshrl.u32 s25, $0x3  }
0x13: {  	s31 =	sshrl.u32 s26, $0x3;
	s21 =	sshrl.u32 @!p1 s10, $0x3;
	s25 =	simm.s32 $0x200  }
0x14: {  	s26 =	simm.s32 $0x180;
	s11 =	sadd.s32 $0x13A00, s9;
	s12 =	sadd.s32 $0x10, s9  }
0x15: {  	s13 =	sadd.s32 $0x13A10, s9;
	s6 =	sadd.s32 s29, s7;
	s18 =	sadd.s32 s31, s7  }
.LBB2_6:
0x16: {  	s2 =	rddreg [dreg:$0x6]  }
0x17: {  	s0 =	sadd.s32 $0x27000, s0;
	s2 =	sshrl.u32 s2, $0x3  }
0x18: {  	[hbm:s0], [sflag:s8] =	dma.local [spmem:s2], $0x100  }
0x19: {  	_ =	swait.ge [sflag:s20], $0x100  }
0x1a: {  	[sflag:s20] =	ssyncset.done $0x0  }
0x1b: {  	[sflag:s20] =	ssyncadd.s32 $0xFFFFFF00  }
.LBB2_7:
0x1c: {  	s30 =	sadd.s32 $0x1, s30  }
0x1d: {  	p3 =	sne.s32 s30, s16  }
.Ltmp1:
0x1e: {  	_ = 	snop;
	(pc) =	sbr.rel @!p3 .LBB2_8-.Ltmp1, $1  }
0x1f: {  	_ =	sdelay $0x3  }
.LBB2_1:
0x20: {  	[spmem:s19], [sflag:s8] =	dma.local [hbm:s5], $0x2700  }
0x21: {  	_ =	swait.ge [sflag:s20], $0x2700  }
0x22: {  	[sflag:s20] =	ssyncset.done $0x0  }
0x23: {  	s0 =	simm.s32 @!p1 $0x3;
	[sflag:s20] =	ssyncadd.s32 $0xFFFFD900  }
0x24: {  	[spmem:s21], [sflag:s8] =	dma.local @!p1 [hbm:s5], $0x100  }
0x25: {  	_ =	swait.ge @!p1 [sflag:s0], $0x100  }
0x26: {  	[sflag:s0] =	ssyncset.done @!p1 $0x0  }
0x27: {  	[sflag:s0] =	ssyncadd.s32 @!p1 $0xFFFFFF00  }
0x28: {  	[bflag:$0x0] =	sbarrier.arrive $0xFFFF  }
0x29: {  	[tilespmem:s4], [sflag:$0x2] =	stream.linear.gather [hbm4b:s9+s4], $0x80, $0x38;
	[tilespmem:$0x1BB00] =	vst v63  }
0x2a: {  	_ =	swait.ge [sflag:s22], $0x80  }
0x2b: {  	[sflag:s22] =	ssyncset.done $0x0  }
0x2c: {  	[sflag:s22] =	ssyncadd.s32 $0xFFFFFF80  }
0x2d: {  	[tilespmem:s23], [sflag:$0x2] =	stream.linear.gather [hbm4b:s11+s4], $0x80, $0x38;
	[tilespmem:$0x1BB00] =	vst v63  }
0x2e: {  	_ =	swait.ge [sflag:s22], $0x80  }
0x2f: {  	[sflag:s22] =	ssyncset.done $0x0  }
0x30: {  	[sflag:s22] =	ssyncadd.s32 $0xFFFFFF80  }
0x31: {  	[tilespmem:s25], [sflag:$0x1] =	stream.indirect.gather [hbm4b:s1+s24], $0x80, s4, s24, $0xb8;
	[tilespmem:$0x1BB00] =	vst v63  }
0x32: {  	_ = 	snop  }
0x33: {  	[tilespmem:s24], [sflag:$0x2] =	stream.linear.gather [hbm4b:s12+s4], $0x80, $0x38;
	[tilespmem:$0x1BB00] =	vst v63  }
0x34: {  	_ = 	snop  }
0x35: {  	[tilespmem:s26], [sflag:$0x2] =	stream.linear.gather [hbm4b:s13+s4], $0x80, $0x38;
	[tilespmem:$0x1BB00] =	vst v63  }
0x36: {  	_ =	swait.ge [sflag:s28], $0x4000  }
0x37: {  	[sflag:s28] =	ssyncset.done $0x0  }
0x38: {  	[sflag:s28] =	ssyncadd.s32 $0xFFFFC000  }
0x39: {  	_ =	swait.ge [sflag:s22], $0x80  }
0x3a: {  	[sflag:s22] =	ssyncset.done $0x0  }
0x3b: {  	s29 =	sand.u32 $0x1, s4;
	[sflag:s22] =	ssyncadd.s32 $0xFFFFFF80  }
0x3c: {  	s2 =	sshll.u32 s29, $0xE;
	s7 =	sxor.u32 $0x1, s29;
	_ =	swait.ge [sflag:s22], $0x80  }
0x3d: {  	s17 =	sshll.u32 s7, $0xE;
	s7 =	sshll.u32 s7, $0x7;
	[sflag:s22] =	ssyncset.done $0x0  }
0x3e: {  	s17 =	sor.u32 $0x200, s17;
	s0 =	sshll.u32 s29, $0x7;
	[sflag:s22] =	ssyncadd.s32 $0xFFFFFF80  }
0x3f: {  	[tilespmem:s17], [sflag:$0x1] =	stream.indirect.gather [hbm4b:s1+s24], $0x80, s7, s24, $0xb8;
	[tilespmem:$0x1BB00] =	vst v63  }
0x40: {  	s2 =	sor.u32 $0x200, s2;
	s7 =	sor.u32 $0x100, s0  }
0x41: {  	[spmem:s3] =	stream.indirect.scatter.add.f32 [tilespmem:s2], [sflag:$0x3], $0x80, s7, s24, $0xb8;
	[tilespmem:$0x1BB00] =	vst v63  }
0x42: {  	_ =	swait.ge [sflag:s20], $0x4000  }
0x43: {  	[sflag:s20] =	ssyncset.done $0x0  }
0x44: {  	s31 =	simm.s32 $0x1;
	[sflag:s20] =	ssyncadd.s32 $0xFFFFC000  }
0x45: {  	[tilespmem:s0], [sflag:$0x2] =	stream.linear.gather [hbm4b:s18+s4], $0x80, $0x38;
	[tilespmem:$0x1BB00] =	vst v63  }
0x46: {  	s17 =	smov.u32 s6;
	s2 =	sadd.s32 $0x10, s18;
	s0 =	sadd.s32 $0x10, s6  }
.LBB2_2:
0x47: {  	[tilespmem:s7], [sflag:$0x2] =	stream.linear.gather [hbm4b:s17+s4], $0x80, $0x38;
	[tilespmem:$0x1BB00] =	vst v63  }
0x48: {  	s7 =	smov.u32 s31;
	s17 =	smov.u32 s0  }
0x49: {  	p3 =	sne.s32 s31, $0x9A;
	s31 =	sadd.s32 $0x1, s31;
	_ =	swait.ge [sflag:s28], $0x4000  }
0x4a: {  	[sflag:s28] =	ssyncset.done $0x0  }
0x4b: {  	[sflag:s28] =	ssyncadd.s32 $0xFFFFC000  }
0x4c: {  	_ =	swait.ge [sflag:s22], $0x80  }
0x4d: {  	[sflag:s22] =	ssyncset.done $0x0  }
0x4e: {  	s7 =	sand.u32 $0x1, s7;
	[sflag:s22] =	ssyncadd.s32 $0xFFFFFF80  }
0x4f: {  	s14 =	sshll.u32 s7, $0xE;
	s15 =	sxor.u32 $0x1, s7;
	_ =	swait.ge [sflag:s22], $0x80  }
0x50: {  	s29 =	sshll.u32 s7, $0x7;
	s10 =	sshll.u32 s15, $0xE;
	[sflag:s22] =	ssyncset.done $0x0  }
0x51: {  	s7 =	sshll.u32 s15, $0x7;
	s10 =	sor.u32 $0x200, s10;
	[sflag:s22] =	ssyncadd.s32 $0xFFFFFF80  }
0x52: {  	[tilespmem:s10], [sflag:$0x1] =	stream.indirect.gather [hbm4b:s1+s24], $0x80, s7, s24, $0xb8;
	[tilespmem:$0x1BB00] =	vst v63  }
0x53: {  	s10 =	sor.u32 $0x200, s14;
	s7 =	sor.u32 $0x100, s29  }
0x54: {  	[spmem:s3] =	stream.indirect.scatter.add.f32 [tilespmem:s10], [sflag:$0x3], $0x80, s7, s24, $0xb8;
	[tilespmem:$0x1BB00] =	vst v63  }
.Ltmp2:
0x55: {  	_ =	swait.ge [sflag:s20], $0x4000;
	(pc) =	sbr.rel @p3 .LBB2_2-.Ltmp2, $4  }
0x56: {  	[sflag:s20] =	ssyncset.done $0x0  }
0x57: {  	[sflag:s20] =	ssyncadd.s32 $0xFFFFC000  }
0x58: {  	[tilespmem:s29], [sflag:$0x2] =	stream.linear.gather [hbm4b:s2+s4], $0x80, $0x38;
	[tilespmem:$0x1BB00] =	vst v63  }
0x59: {  	s0 =	sadd.s32 $0x10, s0;
	s2 =	sadd.s32 $0x10, s2  }
0x5a: {  	[tilespmem:s7], [sflag:$0x2] =	stream.linear.gather [hbm4b:s17+s4], $0x80, $0x38;
	[tilespmem:$0x1BB00] =	vst v63  }
0x5b: {  	_ =	swait.ge [sflag:s28], $0x4000  }
0x5c: {  	[sflag:s28] =	ssyncset.done $0x0  }
0x5d: {  	[sflag:s28] =	ssyncadd.s32 $0xFFFFC000  }
0x5e: {  	_ =	swait.ge [sflag:s22], $0x80  }
0x5f: {  	[sflag:s22] =	ssyncset.done $0x0  }
0x60: {  	[sflag:s22] =	ssyncadd.s32 $0xFFFFFF80  }
0x61: {  	_ =	swait.ge [sflag:s22], $0x80  }
0x62: {  	[sflag:s22] =	ssyncset.done $0x0  }
0x63: {  	[sflag:s22] =	ssyncadd.s32 $0xFFFFFF80  }
0x64: {  	[tilespmem:s25], [sflag:$0x1] =	stream.indirect.gather [hbm4b:s1+s24], $0x80, s4, s24, $0xb8;
	[tilespmem:$0x1BB00] =	vst v63  }
0x65: {  	s0 =	simm.s32 $0x4200  }
0x66: {  	[spmem:s3] =	stream.indirect.scatter.add.f32 [tilespmem:s0], [sflag:$0x3], $0x80, s26, s24, $0xb8;
	[tilespmem:$0x1BB00] =	vst v63  }
0x67: {  	_ =	swait.ge [sflag:s20], $0x4000  }
0x68: {  	[sflag:s20] =	ssyncset.done $0x0  }
0x69: {  	[sflag:s20] =	ssyncadd.s32 $0xFFFFC000  }
0x6a: {  	_ =	swait.ge [sflag:s28], $0x4000  }
0x6b: {  	[sflag:s28] =	ssyncset.done $0x0  }
0x6c: {  	[sflag:s28] =	ssyncadd.s32 $0xFFFFC000  }
0x6d: {  	[spmem:s3] =	stream.indirect.scatter.add.f32 [tilespmem:s25], [sflag:$0x3], $0x80, s23, s24, $0xb8;
	[tilespmem:$0x1BB00] =	vst v63  }
.Ltmp3:
0x6e: {  	_ =	swait.ge [sflag:s20], $0x4000;
	(pc) =	sbr.rel @!p0 .LBB2_4-.Ltmp3, $3  }
0x6f: {  	[sflag:s20] =	ssyncset.done $0x0  }
0x70: {  	[sflag:s20] =	ssyncadd.s32 $0xFFFFC000  }
0x71: {  	[bflag:$0x0] =	sbarrier.arrive $0xFFFF;
	_ =	sdelay $0x1  }
0x72: {  	s0 =	rddreg [dreg:$0x8]  }
0x73: {  	[hbm:s0], [sflag:s8] =	dma.local [spmem:s19], $0x2700  }
.Ltmp4:
0x74: {  	_ = 	snop;
	(pc) =	sbr.rel @p1 .LBB2_7-.Ltmp4, $4  }
.Ltmp5:
0x75: {  	_ = 	snop;
	(pc) =	sbr.rel @!p1 .LBB2_6-.Ltmp5, $4  }
0x76: {  	_ =	swait.ge [sflag:s20], $0x2700  }
0x77: {  	[sflag:s20] =	ssyncset.done $0x0  }
0x78: {  	s0 =	rddreg [dreg:$0x5];
	[sflag:s20] =	ssyncadd.s32 $0xFFFFD900  }
0x79: {  	_ = 	snop  }
.LBB2_4:
0x7a: {  	s0 =	rddreg [dreg:$0x7]  }
0x7b: {  	[hbm:s0], [sflag:s8] =	dma.local [spmem:s19], $0x2700  }
.Ltmp6:
0x7c: {  	_ = 	snop;
	(pc) =	sbr.rel @p2 .LBB2_6-.Ltmp6, $4  }
.Ltmp7:
0x7d: {  	_ = 	snop;
	(pc) =	sbr.rel @!p2 .LBB2_7-.Ltmp7, $4  }
0x7e: {  	_ =	swait.ge [sflag:s20], $0x2700  }
0x7f: {  	[sflag:s20] =	ssyncset.done $0x0  }
0x80: {  	s0 =	rddreg [dreg:$0x4];
	[sflag:s20] =	ssyncadd.s32 $0xFFFFD900  }
0x81: {  	_ = 	snop  }
.LBB2_8:
0x82: {  	_ =	sfence.sel $0x180000  }
0x83: {  	[bflag:$0x0] =	sbarrier.arrive $0xFFFF  }
0x84: {  	_ =	strace $0x90000050  }
0x85: {  	s0 =	stileid.u32;
	[bflag:$0x2] =	sbarrier.arrive $0xFFFF  }
0x86: {  	p0 =	sne.s32 s0, $0x0;
	s0 =	rddreg [dreg:$0x3]  }
0x87: {  	s0 =	sadd.s32 @!p0 $0x100000, s0  }
0x88: {  	[sflag:s0] =	ssyncadd.tile.s32 @!p0 $0x1;
	_ =	shalt  }
.Lfunc_end2:
_tile_overlayer_lowered:
.L_overlay_start_2:
0x89: {  	(tag) =	ssettag $0x2  }
0x8a: {  	s0 =	rddreg [dreg:$0x0];
	s2 =	stileid.u32  }
0x8b: {  	s1 =	rddreg [dreg:$0x1];
	p0 =	sne.s32 s2, $0x0  }
0x8c: {  	s3 =	rddreg [dreg:$0x2];
	[bflag:$0x3] =	sbarrier.arrive $0xFFFF;
	s2 =	simm.s32 @!p0 $0x1C03  }
0x8d: {  	[timem:s3], [sflag:s2] =	dma.local @!p0 [hbm:s0], s1  }
0x8e: {  	s0 =	simm.s32 @!p0 $0x3  }
0x8f: {  	_ =	swait.ge @!p0 [sflag:s0], s1  }
0x90: {  	s1 =	ssub.s32 @!p0 $0x0, s1;
	[sflag:s0] =	ssyncset.done @!p0 $0x0  }
0x91: {  	[sflag:s0] =	ssyncadd.s32 @!p0 s1  }
0x92: {  	[bflag:$0x3] =	sbarrier.arrive $0xFFFF  }
0x93: {  	_ =	shalt  }

// kernel: kernel.27.cloned.1.call-start
scs
__scs_entry_jumppad:
0x0: {  	(pc) =	sbr.rel $0x88, $3  }
0x1: {  	(tag) =	ssettag $0x0;
	lr =	simm.s32 $0x1  }
0x2: {  	[smem:$0x3F99] =	sst lr;
	_ =	strace $0xD0000000  }
0x3: {  	_ = 	snop  }
0x4: {  	_ = 	snop  }
0x5: {  	_ = 	snop  }
0x6: {  	_ = 	snop  }
0x7: {  	_ = 	snop  }
__scs_overlays_trampoline_lowered:
0x8: {  	[smem:$0x3FA8] =	sst s0  }
0x9: {  	[smem:$0x3FA9] =	sst s1  }
0xa: {  	[smem:$0x3FAA] =	sst s2  }
0xb: {  	[smem:$0x3FAB] =	sst s3  }
0xc: {  	[smem:$0x3FAC] =	sst s4  }
0xd: {  	[smem:$0x3FAD] =	sst s5  }
0xe: {  	[smem:$0x3FAE] =	sst s6  }
0xf: {  	[smem:$0x3FAF] =	sst s7  }
0x10: {  	[smem:$0x3FB0] =	sst s8  }
0x11: {  	[smem:$0x3FB1] =	sst s9;
	s0 =	simm.s32 @!p0 $0x0  }
0x12: {  	s1 =	sld [smem:$0x3F97];
	s0 =	simm.s32 @p0 $0x1  }
0x13: {  	[smem:$0x3FB2] =	sst s0;
	s0 =	simm.s32 @!p1 $0x0  }
0x14: {  	s2 =	sld [smem:$0x3F96];
	s0 =	simm.s32 @p1 $0x1  }
0x15: {  	[smem:$0x3FB3] =	sst s0;
	s0 =	simm.s32 @!p2 $0x0  }
0x16: {  	s3 =	sld [smem:$0x3FDB];
	s0 =	simm.s32 @p2 $0x1  }
0x17: {  	s4 =	simm.s32 $0x1BF5;
	[smem:$0x3FB5] =	sst s0  }
0x18: {  	s0 =	sld [smem:$0x3F98];
	_ =	swait.ge [sflag:s4], $0x0  }
0x19: {  	s7 =	sld [smem:$0x3F99]  }
0x1a: {  	s8 =	sadd.s32 $0xFFFFE003, lr  }
0x1b: {  	s9 =	sadd.s32 $0xFFFFFEF7, lr;
	s5 =	simm.s32 $0xFFFFFFFF;
	p2 =	slt.u32 s8, $0xFFFFF086  }
0x1c: {  	p1 =	slt.u32 s9, $0xF7A;
	s5 =	simm.s32 @!p2 $0x0  }
0x1d: {  	s5 =	simm.s32 @p1 $0x1;
	p0 =	seq.s32 s7, s2  }
0x1e: {  	s7 =	smul.u32 @!p0 $0xF7A, s2;
	p2 =	seq.s32 @!p0 s5, $0x0  }
0x1f: {  	s9 =	smul.u32 $0xF7A, s1;
	s8 =	simm.s32 @!p0 $0x1BF5;
	p2 =	por !p2, p0  }
0x20: {  	[sflag:s8] =	ssyncset.s32 @!p0 $0xFFFFF086;
	s6 =	sadd.s32 @!p0 s3, s7;
	s7 =	simm.s32 @!p0 $0x108  }
0x21: {  	s3 =	sadd.s32 s3, s9;
	s6 =	sadd.s32 @!p0 $0x88, s6;
	s7 =	simm.s32 @p2 $0x1082  }
0x22: {  	[simem:s7], [sflag:s8] =	dma.local @!p0 [hbm:s6], $0xF7A  }
0x23: {  	s9 =	sor.u32 $0xD0000000, s2;
	s6 =	simm.s32 $0x108;
	_ =	swait.ge @!p0 [sflag:s8], $0x0  }
0x24: {  	s3 =	sadd.s32 $0x88, s3;
	s6 =	simm.s32 @!p1 $0x1082;
	[sflag:s4] =	ssyncset.s32 $0xFFFFF086  }
0x25: {  	[simem:s6], [sflag:s4] =	dma.local [hbm:s3], $0xF7A  }
0x26: {  	[smem:$0x3F99] =	sst s1;
	(tag) =	ssettag s2;
	_ =	strace s9  }
0x27: {  	s1 =	sld [smem:$0x3FA9]  }
0x28: {  	s2 =	sld [smem:$0x3FAA]  }
0x29: {  	s4 =	sld [smem:$0x3FAC]  }
0x2a: {  	p0 =	seq.s32 s5, $0x0;
	s5 =	sld [smem:$0x3FAD]  }
0x2b: {  	s6 =	sld [smem:$0x3FAE]  }
0x2c: {  	s7 =	sld [smem:$0x3FAF]  }
0x2d: {  	s3 =	simm.s32 $0x108;
	s8 =	sld [smem:$0x3FB0]  }
0x2e: {  	s3 =	simm.s32 @!p0 $0x1082;
	s9 =	sld [smem:$0x3FB1]  }
0x2f: {  	lr =	sadd.s32 s0, s3;
	s0 =	sld [smem:$0x3FA8]  }
0x30: {  	s3 =	sld [smem:$0x3FAB]  }
0x31: {  	[smem:$0x3FB4] =	sst s10  }
0x32: {  	s10 =	sld [smem:$0x3FB2];
	_ =	sdelay $0x3  }
0x33: {  	p0 =	seq.s32 s10, $0x1;
	s10 =	sld [smem:$0x3FB4];
	_ =	sdelay $0x3  }
0x34: {  	[smem:$0x3FB4] =	sst s10  }
0x35: {  	s10 =	sld [smem:$0x3FB3];
	_ =	sdelay $0x3  }
0x36: {  	p1 =	seq.s32 s10, $0x1;
	s10 =	sld [smem:$0x3FB4];
	_ =	sdelay $0x3  }
0x37: {  	[smem:$0x3FB4] =	sst s10  }
0x38: {  	s10 =	sld [smem:$0x3FB5]  }
0x39: {  	_ = 	snop;
	(pc) =	sbr.ind lr, $3  }
0x3a: {  	_ = 	snop  }
0x3b: {  	_ = 	snop  }
0x3c: {  	p2 =	seq.s32 s10, $0x1;
	s10 =	sld [smem:$0x3FB4]  }
0x3d: {  	_ =	shalt  }
0x3e: {  	_ =	shalt  }
0x3f: {  	_ =	shalt  }
0x40: {  	_ =	shalt  }
0x41: {  	_ =	shalt  }
0x42: {  	_ =	shalt  }
0x43: {  	_ =	shalt  }
0x44: {  	_ =	shalt  }
0x45: {  	_ =	shalt  }
0x46: {  	_ =	shalt  }
0x47: {  	_ =	shalt  }
0x48: {  	_ =	shalt  }
0x49: {  	_ =	shalt  }
0x4a: {  	_ =	shalt  }
0x4b: {  	_ =	shalt  }
0x4c: {  	_ =	shalt  }
0x4d: {  	_ =	shalt  }
0x4e: {  	_ =	shalt  }
0x4f: {  	_ =	shalt  }
0x50: {  	_ =	shalt  }
0x51: {  	_ =	shalt  }
0x52: {  	_ =	shalt  }
0x53: {  	_ =	shalt  }
0x54: {  	_ =	shalt  }
0x55: {  	_ =	shalt  }
0x56: {  	_ =	shalt  }
0x57: {  	_ =	shalt  }
0x58: {  	_ =	shalt  }
0x59: {  	_ =	shalt  }
0x5a: {  	_ =	shalt  }
0x5b: {  	_ =	shalt  }
0x5c: {  	_ =	shalt  }
0x5d: {  	_ =	shalt  }
0x5e: {  	_ =	shalt  }
0x5f: {  	_ =	shalt  }
0x60: {  	_ =	shalt  }
0x61: {  	_ =	shalt  }
0x62: {  	_ =	shalt  }
0x63: {  	_ =	shalt  }
0x64: {  	_ =	shalt  }
0x65: {  	_ =	shalt  }
0x66: {  	_ =	shalt  }
0x67: {  	_ =	shalt  }
0x68: {  	_ =	shalt  }
0x69: {  	_ =	shalt  }
0x6a: {  	_ =	shalt  }
0x6b: {  	_ =	shalt  }
0x6c: {  	_ =	shalt  }
0x6d: {  	_ =	shalt  }
0x6e: {  	_ =	shalt  }
0x6f: {  	_ =	shalt  }
0x70: {  	_ =	shalt  }
0x71: {  	_ =	shalt  }
0x72: {  	_ =	shalt  }
0x73: {  	_ =	shalt  }
0x74: {  	_ =	shalt  }
0x75: {  	_ =	shalt  }
0x76: {  	_ =	shalt  }
0x77: {  	_ =	shalt  }
0x78: {  	_ =	shalt  }
0x79: {  	_ =	shalt  }
0x7a: {  	_ =	shalt  }
0x7b: {  	_ =	shalt  }
0x7c: {  	_ =	shalt  }
0x7d: {  	_ =	shalt  }
0x7e: {  	_ =	shalt  }
0x7f: {  	_ =	shalt  }
0x80: {  	_ =	shalt  }
0x81: {  	_ =	shalt  }
0x82: {  	_ =	shalt  }
0x83: {  	_ =	shalt  }
0x84: {  	_ =	shalt  }
0x85: {  	_ =	shalt  }
0x86: {  	_ =	shalt  }
0x87: {  	_ =	shalt  }
.Lfunc_end0:
.L_simem_size_0:
called_computation.4_lowered:
.L_overlay_start_0:
0x88: {  	s2 =	sld [smem:$0x3FD9]  }
0x89: {  	s3 =	sld [smem:$0x3FFE];
	_ =	sdelay $0x1  }
0x8a: {  	s1 =	srdreg.scid  }
0x8b: {  	s0 =	sand.u32 $0x1, s1  }
0x8c: {  	s17 =	sshll.u32 s0, $0xA;
	s2 =	sadd.s32 s3, s2  }
0x8d: {  	s2 =	sadd.s32 s2, s17  }
0x8e: {  	[smem:$0x3FC0] =	sst s2  }
0x8f: {  	_ = 	snop  }
0x90: {  	s2 =	sld [smem:$0x3FD0];
	(tm) =	ssettm $0x1  }
0x91: {  	s18 =	sld [smem:$0x3FFB];
	_ =	sdelay $0x3  }
0x92: {  	_ =	strace s18  }
0x93: {  	s3 =	sld [smem:$0x3FFC];
	_ =	sdelay $0x3  }
0x94: {  	_ =	strace s3  }
0x95: {  	s3 =	sld [smem:$0x3FFD];
	_ =	sdelay $0x3  }
0x96: {  	_ =	strace s3  }
0x97: {  	_ =	strace $0x8FFFFFFF  }
0x98: {  	s19 =	sld [smem:$0x3FDB];
	_ =	sdelay $0x1  }
0x99: {  	s4 =	simm.s32 $_scs_section_size  }
0x9a: {  	s5 =	simm.s32 $_size__tile_overlayer_lowered;
	s6 =	simm.s32 $_tile_overlayer_lowered  }
0x9b: {  	s22 =	simm.s32 $0x1BFF;
	s21 =	sshll.u32 s6, $0x1;
	s3 =	sadd.s32 s4, s19  }
0x9c: {  	s7 =	simm.s32 $0x0;
	s20 =	sshll.u32 s5, $0x1;
	s5 =	sadd.s32 s21, s3  }
0x9d: {  	[timem:s7], [sflag:s22] =	dma.local [hbm:s5], s20  }
0x9e: {  	_ =	swait.ge [sflag:s22], s20  }
0x9f: {  	s4 =	ssub.s32 $0x0, s20;
	[sflag:s22] =	ssyncset.done $0x0  }
0xa0: {  	[sflag:s22] =	ssyncadd.s32 s4;
	_ =	sdelay $0x1  }
0xa1: {  	s23 =	simm.s32 $0x1B8B  }
0xa2: {  	_ =	swait.ge [sflag:s23], $0x1  }
0xa3: {  	[sflag:s23] =	ssyncset.done $0x0  }
0xa4: {  	s25 =	simm.s32 $0x1B8E;
	s24 =	sld [smem:$0x3FFE];
	[sflag:s23] =	ssyncadd.s32 $0xFFFFFFFF  }
0xa5: {  	s26 =	simm.s32 $execute0_lowered;
	[smem:$0x3FD2] =	sst s25  }
0xa6: {  	s5 =	sshll.u32 s26, $0x1;
	_ =	strace $0x80000052;
	[dreg:$0x1] =	wrdreg $0xFFFFFFFF  }
0xa7: {  	s28 =	simm.s32 $_size_execute0_lowered;
	s3 =	sadd.s32 s3, s5;
	[dreg:$0x0] =	wrdreg $0x0  }
0xa8: {  	s5 =	sshll.u32 s28, $0x1;
	[dreg:$0x2] =	wrdreg s3  }
0xa9: {  	[dreg:$0x3] =	wrdreg s5  }
0xaa: {  	[dreg:$0x4] =	wrdreg $0xC0  }
0xab: {  	_ =	task [dreg:s7], $0x5FFFF  }
0xac: {  	[dreg:$0x1] =	wrdreg $0xFFFFFFFF  }
0xad: {  	[dreg:$0x0] =	wrdreg $0x60  }
0xae: {  	[dreg:$0x2] =	wrdreg s2  }
0xaf: {  	[dreg:$0x3] =	wrdreg s24  }
0xb0: {  	[dreg:$0x4] =	wrdreg $0x82000  }
0xb1: {  	[dreg:$0x5] =	wrdreg $0x9  }
0xb2: {  	_ =	task.clear_ibuf [dreg:s7], $0x6FFFF;
	_ =	strace $0x90000052  }
0xb3: {  	s29 =	simm.s32 $0x9;
	_ =	strace $0x80000054  }
0xb4: {  	_ =	swait.ge [sflag:s29], $0x1  }
0xb5: {  	[sflag:s29] =	ssyncadd.s32 $0xFFFFFFFF  }
0xb6: {  	_ =	strace $0x90000054  }
0xb7: {  	_ =	sfence  }
0xb8: {  	s30 =	sld [smem:$0x0];
	_ =	sdelay $0x2  }
0xb9: {  	s31 =	sshll.u32 s1, $0xD;
	s1 =	sshrl.u32 s1, $0x2  }
0xba: {  	s3 =	sand.u32 $0x4000, s31;
	s1 =	sadd.s32 s1, s30  }
0xbb: {  	s0 =	sor.u32 s3, s0;
	s1 =	sshll.u32 s1, $0x11  }
0xbc: {  	s0 =	sor.u32 s1, s0  }
0xbd: {  	s0 =	sadd.s32 $0x8F2B, s0  }
0xbe: {  	[sflag:s0] =	ssyncadd.remote.s32 $0x1  }
0xbf: {  	_ =	sfence.sel $0xFFFF  }
0xc0: {  	[dreg:$0x0] =	wrdreg $0xFFFFFFFF;
	(pc) =	sbr.abs _section_cstart, $3  }
0xc1: {  	[dreg:$0x1] =	wrdreg $0xFFFFFFFF  }
0xc2: {  	_ =	task.clear_ibuf [dreg:s7], $0x2FFFF;
	_ =	strace $0x9FFFFFFF  }
0xc3: {  	(tm) =	ssettm $0x7FFFFFFF  }
tec
execute0_lowered:
.L_overlay_start_1:
0x0: {  	(tag) =	ssettag $0x1  }
0x1: {  	s1 =	rddreg [dreg:$0x0]  }
0x2: {  	s0 =	rddreg [dreg:$0x1]  }
0x3: {  	s3 =	rddreg [dreg:$0x2];
	s4 =	simm.s32 $0x0;
	s2 =	srdreg.scid  }
0x4: {  	s14 =	stileid.u32;
	s28 =	simm.s32 $0x1;
	s30 =	simm.s32 $0x0  }
0x5: {  	[smem:$0x7FF] =	sst s4;
	s2 =	sand.u32 $0x1, s2;
	s6 =	smul.u32 $0x4E000, s14  }
0x6: {  	s7 =	sadd.s32 $0x7C00, s0;
	s5 =	sadd.s32 $0x2F000, s0;
	s10 =	smul.u32 $0x4E80, s14  }
0x7: {  	s15 =	sadd.s32 $0x7FC00, s0;
	s18 =	sadd.s32 $0xA6E00, s0;
	s20 =	sshll.u32 s14, $0x6  }
0x8: {  	s22 =	smul.u32 $0x2700, s14;
	p1 =	sne.s32 s14, $0xF;
	p2 =	seq.s32 s14, $0xF  }
0x9: {  	_ =	strace $0x80000053;
	s8 =	smul.u32 $0x4E800, s2;
	[dreg:$0x4] =	wrdreg s15  }
0xa: {  	s9 =	ssub.s32 $0x2, s2;
	p0 =	seq.s32 s2, $0x1;
	[dreg:$0x5] =	wrdreg s18  }
0xb: {  	s19 =	sshrl.u32 s9, $0x1;
	s6 =	sshrl.u32 s6, $0x2;
	s23 =	sadd.s32 s15, s22  }
0xc: {  	s24 =	sadd.s32 s18, s22;
	s22 =	simm.s32 $0x2;
	s0 =	ssub.s32 s9, s19  }
0xd: {  	s16 =	sadd.s32 s10, s8;
	s17 =	sadd.s32 s6, s3;
	[dreg:$0x7] =	wrdreg s23  }
0xe: {  	s8 =	sor.u32 $0x1C03, s20;
	s10 =	sadd.s32 $0x138000, s3;
	[dreg:$0x8] =	wrdreg s24  }
0xf: {  	s20 =	simm.s32 $0x3;
	s23 =	simm.s32 $0x100;
	s24 =	simm.s32 $0x80  }
0x10: {  	s21 =	sshrl.u32 s16, $0x3;
	s25 =	sadd.s32 $0x9D100, s16;
	s26 =	sadd.s32 $0x100, s16  }
.Ltmp0:
0x11: {  	s16 =	smax.u32 s0, $0x1;
	s19 =	sshrl.u32 s17, $0x3;
	(pc) =	sbr.rel .LBB2_1-.Ltmp0, $4  }
0x12: {  	[dreg:$0x6] =	wrdreg s10;
	s9 =	sadd.s32 s7, s21;
	s29 =	sshrl.u32 s25, $0x3  }
0x13: {  	s31 =	sshrl.u32 s26, $0x3;
	s21 =	sshrl.u32 @!p1 s10, $0x3;
	s25 =	simm.s32 $0x200  }
0x14: {  	s26 =	simm.s32 $0x180;
	s11 =	sadd.s32 $0x13A00, s9;
	s12 =	sadd.s32 $0x10, s9  }
0x15: {  	s13 =	sadd.s32 $0x13A10, s9;
	s6 =	sadd.s32 s29, s7;
	s18 =	sadd.s32 s31, s7  }
.LBB2_6:
0x16: {  	s2 =	rddreg [dreg:$0x6]  }
0x17: {  	s0 =	sadd.s32 $0x27000, s0;
	s2 =	sshrl.u32 s2, $0x3  }
0x18: {  	[hbm:s0], [sflag:s8] =	dma.local [spmem:s2], $0x100  }
0x19: {  	_ =	swait.ge [sflag:s20], $0x100  }
0x1a: {  	[sflag:s20] =	ssyncset.done $0x0  }
0x1b: {  	[sflag:s20] =	ssyncadd.s32 $0xFFFFFF00  }
.LBB2_7:
0x1c: {  	s30 =	sadd.s32 $0x1, s30  }
0x1d: {  	p3 =	sne.s32 s30, s16  }
.Ltmp1:
0x1e: {  	_ = 	snop;
	(pc) =	sbr.rel @!p3 .LBB2_8-.Ltmp1, $1  }
0x1f: {  	_ =	sdelay $0x3  }
.LBB2_1:
0x20: {  	[spmem:s19], [sflag:s8] =	dma.local [hbm:s5], $0x2700  }
0x21: {  	_ =	swait.ge [sflag:s20], $0x2700  }
0x22: {  	[sflag:s20] =	ssyncset.done $0x0  }
0x23: {  	s0 =	simm.s32 @!p1 $0x3;
	[sflag:s20] =	ssyncadd.s32 $0xFFFFD900  }
0x24: {  	[spmem:s21], [sflag:s8] =	dma.local @!p1 [hbm:s5], $0x100  }
0x25: {  	_ =	swait.ge @!p1 [sflag:s0], $0x100  }
0x26: {  	[sflag:s0] =	ssyncset.done @!p1 $0x0  }
0x27: {  	[sflag:s0] =	ssyncadd.s32 @!p1 $0xFFFFFF00  }
0x28: {  	[bflag:$0x0] =	sbarrier.arrive $0xFFFF  }
0x29: {  	[tilespmem:s4], [sflag:$0x2] =	stream.linear.gather [hbm4b:s9+s4], $0x80, $0x38;
	[tilespmem:$0x1BB00] =	vst v63  }
0x2a: {  	_ =	swait.ge [sflag:s22], $0x80  }
0x2b: {  	[sflag:s22] =	ssyncset.done $0x0  }
0x2c: {  	[sflag:s22] =	ssyncadd.s32 $0xFFFFFF80  }
0x2d: {  	[tilespmem:s23], [sflag:$0x2] =	stream.linear.gather [hbm4b:s11+s4], $0x80, $0x38;
	[tilespmem:$0x1BB00] =	vst v63  }
0x2e: {  	_ =	swait.ge [sflag:s22], $0x80  }
0x2f: {  	[sflag:s22] =	ssyncset.done $0x0  }
0x30: {  	[sflag:s22] =	ssyncadd.s32 $0xFFFFFF80  }
0x31: {  	[tilespmem:s25], [sflag:$0x1] =	stream.indirect.gather [hbm4b:s1+s24], $0x80, s4, s24, $0xb8;
	[tilespmem:$0x1BB00] =	vst v63  }
0x32: {  	_ = 	snop  }
0x33: {  	[tilespmem:s24], [sflag:$0x2] =	stream.linear.gather [hbm4b:s12+s4], $0x80, $0x38;
	[tilespmem:$0x1BB00] =	vst v63  }
0x34: {  	_ = 	snop  }
0x35: {  	[tilespmem:s26], [sflag:$0x2] =	stream.linear.gather [hbm4b:s13+s4], $0x80, $0x38;
	[tilespmem:$0x1BB00] =	vst v63  }
0x36: {  	_ =	swait.ge [sflag:s28], $0x4000  }
0x37: {  	[sflag:s28] =	ssyncset.done $0x0  }
0x38: {  	[sflag:s28] =	ssyncadd.s32 $0xFFFFC000  }
0x39: {  	_ =	swait.ge [sflag:s22], $0x80  }
0x3a: {  	[sflag:s22] =	ssyncset.done $0x0  }
0x3b: {  	s29 =	sand.u32 $0x1, s4;
	[sflag:s22] =	ssyncadd.s32 $0xFFFFFF80  }
0x3c: {  	s2 =	sshll.u32 s29, $0xE;
	s7 =	sxor.u32 $0x1, s29;
	_ =	swait.ge [sflag:s22], $0x80  }
0x3d: {  	s17 =	sshll.u32 s7, $0xE;
	s7 =	sshll.u32 s7, $0x7;
	[sflag:s22] =	ssyncset.done $0x0  }
0x3e: {  	s17 =	sor.u32 $0x200, s17;
	s0 =	sshll.u32 s29, $0x7;
	[sflag:s22] =	ssyncadd.s32 $0xFFFFFF80  }
0x3f: {  	[tilespmem:s17], [sflag:$0x1] =	stream.indirect.gather [hbm4b:s1+s24], $0x80, s7, s24, $0xb8;
	[tilespmem:$0x1BB00] =	vst v63  }
0x40: {  	s2 =	sor.u32 $0x200, s2;
	s7 =	sor.u32 $0x100, s0  }
0x41: {  	[spmem:s3] =	stream.indirect.scatter.add.f32 [tilespmem:s2], [sflag:$0x3], $0x80, s7, s24, $0xb8;
	[tilespmem:$0x1BB00] =	vst v63  }
0x42: {  	_ =	swait.ge [sflag:s20], $0x4000  }
0x43: {  	[sflag:s20] =	ssyncset.done $0x0  }
0x44: {  	s31 =	simm.s32 $0x1;
	[sflag:s20] =	ssyncadd.s32 $0xFFFFC000  }
0x45: {  	[tilespmem:s0], [sflag:$0x2] =	stream.linear.gather [hbm4b:s18+s4], $0x80, $0x38;
	[tilespmem:$0x1BB00] =	vst v63  }
0x46: {  	s17 =	smov.u32 s6;
	s2 =	sadd.s32 $0x10, s18;
	s0 =	sadd.s32 $0x10, s6  }
.LBB2_2:
0x47: {  	[tilespmem:s7], [sflag:$0x2] =	stream.linear.gather [hbm4b:s17+s4], $0x80, $0x38;
	[tilespmem:$0x1BB00] =	vst v63  }
0x48: {  	s7 =	smov.u32 s31;
	s17 =	smov.u32 s0  }
0x49: {  	p3 =	sne.s32 s31, $0x9A;
	s31 =	sadd.s32 $0x1, s31;
	_ =	swait.ge [sflag:s28], $0x4000  }
0x4a: {  	[sflag:s28] =	ssyncset.done $0x0  }
0x4b: {  	[sflag:s28] =	ssyncadd.s32 $0xFFFFC000  }
0x4c: {  	_ =	swait.ge [sflag:s22], $0x80  }
0x4d: {  	[sflag:s22] =	ssyncset.done $0x0  }
0x4e: {  	s7 =	sand.u32 $0x1, s7;
	[sflag:s22] =	ssyncadd.s32 $0xFFFFFF80  }
0x4f: {  	s14 =	sshll.u32 s7, $0xE;
	s15 =	sxor.u32 $0x1, s7;
	_ =	swait.ge [sflag:s22], $0x80  }
0x50: {  	s29 =	sshll.u32 s7, $0x7;
	s10 =	sshll.u32 s15, $0xE;
	[sflag:s22] =	ssyncset.done $0x0  }
0x51: {  	s7 =	sshll.u32 s15, $0x7;
	s10 =	sor.u32 $0x200, s10;
	[sflag:s22] =	ssyncadd.s32 $0xFFFFFF80  }
0x52: {  	[tilespmem:s10], [sflag:$0x1] =	stream.indirect.gather [hbm4b:s1+s24], $0x80, s7, s24, $0xb8;
	[tilespmem:$0x1BB00] =	vst v63  }
0x53: {  	s10 =	sor.u32 $0x200, s14;
	s7 =	sor.u32 $0x100, s29  }
0x54: {  	[spmem:s3] =	stream.indirect.scatter.add.f32 [tilespmem:s10], [sflag:$0x3], $0x80, s7, s24, $0xb8;
	[tilespmem:$0x1BB00] =	vst v63  }
.Ltmp2:
0x55: {  	_ =	swait.ge [sflag:s20], $0x4000;
	(pc) =	sbr.rel @p3 .LBB2_2-.Ltmp2, $4  }
0x56: {  	[sflag:s20] =	ssyncset.done $0x0  }
0x57: {  	[sflag:s20] =	ssyncadd.s32 $0xFFFFC000  }
0x58: {  	[tilespmem:s29], [sflag:$0x2] =	stream.linear.gather [hbm4b:s2+s4], $0x80, $0x38;
	[tilespmem:$0x1BB00] =	vst v63  }
0x59: {  	s0 =	sadd.s32 $0x10, s0;
	s2 =	sadd.s32 $0x10, s2  }
0x5a: {  	[tilespmem:s7], [sflag:$0x2] =	stream.linear.gather [hbm4b:s17+s4], $0x80, $0x38;
	[tilespmem:$0x1BB00] =	vst v63  }
0x5b: {  	_ =	swait.ge [sflag:s28], $0x4000  }
0x5c: {  	[sflag:s28] =	ssyncset.done $0x0  }
0x5d: {  	[sflag:s28] =	ssyncadd.s32 $0xFFFFC000  }
0x5e: {  	_ =	swait.ge [sflag:s22], $0x80  }
0x5f: {  	[sflag:s22] =	ssyncset.done $0x0  }
0x60: {  	[sflag:s22] =	ssyncadd.s32 $0xFFFFFF80  }
0x61: {  	_ =	swait.ge [sflag:s22], $0x80  }
0x62: {  	[sflag:s22] =	ssyncset.done $0x0  }
0x63: {  	[sflag:s22] =	ssyncadd.s32 $0xFFFFFF80  }
0x64: {  	[tilespmem:s25], [sflag:$0x1] =	stream.indirect.gather [hbm4b:s1+s24], $0x80, s4, s24, $0xb8;
	[tilespmem:$0x1BB00] =	vst v63  }
0x65: {  	s0 =	simm.s32 $0x4200  }
0x66: {  	[spmem:s3] =	stream.indirect.scatter.add.f32 [tilespmem:s0], [sflag:$0x3], $0x80, s26, s24, $0xb8;
	[tilespmem:$0x1BB00] =	vst v63  }
0x67: {  	_ =	swait.ge [sflag:s20], $0x4000  }
0x68: {  	[sflag:s20] =	ssyncset.done $0x0  }
0x69: {  	[sflag:s20] =	ssyncadd.s32 $0xFFFFC000  }
0x6a: {  	_ =	swait.ge [sflag:s28], $0x4000  }
0x6b: {  	[sflag:s28] =	ssyncset.done $0x0  }
0x6c: {  	[sflag:s28] =	ssyncadd.s32 $0xFFFFC000  }
0x6d: {  	[spmem:s3] =	stream.indirect.scatter.add.f32 [tilespmem:s25], [sflag:$0x3], $0x80, s23, s24, $0xb8;
	[tilespmem:$0x1BB00] =	vst v63  }
.Ltmp3:
0x6e: {  	_ =	swait.ge [sflag:s20], $0x4000;
	(pc) =	sbr.rel @!p0 .LBB2_4-.Ltmp3, $3  }
0x6f: {  	[sflag:s20] =	ssyncset.done $0x0  }
0x70: {  	[sflag:s20] =	ssyncadd.s32 $0xFFFFC000  }
0x71: {  	[bflag:$0x0] =	sbarrier.arrive $0xFFFF;
	_ =	sdelay $0x1  }
0x72: {  	s0 =	rddreg [dreg:$0x8]  }
0x73: {  	[hbm:s0], [sflag:s8] =	dma.local [spmem:s19], $0x2700  }
.Ltmp4:
0x74: {  	_ = 	snop;
	(pc) =	sbr.rel @p1 .LBB2_7-.Ltmp4, $4  }
.Ltmp5:
0x75: {  	_ = 	snop;
	(pc) =	sbr.rel @!p1 .LBB2_6-.Ltmp5, $4  }
0x76: {  	_ =	swait.ge [sflag:s20], $0x2700  }
0x77: {  	[sflag:s20] =	ssyncset.done $0x0  }
0x78: {  	s0 =	rddreg [dreg:$0x5];
	[sflag:s20] =	ssyncadd.s32 $0xFFFFD900  }
0x79: {  	_ = 	snop  }
.LBB2_4:
0x7a: {  	s0 =	rddreg [dreg:$0x7]  }
0x7b: {  	[hbm:s0], [sflag:s8] =	dma.local [spmem:s19], $0x2700  }
.Ltmp6:
0x7c: {  	_ = 	snop;
	(pc) =	sbr.rel @p2 .LBB2_6-.Ltmp6, $4  }
.Ltmp7:
0x7d: {  	_ = 	snop;
	(pc) =	sbr.rel @!p2 .LBB2_7-.Ltmp7, $4  }
0x7e: {  	_ =	swait.ge [sflag:s20], $0x2700  }
0x7f: {  	[sflag:s20] =	ssyncset.done $0x0  }
0x80: {  	s0 =	rddreg [dreg:$0x4];
	[sflag:s20] =	ssyncadd.s32 $0xFFFFD900  }
0x81: {  	_ = 	snop  }
.LBB2_8:
0x82: {  	_ =	sfence.sel $0x180000  }
0x83: {  	[bflag:$0x0] =	sbarrier.arrive $0xFFFF  }
0x84: {  	_ =	strace $0x90000053  }
0x85: {  	s0 =	stileid.u32;
	[bflag:$0x2] =	sbarrier.arrive $0xFFFF  }
0x86: {  	p0 =	sne.s32 s0, $0x0;
	s0 =	rddreg [dreg:$0x3]  }
0x87: {  	s0 =	sadd.s32 @!p0 $0x100000, s0  }
0x88: {  	[sflag:s0] =	ssyncadd.tile.s32 @!p0 $0x1;
	_ =	shalt  }
.Lfunc_end2:
_tile_overlayer_lowered:
.L_overlay_start_2:
0x89: {  	(tag) =	ssettag $0x2  }
0x8a: {  	s0 =	rddreg [dreg:$0x0];
	s2 =	stileid.u32  }
0x8b: {  	s1 =	rddreg [dreg:$0x1];
	p0 =	sne.s32 s2, $0x0  }
0x8c: {  	s3 =	rddreg [dreg:$0x2];
	[bflag:$0x3] =	sbarrier.arrive $0xFFFF;
	s2 =	simm.s32 @!p0 $0x1C03  }
0x8d: {  	[timem:s3], [sflag:s2] =	dma.local @!p0 [hbm:s0], s1  }
0x8e: {  	s0 =	simm.s32 @!p0 $0x3  }
0x8f: {  	_ =	swait.ge @!p0 [sflag:s0], s1  }
0x90: {  	s1 =	ssub.s32 @!p0 $0x0, s1;
	[sflag:s0] =	ssyncset.done @!p0 $0x0  }
0x91: {  	[sflag:s0] =	ssyncadd.s32 @!p0 s1  }
0x92: {  	[bflag:$0x3] =	sbarrier.arrive $0xFFFF  }
0x93: {  	_ =	shalt  }

// kernel: kernel.30.cloned.1.call-start
scs
__scs_entry_jumppad:
0x0: {  	(pc) =	sbr.rel $0x88, $3  }
0x1: {  	(tag) =	ssettag $0x0;
	lr =	simm.s32 $0x1  }
0x2: {  	[smem:$0x3F99] =	sst lr;
	_ =	strace $0xD0000000  }
0x3: {  	_ = 	snop  }
0x4: {  	_ = 	snop  }
0x5: {  	_ = 	snop  }
0x6: {  	_ = 	snop  }
0x7: {  	_ = 	snop  }
__scs_overlays_trampoline_lowered:
0x8: {  	[smem:$0x3FA8] =	sst s0  }
0x9: {  	[smem:$0x3FA9] =	sst s1  }
0xa: {  	[smem:$0x3FAA] =	sst s2  }
0xb: {  	[smem:$0x3FAB] =	sst s3  }
0xc: {  	[smem:$0x3FAC] =	sst s4  }
0xd: {  	[smem:$0x3FAD] =	sst s5  }
0xe: {  	[smem:$0x3FAE] =	sst s6  }
0xf: {  	[smem:$0x3FAF] =	sst s7  }
0x10: {  	[smem:$0x3FB0] =	sst s8  }
0x11: {  	[smem:$0x3FB1] =	sst s9;
	s0 =	simm.s32 @!p0 $0x0  }
0x12: {  	s1 =	sld [smem:$0x3F97];
	s0 =	simm.s32 @p0 $0x1  }
0x13: {  	[smem:$0x3FB2] =	sst s0;
	s0 =	simm.s32 @!p1 $0x0  }
0x14: {  	s2 =	sld [smem:$0x3F96];
	s0 =	simm.s32 @p1 $0x1  }
0x15: {  	[smem:$0x3FB3] =	sst s0;
	s0 =	simm.s32 @!p2 $0x0  }
0x16: {  	s3 =	sld [smem:$0x3FDB];
	s0 =	simm.s32 @p2 $0x1  }
0x17: {  	s4 =	simm.s32 $0x1BF5;
	[smem:$0x3FB5] =	sst s0  }
0x18: {  	s0 =	sld [smem:$0x3F98];
	_ =	swait.ge [sflag:s4], $0x0  }
0x19: {  	s7 =	sld [smem:$0x3F99]  }
0x1a: {  	s8 =	sadd.s32 $0xFFFFE003, lr  }
0x1b: {  	s9 =	sadd.s32 $0xFFFFFEF7, lr;
	s5 =	simm.s32 $0xFFFFFFFF;
	p2 =	slt.u32 s8, $0xFFFFF086  }
0x1c: {  	p1 =	slt.u32 s9, $0xF7A;
	s5 =	simm.s32 @!p2 $0x0  }
0x1d: {  	s5 =	simm.s32 @p1 $0x1;
	p0 =	seq.s32 s7, s2  }
0x1e: {  	s7 =	smul.u32 @!p0 $0xF7A, s2;
	p2 =	seq.s32 @!p0 s5, $0x0  }
0x1f: {  	s9 =	smul.u32 $0xF7A, s1;
	s8 =	simm.s32 @!p0 $0x1BF5;
	p2 =	por !p2, p0  }
0x20: {  	[sflag:s8] =	ssyncset.s32 @!p0 $0xFFFFF086;
	s6 =	sadd.s32 @!p0 s3, s7;
	s7 =	simm.s32 @!p0 $0x108  }
0x21: {  	s3 =	sadd.s32 s3, s9;
	s6 =	sadd.s32 @!p0 $0x88, s6;
	s7 =	simm.s32 @p2 $0x1082  }
0x22: {  	[simem:s7], [sflag:s8] =	dma.local @!p0 [hbm:s6], $0xF7A  }
0x23: {  	s9 =	sor.u32 $0xD0000000, s2;
	s6 =	simm.s32 $0x108;
	_ =	swait.ge @!p0 [sflag:s8], $0x0  }
0x24: {  	s3 =	sadd.s32 $0x88, s3;
	s6 =	simm.s32 @!p1 $0x1082;
	[sflag:s4] =	ssyncset.s32 $0xFFFFF086  }
0x25: {  	[simem:s6], [sflag:s4] =	dma.local [hbm:s3], $0xF7A  }
0x26: {  	[smem:$0x3F99] =	sst s1;
	(tag) =	ssettag s2;
	_ =	strace s9  }
0x27: {  	s1 =	sld [smem:$0x3FA9]  }
0x28: {  	s2 =	sld [smem:$0x3FAA]  }
0x29: {  	s4 =	sld [smem:$0x3FAC]  }
0x2a: {  	p0 =	seq.s32 s5, $0x0;
	s5 =	sld [smem:$0x3FAD]  }
0x2b: {  	s6 =	sld [smem:$0x3FAE]  }
0x2c: {  	s7 =	sld [smem:$0x3FAF]  }
0x2d: {  	s3 =	simm.s32 $0x108;
	s8 =	sld [smem:$0x3FB0]  }
0x2e: {  	s3 =	simm.s32 @!p0 $0x1082;
	s9 =	sld [smem:$0x3FB1]  }
0x2f: {  	lr =	sadd.s32 s0, s3;
	s0 =	sld [smem:$0x3FA8]  }
0x30: {  	s3 =	sld [smem:$0x3FAB]  }
0x31: {  	[smem:$0x3FB4] =	sst s10  }
0x32: {  	s10 =	sld [smem:$0x3FB2];
	_ =	sdelay $0x3  }
0x33: {  	p0 =	seq.s32 s10, $0x1;
	s10 =	sld [smem:$0x3FB4];
	_ =	sdelay $0x3  }
0x34: {  	[smem:$0x3FB4] =	sst s10  }
0x35: {  	s10 =	sld [smem:$0x3FB3];
	_ =	sdelay $0x3  }
0x36: {  	p1 =	seq.s32 s10, $0x1;
	s10 =	sld [smem:$0x3FB4];
	_ =	sdelay $0x3  }
0x37: {  	[smem:$0x3FB4] =	sst s10  }
0x38: {  	s10 =	sld [smem:$0x3FB5]  }
0x39: {  	_ = 	snop;
	(pc) =	sbr.ind lr, $3  }
0x3a: {  	_ = 	snop  }
0x3b: {  	_ = 	snop  }
0x3c: {  	p2 =	seq.s32 s10, $0x1;
	s10 =	sld [smem:$0x3FB4]  }
0x3d: {  	_ =	shalt  }
0x3e: {  	_ =	shalt  }
0x3f: {  	_ =	shalt  }
0x40: {  	_ =	shalt  }
0x41: {  	_ =	shalt  }
0x42: {  	_ =	shalt  }
0x43: {  	_ =	shalt  }
0x44: {  	_ =	shalt  }
0x45: {  	_ =	shalt  }
0x46: {  	_ =	shalt  }
0x47: {  	_ =	shalt  }
0x48: {  	_ =	shalt  }
0x49: {  	_ =	shalt  }
0x4a: {  	_ =	shalt  }
0x4b: {  	_ =	shalt  }
0x4c: {  	_ =	shalt  }
0x4d: {  	_ =	shalt  }
0x4e: {  	_ =	shalt  }
0x4f: {  	_ =	shalt  }
0x50: {  	_ =	shalt  }
0x51: {  	_ =	shalt  }
0x52: {  	_ =	shalt  }
0x53: {  	_ =	shalt  }
0x54: {  	_ =	shalt  }
0x55: {  	_ =	shalt  }
0x56: {  	_ =	shalt  }
0x57: {  	_ =	shalt  }
0x58: {  	_ =	shalt  }
0x59: {  	_ =	shalt  }
0x5a: {  	_ =	shalt  }
0x5b: {  	_ =	shalt  }
0x5c: {  	_ =	shalt  }
0x5d: {  	_ =	shalt  }
0x5e: {  	_ =	shalt  }
0x5f: {  	_ =	shalt  }
0x60: {  	_ =	shalt  }
0x61: {  	_ =	shalt  }
0x62: {  	_ =	shalt  }
0x63: {  	_ =	shalt  }
0x64: {  	_ =	shalt  }
0x65: {  	_ =	shalt  }
0x66: {  	_ =	shalt  }
0x67: {  	_ =	shalt  }
0x68: {  	_ =	shalt  }
0x69: {  	_ =	shalt  }
0x6a: {  	_ =	shalt  }
0x6b: {  	_ =	shalt  }
0x6c: {  	_ =	shalt  }
0x6d: {  	_ =	shalt  }
0x6e: {  	_ =	shalt  }
0x6f: {  	_ =	shalt  }
0x70: {  	_ =	shalt  }
0x71: {  	_ =	shalt  }
0x72: {  	_ =	shalt  }
0x73: {  	_ =	shalt  }
0x74: {  	_ =	shalt  }
0x75: {  	_ =	shalt  }
0x76: {  	_ =	shalt  }
0x77: {  	_ =	shalt  }
0x78: {  	_ =	shalt  }
0x79: {  	_ =	shalt  }
0x7a: {  	_ =	shalt  }
0x7b: {  	_ =	shalt  }
0x7c: {  	_ =	shalt  }
0x7d: {  	_ =	shalt  }
0x7e: {  	_ =	shalt  }
0x7f: {  	_ =	shalt  }
0x80: {  	_ =	shalt  }
0x81: {  	_ =	shalt  }
0x82: {  	_ =	shalt  }
0x83: {  	_ =	shalt  }
0x84: {  	_ =	shalt  }
0x85: {  	_ =	shalt  }
0x86: {  	_ =	shalt  }
0x87: {  	_ =	shalt  }
.Lfunc_end0:
.L_simem_size_0:
called_computation.5_lowered:
.L_overlay_start_0:
0x88: {  	s2 =	sld [smem:$0x3FD9]  }
0x89: {  	s3 =	sld [smem:$0x3FFE];
	_ =	sdelay $0x1  }
0x8a: {  	s1 =	srdreg.scid  }
0x8b: {  	s0 =	sand.u32 $0x1, s1  }
0x8c: {  	s17 =	sshll.u32 s0, $0xA;
	s2 =	sadd.s32 s3, s2  }
0x8d: {  	s2 =	sadd.s32 s2, s17  }
0x8e: {  	[smem:$0x3FC0] =	sst s2  }
0x8f: {  	_ = 	snop  }
0x90: {  	s2 =	sld [smem:$0x3FD0];
	(tm) =	ssettm $0x1  }
0x91: {  	s18 =	sld [smem:$0x3FFB];
	_ =	sdelay $0x3  }
0x92: {  	_ =	strace s18  }
0x93: {  	s3 =	sld [smem:$0x3FFC];
	_ =	sdelay $0x3  }
0x94: {  	_ =	strace s3  }
0x95: {  	s3 =	sld [smem:$0x3FFD];
	_ =	sdelay $0x3  }
0x96: {  	_ =	strace s3  }
0x97: {  	_ =	strace $0x8FFFFFFF  }
0x98: {  	s19 =	sld [smem:$0x3FDB];
	_ =	sdelay $0x1  }
0x99: {  	s4 =	simm.s32 $_scs_section_size  }
0x9a: {  	s5 =	simm.s32 $_size__tile_overlayer_lowered;
	s6 =	simm.s32 $_tile_overlayer_lowered  }
0x9b: {  	s22 =	simm.s32 $0x1BFF;
	s21 =	sshll.u32 s6, $0x1;
	s3 =	sadd.s32 s4, s19  }
0x9c: {  	s7 =	simm.s32 $0x0;
	s20 =	sshll.u32 s5, $0x1;
	s5 =	sadd.s32 s21, s3  }
0x9d: {  	[timem:s7], [sflag:s22] =	dma.local [hbm:s5], s20  }
0x9e: {  	_ =	swait.ge [sflag:s22], s20  }
0x9f: {  	s4 =	ssub.s32 $0x0, s20;
	[sflag:s22] =	ssyncset.done $0x0  }
0xa0: {  	[sflag:s22] =	ssyncadd.s32 s4;
	_ =	sdelay $0x1  }
0xa1: {  	s23 =	simm.s32 $0x1B8B  }
0xa2: {  	_ =	swait.ge [sflag:s23], $0x1  }
0xa3: {  	[sflag:s23] =	ssyncset.done $0x0  }
0xa4: {  	s25 =	simm.s32 $0x1B8E;
	s24 =	sld [smem:$0x3FFE];
	[sflag:s23] =	ssyncadd.s32 $0xFFFFFFFF  }
0xa5: {  	s26 =	simm.s32 $execute0_lowered;
	[smem:$0x3FD2] =	sst s25  }
0xa6: {  	s5 =	sshll.u32 s26, $0x1;
	_ =	strace $0x80000055;
	[dreg:$0x1] =	wrdreg $0xFFFFFFFF  }
0xa7: {  	s28 =	simm.s32 $_size_execute0_lowered;
	s3 =	sadd.s32 s3, s5;
	[dreg:$0x0] =	wrdreg $0x0  }
0xa8: {  	s5 =	sshll.u32 s28, $0x1;
	[dreg:$0x2] =	wrdreg s3  }
0xa9: {  	[dreg:$0x3] =	wrdreg s5  }
0xaa: {  	[dreg:$0x4] =	wrdreg $0xC0  }
0xab: {  	_ =	task [dreg:s7], $0x5FFFF  }
0xac: {  	[dreg:$0x1] =	wrdreg $0xFFFFFFFF  }
0xad: {  	[dreg:$0x0] =	wrdreg $0x60  }
0xae: {  	[dreg:$0x2] =	wrdreg s2  }
0xaf: {  	[dreg:$0x3] =	wrdreg s24  }
0xb0: {  	[dreg:$0x4] =	wrdreg $0x82000  }
0xb1: {  	[dreg:$0x5] =	wrdreg $0x9  }
0xb2: {  	_ =	task.clear_ibuf [dreg:s7], $0x6FFFF;
	_ =	strace $0x90000055  }
0xb3: {  	s29 =	simm.s32 $0x9;
	_ =	strace $0x80000057  }
0xb4: {  	_ =	swait.ge [sflag:s29], $0x1  }
0xb5: {  	[sflag:s29] =	ssyncadd.s32 $0xFFFFFFFF  }
0xb6: {  	_ =	strace $0x90000057  }
0xb7: {  	_ =	sfence  }
0xb8: {  	s30 =	sld [smem:$0x0];
	_ =	sdelay $0x2  }
0xb9: {  	s31 =	sshll.u32 s1, $0xD;
	s1 =	sshrl.u32 s1, $0x2  }
0xba: {  	s3 =	sand.u32 $0x4000, s31;
	s1 =	sadd.s32 s1, s30  }
0xbb: {  	s0 =	sor.u32 s3, s0;
	s1 =	sshll.u32 s1, $0x11  }
0xbc: {  	s0 =	sor.u32 s1, s0  }
0xbd: {  	s0 =	sadd.s32 $0x8F2B, s0  }
0xbe: {  	[sflag:s0] =	ssyncadd.remote.s32 $0x1  }
0xbf: {  	_ =	sfence.sel $0xFFFF  }
0xc0: {  	[dreg:$0x0] =	wrdreg $0xFFFFFFFF;
	(pc) =	sbr.abs _section_cstart, $3  }
0xc1: {  	[dreg:$0x1] =	wrdreg $0xFFFFFFFF  }
0xc2: {  	_ =	task.clear_ibuf [dreg:s7], $0x2FFFF;
	_ =	strace $0x9FFFFFFF  }
0xc3: {  	(tm) =	ssettm $0x7FFFFFFF  }
tec
execute0_lowered:
.L_overlay_start_1:
0x0: {  	(tag) =	ssettag $0x1  }
0x1: {  	s1 =	rddreg [dreg:$0x0]  }
0x2: {  	s0 =	rddreg [dreg:$0x1]  }
0x3: {  	s3 =	rddreg [dreg:$0x2];
	s4 =	simm.s32 $0x0;
	s2 =	srdreg.scid  }
0x4: {  	s14 =	stileid.u32;
	s28 =	simm.s32 $0x1;
	s30 =	simm.s32 $0x0  }
0x5: {  	[smem:$0x7FF] =	sst s4;
	s2 =	sand.u32 $0x1, s2;
	s6 =	smul.u32 $0x4E000, s14  }
0x6: {  	s7 =	sadd.s32 $0x7C00, s0;
	s5 =	sadd.s32 $0x2F000, s0;
	s10 =	smul.u32 $0x4E80, s14  }
0x7: {  	s15 =	sadd.s32 $0x7FC00, s0;
	s18 =	sadd.s32 $0xA6E00, s0;
	s20 =	sshll.u32 s14, $0x6  }
0x8: {  	s22 =	smul.u32 $0x2700, s14;
	p1 =	sne.s32 s14, $0xF;
	p2 =	seq.s32 s14, $0xF  }
0x9: {  	_ =	strace $0x80000056;
	s8 =	smul.u32 $0x4E800, s2;
	[dreg:$0x4] =	wrdreg s15  }
0xa: {  	s9 =	ssub.s32 $0x2, s2;
	p0 =	seq.s32 s2, $0x1;
	[dreg:$0x5] =	wrdreg s18  }
0xb: {  	s19 =	sshrl.u32 s9, $0x1;
	s6 =	sshrl.u32 s6, $0x2;
	s23 =	sadd.s32 s15, s22  }
0xc: {  	s24 =	sadd.s32 s18, s22;
	s22 =	simm.s32 $0x2;
	s0 =	ssub.s32 s9, s19  }
0xd: {  	s16 =	sadd.s32 s10, s8;
	s17 =	sadd.s32 s6, s3;
	[dreg:$0x7] =	wrdreg s23  }
0xe: {  	s8 =	sor.u32 $0x1C03, s20;
	s10 =	sadd.s32 $0x138000, s3;
	[dreg:$0x8] =	wrdreg s24  }
0xf: {  	s20 =	simm.s32 $0x3;
	s23 =	simm.s32 $0x100;
	s24 =	simm.s32 $0x80  }
0x10: {  	s21 =	sshrl.u32 s16, $0x3;
	s25 =	sadd.s32 $0x9D100, s16;
	s26 =	sadd.s32 $0x100, s16  }
.Ltmp0:
0x11: {  	s16 =	smax.u32 s0, $0x1;
	s19 =	sshrl.u32 s17, $0x3;
	(pc) =	sbr.rel .LBB2_1-.Ltmp0, $4  }
0x12: {  	[dreg:$0x6] =	wrdreg s10;
	s9 =	sadd.s32 s7, s21;
	s29 =	sshrl.u32 s25, $0x3  }
0x13: {  	s31 =	sshrl.u32 s26, $0x3;
	s21 =	sshrl.u32 @!p1 s10, $0x3;
	s25 =	simm.s32 $0x200  }
0x14: {  	s26 =	simm.s32 $0x180;
	s11 =	sadd.s32 $0x13A00, s9;
	s12 =	sadd.s32 $0x10, s9  }
0x15: {  	s13 =	sadd.s32 $0x13A10, s9;
	s6 =	sadd.s32 s29, s7;
	s18 =	sadd.s32 s31, s7  }
.LBB2_6:
0x16: {  	s2 =	rddreg [dreg:$0x6]  }
0x17: {  	s0 =	sadd.s32 $0x27000, s0;
	s2 =	sshrl.u32 s2, $0x3  }
0x18: {  	[hbm:s0], [sflag:s8] =	dma.local [spmem:s2], $0x100  }
0x19: {  	_ =	swait.ge [sflag:s20], $0x100  }
0x1a: {  	[sflag:s20] =	ssyncset.done $0x0  }
0x1b: {  	[sflag:s20] =	ssyncadd.s32 $0xFFFFFF00  }
.LBB2_7:
0x1c: {  	s30 =	sadd.s32 $0x1, s30  }
0x1d: {  	p3 =	sne.s32 s30, s16  }
.Ltmp1:
0x1e: {  	_ = 	snop;
	(pc) =	sbr.rel @!p3 .LBB2_8-.Ltmp1, $1  }
0x1f: {  	_ =	sdelay $0x3  }
.LBB2_1:
0x20: {  	[spmem:s19], [sflag:s8] =	dma.local [hbm:s5], $0x2700  }
0x21: {  	_ =	swait.ge [sflag:s20], $0x2700  }
0x22: {  	[sflag:s20] =	ssyncset.done $0x0  }
0x23: {  	s0 =	simm.s32 @!p1 $0x3;
	[sflag:s20] =	ssyncadd.s32 $0xFFFFD900  }
0x24: {  	[spmem:s21], [sflag:s8] =	dma.local @!p1 [hbm:s5], $0x100  }
0x25: {  	_ =	swait.ge @!p1 [sflag:s0], $0x100  }
0x26: {  	[sflag:s0] =	ssyncset.done @!p1 $0x0  }
0x27: {  	[sflag:s0] =	ssyncadd.s32 @!p1 $0xFFFFFF00  }
0x28: {  	[bflag:$0x0] =	sbarrier.arrive $0xFFFF  }
0x29: {  	[tilespmem:s4], [sflag:$0x2] =	stream.linear.gather [hbm4b:s9+s4], $0x80, $0x38;
	[tilespmem:$0x1BB00] =	vst v63  }
0x2a: {  	_ =	swait.ge [sflag:s22], $0x80  }
0x2b: {  	[sflag:s22] =	ssyncset.done $0x0  }
0x2c: {  	[sflag:s22] =	ssyncadd.s32 $0xFFFFFF80  }
0x2d: {  	[tilespmem:s23], [sflag:$0x2] =	stream.linear.gather [hbm4b:s11+s4], $0x80, $0x38;
	[tilespmem:$0x1BB00] =	vst v63  }
0x2e: {  	_ =	swait.ge [sflag:s22], $0x80  }
0x2f: {  	[sflag:s22] =	ssyncset.done $0x0  }
0x30: {  	[sflag:s22] =	ssyncadd.s32 $0xFFFFFF80  }
0x31: {  	[tilespmem:s25], [sflag:$0x1] =	stream.indirect.gather [hbm4b:s1+s24], $0x80, s4, s24, $0xb8;
	[tilespmem:$0x1BB00] =	vst v63  }
0x32: {  	_ = 	snop  }
0x33: {  	[tilespmem:s24], [sflag:$0x2] =	stream.linear.gather [hbm4b:s12+s4], $0x80, $0x38;
	[tilespmem:$0x1BB00] =	vst v63  }
0x34: {  	_ = 	snop  }
0x35: {  	[tilespmem:s26], [sflag:$0x2] =	stream.linear.gather [hbm4b:s13+s4], $0x80, $0x38;
	[tilespmem:$0x1BB00] =	vst v63  }
0x36: {  	_ =	swait.ge [sflag:s28], $0x4000  }
0x37: {  	[sflag:s28] =	ssyncset.done $0x0  }
0x38: {  	[sflag:s28] =	ssyncadd.s32 $0xFFFFC000  }
0x39: {  	_ =	swait.ge [sflag:s22], $0x80  }
0x3a: {  	[sflag:s22] =	ssyncset.done $0x0  }
0x3b: {  	s29 =	sand.u32 $0x1, s4;
	[sflag:s22] =	ssyncadd.s32 $0xFFFFFF80  }
0x3c: {  	s2 =	sshll.u32 s29, $0xE;
	s7 =	sxor.u32 $0x1, s29;
	_ =	swait.ge [sflag:s22], $0x80  }
0x3d: {  	s17 =	sshll.u32 s7, $0xE;
	s7 =	sshll.u32 s7, $0x7;
	[sflag:s22] =	ssyncset.done $0x0  }
0x3e: {  	s17 =	sor.u32 $0x200, s17;
	s0 =	sshll.u32 s29, $0x7;
	[sflag:s22] =	ssyncadd.s32 $0xFFFFFF80  }
0x3f: {  	[tilespmem:s17], [sflag:$0x1] =	stream.indirect.gather [hbm4b:s1+s24], $0x80, s7, s24, $0xb8;
	[tilespmem:$0x1BB00] =	vst v63  }
0x40: {  	s2 =	sor.u32 $0x200, s2;
	s7 =	sor.u32 $0x100, s0  }
0x41: {  	[spmem:s3] =	stream.indirect.scatter.add.f32 [tilespmem:s2], [sflag:$0x3], $0x80, s7, s24, $0xb8;
	[tilespmem:$0x1BB00] =	vst v63  }
0x42: {  	_ =	swait.ge [sflag:s20], $0x4000  }
0x43: {  	[sflag:s20] =	ssyncset.done $0x0  }
0x44: {  	s31 =	simm.s32 $0x1;
	[sflag:s20] =	ssyncadd.s32 $0xFFFFC000  }
0x45: {  	[tilespmem:s0], [sflag:$0x2] =	stream.linear.gather [hbm4b:s18+s4], $0x80, $0x38;
	[tilespmem:$0x1BB00] =	vst v63  }
0x46: {  	s17 =	smov.u32 s6;
	s2 =	sadd.s32 $0x10, s18;
	s0 =	sadd.s32 $0x10, s6  }
.LBB2_2:
0x47: {  	[tilespmem:s7], [sflag:$0x2] =	stream.linear.gather [hbm4b:s17+s4], $0x80, $0x38;
	[tilespmem:$0x1BB00] =	vst v63  }
0x48: {  	s7 =	smov.u32 s31;
	s17 =	smov.u32 s0  }
0x49: {  	p3 =	sne.s32 s31, $0x9A;
	s31 =	sadd.s32 $0x1, s31;
	_ =	swait.ge [sflag:s28], $0x4000  }
0x4a: {  	[sflag:s28] =	ssyncset.done $0x0  }
0x4b: {  	[sflag:s28] =	ssyncadd.s32 $0xFFFFC000  }
0x4c: {  	_ =	swait.ge [sflag:s22], $0x80  }
0x4d: {  	[sflag:s22] =	ssyncset.done $0x0  }
0x4e: {  	s7 =	sand.u32 $0x1, s7;
	[sflag:s22] =	ssyncadd.s32 $0xFFFFFF80  }
0x4f: {  	s14 =	sshll.u32 s7, $0xE;
	s15 =	sxor.u32 $0x1, s7;
	_ =	swait.ge [sflag:s22], $0x80  }
0x50: {  	s29 =	sshll.u32 s7, $0x7;
	s10 =	sshll.u32 s15, $0xE;
	[sflag:s22] =	ssyncset.done $0x0  }
0x51: {  	s7 =	sshll.u32 s15, $0x7;
	s10 =	sor.u32 $0x200, s10;
	[sflag:s22] =	ssyncadd.s32 $0xFFFFFF80  }
0x52: {  	[tilespmem:s10], [sflag:$0x1] =	stream.indirect.gather [hbm4b:s1+s24], $0x80, s7, s24, $0xb8;
	[tilespmem:$0x1BB00] =	vst v63  }
0x53: {  	s10 =	sor.u32 $0x200, s14;
	s7 =	sor.u32 $0x100, s29  }
0x54: {  	[spmem:s3] =	stream.indirect.scatter.add.f32 [tilespmem:s10], [sflag:$0x3], $0x80, s7, s24, $0xb8;
	[tilespmem:$0x1BB00] =	vst v63  }
.Ltmp2:
0x55: {  	_ =	swait.ge [sflag:s20], $0x4000;
	(pc) =	sbr.rel @p3 .LBB2_2-.Ltmp2, $4  }
0x56: {  	[sflag:s20] =	ssyncset.done $0x0  }
0x57: {  	[sflag:s20] =	ssyncadd.s32 $0xFFFFC000  }
0x58: {  	[tilespmem:s29], [sflag:$0x2] =	stream.linear.gather [hbm4b:s2+s4], $0x80, $0x38;
	[tilespmem:$0x1BB00] =	vst v63  }
0x59: {  	s0 =	sadd.s32 $0x10, s0;
	s2 =	sadd.s32 $0x10, s2  }
0x5a: {  	[tilespmem:s7], [sflag:$0x2] =	stream.linear.gather [hbm4b:s17+s4], $0x80, $0x38;
	[tilespmem:$0x1BB00] =	vst v63  }
0x5b: {  	_ =	swait.ge [sflag:s28], $0x4000  }
0x5c: {  	[sflag:s28] =	ssyncset.done $0x0  }
0x5d: {  	[sflag:s28] =	ssyncadd.s32 $0xFFFFC000  }
0x5e: {  	_ =	swait.ge [sflag:s22], $0x80  }
0x5f: {  	[sflag:s22] =	ssyncset.done $0x0  }
0x60: {  	[sflag:s22] =	ssyncadd.s32 $0xFFFFFF80  }
0x61: {  	_ =	swait.ge [sflag:s22], $0x80  }
0x62: {  	[sflag:s22] =	ssyncset.done $0x0  }
0x63: {  	[sflag:s22] =	ssyncadd.s32 $0xFFFFFF80  }
0x64: {  	[tilespmem:s25], [sflag:$0x1] =	stream.indirect.gather [hbm4b:s1+s24], $0x80, s4, s24, $0xb8;
	[tilespmem:$0x1BB00] =	vst v63  }
0x65: {  	s0 =	simm.s32 $0x4200  }
0x66: {  	[spmem:s3] =	stream.indirect.scatter.add.f32 [tilespmem:s0], [sflag:$0x3], $0x80, s26, s24, $0xb8;
	[tilespmem:$0x1BB00] =	vst v63  }
0x67: {  	_ =	swait.ge [sflag:s20], $0x4000  }
0x68: {  	[sflag:s20] =	ssyncset.done $0x0  }
0x69: {  	[sflag:s20] =	ssyncadd.s32 $0xFFFFC000  }
0x6a: {  	_ =	swait.ge [sflag:s28], $0x4000  }
0x6b: {  	[sflag:s28] =	ssyncset.done $0x0  }
0x6c: {  	[sflag:s28] =	ssyncadd.s32 $0xFFFFC000  }
0x6d: {  	[spmem:s3] =	stream.indirect.scatter.add.f32 [tilespmem:s25], [sflag:$0x3], $0x80, s23, s24, $0xb8;
	[tilespmem:$0x1BB00] =	vst v63  }
.Ltmp3:
0x6e: {  	_ =	swait.ge [sflag:s20], $0x4000;
	(pc) =	sbr.rel @!p0 .LBB2_4-.Ltmp3, $3  }
0x6f: {  	[sflag:s20] =	ssyncset.done $0x0  }
0x70: {  	[sflag:s20] =	ssyncadd.s32 $0xFFFFC000  }
0x71: {  	[bflag:$0x0] =	sbarrier.arrive $0xFFFF;
	_ =	sdelay $0x1  }
0x72: {  	s0 =	rddreg [dreg:$0x8]  }
0x73: {  	[hbm:s0], [sflag:s8] =	dma.local [spmem:s19], $0x2700  }
.Ltmp4:
0x74: {  	_ = 	snop;
	(pc) =	sbr.rel @p1 .LBB2_7-.Ltmp4, $4  }
.Ltmp5:
0x75: {  	_ = 	snop;
	(pc) =	sbr.rel @!p1 .LBB2_6-.Ltmp5, $4  }
0x76: {  	_ =	swait.ge [sflag:s20], $0x2700  }
0x77: {  	[sflag:s20] =	ssyncset.done $0x0  }
0x78: {  	s0 =	rddreg [dreg:$0x5];
	[sflag:s20] =	ssyncadd.s32 $0xFFFFD900  }
0x79: {  	_ = 	snop  }
.LBB2_4:
0x7a: {  	s0 =	rddreg [dreg:$0x7]  }
0x7b: {  	[hbm:s0], [sflag:s8] =	dma.local [spmem:s19], $0x2700  }
.Ltmp6:
0x7c: {  	_ = 	snop;
	(pc) =	sbr.rel @p2 .LBB2_6-.Ltmp6, $4  }
.Ltmp7:
0x7d: {  	_ = 	snop;
	(pc) =	sbr.rel @!p2 .LBB2_7-.Ltmp7, $4  }
0x7e: {  	_ =	swait.ge [sflag:s20], $0x2700  }
0x7f: {  	[sflag:s20] =	ssyncset.done $0x0  }
0x80: {  	s0 =	rddreg [dreg:$0x4];
	[sflag:s20] =	ssyncadd.s32 $0xFFFFD900  }
0x81: {  	_ = 	snop  }
.LBB2_8:
0x82: {  	_ =	sfence.sel $0x180000  }
0x83: {  	[bflag:$0x0] =	sbarrier.arrive $0xFFFF  }
0x84: {  	_ =	strace $0x90000056  }
0x85: {  	s0 =	stileid.u32;
	[bflag:$0x2] =	sbarrier.arrive $0xFFFF  }
0x86: {  	p0 =	sne.s32 s0, $0x0;
	s0 =	rddreg [dreg:$0x3]  }
0x87: {  	s0 =	sadd.s32 @!p0 $0x100000, s0  }
0x88: {  	[sflag:s0] =	ssyncadd.tile.s32 @!p0 $0x1;
	_ =	shalt  }
.Lfunc_end2:
_tile_overlayer_lowered:
.L_overlay_start_2:
0x89: {  	(tag) =	ssettag $0x2  }
0x8a: {  	s0 =	rddreg [dreg:$0x0];
	s2 =	stileid.u32  }
0x8b: {  	s1 =	rddreg [dreg:$0x1];
	p0 =	sne.s32 s2, $0x0  }
0x8c: {  	s3 =	rddreg [dreg:$0x2];
	[bflag:$0x3] =	sbarrier.arrive $0xFFFF;
	s2 =	simm.s32 @!p0 $0x1C03  }
0x8d: {  	[timem:s3], [sflag:s2] =	dma.local @!p0 [hbm:s0], s1  }
0x8e: {  	s0 =	simm.s32 @!p0 $0x3  }
0x8f: {  	_ =	swait.ge @!p0 [sflag:s0], s1  }
0x90: {  	s1 =	ssub.s32 @!p0 $0x0, s1;
	[sflag:s0] =	ssyncset.done @!p0 $0x0  }
0x91: {  	[sflag:s0] =	ssyncadd.s32 @!p0 s1  }
0x92: {  	[bflag:$0x3] =	sbarrier.arrive $0xFFFF  }
0x93: {  	_ =	shalt  }

// kernel: kernel.33.cloned.1.call-start
scs
__scs_entry_jumppad:
0x0: {  	(pc) =	sbr.rel $0x88, $3  }
0x1: {  	(tag) =	ssettag $0x0;
	lr =	simm.s32 $0x1  }
0x2: {  	[smem:$0x3F99] =	sst lr;
	_ =	strace $0xD0000000  }
0x3: {  	_ = 	snop  }
0x4: {  	_ = 	snop  }
0x5: {  	_ = 	snop  }
0x6: {  	_ = 	snop  }
0x7: {  	_ = 	snop  }
__scs_overlays_trampoline_lowered:
0x8: {  	[smem:$0x3FA8] =	sst s0  }
0x9: {  	[smem:$0x3FA9] =	sst s1  }
0xa: {  	[smem:$0x3FAA] =	sst s2  }
0xb: {  	[smem:$0x3FAB] =	sst s3  }
0xc: {  	[smem:$0x3FAC] =	sst s4  }
0xd: {  	[smem:$0x3FAD] =	sst s5  }
0xe: {  	[smem:$0x3FAE] =	sst s6  }
0xf: {  	[smem:$0x3FAF] =	sst s7  }
0x10: {  	[smem:$0x3FB0] =	sst s8  }
0x11: {  	[smem:$0x3FB1] =	sst s9;
	s0 =	simm.s32 @!p0 $0x0  }
0x12: {  	s1 =	sld [smem:$0x3F97];
	s0 =	simm.s32 @p0 $0x1  }
0x13: {  	[smem:$0x3FB2] =	sst s0;
	s0 =	simm.s32 @!p1 $0x0  }
0x14: {  	s2 =	sld [smem:$0x3F96];
	s0 =	simm.s32 @p1 $0x1  }
0x15: {  	[smem:$0x3FB3] =	sst s0;
	s0 =	simm.s32 @!p2 $0x0  }
0x16: {  	s3 =	sld [smem:$0x3FDB];
	s0 =	simm.s32 @p2 $0x1  }
0x17: {  	s4 =	simm.s32 $0x1BF5;
	[smem:$0x3FB5] =	sst s0  }
0x18: {  	s0 =	sld [smem:$0x3F98];
	_ =	swait.ge [sflag:s4], $0x0  }
0x19: {  	s7 =	sld [smem:$0x3F99]  }
0x1a: {  	s8 =	sadd.s32 $0xFFFFE003, lr  }
0x1b: {  	s9 =	sadd.s32 $0xFFFFFEF7, lr;
	s5 =	simm.s32 $0xFFFFFFFF;
	p2 =	slt.u32 s8, $0xFFFFF086  }
0x1c: {  	p1 =	slt.u32 s9, $0xF7A;
	s5 =	simm.s32 @!p2 $0x0  }
0x1d: {  	s5 =	simm.s32 @p1 $0x1;
	p0 =	seq.s32 s7, s2  }
0x1e: {  	s7 =	smul.u32 @!p0 $0xF7A, s2;
	p2 =	seq.s32 @!p0 s5, $0x0  }
0x1f: {  	s9 =	smul.u32 $0xF7A, s1;
	s8 =	simm.s32 @!p0 $0x1BF5;
	p2 =	por !p2, p0  }
0x20: {  	[sflag:s8] =	ssyncset.s32 @!p0 $0xFFFFF086;
	s6 =	sadd.s32 @!p0 s3, s7;
	s7 =	simm.s32 @!p0 $0x108  }
0x21: {  	s3 =	sadd.s32 s3, s9;
	s6 =	sadd.s32 @!p0 $0x88, s6;
	s7 =	simm.s32 @p2 $0x1082  }
0x22: {  	[simem:s7], [sflag:s8] =	dma.local @!p0 [hbm:s6], $0xF7A  }
0x23: {  	s9 =	sor.u32 $0xD0000000, s2;
	s6 =	simm.s32 $0x108;
	_ =	swait.ge @!p0 [sflag:s8], $0x0  }
0x24: {  	s3 =	sadd.s32 $0x88, s3;
	s6 =	simm.s32 @!p1 $0x1082;
	[sflag:s4] =	ssyncset.s32 $0xFFFFF086  }
0x25: {  	[simem:s6], [sflag:s4] =	dma.local [hbm:s3], $0xF7A  }
0x26: {  	[smem:$0x3F99] =	sst s1;
	(tag) =	ssettag s2;
	_ =	strace s9  }
0x27: {  	s1 =	sld [smem:$0x3FA9]  }
0x28: {  	s2 =	sld [smem:$0x3FAA]  }
0x29: {  	s4 =	sld [smem:$0x3FAC]  }
0x2a: {  	p0 =	seq.s32 s5, $0x0;
	s5 =	sld [smem:$0x3FAD]  }
0x2b: {  	s6 =	sld [smem:$0x3FAE]  }
0x2c: {  	s7 =	sld [smem:$0x3FAF]  }
0x2d: {  	s3 =	simm.s32 $0x108;
	s8 =	sld [smem:$0x3FB0]  }
0x2e: {  	s3 =	simm.s32 @!p0 $0x1082;
	s9 =	sld [smem:$0x3FB1]  }
0x2f: {  	lr =	sadd.s32 s0, s3;
	s0 =	sld [smem:$0x3FA8]  }
0x30: {  	s3 =	sld [smem:$0x3FAB]  }
0x31: {  	[smem:$0x3FB4] =	sst s10  }
0x32: {  	s10 =	sld [smem:$0x3FB2];
	_ =	sdelay $0x3  }
0x33: {  	p0 =	seq.s32 s10, $0x1;
	s10 =	sld [smem:$0x3FB4];
	_ =	sdelay $0x3  }
0x34: {  	[smem:$0x3FB4] =	sst s10  }
0x35: {  	s10 =	sld [smem:$0x3FB3];
	_ =	sdelay $0x3  }
0x36: {  	p1 =	seq.s32 s10, $0x1;
	s10 =	sld [smem:$0x3FB4];
	_ =	sdelay $0x3  }
0x37: {  	[smem:$0x3FB4] =	sst s10  }
0x38: {  	s10 =	sld [smem:$0x3FB5]  }
0x39: {  	_ = 	snop;
	(pc) =	sbr.ind lr, $3  }
0x3a: {  	_ = 	snop  }
0x3b: {  	_ = 	snop  }
0x3c: {  	p2 =	seq.s32 s10, $0x1;
	s10 =	sld [smem:$0x3FB4]  }
0x3d: {  	_ =	shalt  }
0x3e: {  	_ =	shalt  }
0x3f: {  	_ =	shalt  }
0x40: {  	_ =	shalt  }
0x41: {  	_ =	shalt  }
0x42: {  	_ =	shalt  }
0x43: {  	_ =	shalt  }
0x44: {  	_ =	shalt  }
0x45: {  	_ =	shalt  }
0x46: {  	_ =	shalt  }
0x47: {  	_ =	shalt  }
0x48: {  	_ =	shalt  }
0x49: {  	_ =	shalt  }
0x4a: {  	_ =	shalt  }
0x4b: {  	_ =	shalt  }
0x4c: {  	_ =	shalt  }
0x4d: {  	_ =	shalt  }
0x4e: {  	_ =	shalt  }
0x4f: {  	_ =	shalt  }
0x50: {  	_ =	shalt  }
0x51: {  	_ =	shalt  }
0x52: {  	_ =	shalt  }
0x53: {  	_ =	shalt  }
0x54: {  	_ =	shalt  }
0x55: {  	_ =	shalt  }
0x56: {  	_ =	shalt  }
0x57: {  	_ =	shalt  }
0x58: {  	_ =	shalt  }
0x59: {  	_ =	shalt  }
0x5a: {  	_ =	shalt  }
0x5b: {  	_ =	shalt  }
0x5c: {  	_ =	shalt  }
0x5d: {  	_ =	shalt  }
0x5e: {  	_ =	shalt  }
0x5f: {  	_ =	shalt  }
0x60: {  	_ =	shalt  }
0x61: {  	_ =	shalt  }
0x62: {  	_ =	shalt  }
0x63: {  	_ =	shalt  }
0x64: {  	_ =	shalt  }
0x65: {  	_ =	shalt  }
0x66: {  	_ =	shalt  }
0x67: {  	_ =	shalt  }
0x68: {  	_ =	shalt  }
0x69: {  	_ =	shalt  }
0x6a: {  	_ =	shalt  }
0x6b: {  	_ =	shalt  }
0x6c: {  	_ =	shalt  }
0x6d: {  	_ =	shalt  }
0x6e: {  	_ =	shalt  }
0x6f: {  	_ =	shalt  }
0x70: {  	_ =	shalt  }
0x71: {  	_ =	shalt  }
0x72: {  	_ =	shalt  }
0x73: {  	_ =	shalt  }
0x74: {  	_ =	shalt  }
0x75: {  	_ =	shalt  }
0x76: {  	_ =	shalt  }
0x77: {  	_ =	shalt  }
0x78: {  	_ =	shalt  }
0x79: {  	_ =	shalt  }
0x7a: {  	_ =	shalt  }
0x7b: {  	_ =	shalt  }
0x7c: {  	_ =	shalt  }
0x7d: {  	_ =	shalt  }
0x7e: {  	_ =	shalt  }
0x7f: {  	_ =	shalt  }
0x80: {  	_ =	shalt  }
0x81: {  	_ =	shalt  }
0x82: {  	_ =	shalt  }
0x83: {  	_ =	shalt  }
0x84: {  	_ =	shalt  }
0x85: {  	_ =	shalt  }
0x86: {  	_ =	shalt  }
0x87: {  	_ =	shalt  }
.Lfunc_end0:
.L_simem_size_0:
called_computation.6_lowered:
.L_overlay_start_0:
0x88: {  	s2 =	sld [smem:$0x3FD9]  }
0x89: {  	s3 =	sld [smem:$0x3FFE];
	_ =	sdelay $0x1  }
0x8a: {  	s1 =	srdreg.scid  }
0x8b: {  	s0 =	sand.u32 $0x1, s1  }
0x8c: {  	s17 =	sshll.u32 s0, $0xA;
	s2 =	sadd.s32 s3, s2  }
0x8d: {  	s2 =	sadd.s32 s2, s17  }
0x8e: {  	[smem:$0x3FC0] =	sst s2  }
0x8f: {  	_ = 	snop  }
0x90: {  	s2 =	sld [smem:$0x3FD0];
	(tm) =	ssettm $0x1  }
0x91: {  	s18 =	sld [smem:$0x3FFB];
	_ =	sdelay $0x3  }
0x92: {  	_ =	strace s18  }
0x93: {  	s3 =	sld [smem:$0x3FFC];
	_ =	sdelay $0x3  }
0x94: {  	_ =	strace s3  }
0x95: {  	s3 =	sld [smem:$0x3FFD];
	_ =	sdelay $0x3  }
0x96: {  	_ =	strace s3  }
0x97: {  	_ =	strace $0x8FFFFFFF  }
0x98: {  	s19 =	sld [smem:$0x3FDB];
	_ =	sdelay $0x1  }
0x99: {  	s4 =	simm.s32 $_scs_section_size  }
0x9a: {  	s5 =	simm.s32 $_size__tile_overlayer_lowered;
	s6 =	simm.s32 $_tile_overlayer_lowered  }
0x9b: {  	s22 =	simm.s32 $0x1BFF;
	s21 =	sshll.u32 s6, $0x1;
	s3 =	sadd.s32 s4, s19  }
0x9c: {  	s7 =	simm.s32 $0x0;
	s20 =	sshll.u32 s5, $0x1;
	s5 =	sadd.s32 s21, s3  }
0x9d: {  	[timem:s7], [sflag:s22] =	dma.local [hbm:s5], s20  }
0x9e: {  	_ =	swait.ge [sflag:s22], s20  }
0x9f: {  	s4 =	ssub.s32 $0x0, s20;
	[sflag:s22] =	ssyncset.done $0x0  }
0xa0: {  	[sflag:s22] =	ssyncadd.s32 s4;
	_ =	sdelay $0x1  }
0xa1: {  	s23 =	simm.s32 $0x1B8B  }
0xa2: {  	_ =	swait.ge [sflag:s23], $0x1  }
0xa3: {  	[sflag:s23] =	ssyncset.done $0x0  }
0xa4: {  	s25 =	simm.s32 $0x1B8E;
	s24 =	sld [smem:$0x3FFE];
	[sflag:s23] =	ssyncadd.s32 $0xFFFFFFFF  }
0xa5: {  	s26 =	simm.s32 $execute0_lowered;
	[smem:$0x3FD2] =	sst s25  }
0xa6: {  	s5 =	sshll.u32 s26, $0x1;
	_ =	strace $0x80000058;
	[dreg:$0x1] =	wrdreg $0xFFFFFFFF  }
0xa7: {  	s28 =	simm.s32 $_size_execute0_lowered;
	s3 =	sadd.s32 s3, s5;
	[dreg:$0x0] =	wrdreg $0x0  }
0xa8: {  	s5 =	sshll.u32 s28, $0x1;
	[dreg:$0x2] =	wrdreg s3  }
0xa9: {  	[dreg:$0x3] =	wrdreg s5  }
0xaa: {  	[dreg:$0x4] =	wrdreg $0xC0  }
0xab: {  	_ =	task [dreg:s7], $0x5FFFF  }
0xac: {  	[dreg:$0x1] =	wrdreg $0xFFFFFFFF  }
0xad: {  	[dreg:$0x0] =	wrdreg $0x60  }
0xae: {  	[dreg:$0x2] =	wrdreg s2  }
0xaf: {  	[dreg:$0x3] =	wrdreg s24  }
0xb0: {  	[dreg:$0x4] =	wrdreg $0x82000  }
0xb1: {  	[dreg:$0x5] =	wrdreg $0x9  }
0xb2: {  	_ =	task.clear_ibuf [dreg:s7], $0x6FFFF;
	_ =	strace $0x90000058  }
0xb3: {  	s29 =	simm.s32 $0x9;
	_ =	strace $0x8000005A  }
0xb4: {  	_ =	swait.ge [sflag:s29], $0x1  }
0xb5: {  	[sflag:s29] =	ssyncadd.s32 $0xFFFFFFFF  }
0xb6: {  	_ =	strace $0x9000005A  }
0xb7: {  	_ =	sfence  }
0xb8: {  	s30 =	sld [smem:$0x0];
	_ =	sdelay $0x2  }
0xb9: {  	s31 =	sshll.u32 s1, $0xD;
	s1 =	sshrl.u32 s1, $0x2  }
0xba: {  	s3 =	sand.u32 $0x4000, s31;
	s1 =	sadd.s32 s1, s30  }
0xbb: {  	s0 =	sor.u32 s3, s0;
	s1 =	sshll.u32 s1, $0x11  }
0xbc: {  	s0 =	sor.u32 s1, s0  }
0xbd: {  	s0 =	sadd.s32 $0x8F2B, s0  }
0xbe: {  	[sflag:s0] =	ssyncadd.remote.s32 $0x1  }
0xbf: {  	_ =	sfence.sel $0xFFFF  }
0xc0: {  	[dreg:$0x0] =	wrdreg $0xFFFFFFFF;
	(pc) =	sbr.abs _section_cstart, $3  }
0xc1: {  	[dreg:$0x1] =	wrdreg $0xFFFFFFFF  }
0xc2: {  	_ =	task.clear_ibuf [dreg:s7], $0x2FFFF;
	_ =	strace $0x9FFFFFFF  }
0xc3: {  	(tm) =	ssettm $0x7FFFFFFF  }
tec
execute0_lowered:
.L_overlay_start_1:
0x0: {  	(tag) =	ssettag $0x1  }
0x1: {  	s1 =	rddreg [dreg:$0x0]  }
0x2: {  	s0 =	rddreg [dreg:$0x1]  }
0x3: {  	s3 =	rddreg [dreg:$0x2];
	s4 =	simm.s32 $0x0;
	s2 =	srdreg.scid  }
0x4: {  	s14 =	stileid.u32;
	s28 =	simm.s32 $0x1;
	s30 =	simm.s32 $0x0  }
0x5: {  	[smem:$0x7FF] =	sst s4;
	s2 =	sand.u32 $0x1, s2;
	s6 =	smul.u32 $0x4E000, s14  }
0x6: {  	s7 =	sadd.s32 $0x7C00, s0;
	s5 =	sadd.s32 $0x2F000, s0;
	s10 =	smul.u32 $0x4E80, s14  }
0x7: {  	s15 =	sadd.s32 $0x7FC00, s0;
	s18 =	sadd.s32 $0xA6E00, s0;
	s20 =	sshll.u32 s14, $0x6  }
0x8: {  	s22 =	smul.u32 $0x2700, s14;
	p1 =	sne.s32 s14, $0xF;
	p2 =	seq.s32 s14, $0xF  }
0x9: {  	_ =	strace $0x80000059;
	s8 =	smul.u32 $0x4E800, s2;
	[dreg:$0x4] =	wrdreg s15  }
0xa: {  	s9 =	ssub.s32 $0x2, s2;
	p0 =	seq.s32 s2, $0x1;
	[dreg:$0x5] =	wrdreg s18  }
0xb: {  	s19 =	sshrl.u32 s9, $0x1;
	s6 =	sshrl.u32 s6, $0x2;
	s23 =	sadd.s32 s15, s22  }
0xc: {  	s24 =	sadd.s32 s18, s22;
	s22 =	simm.s32 $0x2;
	s0 =	ssub.s32 s9, s19  }
0xd: {  	s16 =	sadd.s32 s10, s8;
	s17 =	sadd.s32 s6, s3;
	[dreg:$0x7] =	wrdreg s23  }
0xe: {  	s8 =	sor.u32 $0x1C03, s20;
	s10 =	sadd.s32 $0x138000, s3;
	[dreg:$0x8] =	wrdreg s24  }
0xf: {  	s20 =	simm.s32 $0x3;
	s23 =	simm.s32 $0x100;
	s24 =	simm.s32 $0x80  }
0x10: {  	s21 =	sshrl.u32 s16, $0x3;
	s25 =	sadd.s32 $0x9D100, s16;
	s26 =	sadd.s32 $0x100, s16  }
.Ltmp0:
0x11: {  	s16 =	smax.u32 s0, $0x1;
	s19 =	sshrl.u32 s17, $0x3;
	(pc) =	sbr.rel .LBB2_1-.Ltmp0, $4  }
0x12: {  	[dreg:$0x6] =	wrdreg s10;
	s9 =	sadd.s32 s7, s21;
	s29 =	sshrl.u32 s25, $0x3  }
0x13: {  	s31 =	sshrl.u32 s26, $0x3;
	s21 =	sshrl.u32 @!p1 s10, $0x3;
	s25 =	simm.s32 $0x200  }
0x14: {  	s26 =	simm.s32 $0x180;
	s11 =	sadd.s32 $0x13A00, s9;
	s12 =	sadd.s32 $0x10, s9  }
0x15: {  	s13 =	sadd.s32 $0x13A10, s9;
	s6 =	sadd.s32 s29, s7;
	s18 =	sadd.s32 s31, s7  }
.LBB2_6:
0x16: {  	s2 =	rddreg [dreg:$0x6]  }
0x17: {  	s0 =	sadd.s32 $0x27000, s0;
	s2 =	sshrl.u32 s2, $0x3  }
0x18: {  	[hbm:s0], [sflag:s8] =	dma.local [spmem:s2], $0x100  }
0x19: {  	_ =	swait.ge [sflag:s20], $0x100  }
0x1a: {  	[sflag:s20] =	ssyncset.done $0x0  }
0x1b: {  	[sflag:s20] =	ssyncadd.s32 $0xFFFFFF00  }
.LBB2_7:
0x1c: {  	s30 =	sadd.s32 $0x1, s30  }
0x1d: {  	p3 =	sne.s32 s30, s16  }
.Ltmp1:
0x1e: {  	_ = 	snop;
	(pc) =	sbr.rel @!p3 .LBB2_8-.Ltmp1, $1  }
0x1f: {  	_ =	sdelay $0x3  }
.LBB2_1:
0x20: {  	[spmem:s19], [sflag:s8] =	dma.local [hbm:s5], $0x2700  }
0x21: {  	_ =	swait.ge [sflag:s20], $0x2700  }
0x22: {  	[sflag:s20] =	ssyncset.done $0x0  }
0x23: {  	s0 =	simm.s32 @!p1 $0x3;
	[sflag:s20] =	ssyncadd.s32 $0xFFFFD900  }
0x24: {  	[spmem:s21], [sflag:s8] =	dma.local @!p1 [hbm:s5], $0x100  }
0x25: {  	_ =	swait.ge @!p1 [sflag:s0], $0x100  }
0x26: {  	[sflag:s0] =	ssyncset.done @!p1 $0x0  }
0x27: {  	[sflag:s0] =	ssyncadd.s32 @!p1 $0xFFFFFF00  }
0x28: {  	[bflag:$0x0] =	sbarrier.arrive $0xFFFF  }
0x29: {  	[tilespmem:s4], [sflag:$0x2] =	stream.linear.gather [hbm4b:s9+s4], $0x80, $0x38;
	[tilespmem:$0x1BB00] =	vst v63  }
0x2a: {  	_ =	swait.ge [sflag:s22], $0x80  }
0x2b: {  	[sflag:s22] =	ssyncset.done $0x0  }
0x2c: {  	[sflag:s22] =	ssyncadd.s32 $0xFFFFFF80  }
0x2d: {  	[tilespmem:s23], [sflag:$0x2] =	stream.linear.gather [hbm4b:s11+s4], $0x80, $0x38;
	[tilespmem:$0x1BB00] =	vst v63  }
0x2e: {  	_ =	swait.ge [sflag:s22], $0x80  }
0x2f: {  	[sflag:s22] =	ssyncset.done $0x0  }
0x30: {  	[sflag:s22] =	ssyncadd.s32 $0xFFFFFF80  }
0x31: {  	[tilespmem:s25], [sflag:$0x1] =	stream.indirect.gather [hbm4b:s1+s24], $0x80, s4, s24, $0xb8;
	[tilespmem:$0x1BB00] =	vst v63  }
0x32: {  	_ = 	snop  }
0x33: {  	[tilespmem:s24], [sflag:$0x2] =	stream.linear.gather [hbm4b:s12+s4], $0x80, $0x38;
	[tilespmem:$0x1BB00] =	vst v63  }
0x34: {  	_ = 	snop  }
0x35: {  	[tilespmem:s26], [sflag:$0x2] =	stream.linear.gather [hbm4b:s13+s4], $0x80, $0x38;
	[tilespmem:$0x1BB00] =	vst v63  }
0x36: {  	_ =	swait.ge [sflag:s28], $0x4000  }
0x37: {  	[sflag:s28] =	ssyncset.done $0x0  }
0x38: {  	[sflag:s28] =	ssyncadd.s32 $0xFFFFC000  }
0x39: {  	_ =	swait.ge [sflag:s22], $0x80  }
0x3a: {  	[sflag:s22] =	ssyncset.done $0x0  }
0x3b: {  	s29 =	sand.u32 $0x1, s4;
	[sflag:s22] =	ssyncadd.s32 $0xFFFFFF80  }
0x3c: {  	s2 =	sshll.u32 s29, $0xE;
	s7 =	sxor.u32 $0x1, s29;
	_ =	swait.ge [sflag:s22], $0x80  }
0x3d: {  	s17 =	sshll.u32 s7, $0xE;
	s7 =	sshll.u32 s7, $0x7;
	[sflag:s22] =	ssyncset.done $0x0  }
0x3e: {  	s17 =	sor.u32 $0x200, s17;
	s0 =	sshll.u32 s29, $0x7;
	[sflag:s22] =	ssyncadd.s32 $0xFFFFFF80  }
0x3f: {  	[tilespmem:s17], [sflag:$0x1] =	stream.indirect.gather [hbm4b:s1+s24], $0x80, s7, s24, $0xb8;
	[tilespmem:$0x1BB00] =	vst v63  }
0x40: {  	s2 =	sor.u32 $0x200, s2;
	s7 =	sor.u32 $0x100, s0  }
0x41: {  	[spmem:s3] =	stream.indirect.scatter.add.f32 [tilespmem:s2], [sflag:$0x3], $0x80, s7, s24, $0xb8;
	[tilespmem:$0x1BB00] =	vst v63  }
0x42: {  	_ =	swait.ge [sflag:s20], $0x4000  }
0x43: {  	[sflag:s20] =	ssyncset.done $0x0  }
0x44: {  	s31 =	simm.s32 $0x1;
	[sflag:s20] =	ssyncadd.s32 $0xFFFFC000  }
0x45: {  	[tilespmem:s0], [sflag:$0x2] =	stream.linear.gather [hbm4b:s18+s4], $0x80, $0x38;
	[tilespmem:$0x1BB00] =	vst v63  }
0x46: {  	s17 =	smov.u32 s6;
	s2 =	sadd.s32 $0x10, s18;
	s0 =	sadd.s32 $0x10, s6  }
.LBB2_2:
0x47: {  	[tilespmem:s7], [sflag:$0x2] =	stream.linear.gather [hbm4b:s17+s4], $0x80, $0x38;
	[tilespmem:$0x1BB00] =	vst v63  }
0x48: {  	s7 =	smov.u32 s31;
	s17 =	smov.u32 s0  }
0x49: {  	p3 =	sne.s32 s31, $0x9A;
	s31 =	sadd.s32 $0x1, s31;
	_ =	swait.ge [sflag:s28], $0x4000  }
0x4a: {  	[sflag:s28] =	ssyncset.done $0x0  }
0x4b: {  	[sflag:s28] =	ssyncadd.s32 $0xFFFFC000  }
0x4c: {  	_ =	swait.ge [sflag:s22], $0x80  }
0x4d: {  	[sflag:s22] =	ssyncset.done $0x0  }
0x4e: {  	s7 =	sand.u32 $0x1, s7;
	[sflag:s22] =	ssyncadd.s32 $0xFFFFFF80  }
0x4f: {  	s14 =	sshll.u32 s7, $0xE;
	s15 =	sxor.u32 $0x1, s7;
	_ =	swait.ge [sflag:s22], $0x80  }
0x50: {  	s29 =	sshll.u32 s7, $0x7;
	s10 =	sshll.u32 s15, $0xE;
	[sflag:s22] =	ssyncset.done $0x0  }
0x51: {  	s7 =	sshll.u32 s15, $0x7;
	s10 =	sor.u32 $0x200, s10;
	[sflag:s22] =	ssyncadd.s32 $0xFFFFFF80  }
0x52: {  	[tilespmem:s10], [sflag:$0x1] =	stream.indirect.gather [hbm4b:s1+s24], $0x80, s7, s24, $0xb8;
	[tilespmem:$0x1BB00] =	vst v63  }
0x53: {  	s10 =	sor.u32 $0x200, s14;
	s7 =	sor.u32 $0x100, s29  }
0x54: {  	[spmem:s3] =	stream.indirect.scatter.add.f32 [tilespmem:s10], [sflag:$0x3], $0x80, s7, s24, $0xb8;
	[tilespmem:$0x1BB00] =	vst v63  }
.Ltmp2:
0x55: {  	_ =	swait.ge [sflag:s20], $0x4000;
	(pc) =	sbr.rel @p3 .LBB2_2-.Ltmp2, $4  }
0x56: {  	[sflag:s20] =	ssyncset.done $0x0  }
0x57: {  	[sflag:s20] =	ssyncadd.s32 $0xFFFFC000  }
0x58: {  	[tilespmem:s29], [sflag:$0x2] =	stream.linear.gather [hbm4b:s2+s4], $0x80, $0x38;
	[tilespmem:$0x1BB00] =	vst v63  }
0x59: {  	s0 =	sadd.s32 $0x10, s0;
	s2 =	sadd.s32 $0x10, s2  }
0x5a: {  	[tilespmem:s7], [sflag:$0x2] =	stream.linear.gather [hbm4b:s17+s4], $0x80, $0x38;
	[tilespmem:$0x1BB00] =	vst v63  }
0x5b: {  	_ =	swait.ge [sflag:s28], $0x4000  }
0x5c: {  	[sflag:s28] =	ssyncset.done $0x0  }
0x5d: {  	[sflag:s28] =	ssyncadd.s32 $0xFFFFC000  }
0x5e: {  	_ =	swait.ge [sflag:s22], $0x80  }
0x5f: {  	[sflag:s22] =	ssyncset.done $0x0  }
0x60: {  	[sflag:s22] =	ssyncadd.s32 $0xFFFFFF80  }
0x61: {  	_ =	swait.ge [sflag:s22], $0x80  }
0x62: {  	[sflag:s22] =	ssyncset.done $0x0  }
0x63: {  	[sflag:s22] =	ssyncadd.s32 $0xFFFFFF80  }
0x64: {  	[tilespmem:s25], [sflag:$0x1] =	stream.indirect.gather [hbm4b:s1+s24], $0x80, s4, s24, $0xb8;
	[tilespmem:$0x1BB00] =	vst v63  }
0x65: {  	s0 =	simm.s32 $0x4200  }
0x66: {  	[spmem:s3] =	stream.indirect.scatter.add.f32 [tilespmem:s0], [sflag:$0x3], $0x80, s26, s24, $0xb8;
	[tilespmem:$0x1BB00] =	vst v63  }
0x67: {  	_ =	swait.ge [sflag:s20], $0x4000  }
0x68: {  	[sflag:s20] =	ssyncset.done $0x0  }
0x69: {  	[sflag:s20] =	ssyncadd.s32 $0xFFFFC000  }
0x6a: {  	_ =	swait.ge [sflag:s28], $0x4000  }
0x6b: {  	[sflag:s28] =	ssyncset.done $0x0  }
0x6c: {  	[sflag:s28] =	ssyncadd.s32 $0xFFFFC000  }
0x6d: {  	[spmem:s3] =	stream.indirect.scatter.add.f32 [tilespmem:s25], [sflag:$0x3], $0x80, s23, s24, $0xb8;
	[tilespmem:$0x1BB00] =	vst v63  }
.Ltmp3:
0x6e: {  	_ =	swait.ge [sflag:s20], $0x4000;
	(pc) =	sbr.rel @!p0 .LBB2_4-.Ltmp3, $3  }
0x6f: {  	[sflag:s20] =	ssyncset.done $0x0  }
0x70: {  	[sflag:s20] =	ssyncadd.s32 $0xFFFFC000  }
0x71: {  	[bflag:$0x0] =	sbarrier.arrive $0xFFFF;
	_ =	sdelay $0x1  }
0x72: {  	s0 =	rddreg [dreg:$0x8]  }
0x73: {  	[hbm:s0], [sflag:s8] =	dma.local [spmem:s19], $0x2700  }
.Ltmp4:
0x74: {  	_ = 	snop;
	(pc) =	sbr.rel @p1 .LBB2_7-.Ltmp4, $4  }
.Ltmp5:
0x75: {  	_ = 	snop;
	(pc) =	sbr.rel @!p1 .LBB2_6-.Ltmp5, $4  }
0x76: {  	_ =	swait.ge [sflag:s20], $0x2700  }
0x77: {  	[sflag:s20] =	ssyncset.done $0x0  }
0x78: {  	s0 =	rddreg [dreg:$0x5];
	[sflag:s20] =	ssyncadd.s32 $0xFFFFD900  }
0x79: {  	_ = 	snop  }
.LBB2_4:
0x7a: {  	s0 =	rddreg [dreg:$0x7]  }
0x7b: {  	[hbm:s0], [sflag:s8] =	dma.local [spmem:s19], $0x2700  }
.Ltmp6:
0x7c: {  	_ = 	snop;
	(pc) =	sbr.rel @p2 .LBB2_6-.Ltmp6, $4  }
.Ltmp7:
0x7d: {  	_ = 	snop;
	(pc) =	sbr.rel @!p2 .LBB2_7-.Ltmp7, $4  }
0x7e: {  	_ =	swait.ge [sflag:s20], $0x2700  }
0x7f: {  	[sflag:s20] =	ssyncset.done $0x0  }
0x80: {  	s0 =	rddreg [dreg:$0x4];
	[sflag:s20] =	ssyncadd.s32 $0xFFFFD900  }
0x81: {  	_ = 	snop  }
.LBB2_8:
0x82: {  	_ =	sfence.sel $0x180000  }
0x83: {  	[bflag:$0x0] =	sbarrier.arrive $0xFFFF  }
0x84: {  	_ =	strace $0x90000059  }
0x85: {  	s0 =	stileid.u32;
	[bflag:$0x2] =	sbarrier.arrive $0xFFFF  }
0x86: {  	p0 =	sne.s32 s0, $0x0;
	s0 =	rddreg [dreg:$0x3]  }
0x87: {  	s0 =	sadd.s32 @!p0 $0x100000, s0  }
0x88: {  	[sflag:s0] =	ssyncadd.tile.s32 @!p0 $0x1;
	_ =	shalt  }
.Lfunc_end2:
_tile_overlayer_lowered:
.L_overlay_start_2:
0x89: {  	(tag) =	ssettag $0x2  }
0x8a: {  	s0 =	rddreg [dreg:$0x0];
	s2 =	stileid.u32  }
0x8b: {  	s1 =	rddreg [dreg:$0x1];
	p0 =	sne.s32 s2, $0x0  }
0x8c: {  	s3 =	rddreg [dreg:$0x2];
	[bflag:$0x3] =	sbarrier.arrive $0xFFFF;
	s2 =	simm.s32 @!p0 $0x1C03  }
0x8d: {  	[timem:s3], [sflag:s2] =	dma.local @!p0 [hbm:s0], s1  }
0x8e: {  	s0 =	simm.s32 @!p0 $0x3  }
0x8f: {  	_ =	swait.ge @!p0 [sflag:s0], s1  }
0x90: {  	s1 =	ssub.s32 @!p0 $0x0, s1;
	[sflag:s0] =	ssyncset.done @!p0 $0x0  }
0x91: {  	[sflag:s0] =	ssyncadd.s32 @!p0 s1  }
0x92: {  	[bflag:$0x3] =	sbarrier.arrive $0xFFFF  }
0x93: {  	_ =	shalt  }

</sc_bundles>
